<compile_context>
chip_gen: v7x
topology: tpu7x:2x2x1
jax: 0.10.2.dev20260603
libtpu: 0.0.44.dev20260713+nightly
codegen_flags: <defaults>
</compile_context>

<pallas_src>
import functools

import jax
import jax.numpy as jnp
from jax import lax
from jax.experimental import pallas as pl
from jax.experimental.pallas import tpu as pltpu
from jax.experimental.pallas import tpu_sc as plsc

B = 16
C = 32
H = 128
W = 128
N = 50000
BN = B * N

NC = 2
NS = 16
NW = NC * NS

PER_W = BN // NW
CS = 352
GROUPS = CS // 16
CHUNKS = -(-PER_W // CS)
LAST_BASE = PER_W - CS

_mesh = plsc.VectorSubcoreMesh(core_axis_name="c", subcore_axis_name="s")


def _bcast16(v, j):
    idx = jnp.full((16, 1), j, dtype=jnp.int32)
    dnums = lax.GatherDimensionNumbers(
        offset_dims=(), collapsed_slice_dims=(0,), start_index_map=(0,))
    return lax.gather(v, idx, dnums, (1,),
                      mode=lax.GatherScatterMode.PROMISE_IN_BOUNDS)


@functools.partial(
    pl.kernel,
    out_type=jax.ShapeDtypeStruct((B, N, C), jnp.float32),
    mesh=_mesh,
    scratch_types=[
        [pltpu.VMEM((CS,), jnp.float32) for _ in range(2)],
        [pltpu.VMEM((CS,), jnp.float32) for _ in range(2)],
        [pltpu.VMEM((4, CS), jnp.float32) for _ in range(2)],
        [pltpu.VMEM((4 * CS,), jnp.int32) for _ in range(2)],
        [pltpu.VMEM((4 * CS, C), jnp.float32) for _ in range(2)],
        [pltpu.VMEM((CS, C), jnp.float32) for _ in range(2)],
        [pltpu.SemaphoreType.DMA for _ in range(2)],
        [pltpu.SemaphoreType.DMA for _ in range(2)],
        [pltpu.SemaphoreType.DMA for _ in range(2)],
    ],
    compiler_params=pltpu.CompilerParams(use_tc_tiling_on_sc=False),
)
def _sc_sample(table_hbm, px_hbm, py_hbm, out_hbm,
               px_v, py_v, w4_v, idx_v, rows_v, out_v,
               sem_p, sem_g, sem_w):
    wid = lax.axis_index("s") * NC + lax.axis_index("c")
    base = wid * PER_W
    bb = wid // 2
    boff = (wid % 2) * PER_W
    lane = lax.iota(jnp.int32, 16)

    def chunk_base(ci):
        return base + jnp.minimum(ci * CS, LAST_BASE)

    def chunk_off(ci):
        return boff + jnp.minimum(ci * CS, LAST_BASE)

    def fire_pos(ci, q):
        cb = chunk_base(ci)
        pltpu.async_copy(px_hbm.at[pl.ds(cb, CS)], px_v[q], sem_p[q])
        pltpu.async_copy(py_hbm.at[pl.ds(cb, CS)], py_v[q], sem_p[q])

    def wait_pos(q):
        pltpu.make_async_copy(px_hbm.at[pl.ds(base, CS)], px_v[q], sem_p[q]).wait()
        pltpu.make_async_copy(py_hbm.at[pl.ds(base, CS)], py_v[q], sem_p[q]).wait()

    def compute_idx(ci, q):
        cb = chunk_base(ci)

        @pl.loop(0, GROUPS)
        def _indices(g):
            x = jnp.clip(px_v[q][pl.ds(g * 16, 16)] * (W - 1.0), 0.0, W - 1.0)
            y = jnp.clip(py_v[q][pl.ds(g * 16, 16)] * (H - 1.0), 0.0, H - 1.0)
            x0 = x.astype(jnp.int32)
            y0 = y.astype(jnp.int32)
            wx = x - x0.astype(jnp.float32)
            wy = y - y0.astype(jnp.float32)
            vx = 1.0 - wx
            vy = 1.0 - wy
            w4_v[q][0, pl.ds(g * 16, 16)] = vx * vy
            w4_v[q][1, pl.ds(g * 16, 16)] = wx * vy
            w4_v[q][2, pl.ds(g * 16, 16)] = vx * wy
            w4_v[q][3, pl.ds(g * 16, 16)] = wx * wy
            x1 = jnp.minimum(x0 + 1, W - 1)
            r0 = bb * (H * W) + y0 * W
            r1 = r0 + jnp.where(y0 < H - 1, W, 0)
            idx_v[q][pl.ds(0 * CS + g * 16, 16)] = r0 + x0
            idx_v[q][pl.ds(1 * CS + g * 16, 16)] = r0 + x1
            idx_v[q][pl.ds(2 * CS + g * 16, 16)] = r1 + x0
            idx_v[q][pl.ds(3 * CS + g * 16, 16)] = r1 + x1

    def fire_gather(q):
        pltpu.async_copy(table_hbm.at[idx_v[q]], rows_v[q], sem_g[q])

    def wait_gather(q):
        pltpu.make_async_copy(table_hbm.at[idx_v[q]], rows_v[q], sem_g[q]).wait()

    def blend(p):
        @pl.loop(0, GROUPS)
        def _blend(g):
            w00g = w4_v[p][0, pl.ds(g * 16, 16)]
            w01g = w4_v[p][1, pl.ds(g * 16, 16)]
            w10g = w4_v[p][2, pl.ds(g * 16, 16)]
            w11g = w4_v[p][3, pl.ds(g * 16, 16)]
            for j in range(16):
                nl = g * 16 + j
                b00 = _bcast16(w00g, j)
                b01 = _bcast16(w01g, j)
                b10 = _bcast16(w10g, j)
                b11 = _bcast16(w11g, j)
                r00 = rows_v[p].at[nl]
                r01 = rows_v[p].at[nl + CS]
                r10 = rows_v[p].at[nl + 2 * CS]
                r11 = rows_v[p].at[nl + 3 * CS]
                for h in range(C // 16):
                    sl = pl.ds(h * 16, 16)
                    acc = b00 * r00[sl] + b01 * r01[sl]
                    acc = acc + b10 * r10[sl]
                    out_v[p][nl, sl] = acc + b11 * r11[sl]

    def fire_writeback(ci, p):
        pltpu.async_copy(out_v[p], out_hbm.at[bb, pl.ds(chunk_off(ci), CS)],
                         sem_w[p])

    def wait_writeback(p):
        pltpu.make_async_copy(out_v[p], out_hbm.at[bb, pl.ds(boff, CS)],
                              sem_w[p]).wait()

    pltpu.sync_copy(px_hbm.at[pl.ds(base, CS)], px_v[0])
    pltpu.sync_copy(py_hbm.at[pl.ds(base, CS)], py_v[0])
    compute_idx(0, 0)
    fire_gather(0)
    fire_pos(1, 1)

    @pl.loop(0, CHUNKS, step=2)
    def _chunk(ci):
        for b2 in range(2):
            c = ci + b2
            p = b2
            q = 1 - b2

            @pl.when(c + 1 < CHUNKS)
            def _prep_next():
                wait_pos(q)
                compute_idx(c + 1, q)
                fire_gather(q)

            @pl.when(c + 2 < CHUNKS)
            def _prefetch_pos():
                fire_pos(c + 2, p)

            @pl.when(c >= 2)
            def _drain_wb():
                wait_writeback(p)

            wait_gather(p)
            blend(p)
            fire_writeback(c, p)

    wait_writeback(0)
    wait_writeback(1)


def kernel(grid, positions):
    table = jnp.transpose(grid, (0, 2, 3, 1)).reshape(B * H * W, C)
    px = positions[..., 0].reshape(BN)
    py = positions[..., 1].reshape(BN)
    return _sc_sample(table, px, py)

# --- scband reference (transcript-rebuilt; emitter-appended) ---
"""Pipeline reference for scband-spatial-grid-to-neuron-19490561589316 (READ-ONLY COPY).

The authoritative reference and input builder live on the scoring server;
editing this copy changes nothing except your own understanding.
"""

import jax, jax.numpy as jnp
import numpy as np

BATCH = 16
EMB = 32
GRID_SIZE = 128
N_NEURONS = 50000

def setup_inputs(seed: int = 0) -> dict:
    key = jax.random.key(seed)
    k1, k2 = jax.random.split(key)
    grid = jax.random.normal(k1, (BATCH, EMB, GRID_SIZE, GRID_SIZE), dtype=jnp.float32)
    positions = jax.random.uniform(k2, (BATCH, N_NEURONS, 2), dtype=jnp.float32)
    return {"grid": grid, "positions": positions}

def _grid_sample_bilinear_border(grid, pos_norm):
    # grid: [B, C, H, W]; pos_norm: [B, N, 2] in [-1, 1], last dim is (x, y)
    # matches torch F.grid_sample(mode='bilinear', padding_mode='border', align_corners=True)
    B, C, H, W = grid.shape
    x = (pos_norm[..., 0] + 1.0) * 0.5 * (W - 1)
    y = (pos_norm[..., 1] + 1.0) * 0.5 * (H - 1)
    x = jnp.clip(x, 0.0, float(W - 1))
    y = jnp.clip(y, 0.0, float(H - 1))
    x0f = jnp.floor(x)
    y0f = jnp.floor(y)
    x0 = x0f.astype(jnp.int32)
    y0 = y0f.astype(jnp.int32)
    x1 = jnp.clip(x0 + 1, 0, W - 1)
    y1 = jnp.clip(y0 + 1, 0, H - 1)
    wx = x - x0f
    wy = y - y0f

    def sample_one(g, y0b, y1b, x0b, x1b, wxb, wyb):
        # g: [C, H, W]; indices/weights: [N]
        v00 = g[:, y0b, x0b]  # [C, N]
        v01 = g[:, y0b, x1b]
        v10 = g[:, y1b, x0b]
        v11 = g[:, y1b, x1b]
        top = v00 * (1.0 - wxb) + v01 * wxb
        bot = v10 * (1.0 - wxb) + v11 * wxb
        return top * (1.0 - wyb) + bot * wyb  # [C, N]

    sampled = jax.vmap(sample_one)(grid, y0, y1, x0, x1, wx, wy)  # [B, C, N]
    return jnp.transpose(sampled, (0, 2, 1))  # [B, N, C]

def reference(grid, positions):
    # positions in [0,1] -> normalize to [-1,1] as in the torch module
    pos_norm = positions * 2.0 - 1.0
    return _grid_sample_bilinear_border(grid, pos_norm)

if __name__ == "__main__":
    import jax
    _d = setup_inputs()
    print(jax.jit(kernel)(*tuple(_d.values())))

</pallas_src>

<mosaic_0001>
#map = affine_map<(d0, d1) -> (0, 0)>
#map1 = affine_map<(d0, d1) -> (0)>
#map2 = affine_map<(d0, d1) -> (0, 0, 0)>
module attributes {stable_mosaic.version = 14 : i64} {
  func.func @_sc_sample(%arg0: i32, %arg1: i32, %arg2: memref<262144x32xf32, #tpu.memory_space<hbm>>, %arg3: memref<800000xf32, #tpu.memory_space<hbm>>, %arg4: memref<800000xf32, #tpu.memory_space<hbm>>, %arg5: memref<16x50000x32xf32, #tpu.memory_space<hbm>>, %arg6: memref<352xf32, #tpu.memory_space<vmem>>, %arg7: memref<352xf32, #tpu.memory_space<vmem>>, %arg8: memref<352xf32, #tpu.memory_space<vmem>>, %arg9: memref<352xf32, #tpu.memory_space<vmem>>, %arg10: memref<4x352xf32, #tpu.memory_space<vmem>>, %arg11: memref<4x352xf32, #tpu.memory_space<vmem>>, %arg12: memref<1408xi32, #tpu.memory_space<vmem>>, %arg13: memref<1408xi32, #tpu.memory_space<vmem>>, %arg14: memref<1408x32xf32, #tpu.memory_space<vmem>>, %arg15: memref<1408x32xf32, #tpu.memory_space<vmem>>, %arg16: memref<352x32xf32, #tpu.memory_space<vmem>>, %arg17: memref<352x32xf32, #tpu.memory_space<vmem>>, %arg18: memref<!tpu.dma_semaphore, #tpu.memory_space<semaphore_mem>>, %arg19: memref<!tpu.dma_semaphore, #tpu.memory_space<semaphore_mem>>, %arg20: memref<!tpu.dma_semaphore, #tpu.memory_space<semaphore_mem>>, %arg21: memref<!tpu.dma_semaphore, #tpu.memory_space<semaphore_mem>>, %arg22: memref<!tpu.dma_semaphore, #tpu.memory_space<semaphore_mem>>, %arg23: memref<!tpu.dma_semaphore, #tpu.memory_space<semaphore_mem>>) attributes {dimension_semantics = [#tpu.dimension_semantics<core_parallel>, #tpu.dimension_semantics<subcore_parallel>], iteration_bounds = array<i64: 2, 16>, scalar_prefetch = 0 : i64, scratch_operands = 18 : i64, tpu.core_type = #tpu.core_type<sc_vector_subcore>, window_params = [{transform_indices = #map}, {transform_indices = #map1}, {transform_indices = #map1}, {transform_indices = #map2}]} {
    %mul3A = arith.constant 2 : i32
    %mul3A_0 = arith.muli %arg1, %mul3A : i32
    %add3A = arith.addi %mul3A_0, %arg0 : i32
    %mul3A_1 = arith.constant 25000 : i32
    %mul3A_2 = arith.muli %add3A, %mul3A_1 : i32
    %jit3A = arith.constant 2 : i32
    %div3A = arith.divsi %add3A, %jit3A : i32
    %sign3A = arith.constant 0 : i32
    %sign3A_3 = arith.cmpi sgt, %add3A, %sign3A : i32
    %sign3A_4 = arith.extui %sign3A_3 : i1 to i32
    %sign3A_5 = arith.constant 0 : i32
    %sign3A_6 = arith.cmpi slt, %add3A, %sign3A_5 : i32
    %sign3A_7 = arith.extui %sign3A_6 : i1 to i32
    %sign3A_8 = arith.subi %sign3A_4, %sign3A_7 : i32
    %sign3A_9 = arith.constant 0 : i32
    %sign3A_10 = arith.cmpi sgt, %jit3A, %sign3A_9 : i32
    %sign3A_11 = arith.extui %sign3A_10 : i1 to i32
    %sign3A_12 = arith.constant 0 : i32
    %sign3A_13 = arith.cmpi slt, %jit3A, %sign3A_12 : i32
    %sign3A_14 = arith.extui %sign3A_13 : i1 to i32
    %sign3A_15 = arith.subi %sign3A_11, %sign3A_14 : i32
    %ne3A = arith.cmpi ne, %sign3A_8, %sign3A_15 : i32
    %rem3A = arith.remsi %add3A, %jit3A : i32
    %ne3A_16 = arith.constant 0 : i32
    %ne3A_17 = arith.cmpi ne, %rem3A, %ne3A_16 : i32
    %and3A = arith.andi %ne3A, %ne3A_17 : i1
    %sub3A = arith.constant 1 : i32
    %sub3A_18 = arith.subi %div3A, %sub3A : i32
    %select_n3A = arith.select %and3A, %sub3A_18, %div3A : i32
    %jit3A_19 = arith.constant 2 : i32
    %eq3A = arith.constant 0 : i32
    %eq3A_20 = arith.cmpi eq, %jit3A_19, %eq3A : i32
    %jit3A_21 = arith.constant 1 : i32
    %select_n3A_22 = arith.select %eq3A_20, %jit3A_21, %jit3A_19 : i32
    %rem3A_23 = arith.remsi %add3A, %select_n3A_22 : i32
    %ne3A_24 = arith.constant 0 : i32
    %ne3A_25 = arith.cmpi ne, %rem3A_23, %ne3A_24 : i32
    %lt3A = arith.constant 0 : i32
    %lt3A_26 = arith.cmpi slt, %rem3A_23, %lt3A : i32
    %lt3A_27 = arith.constant 0 : i32
    %lt3A_28 = arith.cmpi slt, %select_n3A_22, %lt3A_27 : i32
    %ne3A_29 = arith.xori %lt3A_26, %lt3A_28 : i1
    %and3A_30 = arith.andi %ne3A_29, %ne3A_25 : i1
    %add3A_31 = arith.addi %rem3A_23, %select_n3A_22 : i32
    %select_n3A_32 = arith.select %and3A_30, %add3A_31, %rem3A_23 : i32
    %mul3A_33 = arith.constant 25000 : i32
    %mul3A_34 = arith.muli %select_n3A_32, %mul3A_33 : i32
    %iota3A = tpu.iota {dimensions = array<i32: 0>} : vector<16xi32>
    "tpu.region"() ({
      %run_scoped3A = tpu.sem_alloc : memref<!tpu.dma_semaphore, #tpu.memory_space<semaphore_mem>>
      %dma_start3A_68 = tpu.memref_slice %arg3[%mul3A_2] : memref<800000xf32, #tpu.memory_space<hbm>> -> memref<352xf32, #tpu.memory_space<hbm>>
      %dma_start3A_69 = tpu.memref_slice %arg3[%mul3A_2] : memref<800000xf32, #tpu.memory_space<hbm>> -> memref<352xf32, #tpu.memory_space<hbm>>
      tpu.enqueue_dma source(%dma_start3A_69 : memref<352xf32, #tpu.memory_space<hbm>>) target(%arg6 : memref<352xf32, #tpu.memory_space<vmem>>) target_semaphore(%run_scoped3A : memref<!tpu.dma_semaphore, #tpu.memory_space<semaphore_mem>>)
      %dma_wait3A_70 = tpu.memref_slice %arg3[%mul3A_2] : memref<800000xf32, #tpu.memory_space<hbm>> -> memref<352xf32, #tpu.memory_space<hbm>>
      %dma_wait3A_71 = tpu.memref_slice %arg3[%mul3A_2] : memref<800000xf32, #tpu.memory_space<hbm>> -> memref<352xf32, #tpu.memory_space<hbm>>
      tpu.wait_dma2 semaphore(%run_scoped3A : memref<!tpu.dma_semaphore, #tpu.memory_space<semaphore_mem>>) src(%dma_wait3A_71 : memref<352xf32, #tpu.memory_space<hbm>>) dst(%arg6 : memref<352xf32, #tpu.memory_space<vmem>>)
      tpu.yield
    }) : () -> ()
    "tpu.region"() ({
      %run_scoped3A = tpu.sem_alloc : memref<!tpu.dma_semaphore, #tpu.memory_space<semaphore_mem>>
      %dma_start3A_68 = tpu.memref_slice %arg4[%mul3A_2] : memref<800000xf32, #tpu.memory_space<hbm>> -> memref<352xf32, #tpu.memory_space<hbm>>
      %dma_start3A_69 = tpu.memref_slice %arg4[%mul3A_2] : memref<800000xf32, #tpu.memory_space<hbm>> -> memref<352xf32, #tpu.memory_space<hbm>>
      tpu.enqueue_dma source(%dma_start3A_69 : memref<352xf32, #tpu.memory_space<hbm>>) target(%arg8 : memref<352xf32, #tpu.memory_space<vmem>>) target_semaphore(%run_scoped3A : memref<!tpu.dma_semaphore, #tpu.memory_space<semaphore_mem>>)
      %dma_wait3A_70 = tpu.memref_slice %arg4[%mul3A_2] : memref<800000xf32, #tpu.memory_space<hbm>> -> memref<352xf32, #tpu.memory_space<hbm>>
      %dma_wait3A_71 = tpu.memref_slice %arg4[%mul3A_2] : memref<800000xf32, #tpu.memory_space<hbm>> -> memref<352xf32, #tpu.memory_space<hbm>>
      tpu.wait_dma2 semaphore(%run_scoped3A : memref<!tpu.dma_semaphore, #tpu.memory_space<semaphore_mem>>) src(%dma_wait3A_71 : memref<352xf32, #tpu.memory_space<hbm>>) dst(%arg8 : memref<352xf32, #tpu.memory_space<vmem>>)
      tpu.yield
    }) : () -> ()
    %min3A = arith.constant 0 : i32
    %min3A_35 = arith.constant 24648 : i32
    %min3A_36 = arith.minsi %min3A, %min3A_35 : i32
    %add3A_37 = arith.addi %mul3A_2, %min3A_36 : i32
    %scan3A = arith.constant 0 : i32
    %scan3A_38 = arith.constant 22 : i32
    %scan3A_39 = arith.addi %scan3A, %scan3A_38 : i32
    %scan3A_40 = arith.constant 1 : i32
    scf.for %scan3A_68 = %scan3A to %scan3A_39 step %scan3A_40  : i32 {
      %mul3A_69 = arith.constant 1 : i32
      %mul3A_70 = arith.muli %scan3A_68, %mul3A_69 : i32
      %add3A_71 = arith.constant 0 : i32
      %add3A_72 = arith.addi %add3A_71, %mul3A_70 : i32
      %mul3A_73 = arith.constant 16 : i32
      %mul3A_74 = arith.muli %add3A_72, %mul3A_73 : i32
      %get3A = arith.index_cast %mul3A_74 : i32 to index
      %get3A_75 = tpu.vector_load %arg6[%get3A] {strides = array<i32>} : memref<352xf32, #tpu.memory_space<vmem>>, vector<16xf32>,
      %get3A_76 = vector.shape_cast %get3A_75 : vector<16xf32> to vector<16xf32>
      %mul3A_77 = arith.constant 1.270000e+02 : f32
      %mul3A_78 = vector.broadcast %mul3A_77 : f32 to vector<16xf32>
      %mul3A_79 = arith.mulf %get3A_76, %mul3A_78 : vector<16xf32>
      %jit3A_80 = arith.constant 0.000000e+00 : f32
      %jit3A_81 = arith.constant 1.270000e+02 : f32
      %max3A = vector.broadcast %jit3A_80 : f32 to vector<16xf32>
      %max3A_82 = arith.maximumf %max3A, %mul3A_79 : vector<16xf32>
      %min3A_83 = vector.broadcast %jit3A_81 : f32 to vector<16xf32>
      %min3A_84 = arith.minimumf %min3A_83, %max3A_82 : vector<16xf32>
      %mul3A_85 = arith.constant 16 : i32
      %mul3A_86 = arith.muli %add3A_72, %mul3A_85 : i32
      %get3A_87 = arith.index_cast %mul3A_86 : i32 to index
      %get3A_88 = tpu.vector_load %arg8[%get3A_87] {strides = array<i32>} : memref<352xf32, #tpu.memory_space<vmem>>, vector<16xf32>,
      %get3A_89 = vector.shape_cast %get3A_88 : vector<16xf32> to vector<16xf32>
      %mul3A_90 = arith.constant 1.270000e+02 : f32
      %mul3A_91 = vector.broadcast %mul3A_90 : f32 to vector<16xf32>
      %mul3A_92 = arith.mulf %get3A_89, %mul3A_91 : vector<16xf32>
      %jit3A_93 = arith.constant 0.000000e+00 : f32
      %jit3A_94 = arith.constant 1.270000e+02 : f32
      %max3A_95 = vector.broadcast %jit3A_93 : f32 to vector<16xf32>
      %max3A_96 = arith.maximumf %max3A_95, %mul3A_92 : vector<16xf32>
      %min3A_97 = vector.broadcast %jit3A_94 : f32 to vector<16xf32>
      %min3A_98 = arith.minimumf %min3A_97, %max3A_96 : vector<16xf32>
      %convert_element_type3A = arith.fptosi %min3A_84 : vector<16xf32> to vector<16xi32>
      %convert_element_type3A_99 = arith.fptosi %min3A_98 : vector<16xf32> to vector<16xi32>
      %convert_element_type3A_100 = arith.sitofp %convert_element_type3A : vector<16xi32> to vector<16xf32>
      %sub3A_101 = arith.subf %min3A_84, %convert_element_type3A_100 : vector<16xf32>
      %convert_element_type3A_102 = arith.sitofp %convert_element_type3A_99 : vector<16xi32> to vector<16xf32>
      %sub3A_103 = arith.subf %min3A_98, %convert_element_type3A_102 : vector<16xf32>
      %sub3A_104 = arith.constant 1.000000e+00 : f32
      %sub3A_105 = vector.broadcast %sub3A_104 : f32 to vector<16xf32>
      %sub3A_106 = arith.subf %sub3A_105, %sub3A_101 : vector<16xf32>
      %sub3A_107 = arith.constant 1.000000e+00 : f32
      %sub3A_108 = vector.broadcast %sub3A_107 : f32 to vector<16xf32>
      %sub3A_109 = arith.subf %sub3A_108, %sub3A_103 : vector<16xf32>
      %mul3A_110 = arith.mulf %sub3A_106, %sub3A_109 : vector<16xf32>
      %mul3A_111 = arith.constant 16 : i32
      %mul3A_112 = arith.muli %add3A_72, %mul3A_111 : i32
      %swap3A = arith.constant 0 : i32
      %swap3A_113 = arith.index_cast %swap3A : i32 to index
      %swap3A_114 = arith.index_cast %mul3A_112 : i32 to index
      %swap3A_115 = tpu.vector_load %arg10[%swap3A_113, %swap3A_114] {strides = array<i32>} : memref<4x352xf32, #tpu.memory_space<vmem>>, vector<1x16xf32>,
      %swap3A_116 = vector.shape_cast %swap3A_115 : vector<1x16xf32> to vector<16xf32>
      %swap3A_117 = vector.shape_cast %mul3A_110 : vector<16xf32> to vector<1x16xf32>
      tpu.vector_store %arg10[%swap3A_113, %swap3A_114], %swap3A_117 {strides = array<i32>} : memref<4x352xf32, #tpu.memory_space<vmem>>, vector<1x16xf32>,
      %mul3A_118 = arith.mulf %sub3A_101, %sub3A_109 : vector<16xf32>
      %mul3A_119 = arith.constant 16 : i32
      %mul3A_120 = arith.muli %add3A_72, %mul3A_119 : i32
      %swap3A_121 = arith.constant 1 : i32
      %swap3A_122 = arith.index_cast %swap3A_121 : i32 to index
      %swap3A_123 = arith.index_cast %mul3A_120 : i32 to index
      %swap3A_124 = tpu.vector_load %arg10[%swap3A_122, %swap3A_123] {strides = array<i32>} : memref<4x352xf32, #tpu.memory_space<vmem>>, vector<1x16xf32>,
      %swap3A_125 = vector.shape_cast %swap3A_124 : vector<1x16xf32> to vector<16xf32>
      %swap3A_126 = vector.shape_cast %mul3A_118 : vector<16xf32> to vector<1x16xf32>
      tpu.vector_store %arg10[%swap3A_122, %swap3A_123], %swap3A_126 {strides = array<i32>} : memref<4x352xf32, #tpu.memory_space<vmem>>, vector<1x16xf32>,
      %mul3A_127 = arith.mulf %sub3A_106, %sub3A_103 : vector<16xf32>
      %mul3A_128 = arith.constant 16 : i32
      %mul3A_129 = arith.muli %add3A_72, %mul3A_128 : i32
      %swap3A_130 = arith.constant 2 : i32
      %swap3A_131 = arith.index_cast %swap3A_130 : i32 to index
      %swap3A_132 = arith.index_cast %mul3A_129 : i32 to index
      %swap3A_133 = tpu.vector_load %arg10[%swap3A_131, %swap3A_132] {strides = array<i32>} : memref<4x352xf32, #tpu.memory_space<vmem>>, vector<1x16xf32>,
      %swap3A_134 = vector.shape_cast %swap3A_133 : vector<1x16xf32> to vector<16xf32>
      %swap3A_135 = vector.shape_cast %mul3A_127 : vector<16xf32> to vector<1x16xf32>
      tpu.vector_store %arg10[%swap3A_131, %swap3A_132], %swap3A_135 {strides = array<i32>} : memref<4x352xf32, #tpu.memory_space<vmem>>, vector<1x16xf32>,
      %mul3A_136 = arith.mulf %sub3A_101, %sub3A_103 : vector<16xf32>
      %mul3A_137 = arith.constant 16 : i32
      %mul3A_138 = arith.muli %add3A_72, %mul3A_137 : i32
      %swap3A_139 = arith.constant 3 : i32
      %swap3A_140 = arith.index_cast %swap3A_139 : i32 to index
      %swap3A_141 = arith.index_cast %mul3A_138 : i32 to index
      %swap3A_142 = tpu.vector_load %arg10[%swap3A_140, %swap3A_141] {strides = array<i32>} : memref<4x352xf32, #tpu.memory_space<vmem>>, vector<1x16xf32>,
      %swap3A_143 = vector.shape_cast %swap3A_142 : vector<1x16xf32> to vector<16xf32>
      %swap3A_144 = vector.shape_cast %mul3A_136 : vector<16xf32> to vector<1x16xf32>
      tpu.vector_store %arg10[%swap3A_140, %swap3A_141], %swap3A_144 {strides = array<i32>} : memref<4x352xf32, #tpu.memory_space<vmem>>, vector<1x16xf32>,
      %add3A_145 = arith.constant 1 : i32
      %add3A_146 = vector.broadcast %add3A_145 : i32 to vector<16xi32>
      %add3A_147 = arith.addi %convert_element_type3A, %add3A_146 : vector<16xi32>
      %min3A_148 = arith.constant 127 : i32
      %min3A_149 = vector.broadcast %min3A_148 : i32 to vector<16xi32>
      %min3A_150 = arith.minsi %add3A_147, %min3A_149 : vector<16xi32>
      %mul3A_151 = arith.constant 16384 : i32
      %mul3A_152 = arith.muli %select_n3A, %mul3A_151 : i32
      %mul3A_153 = arith.constant 128 : i32
      %mul3A_154 = vector.broadcast %mul3A_153 : i32 to vector<16xi32>
      %mul3A_155 = arith.muli %convert_element_type3A_99, %mul3A_154 : vector<16xi32>
      %add3A_156 = vector.broadcast %mul3A_152 : i32 to vector<16xi32>
      %add3A_157 = arith.addi %add3A_156, %mul3A_155 : vector<16xi32>
      %lt3A_158 = arith.constant 127 : i32
      %lt3A_159 = vector.broadcast %lt3A_158 : i32 to vector<16xi32>
      %lt3A_160 = arith.cmpi slt, %convert_element_type3A_99, %lt3A_159 : vector<16xi32>
      %jit3A_161 = arith.constant 128 : i32
      %jit3A_162 = arith.constant 0 : i32
      %broadcast_in_dim3A = vector.broadcast %jit3A_161 : i32 to vector<16xi32>
      %broadcast_in_dim3A_163 = vector.broadcast %jit3A_162 : i32 to vector<16xi32>
      %select_n3A_164 = arith.select %lt3A_160, %broadcast_in_dim3A, %broadcast_in_dim3A_163 : vector<16xi1>, vector<16xi32>
      %add3A_165 = arith.addi %add3A_157, %select_n3A_164 : vector<16xi32>
      %add3A_166 = arith.addi %add3A_157, %convert_element_type3A : vector<16xi32>
      %mul3A_167 = arith.constant 16 : i32
      %mul3A_168 = arith.muli %add3A_72, %mul3A_167 : i32
      %add3A_169 = arith.constant 0 : i32
      %add3A_170 = arith.addi %add3A_169, %mul3A_168 : i32
      %swap3A_171 = arith.index_cast %add3A_170 : i32 to index
      %swap3A_172 = tpu.vector_load %arg12[%swap3A_171] {strides = array<i32>} : memref<1408xi32, #tpu.memory_space<vmem>>, vector<16xi32>,
      %swap3A_173 = vector.shape_cast %swap3A_172 : vector<16xi32> to vector<16xi32>
      %swap3A_174 = vector.shape_cast %add3A_166 : vector<16xi32> to vector<16xi32>
      tpu.vector_store %arg12[%swap3A_171], %swap3A_174 {strides = array<i32>} : memref<1408xi32, #tpu.memory_space<vmem>>, vector<16xi32>,
      %add3A_175 = arith.addi %add3A_157, %min3A_150 : vector<16xi32>
      %mul3A_176 = arith.constant 16 : i32
      %mul3A_177 = arith.muli %add3A_72, %mul3A_176 : i32
      %add3A_178 = arith.constant 352 : i32
      %add3A_179 = arith.addi %add3A_178, %mul3A_177 : i32
      %swap3A_180 = arith.index_cast %add3A_179 : i32 to index
      %swap3A_181 = tpu.vector_load %arg12[%swap3A_180] {strides = array<i32>} : memref<1408xi32, #tpu.memory_space<vmem>>, vector<16xi32>,
      %swap3A_182 = vector.shape_cast %swap3A_181 : vector<16xi32> to vector<16xi32>
      %swap3A_183 = vector.shape_cast %add3A_175 : vector<16xi32> to vector<16xi32>
      tpu.vector_store %arg12[%swap3A_180], %swap3A_183 {strides = array<i32>} : memref<1408xi32, #tpu.memory_space<vmem>>, vector<16xi32>,
      %add3A_184 = arith.addi %add3A_165, %convert_element_type3A : vector<16xi32>
      %mul3A_185 = arith.constant 16 : i32
      %mul3A_186 = arith.muli %add3A_72, %mul3A_185 : i32
      %add3A_187 = arith.constant 704 : i32
      %add3A_188 = arith.addi %add3A_187, %mul3A_186 : i32
      %swap3A_189 = arith.index_cast %add3A_188 : i32 to index
      %swap3A_190 = tpu.vector_load %arg12[%swap3A_189] {strides = array<i32>} : memref<1408xi32, #tpu.memory_space<vmem>>, vector<16xi32>,
      %swap3A_191 = vector.shape_cast %swap3A_190 : vector<16xi32> to vector<16xi32>
      %swap3A_192 = vector.shape_cast %add3A_184 : vector<16xi32> to vector<16xi32>
      tpu.vector_store %arg12[%swap3A_189], %swap3A_192 {strides = array<i32>} : memref<1408xi32, #tpu.memory_space<vmem>>, vector<16xi32>,
      %add3A_193 = arith.addi %add3A_165, %min3A_150 : vector<16xi32>
      %mul3A_194 = arith.constant 16 : i32
      %mul3A_195 = arith.muli %add3A_72, %mul3A_194 : i32
      %add3A_196 = arith.constant 1056 : i32
      %add3A_197 = arith.addi %add3A_196, %mul3A_195 : i32
      %swap3A_198 = arith.index_cast %add3A_197 : i32 to index
      %swap3A_199 = tpu.vector_load %arg12[%swap3A_198] {strides = array<i32>} : memref<1408xi32, #tpu.memory_space<vmem>>, vector<16xi32>,
      %swap3A_200 = vector.shape_cast %swap3A_199 : vector<16xi32> to vector<16xi32>
      %swap3A_201 = vector.shape_cast %add3A_193 : vector<16xi32> to vector<16xi32>
      tpu.vector_store %arg12[%swap3A_198], %swap3A_201 {strides = array<i32>} : memref<1408xi32, #tpu.memory_space<vmem>>, vector<16xi32>,
    }
    %scan3A_41 = arith.constant 22 : i32
    %dma_start3A = arith.constant 0 : i32
    %dma_start3A_42 = arith.constant 0 : i32
    %dma_start3A_43 = tpu.memref_slice %arg2[%dma_start3A, %dma_start3A_42] : memref<262144x32xf32, #tpu.memory_space<hbm>> -> memref<262144x32xf32, #tpu.memory_space<hbm>>
    tpu.enqueue_indirect_dma source(%dma_start3A_43 : memref<262144x32xf32, #tpu.memory_space<hbm>>) target(%arg14 : memref<1408x32xf32, #tpu.memory_space<vmem>>) offsets(%arg12 : memref<1408xi32, #tpu.memory_space<vmem>>) semaphore(%arg20 : memref<!tpu.dma_semaphore, #tpu.memory_space<semaphore_mem>>)
    %min3A_44 = arith.constant 352 : i32
    %min3A_45 = arith.constant 24648 : i32
    %min3A_46 = arith.minsi %min3A_44, %min3A_45 : i32
    %add3A_47 = arith.addi %mul3A_2, %min3A_46 : i32
    %dma_start3A_48 = tpu.memref_slice %arg3[%add3A_47] : memref<800000xf32, #tpu.memory_space<hbm>> -> memref<352xf32, #tpu.memory_space<hbm>>
    %dma_start3A_49 = tpu.memref_slice %arg3[%add3A_47] : memref<800000xf32, #tpu.memory_space<hbm>> -> memref<352xf32, #tpu.memory_space<hbm>>
    tpu.enqueue_dma source(%dma_start3A_49 : memref<352xf32, #tpu.memory_space<hbm>>) target(%arg7 : memref<352xf32, #tpu.memory_space<vmem>>) target_semaphore(%arg19 : memref<!tpu.dma_semaphore, #tpu.memory_space<semaphore_mem>>)
    %dma_start3A_50 = tpu.memref_slice %arg4[%add3A_47] : memref<800000xf32, #tpu.memory_space<hbm>> -> memref<352xf32, #tpu.memory_space<hbm>>
    %dma_start3A_51 = tpu.memref_slice %arg4[%add3A_47] : memref<800000xf32, #tpu.memory_space<hbm>> -> memref<352xf32, #tpu.memory_space<hbm>>
    tpu.enqueue_dma source(%dma_start3A_51 : memref<352xf32, #tpu.memory_space<hbm>>) target(%arg9 : memref<352xf32, #tpu.memory_space<vmem>>) target_semaphore(%arg19 : memref<!tpu.dma_semaphore, #tpu.memory_space<semaphore_mem>>)
    %scan3A_52 = arith.constant 0 : i32
    %scan3A_53 = arith.constant 36 : i32
    %scan3A_54 = arith.addi %scan3A_52, %scan3A_53 : i32
    %scan3A_55 = arith.constant 1 : i32
    scf.for %scan3A_68 = %scan3A_52 to %scan3A_54 step %scan3A_55  : i32 {
      %mul3A_69 = arith.constant 2 : i32
      %mul3A_70 = arith.muli %scan3A_68, %mul3A_69 : i32
      %add3A_71 = arith.constant 0 : i32
      %add3A_72 = arith.addi %add3A_71, %mul3A_70 : i32
      %add3A_73 = arith.constant 0 : i32
      %add3A_74 = arith.addi %add3A_72, %add3A_73 : i32
      %add3A_75 = arith.constant 1 : i32
      %add3A_76 = arith.addi %add3A_74, %add3A_75 : i32
      %lt3A_77 = arith.constant 72 : i32
      %lt3A_78 = arith.cmpi slt, %add3A_76, %lt3A_77 : i32
      %convert_element_type3A = arith.extui %lt3A_78 : i1 to i32
      %cond3A = arith.constant 0 : i32
      %cond3A_79 = arith.cmpi ne, %convert_element_type3A, %cond3A : i32
      scf.if %cond3A_79 {
        %dma_wait3A_150 = tpu.memref_slice %arg3[%mul3A_2] : memref<800000xf32, #tpu.memory_space<hbm>> -> memref<352xf32, #tpu.memory_space<hbm>>
        %dma_wait3A_151 = tpu.memref_slice %arg3[%mul3A_2] : memref<800000xf32, #tpu.memory_space<hbm>> -> memref<352xf32, #tpu.memory_space<hbm>>
        tpu.wait_dma2 semaphore(%arg19 : memref<!tpu.dma_semaphore, #tpu.memory_space<semaphore_mem>>) src(%dma_wait3A_151 : memref<352xf32, #tpu.memory_space<hbm>>) dst(%arg7 : memref<352xf32, #tpu.memory_space<vmem>>)
        %dma_wait3A_152 = tpu.memref_slice %arg4[%mul3A_2] : memref<800000xf32, #tpu.memory_space<hbm>> -> memref<352xf32, #tpu.memory_space<hbm>>
        %dma_wait3A_153 = tpu.memref_slice %arg4[%mul3A_2] : memref<800000xf32, #tpu.memory_space<hbm>> -> memref<352xf32, #tpu.memory_space<hbm>>
        tpu.wait_dma2 semaphore(%arg19 : memref<!tpu.dma_semaphore, #tpu.memory_space<semaphore_mem>>) src(%dma_wait3A_153 : memref<352xf32, #tpu.memory_space<hbm>>) dst(%arg9 : memref<352xf32, #tpu.memory_space<vmem>>)
        %add3A_154 = arith.constant 1 : i32
        %add3A_155 = arith.addi %add3A_74, %add3A_154 : i32
        %mul3A_156 = arith.constant 352 : i32
        %mul3A_157 = arith.muli %add3A_155, %mul3A_156 : i32
        %min3A_158 = arith.constant 24648 : i32
        %min3A_159 = arith.minsi %mul3A_157, %min3A_158 : i32
        %add3A_160 = arith.addi %mul3A_2, %min3A_159 : i32
        %scan3A_161 = arith.constant 0 : i32
        %scan3A_162 = arith.constant 22 : i32
        %scan3A_163 = arith.addi %scan3A_161, %scan3A_162 : i32
        %scan3A_164 = arith.constant 1 : i32
        scf.for %scan3A_169 = %scan3A_161 to %scan3A_163 step %scan3A_164  : i32 {
          %mul3A_170 = arith.constant 1 : i32
          %mul3A_171 = arith.muli %scan3A_169, %mul3A_170 : i32
          %add3A_172 = arith.constant 0 : i32
          %add3A_173 = arith.addi %add3A_172, %mul3A_171 : i32
          %mul3A_174 = arith.constant 16 : i32
          %mul3A_175 = arith.muli %add3A_173, %mul3A_174 : i32
          %get3A = arith.index_cast %mul3A_175 : i32 to index
          %get3A_176 = tpu.vector_load %arg7[%get3A] {strides = array<i32>} : memref<352xf32, #tpu.memory_space<vmem>>, vector<16xf32>,
          %get3A_177 = vector.shape_cast %get3A_176 : vector<16xf32> to vector<16xf32>
          %mul3A_178 = arith.constant 1.270000e+02 : f32
          %mul3A_179 = vector.broadcast %mul3A_178 : f32 to vector<16xf32>
          %mul3A_180 = arith.mulf %get3A_177, %mul3A_179 : vector<16xf32>
          %jit3A_181 = arith.constant 0.000000e+00 : f32
          %jit3A_182 = arith.constant 1.270000e+02 : f32
          %max3A = vector.broadcast %jit3A_181 : f32 to vector<16xf32>
          %max3A_183 = arith.maximumf %max3A, %mul3A_180 : vector<16xf32>
          %min3A_184 = vector.broadcast %jit3A_182 : f32 to vector<16xf32>
          %min3A_185 = arith.minimumf %min3A_184, %max3A_183 : vector<16xf32>
          %mul3A_186 = arith.constant 16 : i32
          %mul3A_187 = arith.muli %add3A_173, %mul3A_186 : i32
          %get3A_188 = arith.index_cast %mul3A_187 : i32 to index
          %get3A_189 = tpu.vector_load %arg9[%get3A_188] {strides = array<i32>} : memref<352xf32, #tpu.memory_space<vmem>>, vector<16xf32>,
          %get3A_190 = vector.shape_cast %get3A_189 : vector<16xf32> to vector<16xf32>
          %mul3A_191 = arith.constant 1.270000e+02 : f32
          %mul3A_192 = vector.broadcast %mul3A_191 : f32 to vector<16xf32>
          %mul3A_193 = arith.mulf %get3A_190, %mul3A_192 : vector<16xf32>
          %jit3A_194 = arith.constant 0.000000e+00 : f32
          %jit3A_195 = arith.constant 1.270000e+02 : f32
          %max3A_196 = vector.broadcast %jit3A_194 : f32 to vector<16xf32>
          %max3A_197 = arith.maximumf %max3A_196, %mul3A_193 : vector<16xf32>
          %min3A_198 = vector.broadcast %jit3A_195 : f32 to vector<16xf32>
          %min3A_199 = arith.minimumf %min3A_198, %max3A_197 : vector<16xf32>
          %convert_element_type3A_200 = arith.fptosi %min3A_185 : vector<16xf32> to vector<16xi32>
          %convert_element_type3A_201 = arith.fptosi %min3A_199 : vector<16xf32> to vector<16xi32>
          %convert_element_type3A_202 = arith.sitofp %convert_element_type3A_200 : vector<16xi32> to vector<16xf32>
          %sub3A_203 = arith.subf %min3A_185, %convert_element_type3A_202 : vector<16xf32>
          %convert_element_type3A_204 = arith.sitofp %convert_element_type3A_201 : vector<16xi32> to vector<16xf32>
          %sub3A_205 = arith.subf %min3A_199, %convert_element_type3A_204 : vector<16xf32>
          %sub3A_206 = arith.constant 1.000000e+00 : f32
          %sub3A_207 = vector.broadcast %sub3A_206 : f32 to vector<16xf32>
          %sub3A_208 = arith.subf %sub3A_207, %sub3A_203 : vector<16xf32>
          %sub3A_209 = arith.constant 1.000000e+00 : f32
          %sub3A_210 = vector.broadcast %sub3A_209 : f32 to vector<16xf32>
          %sub3A_211 = arith.subf %sub3A_210, %sub3A_205 : vector<16xf32>
          %mul3A_212 = arith.mulf %sub3A_208, %sub3A_211 : vector<16xf32>
          %mul3A_213 = arith.constant 16 : i32
          %mul3A_214 = arith.muli %add3A_173, %mul3A_213 : i32
          %swap3A = arith.constant 0 : i32
          %swap3A_215 = arith.index_cast %swap3A : i32 to index
          %swap3A_216 = arith.index_cast %mul3A_214 : i32 to index
          %swap3A_217 = tpu.vector_load %arg11[%swap3A_215, %swap3A_216] {strides = array<i32>} : memref<4x352xf32, #tpu.memory_space<vmem>>, vector<1x16xf32>,
          %swap3A_218 = vector.shape_cast %swap3A_217 : vector<1x16xf32> to vector<16xf32>
          %swap3A_219 = vector.shape_cast %mul3A_212 : vector<16xf32> to vector<1x16xf32>
          tpu.vector_store %arg11[%swap3A_215, %swap3A_216], %swap3A_219 {strides = array<i32>} : memref<4x352xf32, #tpu.memory_space<vmem>>, vector<1x16xf32>,
          %mul3A_220 = arith.mulf %sub3A_203, %sub3A_211 : vector<16xf32>
          %mul3A_221 = arith.constant 16 : i32
          %mul3A_222 = arith.muli %add3A_173, %mul3A_221 : i32
          %swap3A_223 = arith.constant 1 : i32
          %swap3A_224 = arith.index_cast %swap3A_223 : i32 to index
          %swap3A_225 = arith.index_cast %mul3A_222 : i32 to index
          %swap3A_226 = tpu.vector_load %arg11[%swap3A_224, %swap3A_225] {strides = array<i32>} : memref<4x352xf32, #tpu.memory_space<vmem>>, vector<1x16xf32>,
          %swap3A_227 = vector.shape_cast %swap3A_226 : vector<1x16xf32> to vector<16xf32>
          %swap3A_228 = vector.shape_cast %mul3A_220 : vector<16xf32> to vector<1x16xf32>
          tpu.vector_store %arg11[%swap3A_224, %swap3A_225], %swap3A_228 {strides = array<i32>} : memref<4x352xf32, #tpu.memory_space<vmem>>, vector<1x16xf32>,
          %mul3A_229 = arith.mulf %sub3A_208, %sub3A_205 : vector<16xf32>
          %mul3A_230 = arith.constant 16 : i32
          %mul3A_231 = arith.muli %add3A_173, %mul3A_230 : i32
          %swap3A_232 = arith.constant 2 : i32
          %swap3A_233 = arith.index_cast %swap3A_232 : i32 to index
          %swap3A_234 = arith.index_cast %mul3A_231 : i32 to index
          %swap3A_235 = tpu.vector_load %arg11[%swap3A_233, %swap3A_234] {strides = array<i32>} : memref<4x352xf32, #tpu.memory_space<vmem>>, vector<1x16xf32>,
          %swap3A_236 = vector.shape_cast %swap3A_235 : vector<1x16xf32> to vector<16xf32>
          %swap3A_237 = vector.shape_cast %mul3A_229 : vector<16xf32> to vector<1x16xf32>
          tpu.vector_store %arg11[%swap3A_233, %swap3A_234], %swap3A_237 {strides = array<i32>} : memref<4x352xf32, #tpu.memory_space<vmem>>, vector<1x16xf32>,
          %mul3A_238 = arith.mulf %sub3A_203, %sub3A_205 : vector<16xf32>
          %mul3A_239 = arith.constant 16 : i32
          %mul3A_240 = arith.muli %add3A_173, %mul3A_239 : i32
          %swap3A_241 = arith.constant 3 : i32
          %swap3A_242 = arith.index_cast %swap3A_241 : i32 to index
          %swap3A_243 = arith.index_cast %mul3A_240 : i32 to index
          %swap3A_244 = tpu.vector_load %arg11[%swap3A_242, %swap3A_243] {strides = array<i32>} : memref<4x352xf32, #tpu.memory_space<vmem>>, vector<1x16xf32>,
          %swap3A_245 = vector.shape_cast %swap3A_244 : vector<1x16xf32> to vector<16xf32>
          %swap3A_246 = vector.shape_cast %mul3A_238 : vector<16xf32> to vector<1x16xf32>
          tpu.vector_store %arg11[%swap3A_242, %swap3A_243], %swap3A_246 {strides = array<i32>} : memref<4x352xf32, #tpu.memory_space<vmem>>, vector<1x16xf32>,
          %add3A_247 = arith.constant 1 : i32
          %add3A_248 = vector.broadcast %add3A_247 : i32 to vector<16xi32>
          %add3A_249 = arith.addi %convert_element_type3A_200, %add3A_248 : vector<16xi32>
          %min3A_250 = arith.constant 127 : i32
          %min3A_251 = vector.broadcast %min3A_250 : i32 to vector<16xi32>
          %min3A_252 = arith.minsi %add3A_249, %min3A_251 : vector<16xi32>
          %mul3A_253 = arith.constant 16384 : i32
          %mul3A_254 = arith.muli %select_n3A, %mul3A_253 : i32
          %mul3A_255 = arith.constant 128 : i32
          %mul3A_256 = vector.broadcast %mul3A_255 : i32 to vector<16xi32>
          %mul3A_257 = arith.muli %convert_element_type3A_201, %mul3A_256 : vector<16xi32>
          %add3A_258 = vector.broadcast %mul3A_254 : i32 to vector<16xi32>
          %add3A_259 = arith.addi %add3A_258, %mul3A_257 : vector<16xi32>
          %lt3A_260 = arith.constant 127 : i32
          %lt3A_261 = vector.broadcast %lt3A_260 : i32 to vector<16xi32>
          %lt3A_262 = arith.cmpi slt, %convert_element_type3A_201, %lt3A_261 : vector<16xi32>
          %jit3A_263 = arith.constant 128 : i32
          %jit3A_264 = arith.constant 0 : i32
          %broadcast_in_dim3A = vector.broadcast %jit3A_263 : i32 to vector<16xi32>
          %broadcast_in_dim3A_265 = vector.broadcast %jit3A_264 : i32 to vector<16xi32>
          %select_n3A_266 = arith.select %lt3A_262, %broadcast_in_dim3A, %broadcast_in_dim3A_265 : vector<16xi1>, vector<16xi32>
          %add3A_267 = arith.addi %add3A_259, %select_n3A_266 : vector<16xi32>
          %add3A_268 = arith.addi %add3A_259, %convert_element_type3A_200 : vector<16xi32>
          %mul3A_269 = arith.constant 16 : i32
          %mul3A_270 = arith.muli %add3A_173, %mul3A_269 : i32
          %add3A_271 = arith.constant 0 : i32
          %add3A_272 = arith.addi %add3A_271, %mul3A_270 : i32
          %swap3A_273 = arith.index_cast %add3A_272 : i32 to index
          %swap3A_274 = tpu.vector_load %arg13[%swap3A_273] {strides = array<i32>} : memref<1408xi32, #tpu.memory_space<vmem>>, vector<16xi32>,
          %swap3A_275 = vector.shape_cast %swap3A_274 : vector<16xi32> to vector<16xi32>
          %swap3A_276 = vector.shape_cast %add3A_268 : vector<16xi32> to vector<16xi32>
          tpu.vector_store %arg13[%swap3A_273], %swap3A_276 {strides = array<i32>} : memref<1408xi32, #tpu.memory_space<vmem>>, vector<16xi32>,
          %add3A_277 = arith.addi %add3A_259, %min3A_252 : vector<16xi32>
          %mul3A_278 = arith.constant 16 : i32
          %mul3A_279 = arith.muli %add3A_173, %mul3A_278 : i32
          %add3A_280 = arith.constant 352 : i32
          %add3A_281 = arith.addi %add3A_280, %mul3A_279 : i32
          %swap3A_282 = arith.index_cast %add3A_281 : i32 to index
          %swap3A_283 = tpu.vector_load %arg13[%swap3A_282] {strides = array<i32>} : memref<1408xi32, #tpu.memory_space<vmem>>, vector<16xi32>,
          %swap3A_284 = vector.shape_cast %swap3A_283 : vector<16xi32> to vector<16xi32>
          %swap3A_285 = vector.shape_cast %add3A_277 : vector<16xi32> to vector<16xi32>
          tpu.vector_store %arg13[%swap3A_282], %swap3A_285 {strides = array<i32>} : memref<1408xi32, #tpu.memory_space<vmem>>, vector<16xi32>,
          %add3A_286 = arith.addi %add3A_267, %convert_element_type3A_200 : vector<16xi32>
          %mul3A_287 = arith.constant 16 : i32
          %mul3A_288 = arith.muli %add3A_173, %mul3A_287 : i32
          %add3A_289 = arith.constant 704 : i32
          %add3A_290 = arith.addi %add3A_289, %mul3A_288 : i32
          %swap3A_291 = arith.index_cast %add3A_290 : i32 to index
          %swap3A_292 = tpu.vector_load %arg13[%swap3A_291] {strides = array<i32>} : memref<1408xi32, #tpu.memory_space<vmem>>, vector<16xi32>,
          %swap3A_293 = vector.shape_cast %swap3A_292 : vector<16xi32> to vector<16xi32>
          %swap3A_294 = vector.shape_cast %add3A_286 : vector<16xi32> to vector<16xi32>
          tpu.vector_store %arg13[%swap3A_291], %swap3A_294 {strides = array<i32>} : memref<1408xi32, #tpu.memory_space<vmem>>, vector<16xi32>,
          %add3A_295 = arith.addi %add3A_267, %min3A_252 : vector<16xi32>
          %mul3A_296 = arith.constant 16 : i32
          %mul3A_297 = arith.muli %add3A_173, %mul3A_296 : i32
          %add3A_298 = arith.constant 1056 : i32
          %add3A_299 = arith.addi %add3A_298, %mul3A_297 : i32
          %swap3A_300 = arith.index_cast %add3A_299 : i32 to index
          %swap3A_301 = tpu.vector_load %arg13[%swap3A_300] {strides = array<i32>} : memref<1408xi32, #tpu.memory_space<vmem>>, vector<16xi32>,
          %swap3A_302 = vector.shape_cast %swap3A_301 : vector<16xi32> to vector<16xi32>
          %swap3A_303 = vector.shape_cast %add3A_295 : vector<16xi32> to vector<16xi32>
          tpu.vector_store %arg13[%swap3A_300], %swap3A_303 {strides = array<i32>} : memref<1408xi32, #tpu.memory_space<vmem>>, vector<16xi32>,
        }
        %scan3A_165 = arith.constant 22 : i32
        %dma_start3A_166 = arith.constant 0 : i32
        %dma_start3A_167 = arith.constant 0 : i32
        %dma_start3A_168 = tpu.memref_slice %arg2[%dma_start3A_166, %dma_start3A_167] : memref<262144x32xf32, #tpu.memory_space<hbm>> -> memref<262144x32xf32, #tpu.memory_space<hbm>>
        tpu.enqueue_indirect_dma source(%dma_start3A_168 : memref<262144x32xf32, #tpu.memory_space<hbm>>) target(%arg15 : memref<1408x32xf32, #tpu.memory_space<vmem>>) offsets(%arg13 : memref<1408xi32, #tpu.memory_space<vmem>>) semaphore(%arg21 : memref<!tpu.dma_semaphore, #tpu.memory_space<semaphore_mem>>)
      } else {
      }
      %add3A_80 = arith.constant 2 : i32
      %add3A_81 = arith.addi %add3A_74, %add3A_80 : i32
      %lt3A_82 = arith.constant 72 : i32
      %lt3A_83 = arith.cmpi slt, %add3A_81, %lt3A_82 : i32
      %convert_element_type3A_84 = arith.extui %lt3A_83 : i1 to i32
      %cond3A_85 = arith.constant 0 : i32
      %cond3A_86 = arith.cmpi ne, %convert_element_type3A_84, %cond3A_85 : i32
      scf.if %cond3A_86 {
        %add3A_150 = arith.constant 2 : i32
        %add3A_151 = arith.addi %add3A_74, %add3A_150 : i32
        %mul3A_152 = arith.constant 352 : i32
        %mul3A_153 = arith.muli %add3A_151, %mul3A_152 : i32
        %min3A_154 = arith.constant 24648 : i32
        %min3A_155 = arith.minsi %mul3A_153, %min3A_154 : i32
        %add3A_156 = arith.addi %mul3A_2, %min3A_155 : i32
        %dma_start3A_157 = tpu.memref_slice %arg3[%add3A_156] : memref<800000xf32, #tpu.memory_space<hbm>> -> memref<352xf32, #tpu.memory_space<hbm>>
        %dma_start3A_158 = tpu.memref_slice %arg3[%add3A_156] : memref<800000xf32, #tpu.memory_space<hbm>> -> memref<352xf32, #tpu.memory_space<hbm>>
        tpu.enqueue_dma source(%dma_start3A_158 : memref<352xf32, #tpu.memory_space<hbm>>) target(%arg6 : memref<352xf32, #tpu.memory_space<vmem>>) target_semaphore(%arg18 : memref<!tpu.dma_semaphore, #tpu.memory_space<semaphore_mem>>)
        %dma_start3A_159 = tpu.memref_slice %arg4[%add3A_156] : memref<800000xf32, #tpu.memory_space<hbm>> -> memref<352xf32, #tpu.memory_space<hbm>>
        %dma_start3A_160 = tpu.memref_slice %arg4[%add3A_156] : memref<800000xf32, #tpu.memory_space<hbm>> -> memref<352xf32, #tpu.memory_space<hbm>>
        tpu.enqueue_dma source(%dma_start3A_160 : memref<352xf32, #tpu.memory_space<hbm>>) target(%arg8 : memref<352xf32, #tpu.memory_space<vmem>>) target_semaphore(%arg18 : memref<!tpu.dma_semaphore, #tpu.memory_space<semaphore_mem>>)
      } else {
      }
      %ge3A = arith.constant 2 : i32
      %ge3A_87 = arith.cmpi sge, %add3A_74, %ge3A : i32
      %convert_element_type3A_88 = arith.extui %ge3A_87 : i1 to i32
      %cond3A_89 = arith.constant 0 : i32
      %cond3A_90 = arith.cmpi ne, %convert_element_type3A_88, %cond3A_89 : i32
      scf.if %cond3A_90 {
        %dma_wait3A_150 = arith.constant 0 : i32
        %dma_wait3A_151 = tpu.memref_slice %arg5[%select_n3A, %mul3A_34, %dma_wait3A_150] : memref<16x50000x32xf32, #tpu.memory_space<hbm>> -> memref<1x352x32xf32, #tpu.memory_space<hbm>>
        %dma_wait3A_152 = tpu.memref_squeeze %dma_wait3A_151 : memref<1x352x32xf32, #tpu.memory_space<hbm>> -> memref<352x32xf32, #tpu.memory_space<hbm>>
        %dma_wait3A_153 = arith.constant 0 : i32
        %dma_wait3A_154 = tpu.memref_slice %arg5[%select_n3A, %mul3A_34, %dma_wait3A_153] : memref<16x50000x32xf32, #tpu.memory_space<hbm>> -> memref<1x352x32xf32, #tpu.memory_space<hbm>>
        %dma_wait3A_155 = tpu.memref_squeeze %dma_wait3A_154 : memref<1x352x32xf32, #tpu.memory_space<hbm>> -> memref<352x32xf32, #tpu.memory_space<hbm>>
        tpu.wait_dma2 semaphore(%arg22 : memref<!tpu.dma_semaphore, #tpu.memory_space<semaphore_mem>>) src(%arg16 : memref<352x32xf32, #tpu.memory_space<vmem>>) dst(%dma_wait3A_155 : memref<352x32xf32, #tpu.memory_space<hbm>>)
      } else {
      }
      %dma_wait3A_91 = arith.constant 0 : i32
      %dma_wait3A_92 = arith.constant 0 : i32
      %dma_wait3A_93 = tpu.memref_slice %arg2[%dma_wait3A_91, %dma_wait3A_92] : memref<262144x32xf32, #tpu.memory_space<hbm>> -> memref<262144x32xf32, #tpu.memory_space<hbm>>
      tpu.wait_indirect_dma semaphore(%arg20 : memref<!tpu.dma_semaphore, #tpu.memory_space<semaphore_mem>>) src(%dma_wait3A_93 : memref<262144x32xf32, #tpu.memory_space<hbm>>) dst(%arg14 : memref<1408x32xf32, #tpu.memory_space<vmem>>)
      %scan3A_94 = arith.constant 0 : i32
      %scan3A_95 = arith.constant 22 : i32
      %scan3A_96 = arith.addi %scan3A_94, %scan3A_95 : i32
      %scan3A_97 = arith.constant 1 : i32
      scf.for %scan3A_150 = %scan3A_94 to %scan3A_96 step %scan3A_97  : i32 {
        %mul3A_151 = arith.constant 1 : i32
        %mul3A_152 = arith.muli %scan3A_150, %mul3A_151 : i32
        %add3A_153 = arith.constant 0 : i32
        %add3A_154 = arith.addi %add3A_153, %mul3A_152 : i32
        %mul3A_155 = arith.constant 16 : i32
        %mul3A_156 = arith.muli %add3A_154, %mul3A_155 : i32
        %get3A = arith.constant 0 : i32
        %get3A_157 = arith.index_cast %get3A : i32 to index
        %get3A_158 = arith.index_cast %mul3A_156 : i32 to index
        %get3A_159 = tpu.vector_load %arg10[%get3A_157, %get3A_158] {strides = array<i32>} : memref<4x352xf32, #tpu.memory_space<vmem>>, vector<1x16xf32>,
        %get3A_160 = vector.shape_cast %get3A_159 : vector<1x16xf32> to vector<16xf32>
        %mul3A_161 = arith.constant 16 : i32
        %mul3A_162 = arith.muli %add3A_154, %mul3A_161 : i32
        %get3A_163 = arith.constant 1 : i32
        %get3A_164 = arith.index_cast %get3A_163 : i32 to index
        %get3A_165 = arith.index_cast %mul3A_162 : i32 to index
        %get3A_166 = tpu.vector_load %arg10[%get3A_164, %get3A_165] {strides = array<i32>} : memref<4x352xf32, #tpu.memory_space<vmem>>, vector<1x16xf32>,
        %get3A_167 = vector.shape_cast %get3A_166 : vector<1x16xf32> to vector<16xf32>
        %mul3A_168 = arith.constant 16 : i32
        %mul3A_169 = arith.muli %add3A_154, %mul3A_168 : i32
        %get3A_170 = arith.constant 2 : i32
        %get3A_171 = arith.index_cast %get3A_170 : i32 to index
        %get3A_172 = arith.index_cast %mul3A_169 : i32 to index
        %get3A_173 = tpu.vector_load %arg10[%get3A_171, %get3A_172] {strides = array<i32>} : memref<4x352xf32, #tpu.memory_space<vmem>>, vector<1x16xf32>,
        %get3A_174 = vector.shape_cast %get3A_173 : vector<1x16xf32> to vector<16xf32>
        %mul3A_175 = arith.constant 16 : i32
        %mul3A_176 = arith.muli %add3A_154, %mul3A_175 : i32
        %get3A_177 = arith.constant 3 : i32
        %get3A_178 = arith.index_cast %get3A_177 : i32 to index
        %get3A_179 = arith.index_cast %mul3A_176 : i32 to index
        %get3A_180 = tpu.vector_load %arg10[%get3A_178, %get3A_179] {strides = array<i32>} : memref<4x352xf32, #tpu.memory_space<vmem>>, vector<1x16xf32>,
        %get3A_181 = vector.shape_cast %get3A_180 : vector<1x16xf32> to vector<16xf32>
        %mul3A_182 = arith.constant 16 : i32
        %mul3A_183 = arith.muli %add3A_154, %mul3A_182 : i32
        %add3A_184 = arith.constant 0 : i32
        %add3A_185 = arith.addi %mul3A_183, %add3A_184 : i32
        %broadcast_in_dim3A = arith.constant 0 : i32
        %broadcast_in_dim3A_186 = vector.broadcast %broadcast_in_dim3A : i32 to vector<16x1xi32>
        %gather3A = vector.shape_cast %broadcast_in_dim3A_186 : vector<16x1xi32> to vector<16xi32>
        %gather3A_187 = tpu.dynamic_gather %get3A_160[%gather3A] in [0] : vector<16xf32>, vector<16xi32> -> vector<16xf32>
        %broadcast_in_dim3A_188 = arith.constant 0 : i32
        %broadcast_in_dim3A_189 = vector.broadcast %broadcast_in_dim3A_188 : i32 to vector<16x1xi32>
        %gather3A_190 = vector.shape_cast %broadcast_in_dim3A_189 : vector<16x1xi32> to vector<16xi32>
        %gather3A_191 = tpu.dynamic_gather %get3A_167[%gather3A_190] in [0] : vector<16xf32>, vector<16xi32> -> vector<16xf32>
        %broadcast_in_dim3A_192 = arith.constant 0 : i32
        %broadcast_in_dim3A_193 = vector.broadcast %broadcast_in_dim3A_192 : i32 to vector<16x1xi32>
        %gather3A_194 = vector.shape_cast %broadcast_in_dim3A_193 : vector<16x1xi32> to vector<16xi32>
        %gather3A_195 = tpu.dynamic_gather %get3A_174[%gather3A_194] in [0] : vector<16xf32>, vector<16xi32> -> vector<16xf32>
        %broadcast_in_dim3A_196 = arith.constant 0 : i32
        %broadcast_in_dim3A_197 = vector.broadcast %broadcast_in_dim3A_196 : i32 to vector<16x1xi32>
        %gather3A_198 = vector.shape_cast %broadcast_in_dim3A_197 : vector<16x1xi32> to vector<16xi32>
        %gather3A_199 = tpu.dynamic_gather %get3A_181[%gather3A_198] in [0] : vector<16xf32>, vector<16xi32> -> vector<16xf32>
        %add3A_200 = arith.constant 352 : i32
        %add3A_201 = arith.addi %add3A_185, %add3A_200 : i32
        %add3A_202 = arith.constant 704 : i32
        %add3A_203 = arith.addi %add3A_185, %add3A_202 : i32
        %add3A_204 = arith.constant 1056 : i32
        %add3A_205 = arith.addi %add3A_185, %add3A_204 : i32
        %get3A_206 = arith.constant 0 : i32
        %get3A_207 = tpu.memref_slice %arg14[%add3A_185, %get3A_206] : memref<1408x32xf32, #tpu.memory_space<vmem>> -> memref<1x32xf32, #tpu.memory_space<vmem>>
        %get3A_208 = tpu.memref_squeeze %get3A_207 : memref<1x32xf32, #tpu.memory_space<vmem>> -> memref<32xf32, #tpu.memory_space<vmem>>
        %get3A_209 = arith.constant 0 : index
        %get3A_210 = tpu.vector_load %get3A_208[%get3A_209] {strides = array<i32>} : memref<32xf32, #tpu.memory_space<vmem>>, vector<16xf32>,
        %get3A_211 = vector.shape_cast %get3A_210 : vector<16xf32> to vector<16xf32>
        %mul3A_212 = arith.mulf %gather3A_187, %get3A_211 : vector<16xf32>
        %get3A_213 = arith.constant 0 : i32
        %get3A_214 = tpu.memref_slice %arg14[%add3A_201, %get3A_213] : memref<1408x32xf32, #tpu.memory_space<vmem>> -> memref<1x32xf32, #tpu.memory_space<vmem>>
        %get3A_215 = tpu.memref_squeeze %get3A_214 : memref<1x32xf32, #tpu.memory_space<vmem>> -> memref<32xf32, #tpu.memory_space<vmem>>
        %get3A_216 = arith.constant 0 : index
        %get3A_217 = tpu.vector_load %get3A_215[%get3A_216] {strides = array<i32>} : memref<32xf32, #tpu.memory_space<vmem>>, vector<16xf32>,
        %get3A_218 = vector.shape_cast %get3A_217 : vector<16xf32> to vector<16xf32>
        %mul3A_219 = arith.mulf %gather3A_191, %get3A_218 : vector<16xf32>
        %add3A_220 = arith.addf %mul3A_212, %mul3A_219 : vector<16xf32>
        %get3A_221 = arith.constant 0 : i32
        %get3A_222 = tpu.memref_slice %arg14[%add3A_203, %get3A_221] : memref<1408x32xf32, #tpu.memory_space<vmem>> -> memref<1x32xf32, #tpu.memory_space<vmem>>
        %get3A_223 = tpu.memref_squeeze %get3A_222 : memref<1x32xf32, #tpu.memory_space<vmem>> -> memref<32xf32, #tpu.memory_space<vmem>>
        %get3A_224 = arith.constant 0 : index
        %get3A_225 = tpu.vector_load %get3A_223[%get3A_224] {strides = array<i32>} : memref<32xf32, #tpu.memory_space<vmem>>, vector<16xf32>,
        %get3A_226 = vector.shape_cast %get3A_225 : vector<16xf32> to vector<16xf32>
        %mul3A_227 = arith.mulf %gather3A_195, %get3A_226 : vector<16xf32>
        %add3A_228 = arith.addf %add3A_220, %mul3A_227 : vector<16xf32>
        %get3A_229 = arith.constant 0 : i32
        %get3A_230 = tpu.memref_slice %arg14[%add3A_205, %get3A_229] : memref<1408x32xf32, #tpu.memory_space<vmem>> -> memref<1x32xf32, #tpu.memory_space<vmem>>
        %get3A_231 = tpu.memref_squeeze %get3A_230 : memref<1x32xf32, #tpu.memory_space<vmem>> -> memref<32xf32, #tpu.memory_space<vmem>>
        %get3A_232 = arith.constant 0 : index
        %get3A_233 = tpu.vector_load %get3A_231[%get3A_232] {strides = array<i32>} : memref<32xf32, #tpu.memory_space<vmem>>, vector<16xf32>,
        %get3A_234 = vector.shape_cast %get3A_233 : vector<16xf32> to vector<16xf32>
        %mul3A_235 = arith.mulf %gather3A_199, %get3A_234 : vector<16xf32>
        %add3A_236 = arith.addf %add3A_228, %mul3A_235 : vector<16xf32>
        %swap3A = arith.index_cast %add3A_185 : i32 to index
        %swap3A_237 = arith.constant 0 : index
        %swap3A_238 = tpu.vector_load %arg16[%swap3A, %swap3A_237] {strides = array<i32>} : memref<352x32xf32, #tpu.memory_space<vmem>>, vector<1x16xf32>,
        %swap3A_239 = vector.shape_cast %swap3A_238 : vector<1x16xf32> to vector<16xf32>
        %swap3A_240 = vector.shape_cast %add3A_236 : vector<16xf32> to vector<1x16xf32>
        tpu.vector_store %arg16[%swap3A, %swap3A_237], %swap3A_240 {strides = array<i32>} : memref<352x32xf32, #tpu.memory_space<vmem>>, vector<1x16xf32>,
        %get3A_241 = arith.constant 0 : i32
        %get3A_242 = tpu.memref_slice %arg14[%add3A_185, %get3A_241] : memref<1408x32xf32, #tpu.memory_space<vmem>> -> memref<1x32xf32, #tpu.memory_space<vmem>>
        %get3A_243 = tpu.memref_squeeze %get3A_242 : memref<1x32xf32, #tpu.memory_space<vmem>> -> memref<32xf32, #tpu.memory_space<vmem>>
        %get3A_244 = arith.constant 16 : index
        %get3A_245 = tpu.vector_load %get3A_243[%get3A_244] {strides = array<i32>} : memref<32xf32, #tpu.memory_space<vmem>>, vector<16xf32>,
        %get3A_246 = vector.shape_cast %get3A_245 : vector<16xf32> to vector<16xf32>
        %mul3A_247 = arith.mulf %gather3A_187, %get3A_246 : vector<16xf32>
        %get3A_248 = arith.constant 0 : i32
        %get3A_249 = tpu.memref_slice %arg14[%add3A_201, %get3A_248] : memref<1408x32xf32, #tpu.memory_space<vmem>> -> memref<1x32xf32, #tpu.memory_space<vmem>>
        %get3A_250 = tpu.memref_squeeze %get3A_249 : memref<1x32xf32, #tpu.memory_space<vmem>> -> memref<32xf32, #tpu.memory_space<vmem>>
        %get3A_251 = arith.constant 16 : index
        %get3A_252 = tpu.vector_load %get3A_250[%get3A_251] {strides = array<i32>} : memref<32xf32, #tpu.memory_space<vmem>>, vector<16xf32>,
        %get3A_253 = vector.shape_cast %get3A_252 : vector<16xf32> to vector<16xf32>
        %mul3A_254 = arith.mulf %gather3A_191, %get3A_253 : vector<16xf32>
        %add3A_255 = arith.addf %mul3A_247, %mul3A_254 : vector<16xf32>
        %get3A_256 = arith.constant 0 : i32
        %get3A_257 = tpu.memref_slice %arg14[%add3A_203, %get3A_256] : memref<1408x32xf32, #tpu.memory_space<vmem>> -> memref<1x32xf32, #tpu.memory_space<vmem>>
        %get3A_258 = tpu.memref_squeeze %get3A_257 : memref<1x32xf32, #tpu.memory_space<vmem>> -> memref<32xf32, #tpu.memory_space<vmem>>
        %get3A_259 = arith.constant 16 : index
        %get3A_260 = tpu.vector_load %get3A_258[%get3A_259] {strides = array<i32>} : memref<32xf32, #tpu.memory_space<vmem>>, vector<16xf32>,
        %get3A_261 = vector.shape_cast %get3A_260 : vector<16xf32> to vector<16xf32>
        %mul3A_262 = arith.mulf %gather3A_195, %get3A_261 : vector<16xf32>
        %add3A_263 = arith.addf %add3A_255, %mul3A_262 : vector<16xf32>
        %get3A_264 = arith.constant 0 : i32
        %get3A_265 = tpu.memref_slice %arg14[%add3A_205, %get3A_264] : memref<1408x32xf32, #tpu.memory_space<vmem>> -> memref<1x32xf32, #tpu.memory_space<vmem>>
        %get3A_266 = tpu.memref_squeeze %get3A_265 : memref<1x32xf32, #tpu.memory_space<vmem>> -> memref<32xf32, #tpu.memory_space<vmem>>
        %get3A_267 = arith.constant 16 : index
        %get3A_268 = tpu.vector_load %get3A_266[%get3A_267] {strides = array<i32>} : memref<32xf32, #tpu.memory_space<vmem>>, vector<16xf32>,
        %get3A_269 = vector.shape_cast %get3A_268 : vector<16xf32> to vector<16xf32>
        %mul3A_270 = arith.mulf %gather3A_199, %get3A_269 : vector<16xf32>
        %add3A_271 = arith.addf %add3A_263, %mul3A_270 : vector<16xf32>
        %swap3A_272 = arith.index_cast %add3A_185 : i32 to index
        %swap3A_273 = arith.constant 16 : index
        %swap3A_274 = tpu.vector_load %arg16[%swap3A_272, %swap3A_273] {strides = array<i32>} : memref<352x32xf32, #tpu.memory_space<vmem>>, vector<1x16xf32>,
        %swap3A_275 = vector.shape_cast %swap3A_274 : vector<1x16xf32> to vector<16xf32>
        %swap3A_276 = vector.shape_cast %add3A_271 : vector<16xf32> to vector<1x16xf32>
        tpu.vector_store %arg16[%swap3A_272, %swap3A_273], %swap3A_276 {strides = array<i32>} : memref<352x32xf32, #tpu.memory_space<vmem>>, vector<1x16xf32>,
        %mul3A_277 = arith.constant 16 : i32
        %mul3A_278 = arith.muli %add3A_154, %mul3A_277 : i32
        %add3A_279 = arith.constant 1 : i32
        %add3A_280 = arith.addi %mul3A_278, %add3A_279 : i32
        %broadcast_in_dim3A_281 = arith.constant 1 : i32
        %broadcast_in_dim3A_282 = vector.broadcast %broadcast_in_dim3A_281 : i32 to vector<16x1xi32>
        %gather3A_283 = vector.shape_cast %broadcast_in_dim3A_282 : vector<16x1xi32> to vector<16xi32>
        %gather3A_284 = tpu.dynamic_gather %get3A_160[%gather3A_283] in [0] : vector<16xf32>, vector<16xi32> -> vector<16xf32>
        %broadcast_in_dim3A_285 = arith.constant 1 : i32
        %broadcast_in_dim3A_286 = vector.broadcast %broadcast_in_dim3A_285 : i32 to vector<16x1xi32>
        %gather3A_287 = vector.shape_cast %broadcast_in_dim3A_286 : vector<16x1xi32> to vector<16xi32>
        %gather3A_288 = tpu.dynamic_gather %get3A_167[%gather3A_287] in [0] : vector<16xf32>, vector<16xi32> -> vector<16xf32>
        %broadcast_in_dim3A_289 = arith.constant 1 : i32
        %broadcast_in_dim3A_290 = vector.broadcast %broadcast_in_dim3A_289 : i32 to vector<16x1xi32>
        %gather3A_291 = vector.shape_cast %broadcast_in_dim3A_290 : vector<16x1xi32> to vector<16xi32>
        %gather3A_292 = tpu.dynamic_gather %get3A_174[%gather3A_291] in [0] : vector<16xf32>, vector<16xi32> -> vector<16xf32>
        %broadcast_in_dim3A_293 = arith.constant 1 : i32
        %broadcast_in_dim3A_294 = vector.broadcast %broadcast_in_dim3A_293 : i32 to vector<16x1xi32>
        %gather3A_295 = vector.shape_cast %broadcast_in_dim3A_294 : vector<16x1xi32> to vector<16xi32>
        %gather3A_296 = tpu.dynamic_gather %get3A_181[%gather3A_295] in [0] : vector<16xf32>, vector<16xi32> -> vector<16xf32>
        %add3A_297 = arith.constant 352 : i32
        %add3A_298 = arith.addi %add3A_280, %add3A_297 : i32
        %add3A_299 = arith.constant 704 : i32
        %add3A_300 = arith.addi %add3A_280, %add3A_299 : i32
        %add3A_301 = arith.constant 1056 : i32
        %add3A_302 = arith.addi %add3A_280, %add3A_301 : i32
        %get3A_303 = arith.constant 0 : i32
        %get3A_304 = tpu.memref_slice %arg14[%add3A_280, %get3A_303] : memref<1408x32xf32, #tpu.memory_space<vmem>> -> memref<1x32xf32, #tpu.memory_space<vmem>>
        %get3A_305 = tpu.memref_squeeze %get3A_304 : memref<1x32xf32, #tpu.memory_space<vmem>> -> memref<32xf32, #tpu.memory_space<vmem>>
        %get3A_306 = arith.constant 0 : index
        %get3A_307 = tpu.vector_load %get3A_305[%get3A_306] {strides = array<i32>} : memref<32xf32, #tpu.memory_space<vmem>>, vector<16xf32>,
        %get3A_308 = vector.shape_cast %get3A_307 : vector<16xf32> to vector<16xf32>
        %mul3A_309 = arith.mulf %gather3A_284, %get3A_308 : vector<16xf32>
        %get3A_310 = arith.constant 0 : i32
        %get3A_311 = tpu.memref_slice %arg14[%add3A_298, %get3A_310] : memref<1408x32xf32, #tpu.memory_space<vmem>> -> memref<1x32xf32, #tpu.memory_space<vmem>>
        %get3A_312 = tpu.memref_squeeze %get3A_311 : memref<1x32xf32, #tpu.memory_space<vmem>> -> memref<32xf32, #tpu.memory_space<vmem>>
        %get3A_313 = arith.constant 0 : index
        %get3A_314 = tpu.vector_load %get3A_312[%get3A_313] {strides = array<i32>} : memref<32xf32, #tpu.memory_space<vmem>>, vector<16xf32>,
        %get3A_315 = vector.shape_cast %get3A_314 : vector<16xf32> to vector<16xf32>
        %mul3A_316 = arith.mulf %gather3A_288, %get3A_315 : vector<16xf32>
        %add3A_317 = arith.addf %mul3A_309, %mul3A_316 : vector<16xf32>
        %get3A_318 = arith.constant 0 : i32
        %get3A_319 = tpu.memref_slice %arg14[%add3A_300, %get3A_318] : memref<1408x32xf32, #tpu.memory_space<vmem>> -> memref<1x32xf32, #tpu.memory_space<vmem>>
        %get3A_320 = tpu.memref_squeeze %get3A_319 : memref<1x32xf32, #tpu.memory_space<vmem>> -> memref<32xf32, #tpu.memory_space<vmem>>
        %get3A_321 = arith.constant 0 : index
        %get3A_322 = tpu.vector_load %get3A_320[%get3A_321] {strides = array<i32>} : memref<32xf32, #tpu.memory_space<vmem>>, vector<16xf32>,
        %get3A_323 = vector.shape_cast %get3A_322 : vector<16xf32> to vector<16xf32>
        %mul3A_324 = arith.mulf %gather3A_292, %get3A_323 : vector<16xf32>
        %add3A_325 = arith.addf %add3A_317, %mul3A_324 : vector<16xf32>
        %get3A_326 = arith.constant 0 : i32
        %get3A_327 = tpu.memref_slice %arg14[%add3A_302, %get3A_326] : memref<1408x32xf32, #tpu.memory_space<vmem>> -> memref<1x32xf32, #tpu.memory_space<vmem>>
        %get3A_328 = tpu.memref_squeeze %get3A_327 : memref<1x32xf32, #tpu.memory_space<vmem>> -> memref<32xf32, #tpu.memory_space<vmem>>
        %get3A_329 = arith.constant 0 : index
        %get3A_330 = tpu.vector_load %get3A_328[%get3A_329] {strides = array<i32>} : memref<32xf32, #tpu.memory_space<vmem>>, vector<16xf32>,
        %get3A_331 = vector.shape_cast %get3A_330 : vector<16xf32> to vector<16xf32>
        %mul3A_332 = arith.mulf %gather3A_296, %get3A_331 : vector<16xf32>
        %add3A_333 = arith.addf %add3A_325, %mul3A_332 : vector<16xf32>
        %swap3A_334 = arith.index_cast %add3A_280 : i32 to index
        %swap3A_335 = arith.constant 0 : index
        %swap3A_336 = tpu.vector_load %arg16[%swap3A_334, %swap3A_335] {strides = array<i32>} : memref<352x32xf32, #tpu.memory_space<vmem>>, vector<1x16xf32>,
        %swap3A_337 = vector.shape_cast %swap3A_336 : vector<1x16xf32> to vector<16xf32>
        %swap3A_338 = vector.shape_cast %add3A_333 : vector<16xf32> to vector<1x16xf32>
        tpu.vector_store %arg16[%swap3A_334, %swap3A_335], %swap3A_338 {strides = array<i32>} : memref<352x32xf32, #tpu.memory_space<vmem>>, vector<1x16xf32>,
        %get3A_339 = arith.constant 0 : i32
        %get3A_340 = tpu.memref_slice %arg14[%add3A_280, %get3A_339] : memref<1408x32xf32, #tpu.memory_space<vmem>> -> memref<1x32xf32, #tpu.memory_space<vmem>>
        %get3A_341 = tpu.memref_squeeze %get3A_340 : memref<1x32xf32, #tpu.memory_space<vmem>> -> memref<32xf32, #tpu.memory_space<vmem>>
        %get3A_342 = arith.constant 16 : index
        %get3A_343 = tpu.vector_load %get3A_341[%get3A_342] {strides = array<i32>} : memref<32xf32, #tpu.memory_space<vmem>>, vector<16xf32>,
        %get3A_344 = vector.shape_cast %get3A_343 : vector<16xf32> to vector<16xf32>
        %mul3A_345 = arith.mulf %gather3A_284, %get3A_344 : vector<16xf32>
        %get3A_346 = arith.constant 0 : i32
        %get3A_347 = tpu.memref_slice %arg14[%add3A_298, %get3A_346] : memref<1408x32xf32, #tpu.memory_space<vmem>> -> memref<1x32xf32, #tpu.memory_space<vmem>>
        %get3A_348 = tpu.memref_squeeze %get3A_347 : memref<1x32xf32, #tpu.memory_space<vmem>> -> memref<32xf32, #tpu.memory_space<vmem>>
        %get3A_349 = arith.constant 16 : index
        %get3A_350 = tpu.vector_load %get3A_348[%get3A_349] {strides = array<i32>} : memref<32xf32, #tpu.memory_space<vmem>>, vector<16xf32>,
        %get3A_351 = vector.shape_cast %get3A_350 : vector<16xf32> to vector<16xf32>
        %mul3A_352 = arith.mulf %gather3A_288, %get3A_351 : vector<16xf32>
        %add3A_353 = arith.addf %mul3A_345, %mul3A_352 : vector<16xf32>
        %get3A_354 = arith.constant 0 : i32
        %get3A_355 = tpu.memref_slice %arg14[%add3A_300, %get3A_354] : memref<1408x32xf32, #tpu.memory_space<vmem>> -> memref<1x32xf32, #tpu.memory_space<vmem>>
        %get3A_356 = tpu.memref_squeeze %get3A_355 : memref<1x32xf32, #tpu.memory_space<vmem>> -> memref<32xf32, #tpu.memory_space<vmem>>
        %get3A_357 = arith.constant 16 : index
        %get3A_358 = tpu.vector_load %get3A_356[%get3A_357] {strides = array<i32>} : memref<32xf32, #tpu.memory_space<vmem>>, vector<16xf32>,
        %get3A_359 = vector.shape_cast %get3A_358 : vector<16xf32> to vector<16xf32>
        %mul3A_360 = arith.mulf %gather3A_292, %get3A_359 : vector<16xf32>
        %add3A_361 = arith.addf %add3A_353, %mul3A_360 : vector<16xf32>
        %get3A_362 = arith.constant 0 : i32
        %get3A_363 = tpu.memref_slice %arg14[%add3A_302, %get3A_362] : memref<1408x32xf32, #tpu.memory_space<vmem>> -> memref<1x32xf32, #tpu.memory_space<vmem>>
        %get3A_364 = tpu.memref_squeeze %get3A_363 : memref<1x32xf32, #tpu.memory_space<vmem>> -> memref<32xf32, #tpu.memory_space<vmem>>
        %get3A_365 = arith.constant 16 : index
        %get3A_366 = tpu.vector_load %get3A_364[%get3A_365] {strides = array<i32>} : memref<32xf32, #tpu.memory_space<vmem>>, vector<16xf32>,
        %get3A_367 = vector.shape_cast %get3A_366 : vector<16xf32> to vector<16xf32>
        %mul3A_368 = arith.mulf %gather3A_296, %get3A_367 : vector<16xf32>
        %add3A_369 = arith.addf %add3A_361, %mul3A_368 : vector<16xf32>
        %swap3A_370 = arith.index_cast %add3A_280 : i32 to index
        %swap3A_371 = arith.constant 16 : index
        %swap3A_372 = tpu.vector_load %arg16[%swap3A_370, %swap3A_371] {strides = array<i32>} : memref<352x32xf32, #tpu.memory_space<vmem>>, vector<1x16xf32>,
        %swap3A_373 = vector.shape_cast %swap3A_372 : vector<1x16xf32> to vector<16xf32>
        %swap3A_374 = vector.shape_cast %add3A_369 : vector<16xf32> to vector<1x16xf32>
        tpu.vector_store %arg16[%swap3A_370, %swap3A_371], %swap3A_374 {strides = array<i32>} : memref<352x32xf32, #tpu.memory_space<vmem>>, vector<1x16xf32>,
        %mul3A_375 = arith.constant 16 : i32
        %mul3A_376 = arith.muli %add3A_154, %mul3A_375 : i32
        %add3A_377 = arith.constant 2 : i32
        %add3A_378 = arith.addi %mul3A_376, %add3A_377 : i32
        %broadcast_in_dim3A_379 = arith.constant 2 : i32
        %broadcast_in_dim3A_380 = vector.broadcast %broadcast_in_dim3A_379 : i32 to vector<16x1xi32>
        %gather3A_381 = vector.shape_cast %broadcast_in_dim3A_380 : vector<16x1xi32> to vector<16xi32>
        %gather3A_382 = tpu.dynamic_gather %get3A_160[%gather3A_381] in [0] : vector<16xf32>, vector<16xi32> -> vector<16xf32>
        %broadcast_in_dim3A_383 = arith.constant 2 : i32
        %broadcast_in_dim3A_384 = vector.broadcast %broadcast_in_dim3A_383 : i32 to vector<16x1xi32>
        %gather3A_385 = vector.shape_cast %broadcast_in_dim3A_384 : vector<16x1xi32> to vector<16xi32>
        %gather3A_386 = tpu.dynamic_gather %get3A_167[%gather3A_385] in [0] : vector<16xf32>, vector<16xi32> -> vector<16xf32>
        %broadcast_in_dim3A_387 = arith.constant 2 : i32
        %broadcast_in_dim3A_388 = vector.broadcast %broadcast_in_dim3A_387 : i32 to vector<16x1xi32>
        %gather3A_389 = vector.shape_cast %broadcast_in_dim3A_388 : vector<16x1xi32> to vector<16xi32>
        %gather3A_390 = tpu.dynamic_gather %get3A_174[%gather3A_389] in [0] : vector<16xf32>, vector<16xi32> -> vector<16xf32>
        %broadcast_in_dim3A_391 = arith.constant 2 : i32
        %broadcast_in_dim3A_392 = vector.broadcast %broadcast_in_dim3A_391 : i32 to vector<16x1xi32>
        %gather3A_393 = vector.shape_cast %broadcast_in_dim3A_392 : vector<16x1xi32> to vector<16xi32>
        %gather3A_394 = tpu.dynamic_gather %get3A_181[%gather3A_393] in [0] : vector<16xf32>, vector<16xi32> -> vector<16xf32>
        %add3A_395 = arith.constant 352 : i32
        %add3A_396 = arith.addi %add3A_378, %add3A_395 : i32
        %add3A_397 = arith.constant 704 : i32
        %add3A_398 = arith.addi %add3A_378, %add3A_397 : i32
        %add3A_399 = arith.constant 1056 : i32
        %add3A_400 = arith.addi %add3A_378, %add3A_399 : i32
        %get3A_401 = arith.constant 0 : i32
        %get3A_402 = tpu.memref_slice %arg14[%add3A_378, %get3A_401] : memref<1408x32xf32, #tpu.memory_space<vmem>> -> memref<1x32xf32, #tpu.memory_space<vmem>>
        %get3A_403 = tpu.memref_squeeze %get3A_402 : memref<1x32xf32, #tpu.memory_space<vmem>> -> memref<32xf32, #tpu.memory_space<vmem>>
        %get3A_404 = arith.constant 0 : index
        %get3A_405 = tpu.vector_load %get3A_403[%get3A_404] {strides = array<i32>} : memref<32xf32, #tpu.memory_space<vmem>>, vector<16xf32>,
        %get3A_406 = vector.shape_cast %get3A_405 : vector<16xf32> to vector<16xf32>
        %mul3A_407 = arith.mulf %gather3A_382, %get3A_406 : vector<16xf32>
        %get3A_408 = arith.constant 0 : i32
        %get3A_409 = tpu.memref_slice %arg14[%add3A_396, %get3A_408] : memref<1408x32xf32, #tpu.memory_space<vmem>> -> memref<1x32xf32, #tpu.memory_space<vmem>>
        %get3A_410 = tpu.memref_squeeze %get3A_409 : memref<1x32xf32, #tpu.memory_space<vmem>> -> memref<32xf32, #tpu.memory_space<vmem>>
        %get3A_411 = arith.constant 0 : index
        %get3A_412 = tpu.vector_load %get3A_410[%get3A_411] {strides = array<i32>} : memref<32xf32, #tpu.memory_space<vmem>>, vector<16xf32>,
        %get3A_413 = vector.shape_cast %get3A_412 : vector<16xf32> to vector<16xf32>
        %mul3A_414 = arith.mulf %gather3A_386, %get3A_413 : vector<16xf32>
        %add3A_415 = arith.addf %mul3A_407, %mul3A_414 : vector<16xf32>
        %get3A_416 = arith.constant 0 : i32
        %get3A_417 = tpu.memref_slice %arg14[%add3A_398, %get3A_416] : memref<1408x32xf32, #tpu.memory_space<vmem>> -> memref<1x32xf32, #tpu.memory_space<vmem>>
        %get3A_418 = tpu.memref_squeeze %get3A_417 : memref<1x32xf32, #tpu.memory_space<vmem>> -> memref<32xf32, #tpu.memory_space<vmem>>
        %get3A_419 = arith.constant 0 : index
        %get3A_420 = tpu.vector_load %get3A_418[%get3A_419] {strides = array<i32>} : memref<32xf32, #tpu.memory_space<vmem>>, vector<16xf32>,
        %get3A_421 = vector.shape_cast %get3A_420 : vector<16xf32> to vector<16xf32>
        %mul3A_422 = arith.mulf %gather3A_390, %get3A_421 : vector<16xf32>
        %add3A_423 = arith.addf %add3A_415, %mul3A_422 : vector<16xf32>
        %get3A_424 = arith.constant 0 : i32
        %get3A_425 = tpu.memref_slice %arg14[%add3A_400, %get3A_424] : memref<1408x32xf32, #tpu.memory_space<vmem>> -> memref<1x32xf32, #tpu.memory_space<vmem>>
        %get3A_426 = tpu.memref_squeeze %get3A_425 : memref<1x32xf32, #tpu.memory_space<vmem>> -> memref<32xf32, #tpu.memory_space<vmem>>
        %get3A_427 = arith.constant 0 : index
        %get3A_428 = tpu.vector_load %get3A_426[%get3A_427] {strides = array<i32>} : memref<32xf32, #tpu.memory_space<vmem>>, vector<16xf32>,
        %get3A_429 = vector.shape_cast %get3A_428 : vector<16xf32> to vector<16xf32>
        %mul3A_430 = arith.mulf %gather3A_394, %get3A_429 : vector<16xf32>
        %add3A_431 = arith.addf %add3A_423, %mul3A_430 : vector<16xf32>
        %swap3A_432 = arith.index_cast %add3A_378 : i32 to index
        %swap3A_433 = arith.constant 0 : index
        %swap3A_434 = tpu.vector_load %arg16[%swap3A_432, %swap3A_433] {strides = array<i32>} : memref<352x32xf32, #tpu.memory_space<vmem>>, vector<1x16xf32>,
        %swap3A_435 = vector.shape_cast %swap3A_434 : vector<1x16xf32> to vector<16xf32>
        %swap3A_436 = vector.shape_cast %add3A_431 : vector<16xf32> to vector<1x16xf32>
        tpu.vector_store %arg16[%swap3A_432, %swap3A_433], %swap3A_436 {strides = array<i32>} : memref<352x32xf32, #tpu.memory_space<vmem>>, vector<1x16xf32>,
        %get3A_437 = arith.constant 0 : i32
        %get3A_438 = tpu.memref_slice %arg14[%add3A_378, %get3A_437] : memref<1408x32xf32, #tpu.memory_space<vmem>> -> memref<1x32xf32, #tpu.memory_space<vmem>>
        %get3A_439 = tpu.memref_squeeze %get3A_438 : memref<1x32xf32, #tpu.memory_space<vmem>> -> memref<32xf32, #tpu.memory_space<vmem>>
        %get3A_440 = arith.constant 16 : index
        %get3A_441 = tpu.vector_load %get3A_439[%get3A_440] {strides = array<i32>} : memref<32xf32, #tpu.memory_space<vmem>>, vector<16xf32>,
        %get3A_442 = vector.shape_cast %get3A_441 : vector<16xf32> to vector<16xf32>
        %mul3A_443 = arith.mulf %gather3A_382, %get3A_442 : vector<16xf32>
        %get3A_444 = arith.constant 0 : i32
        %get3A_445 = tpu.memref_slice %arg14[%add3A_396, %get3A_444] : memref<1408x32xf32, #tpu.memory_space<vmem>> -> memref<1x32xf32, #tpu.memory_space<vmem>>
        %get3A_446 = tpu.memref_squeeze %get3A_445 : memref<1x32xf32, #tpu.memory_space<vmem>> -> memref<32xf32, #tpu.memory_space<vmem>>
        %get3A_447 = arith.constant 16 : index
        %get3A_448 = tpu.vector_load %get3A_446[%get3A_447] {strides = array<i32>} : memref<32xf32, #tpu.memory_space<vmem>>, vector<16xf32>,
        %get3A_449 = vector.shape_cast %get3A_448 : vector<16xf32> to vector<16xf32>
        %mul3A_450 = arith.mulf %gather3A_386, %get3A_449 : vector<16xf32>
        %add3A_451 = arith.addf %mul3A_443, %mul3A_450 : vector<16xf32>
        %get3A_452 = arith.constant 0 : i32
        %get3A_453 = tpu.memref_slice %arg14[%add3A_398, %get3A_452] : memref<1408x32xf32, #tpu.memory_space<vmem>> -> memref<1x32xf32, #tpu.memory_space<vmem>>
        %get3A_454 = tpu.memref_squeeze %get3A_453 : memref<1x32xf32, #tpu.memory_space<vmem>> -> memref<32xf32, #tpu.memory_space<vmem>>
        %get3A_455 = arith.constant 16 : index
        %get3A_456 = tpu.vector_load %get3A_454[%get3A_455] {strides = array<i32>} : memref<32xf32, #tpu.memory_space<vmem>>, vector<16xf32>,
        %get3A_457 = vector.shape_cast %get3A_456 : vector<16xf32> to vector<16xf32>
        %mul3A_458 = arith.mulf %gather3A_390, %get3A_457 : vector<16xf32>
        %add3A_459 = arith.addf %add3A_451, %mul3A_458 : vector<16xf32>
        %get3A_460 = arith.constant 0 : i32
        %get3A_461 = tpu.memref_slice %arg14[%add3A_400, %get3A_460] : memref<1408x32xf32, #tpu.memory_space<vmem>> -> memref<1x32xf32, #tpu.memory_space<vmem>>
        %get3A_462 = tpu.memref_squeeze %get3A_461 : memref<1x32xf32, #tpu.memory_space<vmem>> -> memref<32xf32, #tpu.memory_space<vmem>>
        %get3A_463 = arith.constant 16 : index
        %get3A_464 = tpu.vector_load %get3A_462[%get3A_463] {strides = array<i32>} : memref<32xf32, #tpu.memory_space<vmem>>, vector<16xf32>,
        %get3A_465 = vector.shape_cast %get3A_464 : vector<16xf32> to vector<16xf32>
        %mul3A_466 = arith.mulf %gather3A_394, %get3A_465 : vector<16xf32>
        %add3A_467 = arith.addf %add3A_459, %mul3A_466 : vector<16xf32>
        %swap3A_468 = arith.index_cast %add3A_378 : i32 to index
        %swap3A_469 = arith.constant 16 : index
        %swap3A_470 = tpu.vector_load %arg16[%swap3A_468, %swap3A_469] {strides = array<i32>} : memref<352x32xf32, #tpu.memory_space<vmem>>, vector<1x16xf32>,
        %swap3A_471 = vector.shape_cast %swap3A_470 : vector<1x16xf32> to vector<16xf32>
        %swap3A_472 = vector.shape_cast %add3A_467 : vector<16xf32> to vector<1x16xf32>
        tpu.vector_store %arg16[%swap3A_468, %swap3A_469], %swap3A_472 {strides = array<i32>} : memref<352x32xf32, #tpu.memory_space<vmem>>, vector<1x16xf32>,
        %mul3A_473 = arith.constant 16 : i32
        %mul3A_474 = arith.muli %add3A_154, %mul3A_473 : i32
        %add3A_475 = arith.constant 3 : i32
        %add3A_476 = arith.addi %mul3A_474, %add3A_475 : i32
        %broadcast_in_dim3A_477 = arith.constant 3 : i32
        %broadcast_in_dim3A_478 = vector.broadcast %broadcast_in_dim3A_477 : i32 to vector<16x1xi32>
        %gather3A_479 = vector.shape_cast %broadcast_in_dim3A_478 : vector<16x1xi32> to vector<16xi32>
        %gather3A_480 = tpu.dynamic_gather %get3A_160[%gather3A_479] in [0] : vector<16xf32>, vector<16xi32> -> vector<16xf32>
        %broadcast_in_dim3A_481 = arith.constant 3 : i32
        %broadcast_in_dim3A_482 = vector.broadcast %broadcast_in_dim3A_481 : i32 to vector<16x1xi32>
        %gather3A_483 = vector.shape_cast %broadcast_in_dim3A_482 : vector<16x1xi32> to vector<16xi32>
        %gather3A_484 = tpu.dynamic_gather %get3A_167[%gather3A_483] in [0] : vector<16xf32>, vector<16xi32> -> vector<16xf32>
        %broadcast_in_dim3A_485 = arith.constant 3 : i32
        %broadcast_in_dim3A_486 = vector.broadcast %broadcast_in_dim3A_485 : i32 to vector<16x1xi32>
        %gather3A_487 = vector.shape_cast %broadcast_in_dim3A_486 : vector<16x1xi32> to vector<16xi32>
        %gather3A_488 = tpu.dynamic_gather %get3A_174[%gather3A_487] in [0] : vector<16xf32>, vector<16xi32> -> vector<16xf32>
        %broadcast_in_dim3A_489 = arith.constant 3 : i32
        %broadcast_in_dim3A_490 = vector.broadcast %broadcast_in_dim3A_489 : i32 to vector<16x1xi32>
        %gather3A_491 = vector.shape_cast %broadcast_in_dim3A_490 : vector<16x1xi32> to vector<16xi32>
        %gather3A_492 = tpu.dynamic_gather %get3A_181[%gather3A_491] in [0] : vector<16xf32>, vector<16xi32> -> vector<16xf32>
        %add3A_493 = arith.constant 352 : i32
        %add3A_494 = arith.addi %add3A_476, %add3A_493 : i32
        %add3A_495 = arith.constant 704 : i32
        %add3A_496 = arith.addi %add3A_476, %add3A_495 : i32
        %add3A_497 = arith.constant 1056 : i32
        %add3A_498 = arith.addi %add3A_476, %add3A_497 : i32
        %get3A_499 = arith.constant 0 : i32
        %get3A_500 = tpu.memref_slice %arg14[%add3A_476, %get3A_499] : memref<1408x32xf32, #tpu.memory_space<vmem>> -> memref<1x32xf32, #tpu.memory_space<vmem>>
        %get3A_501 = tpu.memref_squeeze %get3A_500 : memref<1x32xf32, #tpu.memory_space<vmem>> -> memref<32xf32, #tpu.memory_space<vmem>>
        %get3A_502 = arith.constant 0 : index
        %get3A_503 = tpu.vector_load %get3A_501[%get3A_502] {strides = array<i32>} : memref<32xf32, #tpu.memory_space<vmem>>, vector<16xf32>,
        %get3A_504 = vector.shape_cast %get3A_503 : vector<16xf32> to vector<16xf32>
        %mul3A_505 = arith.mulf %gather3A_480, %get3A_504 : vector<16xf32>
        %get3A_506 = arith.constant 0 : i32
        %get3A_507 = tpu.memref_slice %arg14[%add3A_494, %get3A_506] : memref<1408x32xf32, #tpu.memory_space<vmem>> -> memref<1x32xf32, #tpu.memory_space<vmem>>
        %get3A_508 = tpu.memref_squeeze %get3A_507 : memref<1x32xf32, #tpu.memory_space<vmem>> -> memref<32xf32, #tpu.memory_space<vmem>>
        %get3A_509 = arith.constant 0 : index
        %get3A_510 = tpu.vector_load %get3A_508[%get3A_509] {strides = array<i32>} : memref<32xf32, #tpu.memory_space<vmem>>, vector<16xf32>,
        %get3A_511 = vector.shape_cast %get3A_510 : vector<16xf32> to vector<16xf32>
        %mul3A_512 = arith.mulf %gather3A_484, %get3A_511 : vector<16xf32>
        %add3A_513 = arith.addf %mul3A_505, %mul3A_512 : vector<16xf32>
        %get3A_514 = arith.constant 0 : i32
        %get3A_515 = tpu.memref_slice %arg14[%add3A_496, %get3A_514] : memref<1408x32xf32, #tpu.memory_space<vmem>> -> memref<1x32xf32, #tpu.memory_space<vmem>>
        %get3A_516 = tpu.memref_squeeze %get3A_515 : memref<1x32xf32, #tpu.memory_space<vmem>> -> memref<32xf32, #tpu.memory_space<vmem>>
        %get3A_517 = arith.constant 0 : index
        %get3A_518 = tpu.vector_load %get3A_516[%get3A_517] {strides = array<i32>} : memref<32xf32, #tpu.memory_space<vmem>>, vector<16xf32>,
        %get3A_519 = vector.shape_cast %get3A_518 : vector<16xf32> to vector<16xf32>
        %mul3A_520 = arith.mulf %gather3A_488, %get3A_519 : vector<16xf32>
        %add3A_521 = arith.addf %add3A_513, %mul3A_520 : vector<16xf32>
        %get3A_522 = arith.constant 0 : i32
        %get3A_523 = tpu.memref_slice %arg14[%add3A_498, %get3A_522] : memref<1408x32xf32, #tpu.memory_space<vmem>> -> memref<1x32xf32, #tpu.memory_space<vmem>>
        %get3A_524 = tpu.memref_squeeze %get3A_523 : memref<1x32xf32, #tpu.memory_space<vmem>> -> memref<32xf32, #tpu.memory_space<vmem>>
        %get3A_525 = arith.constant 0 : index
        %get3A_526 = tpu.vector_load %get3A_524[%get3A_525] {strides = array<i32>} : memref<32xf32, #tpu.memory_space<vmem>>, vector<16xf32>,
        %get3A_527 = vector.shape_cast %get3A_526 : vector<16xf32> to vector<16xf32>
        %mul3A_528 = arith.mulf %gather3A_492, %get3A_527 : vector<16xf32>
        %add3A_529 = arith.addf %add3A_521, %mul3A_528 : vector<16xf32>
        %swap3A_530 = arith.index_cast %add3A_476 : i32 to index
        %swap3A_531 = arith.constant 0 : index
        %swap3A_532 = tpu.vector_load %arg16[%swap3A_530, %swap3A_531] {strides = array<i32>} : memref<352x32xf32, #tpu.memory_space<vmem>>, vector<1x16xf32>,
        %swap3A_533 = vector.shape_cast %swap3A_532 : vector<1x16xf32> to vector<16xf32>
        %swap3A_534 = vector.shape_cast %add3A_529 : vector<16xf32> to vector<1x16xf32>
        tpu.vector_store %arg16[%swap3A_530, %swap3A_531], %swap3A_534 {strides = array<i32>} : memref<352x32xf32, #tpu.memory_space<vmem>>, vector<1x16xf32>,
        %get3A_535 = arith.constant 0 : i32
        %get3A_536 = tpu.memref_slice %arg14[%add3A_476, %get3A_535] : memref<1408x32xf32, #tpu.memory_space<vmem>> -> memref<1x32xf32, #tpu.memory_space<vmem>>
        %get3A_537 = tpu.memref_squeeze %get3A_536 : memref<1x32xf32, #tpu.memory_space<vmem>> -> memref<32xf32, #tpu.memory_space<vmem>>
        %get3A_538 = arith.constant 16 : index
        %get3A_539 = tpu.vector_load %get3A_537[%get3A_538] {strides = array<i32>} : memref<32xf32, #tpu.memory_space<vmem>>, vector<16xf32>,
        %get3A_540 = vector.shape_cast %get3A_539 : vector<16xf32> to vector<16xf32>
        %mul3A_541 = arith.mulf %gather3A_480, %get3A_540 : vector<16xf32>
        %get3A_542 = arith.constant 0 : i32
        %get3A_543 = tpu.memref_slice %arg14[%add3A_494, %get3A_542] : memref<1408x32xf32, #tpu.memory_space<vmem>> -> memref<1x32xf32, #tpu.memory_space<vmem>>
        %get3A_544 = tpu.memref_squeeze %get3A_543 : memref<1x32xf32, #tpu.memory_space<vmem>> -> memref<32xf32, #tpu.memory_space<vmem>>
        %get3A_545 = arith.constant 16 : index
        %get3A_546 = tpu.vector_load %get3A_544[%get3A_545] {strides = array<i32>} : memref<32xf32, #tpu.memory_space<vmem>>, vector<16xf32>,
        %get3A_547 = vector.shape_cast %get3A_546 : vector<16xf32> to vector<16xf32>
        %mul3A_548 = arith.mulf %gather3A_484, %get3A_547 : vector<16xf32>
        %add3A_549 = arith.addf %mul3A_541, %mul3A_548 : vector<16xf32>
        %get3A_550 = arith.constant 0 : i32
        %get3A_551 = tpu.memref_slice %arg14[%add3A_496, %get3A_550] : memref<1408x32xf32, #tpu.memory_space<vmem>> -> memref<1x32xf32, #tpu.memory_space<vmem>>
        %get3A_552 = tpu.memref_squeeze %get3A_551 : memref<1x32xf32, #tpu.memory_space<vmem>> -> memref<32xf32, #tpu.memory_space<vmem>>
        %get3A_553 = arith.constant 16 : index
        %get3A_554 = tpu.vector_load %get3A_552[%get3A_553] {strides = array<i32>} : memref<32xf32, #tpu.memory_space<vmem>>, vector<16xf32>,
        %get3A_555 = vector.shape_cast %get3A_554 : vector<16xf32> to vector<16xf32>
        %mul3A_556 = arith.mulf %gather3A_488, %get3A_555 : vector<16xf32>
        %add3A_557 = arith.addf %add3A_549, %mul3A_556 : vector<16xf32>
        %get3A_558 = arith.constant 0 : i32
        %get3A_559 = tpu.memref_slice %arg14[%add3A_498, %get3A_558] : memref<1408x32xf32, #tpu.memory_space<vmem>> -> memref<1x32xf32, #tpu.memory_space<vmem>>
        %get3A_560 = tpu.memref_squeeze %get3A_559 : memref<1x32xf32, #tpu.memory_space<vmem>> -> memref<32xf32, #tpu.memory_space<vmem>>
        %get3A_561 = arith.constant 16 : index
        %get3A_562 = tpu.vector_load %get3A_560[%get3A_561] {strides = array<i32>} : memref<32xf32, #tpu.memory_space<vmem>>, vector<16xf32>,
        %get3A_563 = vector.shape_cast %get3A_562 : vector<16xf32> to vector<16xf32>
        %mul3A_564 = arith.mulf %gather3A_492, %get3A_563 : vector<16xf32>
        %add3A_565 = arith.addf %add3A_557, %mul3A_564 : vector<16xf32>
        %swap3A_566 = arith.index_cast %add3A_476 : i32 to index
        %swap3A_567 = arith.constant 16 : index
        %swap3A_568 = tpu.vector_load %arg16[%swap3A_566, %swap3A_567] {strides = array<i32>} : memref<352x32xf32, #tpu.memory_space<vmem>>, vector<1x16xf32>,
        %swap3A_569 = vector.shape_cast %swap3A_568 : vector<1x16xf32> to vector<16xf32>
        %swap3A_570 = vector.shape_cast %add3A_565 : vector<16xf32> to vector<1x16xf32>
        tpu.vector_store %arg16[%swap3A_566, %swap3A_567], %swap3A_570 {strides = array<i32>} : memref<352x32xf32, #tpu.memory_space<vmem>>, vector<1x16xf32>,
        %mul3A_571 = arith.constant 16 : i32
        %mul3A_572 = arith.muli %add3A_154, %mul3A_571 : i32
        %add3A_573 = arith.constant 4 : i32
        %add3A_574 = arith.addi %mul3A_572, %add3A_573 : i32
        %broadcast_in_dim3A_575 = arith.constant 4 : i32
        %broadcast_in_dim3A_576 = vector.broadcast %broadcast_in_dim3A_575 : i32 to vector<16x1xi32>
        %gather3A_577 = vector.shape_cast %broadcast_in_dim3A_576 : vector<16x1xi32> to vector<16xi32>
        %gather3A_578 = tpu.dynamic_gather %get3A_160[%gather3A_577] in [0] : vector<16xf32>, vector<16xi32> -> vector<16xf32>
        %broadcast_in_dim3A_579 = arith.constant 4 : i32
        %broadcast_in_dim3A_580 = vector.broadcast %broadcast_in_dim3A_579 : i32 to vector<16x1xi32>
        %gather3A_581 = vector.shape_cast %broadcast_in_dim3A_580 : vector<16x1xi32> to vector<16xi32>
        %gather3A_582 = tpu.dynamic_gather %get3A_167[%gather3A_581] in [0] : vector<16xf32>, vector<16xi32> -> vector<16xf32>
        %broadcast_in_dim3A_583 = arith.constant 4 : i32
        %broadcast_in_dim3A_584 = vector.broadcast %broadcast_in_dim3A_583 : i32 to vector<16x1xi32>
        %gather3A_585 = vector.shape_cast %broadcast_in_dim3A_584 : vector<16x1xi32> to vector<16xi32>
        %gather3A_586 = tpu.dynamic_gather %get3A_174[%gather3A_585] in [0] : vector<16xf32>, vector<16xi32> -> vector<16xf32>
        %broadcast_in_dim3A_587 = arith.constant 4 : i32
        %broadcast_in_dim3A_588 = vector.broadcast %broadcast_in_dim3A_587 : i32 to vector<16x1xi32>
        %gather3A_589 = vector.shape_cast %broadcast_in_dim3A_588 : vector<16x1xi32> to vector<16xi32>
        %gather3A_590 = tpu.dynamic_gather %get3A_181[%gather3A_589] in [0] : vector<16xf32>, vector<16xi32> -> vector<16xf32>
        %add3A_591 = arith.constant 352 : i32
        %add3A_592 = arith.addi %add3A_574, %add3A_591 : i32
        %add3A_593 = arith.constant 704 : i32
        %add3A_594 = arith.addi %add3A_574, %add3A_593 : i32
        %add3A_595 = arith.constant 1056 : i32
        %add3A_596 = arith.addi %add3A_574, %add3A_595 : i32
        %get3A_597 = arith.constant 0 : i32
        %get3A_598 = tpu.memref_slice %arg14[%add3A_574, %get3A_597] : memref<1408x32xf32, #tpu.memory_space<vmem>> -> memref<1x32xf32, #tpu.memory_space<vmem>>
        %get3A_599 = tpu.memref_squeeze %get3A_598 : memref<1x32xf32, #tpu.memory_space<vmem>> -> memref<32xf32, #tpu.memory_space<vmem>>
        %get3A_600 = arith.constant 0 : index
        %get3A_601 = tpu.vector_load %get3A_599[%get3A_600] {strides = array<i32>} : memref<32xf32, #tpu.memory_space<vmem>>, vector<16xf32>,
        %get3A_602 = vector.shape_cast %get3A_601 : vector<16xf32> to vector<16xf32>
        %mul3A_603 = arith.mulf %gather3A_578, %get3A_602 : vector<16xf32>
        %get3A_604 = arith.constant 0 : i32
        %get3A_605 = tpu.memref_slice %arg14[%add3A_592, %get3A_604] : memref<1408x32xf32, #tpu.memory_space<vmem>> -> memref<1x32xf32, #tpu.memory_space<vmem>>
        %get3A_606 = tpu.memref_squeeze %get3A_605 : memref<1x32xf32, #tpu.memory_space<vmem>> -> memref<32xf32, #tpu.memory_space<vmem>>
        %get3A_607 = arith.constant 0 : index
        %get3A_608 = tpu.vector_load %get3A_606[%get3A_607] {strides = array<i32>} : memref<32xf32, #tpu.memory_space<vmem>>, vector<16xf32>,
        %get3A_609 = vector.shape_cast %get3A_608 : vector<16xf32> to vector<16xf32>
        %mul3A_610 = arith.mulf %gather3A_582, %get3A_609 : vector<16xf32>
        %add3A_611 = arith.addf %mul3A_603, %mul3A_610 : vector<16xf32>
        %get3A_612 = arith.constant 0 : i32
        %get3A_613 = tpu.memref_slice %arg14[%add3A_594, %get3A_612] : memref<1408x32xf32, #tpu.memory_space<vmem>> -> memref<1x32xf32, #tpu.memory_space<vmem>>
        %get3A_614 = tpu.memref_squeeze %get3A_613 : memref<1x32xf32, #tpu.memory_space<vmem>> -> memref<32xf32, #tpu.memory_space<vmem>>
        %get3A_615 = arith.constant 0 : index
        %get3A_616 = tpu.vector_load %get3A_614[%get3A_615] {strides = array<i32>} : memref<32xf32, #tpu.memory_space<vmem>>, vector<16xf32>,
        %get3A_617 = vector.shape_cast %get3A_616 : vector<16xf32> to vector<16xf32>
        %mul3A_618 = arith.mulf %gather3A_586, %get3A_617 : vector<16xf32>
        %add3A_619 = arith.addf %add3A_611, %mul3A_618 : vector<16xf32>
        %get3A_620 = arith.constant 0 : i32
        %get3A_621 = tpu.memref_slice %arg14[%add3A_596, %get3A_620] : memref<1408x32xf32, #tpu.memory_space<vmem>> -> memref<1x32xf32, #tpu.memory_space<vmem>>
        %get3A_622 = tpu.memref_squeeze %get3A_621 : memref<1x32xf32, #tpu.memory_space<vmem>> -> memref<32xf32, #tpu.memory_space<vmem>>
        %get3A_623 = arith.constant 0 : index
        %get3A_624 = tpu.vector_load %get3A_622[%get3A_623] {strides = array<i32>} : memref<32xf32, #tpu.memory_space<vmem>>, vector<16xf32>,
        %get3A_625 = vector.shape_cast %get3A_624 : vector<16xf32> to vector<16xf32>
        %mul3A_626 = arith.mulf %gather3A_590, %get3A_625 : vector<16xf32>
        %add3A_627 = arith.addf %add3A_619, %mul3A_626 : vector<16xf32>
        %swap3A_628 = arith.index_cast %add3A_574 : i32 to index
        %swap3A_629 = arith.constant 0 : index
        %swap3A_630 = tpu.vector_load %arg16[%swap3A_628, %swap3A_629] {strides = array<i32>} : memref<352x32xf32, #tpu.memory_space<vmem>>, vector<1x16xf32>,
        %swap3A_631 = vector.shape_cast %swap3A_630 : vector<1x16xf32> to vector<16xf32>
        %swap3A_632 = vector.shape_cast %add3A_627 : vector<16xf32> to vector<1x16xf32>
        tpu.vector_store %arg16[%swap3A_628, %swap3A_629], %swap3A_632 {strides = array<i32>} : memref<352x32xf32, #tpu.memory_space<vmem>>, vector<1x16xf32>,
        %get3A_633 = arith.constant 0 : i32
        %get3A_634 = tpu.memref_slice %arg14[%add3A_574, %get3A_633] : memref<1408x32xf32, #tpu.memory_space<vmem>> -> memref<1x32xf32, #tpu.memory_space<vmem>>
        %get3A_635 = tpu.memref_squeeze %get3A_634 : memref<1x32xf32, #tpu.memory_space<vmem>> -> memref<32xf32, #tpu.memory_space<vmem>>
        %get3A_636 = arith.constant 16 : index
        %get3A_637 = tpu.vector_load %get3A_635[%get3A_636] {strides = array<i32>} : memref<32xf32, #tpu.memory_space<vmem>>, vector<16xf32>,
        %get3A_638 = vector.shape_cast %get3A_637 : vector<16xf32> to vector<16xf32>
        %mul3A_639 = arith.mulf %gather3A_578, %get3A_638 : vector<16xf32>
        %get3A_640 = arith.constant 0 : i32
        %get3A_641 = tpu.memref_slice %arg14[%add3A_592, %get3A_640] : memref<1408x32xf32, #tpu.memory_space<vmem>> -> memref<1x32xf32, #tpu.memory_space<vmem>>
        %get3A_642 = tpu.memref_squeeze %get3A_641 : memref<1x32xf32, #tpu.memory_space<vmem>> -> memref<32xf32, #tpu.memory_space<vmem>>
        %get3A_643 = arith.constant 16 : index
        %get3A_644 = tpu.vector_load %get3A_642[%get3A_643] {strides = array<i32>} : memref<32xf32, #tpu.memory_space<vmem>>, vector<16xf32>,
        %get3A_645 = vector.shape_cast %get3A_644 : vector<16xf32> to vector<16xf32>
        %mul3A_646 = arith.mulf %gather3A_582, %get3A_645 : vector<16xf32>
        %add3A_647 = arith.addf %mul3A_639, %mul3A_646 : vector<16xf32>
        %get3A_648 = arith.constant 0 : i32
        %get3A_649 = tpu.memref_slice %arg14[%add3A_594, %get3A_648] : memref<1408x32xf32, #tpu.memory_space<vmem>> -> memref<1x32xf32, #tpu.memory_space<vmem>>
        %get3A_650 = tpu.memref_squeeze %get3A_649 : memref<1x32xf32, #tpu.memory_space<vmem>> -> memref<32xf32, #tpu.memory_space<vmem>>
        %get3A_651 = arith.constant 16 : index
        %get3A_652 = tpu.vector_load %get3A_650[%get3A_651] {strides = array<i32>} : memref<32xf32, #tpu.memory_space<vmem>>, vector<16xf32>,
        %get3A_653 = vector.shape_cast %get3A_652 : vector<16xf32> to vector<16xf32>
        %mul3A_654 = arith.mulf %gather3A_586, %get3A_653 : vector<16xf32>
        %add3A_655 = arith.addf %add3A_647, %mul3A_654 : vector<16xf32>
        %get3A_656 = arith.constant 0 : i32
        %get3A_657 = tpu.memref_slice %arg14[%add3A_596, %get3A_656] : memref<1408x32xf32, #tpu.memory_space<vmem>> -> memref<1x32xf32, #tpu.memory_space<vmem>>
        %get3A_658 = tpu.memref_squeeze %get3A_657 : memref<1x32xf32, #tpu.memory_space<vmem>> -> memref<32xf32, #tpu.memory_space<vmem>>
        %get3A_659 = arith.constant 16 : index
        %get3A_660 = tpu.vector_load %get3A_658[%get3A_659] {strides = array<i32>} : memref<32xf32, #tpu.memory_space<vmem>>, vector<16xf32>,
        %get3A_661 = vector.shape_cast %get3A_660 : vector<16xf32> to vector<16xf32>
        %mul3A_662 = arith.mulf %gather3A_590, %get3A_661 : vector<16xf32>
        %add3A_663 = arith.addf %add3A_655, %mul3A_662 : vector<16xf32>
        %swap3A_664 = arith.index_cast %add3A_574 : i32 to index
        %swap3A_665 = arith.constant 16 : index
        %swap3A_666 = tpu.vector_load %arg16[%swap3A_664, %swap3A_665] {strides = array<i32>} : memref<352x32xf32, #tpu.memory_space<vmem>>, vector<1x16xf32>,
        %swap3A_667 = vector.shape_cast %swap3A_666 : vector<1x16xf32> to vector<16xf32>
        %swap3A_668 = vector.shape_cast %add3A_663 : vector<16xf32> to vector<1x16xf32>
        tpu.vector_store %arg16[%swap3A_664, %swap3A_665], %swap3A_668 {strides = array<i32>} : memref<352x32xf32, #tpu.memory_space<vmem>>, vector<1x16xf32>,
        %mul3A_669 = arith.constant 16 : i32
        %mul3A_670 = arith.muli %add3A_154, %mul3A_669 : i32
        %add3A_671 = arith.constant 5 : i32
        %add3A_672 = arith.addi %mul3A_670, %add3A_671 : i32
        %broadcast_in_dim3A_673 = arith.constant 5 : i32
        %broadcast_in_dim3A_674 = vector.broadcast %broadcast_in_dim3A_673 : i32 to vector<16x1xi32>
        %gather3A_675 = vector.shape_cast %broadcast_in_dim3A_674 : vector<16x1xi32> to vector<16xi32>
        %gather3A_676 = tpu.dynamic_gather %get3A_160[%gather3A_675] in [0] : vector<16xf32>, vector<16xi32> -> vector<16xf32>
        %broadcast_in_dim3A_677 = arith.constant 5 : i32
        %broadcast_in_dim3A_678 = vector.broadcast %broadcast_in_dim3A_677 : i32 to vector<16x1xi32>
        %gather3A_679 = vector.shape_cast %broadcast_in_dim3A_678 : vector<16x1xi32> to vector<16xi32>
        %gather3A_680 = tpu.dynamic_gather %get3A_167[%gather3A_679] in [0] : vector<16xf32>, vector<16xi32> -> vector<16xf32>
        %broadcast_in_dim3A_681 = arith.constant 5 : i32
        %broadcast_in_dim3A_682 = vector.broadcast %broadcast_in_dim3A_681 : i32 to vector<16x1xi32>
        %gather3A_683 = vector.shape_cast %broadcast_in_dim3A_682 : vector<16x1xi32> to vector<16xi32>
        %gather3A_684 = tpu.dynamic_gather %get3A_174[%gather3A_683] in [0] : vector<16xf32>, vector<16xi32> -> vector<16xf32>
        %broadcast_in_dim3A_685 = arith.constant 5 : i32
        %broadcast_in_dim3A_686 = vector.broadcast %broadcast_in_dim3A_685 : i32 to vector<16x1xi32>
        %gather3A_687 = vector.shape_cast %broadcast_in_dim3A_686 : vector<16x1xi32> to vector<16xi32>
        %gather3A_688 = tpu.dynamic_gather %get3A_181[%gather3A_687] in [0] : vector<16xf32>, vector<16xi32> -> vector<16xf32>
        %add3A_689 = arith.constant 352 : i32
        %add3A_690 = arith.addi %add3A_672, %add3A_689 : i32
        %add3A_691 = arith.constant 704 : i32
        %add3A_692 = arith.addi %add3A_672, %add3A_691 : i32
        %add3A_693 = arith.constant 1056 : i32
        %add3A_694 = arith.addi %add3A_672, %add3A_693 : i32
        %get3A_695 = arith.constant 0 : i32
        %get3A_696 = tpu.memref_slice %arg14[%add3A_672, %get3A_695] : memref<1408x32xf32, #tpu.memory_space<vmem>> -> memref<1x32xf32, #tpu.memory_space<vmem>>
        %get3A_697 = tpu.memref_squeeze %get3A_696 : memref<1x32xf32, #tpu.memory_space<vmem>> -> memref<32xf32, #tpu.memory_space<vmem>>
        %get3A_698 = arith.constant 0 : index
        %get3A_699 = tpu.vector_load %get3A_697[%get3A_698] {strides = array<i32>} : memref<32xf32, #tpu.memory_space<vmem>>, vector<16xf32>,
        %get3A_700 = vector.shape_cast %get3A_699 : vector<16xf32> to vector<16xf32>
        %mul3A_701 = arith.mulf %gather3A_676, %get3A_700 : vector<16xf32>
        %get3A_702 = arith.constant 0 : i32
        %get3A_703 = tpu.memref_slice %arg14[%add3A_690, %get3A_702] : memref<1408x32xf32, #tpu.memory_space<vmem>> -> memref<1x32xf32, #tpu.memory_space<vmem>>
        %get3A_704 = tpu.memref_squeeze %get3A_703 : memref<1x32xf32, #tpu.memory_space<vmem>> -> memref<32xf32, #tpu.memory_space<vmem>>
        %get3A_705 = arith.constant 0 : index
        %get3A_706 = tpu.vector_load %get3A_704[%get3A_705] {strides = array<i32>} : memref<32xf32, #tpu.memory_space<vmem>>, vector<16xf32>,
        %get3A_707 = vector.shape_cast %get3A_706 : vector<16xf32> to vector<16xf32>
        %mul3A_708 = arith.mulf %gather3A_680, %get3A_707 : vector<16xf32>
        %add3A_709 = arith.addf %mul3A_701, %mul3A_708 : vector<16xf32>
        %get3A_710 = arith.constant 0 : i32
        %get3A_711 = tpu.memref_slice %arg14[%add3A_692, %get3A_710] : memref<1408x32xf32, #tpu.memory_space<vmem>> -> memref<1x32xf32, #tpu.memory_space<vmem>>
        %get3A_712 = tpu.memref_squeeze %get3A_711 : memref<1x32xf32, #tpu.memory_space<vmem>> -> memref<32xf32, #tpu.memory_space<vmem>>
        %get3A_713 = arith.constant 0 : index
        %get3A_714 = tpu.vector_load %get3A_712[%get3A_713] {strides = array<i32>} : memref<32xf32, #tpu.memory_space<vmem>>, vector<16xf32>,
        %get3A_715 = vector.shape_cast %get3A_714 : vector<16xf32> to vector<16xf32>
        %mul3A_716 = arith.mulf %gather3A_684, %get3A_715 : vector<16xf32>
        %add3A_717 = arith.addf %add3A_709, %mul3A_716 : vector<16xf32>
        %get3A_718 = arith.constant 0 : i32
        %get3A_719 = tpu.memref_slice %arg14[%add3A_694, %get3A_718] : memref<1408x32xf32, #tpu.memory_space<vmem>> -> memref<1x32xf32, #tpu.memory_space<vmem>>
        %get3A_720 = tpu.memref_squeeze %get3A_719 : memref<1x32xf32, #tpu.memory_space<vmem>> -> memref<32xf32, #tpu.memory_space<vmem>>
        %get3A_721 = arith.constant 0 : index
        %get3A_722 = tpu.vector_load %get3A_720[%get3A_721] {strides = array<i32>} : memref<32xf32, #tpu.memory_space<vmem>>, vector<16xf32>,
        %get3A_723 = vector.shape_cast %get3A_722 : vector<16xf32> to vector<16xf32>
        %mul3A_724 = arith.mulf %gather3A_688, %get3A_723 : vector<16xf32>
        %add3A_725 = arith.addf %add3A_717, %mul3A_724 : vector<16xf32>
        %swap3A_726 = arith.index_cast %add3A_672 : i32 to index
        %swap3A_727 = arith.constant 0 : index
        %swap3A_728 = tpu.vector_load %arg16[%swap3A_726, %swap3A_727] {strides = array<i32>} : memref<352x32xf32, #tpu.memory_space<vmem>>, vector<1x16xf32>,
        %swap3A_729 = vector.shape_cast %swap3A_728 : vector<1x16xf32> to vector<16xf32>
        %swap3A_730 = vector.shape_cast %add3A_725 : vector<16xf32> to vector<1x16xf32>
        tpu.vector_store %arg16[%swap3A_726, %swap3A_727], %swap3A_730 {strides = array<i32>} : memref<352x32xf32, #tpu.memory_space<vmem>>, vector<1x16xf32>,
        %get3A_731 = arith.constant 0 : i32
        %get3A_732 = tpu.memref_slice %arg14[%add3A_672, %get3A_731] : memref<1408x32xf32, #tpu.memory_space<vmem>> -> memref<1x32xf32, #tpu.memory_space<vmem>>
        %get3A_733 = tpu.memref_squeeze %get3A_732 : memref<1x32xf32, #tpu.memory_space<vmem>> -> memref<32xf32, #tpu.memory_space<vmem>>
        %get3A_734 = arith.constant 16 : index
        %get3A_735 = tpu.vector_load %get3A_733[%get3A_734] {strides = array<i32>} : memref<32xf32, #tpu.memory_space<vmem>>, vector<16xf32>,
        %get3A_736 = vector.shape_cast %get3A_735 : vector<16xf32> to vector<16xf32>
        %mul3A_737 = arith.mulf %gather3A_676, %get3A_736 : vector<16xf32>
        %get3A_738 = arith.constant 0 : i32
        %get3A_739 = tpu.memref_slice %arg14[%add3A_690, %get3A_738] : memref<1408x32xf32, #tpu.memory_space<vmem>> -> memref<1x32xf32, #tpu.memory_space<vmem>>
        %get3A_740 = tpu.memref_squeeze %get3A_739 : memref<1x32xf32, #tpu.memory_space<vmem>> -> memref<32xf32, #tpu.memory_space<vmem>>
        %get3A_741 = arith.constant 16 : index
        %get3A_742 = tpu.vector_load %get3A_740[%get3A_741] {strides = array<i32>} : memref<32xf32, #tpu.memory_space<vmem>>, vector<16xf32>,
        %get3A_743 = vector.shape_cast %get3A_742 : vector<16xf32> to vector<16xf32>
        %mul3A_744 = arith.mulf %gather3A_680, %get3A_743 : vector<16xf32>
        %add3A_745 = arith.addf %mul3A_737, %mul3A_744 : vector<16xf32>
        %get3A_746 = arith.constant 0 : i32
        %get3A_747 = tpu.memref_slice %arg14[%add3A_692, %get3A_746] : memref<1408x32xf32, #tpu.memory_space<vmem>> -> memref<1x32xf32, #tpu.memory_space<vmem>>
        %get3A_748 = tpu.memref_squeeze %get3A_747 : memref<1x32xf32, #tpu.memory_space<vmem>> -> memref<32xf32, #tpu.memory_space<vmem>>
        %get3A_749 = arith.constant 16 : index
        %get3A_750 = tpu.vector_load %get3A_748[%get3A_749] {strides = array<i32>} : memref<32xf32, #tpu.memory_space<vmem>>, vector<16xf32>,
        %get3A_751 = vector.shape_cast %get3A_750 : vector<16xf32> to vector<16xf32>
        %mul3A_752 = arith.mulf %gather3A_684, %get3A_751 : vector<16xf32>
        %add3A_753 = arith.addf %add3A_745, %mul3A_752 : vector<16xf32>
        %get3A_754 = arith.constant 0 : i32
        %get3A_755 = tpu.memref_slice %arg14[%add3A_694, %get3A_754] : memref<1408x32xf32, #tpu.memory_space<vmem>> -> memref<1x32xf32, #tpu.memory_space<vmem>>
        %get3A_756 = tpu.memref_squeeze %get3A_755 : memref<1x32xf32, #tpu.memory_space<vmem>> -> memref<32xf32, #tpu.memory_space<vmem>>
        %get3A_757 = arith.constant 16 : index
        %get3A_758 = tpu.vector_load %get3A_756[%get3A_757] {strides = array<i32>} : memref<32xf32, #tpu.memory_space<vmem>>, vector<16xf32>,
        %get3A_759 = vector.shape_cast %get3A_758 : vector<16xf32> to vector<16xf32>
        %mul3A_760 = arith.mulf %gather3A_688, %get3A_759 : vector<16xf32>
        %add3A_761 = arith.addf %add3A_753, %mul3A_760 : vector<16xf32>
        %swap3A_762 = arith.index_cast %add3A_672 : i32 to index
        %swap3A_763 = arith.constant 16 : index
        %swap3A_764 = tpu.vector_load %arg16[%swap3A_762, %swap3A_763] {strides = array<i32>} : memref<352x32xf32, #tpu.memory_space<vmem>>, vector<1x16xf32>,
        %swap3A_765 = vector.shape_cast %swap3A_764 : vector<1x16xf32> to vector<16xf32>
        %swap3A_766 = vector.shape_cast %add3A_761 : vector<16xf32> to vector<1x16xf32>
        tpu.vector_store %arg16[%swap3A_762, %swap3A_763], %swap3A_766 {strides = array<i32>} : memref<352x32xf32, #tpu.memory_space<vmem>>, vector<1x16xf32>,
        %mul3A_767 = arith.constant 16 : i32
        %mul3A_768 = arith.muli %add3A_154, %mul3A_767 : i32
        %add3A_769 = arith.constant 6 : i32
        %add3A_770 = arith.addi %mul3A_768, %add3A_769 : i32
        %broadcast_in_dim3A_771 = arith.constant 6 : i32
        %broadcast_in_dim3A_772 = vector.broadcast %broadcast_in_dim3A_771 : i32 to vector<16x1xi32>
        %gather3A_773 = vector.shape_cast %broadcast_in_dim3A_772 : vector<16x1xi32> to vector<16xi32>
        %gather3A_774 = tpu.dynamic_gather %get3A_160[%gather3A_773] in [0] : vector<16xf32>, vector<16xi32> -> vector<16xf32>
        %broadcast_in_dim3A_775 = arith.constant 6 : i32
        %broadcast_in_dim3A_776 = vector.broadcast %broadcast_in_dim3A_775 : i32 to vector<16x1xi32>
        %gather3A_777 = vector.shape_cast %broadcast_in_dim3A_776 : vector<16x1xi32> to vector<16xi32>
        %gather3A_778 = tpu.dynamic_gather %get3A_167[%gather3A_777] in [0] : vector<16xf32>, vector<16xi32> -> vector<16xf32>
        %broadcast_in_dim3A_779 = arith.constant 6 : i32
        %broadcast_in_dim3A_780 = vector.broadcast %broadcast_in_dim3A_779 : i32 to vector<16x1xi32>
        %gather3A_781 = vector.shape_cast %broadcast_in_dim3A_780 : vector<16x1xi32> to vector<16xi32>
        %gather3A_782 = tpu.dynamic_gather %get3A_174[%gather3A_781] in [0] : vector<16xf32>, vector<16xi32> -> vector<16xf32>
        %broadcast_in_dim3A_783 = arith.constant 6 : i32
        %broadcast_in_dim3A_784 = vector.broadcast %broadcast_in_dim3A_783 : i32 to vector<16x1xi32>
        %gather3A_785 = vector.shape_cast %broadcast_in_dim3A_784 : vector<16x1xi32> to vector<16xi32>
        %gather3A_786 = tpu.dynamic_gather %get3A_181[%gather3A_785] in [0] : vector<16xf32>, vector<16xi32> -> vector<16xf32>
        %add3A_787 = arith.constant 352 : i32
        %add3A_788 = arith.addi %add3A_770, %add3A_787 : i32
        %add3A_789 = arith.constant 704 : i32
        %add3A_790 = arith.addi %add3A_770, %add3A_789 : i32
        %add3A_791 = arith.constant 1056 : i32
        %add3A_792 = arith.addi %add3A_770, %add3A_791 : i32
        %get3A_793 = arith.constant 0 : i32
        %get3A_794 = tpu.memref_slice %arg14[%add3A_770, %get3A_793] : memref<1408x32xf32, #tpu.memory_space<vmem>> -> memref<1x32xf32, #tpu.memory_space<vmem>>
        %get3A_795 = tpu.memref_squeeze %get3A_794 : memref<1x32xf32, #tpu.memory_space<vmem>> -> memref<32xf32, #tpu.memory_space<vmem>>
        %get3A_796 = arith.constant 0 : index
        %get3A_797 = tpu.vector_load %get3A_795[%get3A_796] {strides = array<i32>} : memref<32xf32, #tpu.memory_space<vmem>>, vector<16xf32>,
        %get3A_798 = vector.shape_cast %get3A_797 : vector<16xf32> to vector<16xf32>
        %mul3A_799 = arith.mulf %gather3A_774, %get3A_798 : vector<16xf32>
        %get3A_800 = arith.constant 0 : i32
        %get3A_801 = tpu.memref_slice %arg14[%add3A_788, %get3A_800] : memref<1408x32xf32, #tpu.memory_space<vmem>> -> memref<1x32xf32, #tpu.memory_space<vmem>>
        %get3A_802 = tpu.memref_squeeze %get3A_801 : memref<1x32xf32, #tpu.memory_space<vmem>> -> memref<32xf32, #tpu.memory_space<vmem>>
        %get3A_803 = arith.constant 0 : index
        %get3A_804 = tpu.vector_load %get3A_802[%get3A_803] {strides = array<i32>} : memref<32xf32, #tpu.memory_space<vmem>>, vector<16xf32>,
        %get3A_805 = vector.shape_cast %get3A_804 : vector<16xf32> to vector<16xf32>
        %mul3A_806 = arith.mulf %gather3A_778, %get3A_805 : vector<16xf32>
        %add3A_807 = arith.addf %mul3A_799, %mul3A_806 : vector<16xf32>
        %get3A_808 = arith.constant 0 : i32
        %get3A_809 = tpu.memref_slice %arg14[%add3A_790, %get3A_808] : memref<1408x32xf32, #tpu.memory_space<vmem>> -> memref<1x32xf32, #tpu.memory_space<vmem>>
        %get3A_810 = tpu.memref_squeeze %get3A_809 : memref<1x32xf32, #tpu.memory_space<vmem>> -> memref<32xf32, #tpu.memory_space<vmem>>
        %get3A_811 = arith.constant 0 : index
        %get3A_812 = tpu.vector_load %get3A_810[%get3A_811] {strides = array<i32>} : memref<32xf32, #tpu.memory_space<vmem>>, vector<16xf32>,
        %get3A_813 = vector.shape_cast %get3A_812 : vector<16xf32> to vector<16xf32>
        %mul3A_814 = arith.mulf %gather3A_782, %get3A_813 : vector<16xf32>
        %add3A_815 = arith.addf %add3A_807, %mul3A_814 : vector<16xf32>
        %get3A_816 = arith.constant 0 : i32
        %get3A_817 = tpu.memref_slice %arg14[%add3A_792, %get3A_816] : memref<1408x32xf32, #tpu.memory_space<vmem>> -> memref<1x32xf32, #tpu.memory_space<vmem>>
        %get3A_818 = tpu.memref_squeeze %get3A_817 : memref<1x32xf32, #tpu.memory_space<vmem>> -> memref<32xf32, #tpu.memory_space<vmem>>
        %get3A_819 = arith.constant 0 : index
        %get3A_820 = tpu.vector_load %get3A_818[%get3A_819] {strides = array<i32>} : memref<32xf32, #tpu.memory_space<vmem>>, vector<16xf32>,
        %get3A_821 = vector.shape_cast %get3A_820 : vector<16xf32> to vector<16xf32>
        %mul3A_822 = arith.mulf %gather3A_786, %get3A_821 : vector<16xf32>
        %add3A_823 = arith.addf %add3A_815, %mul3A_822 : vector<16xf32>
        %swap3A_824 = arith.index_cast %add3A_770 : i32 to index
        %swap3A_825 = arith.constant 0 : index
        %swap3A_826 = tpu.vector_load %arg16[%swap3A_824, %swap3A_825] {strides = array<i32>} : memref<352x32xf32, #tpu.memory_space<vmem>>, vector<1x16xf32>,
        %swap3A_827 = vector.shape_cast %swap3A_826 : vector<1x16xf32> to vector<16xf32>
        %swap3A_828 = vector.shape_cast %add3A_823 : vector<16xf32> to vector<1x16xf32>
        tpu.vector_store %arg16[%swap3A_824, %swap3A_825], %swap3A_828 {strides = array<i32>} : memref<352x32xf32, #tpu.memory_space<vmem>>, vector<1x16xf32>,
        %get3A_829 = arith.constant 0 : i32
        %get3A_830 = tpu.memref_slice %arg14[%add3A_770, %get3A_829] : memref<1408x32xf32, #tpu.memory_space<vmem>> -> memref<1x32xf32, #tpu.memory_space<vmem>>
        %get3A_831 = tpu.memref_squeeze %get3A_830 : memref<1x32xf32, #tpu.memory_space<vmem>> -> memref<32xf32, #tpu.memory_space<vmem>>
        %get3A_832 = arith.constant 16 : index
        %get3A_833 = tpu.vector_load %get3A_831[%get3A_832] {strides = array<i32>} : memref<32xf32, #tpu.memory_space<vmem>>, vector<16xf32>,
        %get3A_834 = vector.shape_cast %get3A_833 : vector<16xf32> to vector<16xf32>
        %mul3A_835 = arith.mulf %gather3A_774, %get3A_834 : vector<16xf32>
        %get3A_836 = arith.constant 0 : i32
        %get3A_837 = tpu.memref_slice %arg14[%add3A_788, %get3A_836] : memref<1408x32xf32, #tpu.memory_space<vmem>> -> memref<1x32xf32, #tpu.memory_space<vmem>>
        %get3A_838 = tpu.memref_squeeze %get3A_837 : memref<1x32xf32, #tpu.memory_space<vmem>> -> memref<32xf32, #tpu.memory_space<vmem>>
        %get3A_839 = arith.constant 16 : index
        %get3A_840 = tpu.vector_load %get3A_838[%get3A_839] {strides = array<i32>} : memref<32xf32, #tpu.memory_space<vmem>>, vector<16xf32>,
        %get3A_841 = vector.shape_cast %get3A_840 : vector<16xf32> to vector<16xf32>
        %mul3A_842 = arith.mulf %gather3A_778, %get3A_841 : vector<16xf32>
        %add3A_843 = arith.addf %mul3A_835, %mul3A_842 : vector<16xf32>
        %get3A_844 = arith.constant 0 : i32
        %get3A_845 = tpu.memref_slice %arg14[%add3A_790, %get3A_844] : memref<1408x32xf32, #tpu.memory_space<vmem>> -> memref<1x32xf32, #tpu.memory_space<vmem>>
        %get3A_846 = tpu.memref_squeeze %get3A_845 : memref<1x32xf32, #tpu.memory_space<vmem>> -> memref<32xf32, #tpu.memory_space<vmem>>
        %get3A_847 = arith.constant 16 : index
        %get3A_848 = tpu.vector_load %get3A_846[%get3A_847] {strides = array<i32>} : memref<32xf32, #tpu.memory_space<vmem>>, vector<16xf32>,
        %get3A_849 = vector.shape_cast %get3A_848 : vector<16xf32> to vector<16xf32>
        %mul3A_850 = arith.mulf %gather3A_782, %get3A_849 : vector<16xf32>
        %add3A_851 = arith.addf %add3A_843, %mul3A_850 : vector<16xf32>
        %get3A_852 = arith.constant 0 : i32
        %get3A_853 = tpu.memref_slice %arg14[%add3A_792, %get3A_852] : memref<1408x32xf32, #tpu.memory_space<vmem>> -> memref<1x32xf32, #tpu.memory_space<vmem>>
        %get3A_854 = tpu.memref_squeeze %get3A_853 : memref<1x32xf32, #tpu.memory_space<vmem>> -> memref<32xf32, #tpu.memory_space<vmem>>
        %get3A_855 = arith.constant 16 : index
        %get3A_856 = tpu.vector_load %get3A_854[%get3A_855] {strides = array<i32>} : memref<32xf32, #tpu.memory_space<vmem>>, vector<16xf32>,
        %get3A_857 = vector.shape_cast %get3A_856 : vector<16xf32> to vector<16xf32>
        %mul3A_858 = arith.mulf %gather3A_786, %get3A_857 : vector<16xf32>
        %add3A_859 = arith.addf %add3A_851, %mul3A_858 : vector<16xf32>
        %swap3A_860 = arith.index_cast %add3A_770 : i32 to index
        %swap3A_861 = arith.constant 16 : index
        %swap3A_862 = tpu.vector_load %arg16[%swap3A_860, %swap3A_861] {strides = array<i32>} : memref<352x32xf32, #tpu.memory_space<vmem>>, vector<1x16xf32>,
        %swap3A_863 = vector.shape_cast %swap3A_862 : vector<1x16xf32> to vector<16xf32>
        %swap3A_864 = vector.shape_cast %add3A_859 : vector<16xf32> to vector<1x16xf32>
        tpu.vector_store %arg16[%swap3A_860, %swap3A_861], %swap3A_864 {strides = array<i32>} : memref<352x32xf32, #tpu.memory_space<vmem>>, vector<1x16xf32>,
        %mul3A_865 = arith.constant 16 : i32
        %mul3A_866 = arith.muli %add3A_154, %mul3A_865 : i32
        %add3A_867 = arith.constant 7 : i32
        %add3A_868 = arith.addi %mul3A_866, %add3A_867 : i32
        %broadcast_in_dim3A_869 = arith.constant 7 : i32
        %broadcast_in_dim3A_870 = vector.broadcast %broadcast_in_dim3A_869 : i32 to vector<16x1xi32>
        %gather3A_871 = vector.shape_cast %broadcast_in_dim3A_870 : vector<16x1xi32> to vector<16xi32>
        %gather3A_872 = tpu.dynamic_gather %get3A_160[%gather3A_871] in [0] : vector<16xf32>, vector<16xi32> -> vector<16xf32>
        %broadcast_in_dim3A_873 = arith.constant 7 : i32
        %broadcast_in_dim3A_874 = vector.broadcast %broadcast_in_dim3A_873 : i32 to vector<16x1xi32>
        %gather3A_875 = vector.shape_cast %broadcast_in_dim3A_874 : vector<16x1xi32> to vector<16xi32>
        %gather3A_876 = tpu.dynamic_gather %get3A_167[%gather3A_875] in [0] : vector<16xf32>, vector<16xi32> -> vector<16xf32>
        %broadcast_in_dim3A_877 = arith.constant 7 : i32
        %broadcast_in_dim3A_878 = vector.broadcast %broadcast_in_dim3A_877 : i32 to vector<16x1xi32>
        %gather3A_879 = vector.shape_cast %broadcast_in_dim3A_878 : vector<16x1xi32> to vector<16xi32>
        %gather3A_880 = tpu.dynamic_gather %get3A_174[%gather3A_879] in [0] : vector<16xf32>, vector<16xi32> -> vector<16xf32>
        %broadcast_in_dim3A_881 = arith.constant 7 : i32
        %broadcast_in_dim3A_882 = vector.broadcast %broadcast_in_dim3A_881 : i32 to vector<16x1xi32>
        %gather3A_883 = vector.shape_cast %broadcast_in_dim3A_882 : vector<16x1xi32> to vector<16xi32>
        %gather3A_884 = tpu.dynamic_gather %get3A_181[%gather3A_883] in [0] : vector<16xf32>, vector<16xi32> -> vector<16xf32>
        %add3A_885 = arith.constant 352 : i32
        %add3A_886 = arith.addi %add3A_868, %add3A_885 : i32
        %add3A_887 = arith.constant 704 : i32
        %add3A_888 = arith.addi %add3A_868, %add3A_887 : i32
        %add3A_889 = arith.constant 1056 : i32
        %add3A_890 = arith.addi %add3A_868, %add3A_889 : i32
        %get3A_891 = arith.constant 0 : i32
        %get3A_892 = tpu.memref_slice %arg14[%add3A_868, %get3A_891] : memref<1408x32xf32, #tpu.memory_space<vmem>> -> memref<1x32xf32, #tpu.memory_space<vmem>>
        %get3A_893 = tpu.memref_squeeze %get3A_892 : memref<1x32xf32, #tpu.memory_space<vmem>> -> memref<32xf32, #tpu.memory_space<vmem>>
        %get3A_894 = arith.constant 0 : index
        %get3A_895 = tpu.vector_load %get3A_893[%get3A_894] {strides = array<i32>} : memref<32xf32, #tpu.memory_space<vmem>>, vector<16xf32>,
        %get3A_896 = vector.shape_cast %get3A_895 : vector<16xf32> to vector<16xf32>
        %mul3A_897 = arith.mulf %gather3A_872, %get3A_896 : vector<16xf32>
        %get3A_898 = arith.constant 0 : i32
        %get3A_899 = tpu.memref_slice %arg14[%add3A_886, %get3A_898] : memref<1408x32xf32, #tpu.memory_space<vmem>> -> memref<1x32xf32, #tpu.memory_space<vmem>>
        %get3A_900 = tpu.memref_squeeze %get3A_899 : memref<1x32xf32, #tpu.memory_space<vmem>> -> memref<32xf32, #tpu.memory_space<vmem>>
        %get3A_901 = arith.constant 0 : index
        %get3A_902 = tpu.vector_load %get3A_900[%get3A_901] {strides = array<i32>} : memref<32xf32, #tpu.memory_space<vmem>>, vector<16xf32>,
        %get3A_903 = vector.shape_cast %get3A_902 : vector<16xf32> to vector<16xf32>
        %mul3A_904 = arith.mulf %gather3A_876, %get3A_903 : vector<16xf32>
        %add3A_905 = arith.addf %mul3A_897, %mul3A_904 : vector<16xf32>
        %get3A_906 = arith.constant 0 : i32
        %get3A_907 = tpu.memref_slice %arg14[%add3A_888, %get3A_906] : memref<1408x32xf32, #tpu.memory_space<vmem>> -> memref<1x32xf32, #tpu.memory_space<vmem>>
        %get3A_908 = tpu.memref_squeeze %get3A_907 : memref<1x32xf32, #tpu.memory_space<vmem>> -> memref<32xf32, #tpu.memory_space<vmem>>
        %get3A_909 = arith.constant 0 : index
        %get3A_910 = tpu.vector_load %get3A_908[%get3A_909] {strides = array<i32>} : memref<32xf32, #tpu.memory_space<vmem>>, vector<16xf32>,
        %get3A_911 = vector.shape_cast %get3A_910 : vector<16xf32> to vector<16xf32>
        %mul3A_912 = arith.mulf %gather3A_880, %get3A_911 : vector<16xf32>
        %add3A_913 = arith.addf %add3A_905, %mul3A_912 : vector<16xf32>
        %get3A_914 = arith.constant 0 : i32
        %get3A_915 = tpu.memref_slice %arg14[%add3A_890, %get3A_914] : memref<1408x32xf32, #tpu.memory_space<vmem>> -> memref<1x32xf32, #tpu.memory_space<vmem>>
        %get3A_916 = tpu.memref_squeeze %get3A_915 : memref<1x32xf32, #tpu.memory_space<vmem>> -> memref<32xf32, #tpu.memory_space<vmem>>
        %get3A_917 = arith.constant 0 : index
        %get3A_918 = tpu.vector_load %get3A_916[%get3A_917] {strides = array<i32>} : memref<32xf32, #tpu.memory_space<vmem>>, vector<16xf32>,
        %get3A_919 = vector.shape_cast %get3A_918 : vector<16xf32> to vector<16xf32>
        %mul3A_920 = arith.mulf %gather3A_884, %get3A_919 : vector<16xf32>
        %add3A_921 = arith.addf %add3A_913, %mul3A_920 : vector<16xf32>
        %swap3A_922 = arith.index_cast %add3A_868 : i32 to index
        %swap3A_923 = arith.constant 0 : index
        %swap3A_924 = tpu.vector_load %arg16[%swap3A_922, %swap3A_923] {strides = array<i32>} : memref<352x32xf32, #tpu.memory_space<vmem>>, vector<1x16xf32>,
        %swap3A_925 = vector.shape_cast %swap3A_924 : vector<1x16xf32> to vector<16xf32>
        %swap3A_926 = vector.shape_cast %add3A_921 : vector<16xf32> to vector<1x16xf32>
        tpu.vector_store %arg16[%swap3A_922, %swap3A_923], %swap3A_926 {strides = array<i32>} : memref<352x32xf32, #tpu.memory_space<vmem>>, vector<1x16xf32>,
        %get3A_927 = arith.constant 0 : i32
        %get3A_928 = tpu.memref_slice %arg14[%add3A_868, %get3A_927] : memref<1408x32xf32, #tpu.memory_space<vmem>> -> memref<1x32xf32, #tpu.memory_space<vmem>>
        %get3A_929 = tpu.memref_squeeze %get3A_928 : memref<1x32xf32, #tpu.memory_space<vmem>> -> memref<32xf32, #tpu.memory_space<vmem>>
        %get3A_930 = arith.constant 16 : index
        %get3A_931 = tpu.vector_load %get3A_929[%get3A_930] {strides = array<i32>} : memref<32xf32, #tpu.memory_space<vmem>>, vector<16xf32>,
        %get3A_932 = vector.shape_cast %get3A_931 : vector<16xf32> to vector<16xf32>
        %mul3A_933 = arith.mulf %gather3A_872, %get3A_932 : vector<16xf32>
        %get3A_934 = arith.constant 0 : i32
        %get3A_935 = tpu.memref_slice %arg14[%add3A_886, %get3A_934] : memref<1408x32xf32, #tpu.memory_space<vmem>> -> memref<1x32xf32, #tpu.memory_space<vmem>>
        %get3A_936 = tpu.memref_squeeze %get3A_935 : memref<1x32xf32, #tpu.memory_space<vmem>> -> memref<32xf32, #tpu.memory_space<vmem>>
        %get3A_937 = arith.constant 16 : index
        %get3A_938 = tpu.vector_load %get3A_936[%get3A_937] {strides = array<i32>} : memref<32xf32, #tpu.memory_space<vmem>>, vector<16xf32>,
        %get3A_939 = vector.shape_cast %get3A_938 : vector<16xf32> to vector<16xf32>
        %mul3A_940 = arith.mulf %gather3A_876, %get3A_939 : vector<16xf32>
        %add3A_941 = arith.addf %mul3A_933, %mul3A_940 : vector<16xf32>
        %get3A_942 = arith.constant 0 : i32
        %get3A_943 = tpu.memref_slice %arg14[%add3A_888, %get3A_942] : memref<1408x32xf32, #tpu.memory_space<vmem>> -> memref<1x32xf32, #tpu.memory_space<vmem>>
        %get3A_944 = tpu.memref_squeeze %get3A_943 : memref<1x32xf32, #tpu.memory_space<vmem>> -> memref<32xf32, #tpu.memory_space<vmem>>
        %get3A_945 = arith.constant 16 : index
        %get3A_946 = tpu.vector_load %get3A_944[%get3A_945] {strides = array<i32>} : memref<32xf32, #tpu.memory_space<vmem>>, vector<16xf32>,
        %get3A_947 = vector.shape_cast %get3A_946 : vector<16xf32> to vector<16xf32>
        %mul3A_948 = arith.mulf %gather3A_880, %get3A_947 : vector<16xf32>
        %add3A_949 = arith.addf %add3A_941, %mul3A_948 : vector<16xf32>
        %get3A_950 = arith.constant 0 : i32
        %get3A_951 = tpu.memref_slice %arg14[%add3A_890, %get3A_950] : memref<1408x32xf32, #tpu.memory_space<vmem>> -> memref<1x32xf32, #tpu.memory_space<vmem>>
        %get3A_952 = tpu.memref_squeeze %get3A_951 : memref<1x32xf32, #tpu.memory_space<vmem>> -> memref<32xf32, #tpu.memory_space<vmem>>
        %get3A_953 = arith.constant 16 : index
        %get3A_954 = tpu.vector_load %get3A_952[%get3A_953] {strides = array<i32>} : memref<32xf32, #tpu.memory_space<vmem>>, vector<16xf32>,
        %get3A_955 = vector.shape_cast %get3A_954 : vector<16xf32> to vector<16xf32>
        %mul3A_956 = arith.mulf %gather3A_884, %get3A_955 : vector<16xf32>
        %add3A_957 = arith.addf %add3A_949, %mul3A_956 : vector<16xf32>
        %swap3A_958 = arith.index_cast %add3A_868 : i32 to index
        %swap3A_959 = arith.constant 16 : index
        %swap3A_960 = tpu.vector_load %arg16[%swap3A_958, %swap3A_959] {strides = array<i32>} : memref<352x32xf32, #tpu.memory_space<vmem>>, vector<1x16xf32>,
        %swap3A_961 = vector.shape_cast %swap3A_960 : vector<1x16xf32> to vector<16xf32>
        %swap3A_962 = vector.shape_cast %add3A_957 : vector<16xf32> to vector<1x16xf32>
        tpu.vector_store %arg16[%swap3A_958, %swap3A_959], %swap3A_962 {strides = array<i32>} : memref<352x32xf32, #tpu.memory_space<vmem>>, vector<1x16xf32>,
        %mul3A_963 = arith.constant 16 : i32
        %mul3A_964 = arith.muli %add3A_154, %mul3A_963 : i32
        %add3A_965 = arith.constant 8 : i32
        %add3A_966 = arith.addi %mul3A_964, %add3A_965 : i32
        %broadcast_in_dim3A_967 = arith.constant 8 : i32
        %broadcast_in_dim3A_968 = vector.broadcast %broadcast_in_dim3A_967 : i32 to vector<16x1xi32>
        %gather3A_969 = vector.shape_cast %broadcast_in_dim3A_968 : vector<16x1xi32> to vector<16xi32>
        %gather3A_970 = tpu.dynamic_gather %get3A_160[%gather3A_969] in [0] : vector<16xf32>, vector<16xi32> -> vector<16xf32>
        %broadcast_in_dim3A_971 = arith.constant 8 : i32
        %broadcast_in_dim3A_972 = vector.broadcast %broadcast_in_dim3A_971 : i32 to vector<16x1xi32>
        %gather3A_973 = vector.shape_cast %broadcast_in_dim3A_972 : vector<16x1xi32> to vector<16xi32>
        %gather3A_974 = tpu.dynamic_gather %get3A_167[%gather3A_973] in [0] : vector<16xf32>, vector<16xi32> -> vector<16xf32>
        %broadcast_in_dim3A_975 = arith.constant 8 : i32
        %broadcast_in_dim3A_976 = vector.broadcast %broadcast_in_dim3A_975 : i32 to vector<16x1xi32>
        %gather3A_977 = vector.shape_cast %broadcast_in_dim3A_976 : vector<16x1xi32> to vector<16xi32>
        %gather3A_978 = tpu.dynamic_gather %get3A_174[%gather3A_977] in [0] : vector<16xf32>, vector<16xi32> -> vector<16xf32>
        %broadcast_in_dim3A_979 = arith.constant 8 : i32
        %broadcast_in_dim3A_980 = vector.broadcast %broadcast_in_dim3A_979 : i32 to vector<16x1xi32>
        %gather3A_981 = vector.shape_cast %broadcast_in_dim3A_980 : vector<16x1xi32> to vector<16xi32>
        %gather3A_982 = tpu.dynamic_gather %get3A_181[%gather3A_981] in [0] : vector<16xf32>, vector<16xi32> -> vector<16xf32>
        %add3A_983 = arith.constant 352 : i32
        %add3A_984 = arith.addi %add3A_966, %add3A_983 : i32
        %add3A_985 = arith.constant 704 : i32
        %add3A_986 = arith.addi %add3A_966, %add3A_985 : i32
        %add3A_987 = arith.constant 1056 : i32
        %add3A_988 = arith.addi %add3A_966, %add3A_987 : i32
        %get3A_989 = arith.constant 0 : i32
        %get3A_990 = tpu.memref_slice %arg14[%add3A_966, %get3A_989] : memref<1408x32xf32, #tpu.memory_space<vmem>> -> memref<1x32xf32, #tpu.memory_space<vmem>>
        %get3A_991 = tpu.memref_squeeze %get3A_990 : memref<1x32xf32, #tpu.memory_space<vmem>> -> memref<32xf32, #tpu.memory_space<vmem>>
        %get3A_992 = arith.constant 0 : index
        %get3A_993 = tpu.vector_load %get3A_991[%get3A_992] {strides = array<i32>} : memref<32xf32, #tpu.memory_space<vmem>>, vector<16xf32>,
        %get3A_994 = vector.shape_cast %get3A_993 : vector<16xf32> to vector<16xf32>
        %mul3A_995 = arith.mulf %gather3A_970, %get3A_994 : vector<16xf32>
        %get3A_996 = arith.constant 0 : i32
        %get3A_997 = tpu.memref_slice %arg14[%add3A_984, %get3A_996] : memref<1408x32xf32, #tpu.memory_space<vmem>> -> memref<1x32xf32, #tpu.memory_space<vmem>>
        %get3A_998 = tpu.memref_squeeze %get3A_997 : memref<1x32xf32, #tpu.memory_space<vmem>> -> memref<32xf32, #tpu.memory_space<vmem>>
        %get3A_999 = arith.constant 0 : index
        %get3A_1000 = tpu.vector_load %get3A_998[%get3A_999] {strides = array<i32>} : memref<32xf32, #tpu.memory_space<vmem>>, vector<16xf32>,
        %get3A_1001 = vector.shape_cast %get3A_1000 : vector<16xf32> to vector<16xf32>
        %mul3A_1002 = arith.mulf %gather3A_974, %get3A_1001 : vector<16xf32>
        %add3A_1003 = arith.addf %mul3A_995, %mul3A_1002 : vector<16xf32>
        %get3A_1004 = arith.constant 0 : i32
        %get3A_1005 = tpu.memref_slice %arg14[%add3A_986, %get3A_1004] : memref<1408x32xf32, #tpu.memory_space<vmem>> -> memref<1x32xf32, #tpu.memory_space<vmem>>
        %get3A_1006 = tpu.memref_squeeze %get3A_1005 : memref<1x32xf32, #tpu.memory_space<vmem>> -> memref<32xf32, #tpu.memory_space<vmem>>
        %get3A_1007 = arith.constant 0 : index
        %get3A_1008 = tpu.vector_load %get3A_1006[%get3A_1007] {strides = array<i32>} : memref<32xf32, #tpu.memory_space<vmem>>, vector<16xf32>,
        %get3A_1009 = vector.shape_cast %get3A_1008 : vector<16xf32> to vector<16xf32>
        %mul3A_1010 = arith.mulf %gather3A_978, %get3A_1009 : vector<16xf32>
        %add3A_1011 = arith.addf %add3A_1003, %mul3A_1010 : vector<16xf32>
        %get3A_1012 = arith.constant 0 : i32
        %get3A_1013 = tpu.memref_slice %arg14[%add3A_988, %get3A_1012] : memref<1408x32xf32, #tpu.memory_space<vmem>> -> memref<1x32xf32, #tpu.memory_space<vmem>>
        %get3A_1014 = tpu.memref_squeeze %get3A_1013 : memref<1x32xf32, #tpu.memory_space<vmem>> -> memref<32xf32, #tpu.memory_space<vmem>>
        %get3A_1015 = arith.constant 0 : index
        %get3A_1016 = tpu.vector_load %get3A_1014[%get3A_1015] {strides = array<i32>} : memref<32xf32, #tpu.memory_space<vmem>>, vector<16xf32>,
        %get3A_1017 = vector.shape_cast %get3A_1016 : vector<16xf32> to vector<16xf32>
        %mul3A_1018 = arith.mulf %gather3A_982, %get3A_1017 : vector<16xf32>
        %add3A_1019 = arith.addf %add3A_1011, %mul3A_1018 : vector<16xf32>
        %swap3A_1020 = arith.index_cast %add3A_966 : i32 to index
        %swap3A_1021 = arith.constant 0 : index
        %swap3A_1022 = tpu.vector_load %arg16[%swap3A_1020, %swap3A_1021] {strides = array<i32>} : memref<352x32xf32, #tpu.memory_space<vmem>>, vector<1x16xf32>,
        %swap3A_1023 = vector.shape_cast %swap3A_1022 : vector<1x16xf32> to vector<16xf32>
        %swap3A_1024 = vector.shape_cast %add3A_1019 : vector<16xf32> to vector<1x16xf32>
        tpu.vector_store %arg16[%swap3A_1020, %swap3A_1021], %swap3A_1024 {strides = array<i32>} : memref<352x32xf32, #tpu.memory_space<vmem>>, vector<1x16xf32>,
        %get3A_1025 = arith.constant 0 : i32
        %get3A_1026 = tpu.memref_slice %arg14[%add3A_966, %get3A_1025] : memref<1408x32xf32, #tpu.memory_space<vmem>> -> memref<1x32xf32, #tpu.memory_space<vmem>>
        %get3A_1027 = tpu.memref_squeeze %get3A_1026 : memref<1x32xf32, #tpu.memory_space<vmem>> -> memref<32xf32, #tpu.memory_space<vmem>>
        %get3A_1028 = arith.constant 16 : index
        %get3A_1029 = tpu.vector_load %get3A_1027[%get3A_1028] {strides = array<i32>} : memref<32xf32, #tpu.memory_space<vmem>>, vector<16xf32>,
        %get3A_1030 = vector.shape_cast %get3A_1029 : vector<16xf32> to vector<16xf32>
        %mul3A_1031 = arith.mulf %gather3A_970, %get3A_1030 : vector<16xf32>
        %get3A_1032 = arith.constant 0 : i32
        %get3A_1033 = tpu.memref_slice %arg14[%add3A_984, %get3A_1032] : memref<1408x32xf32, #tpu.memory_space<vmem>> -> memref<1x32xf32, #tpu.memory_space<vmem>>
        %get3A_1034 = tpu.memref_squeeze %get3A_1033 : memref<1x32xf32, #tpu.memory_space<vmem>> -> memref<32xf32, #tpu.memory_space<vmem>>
        %get3A_1035 = arith.constant 16 : index
        %get3A_1036 = tpu.vector_load %get3A_1034[%get3A_1035] {strides = array<i32>} : memref<32xf32, #tpu.memory_space<vmem>>, vector<16xf32>,
        %get3A_1037 = vector.shape_cast %get3A_1036 : vector<16xf32> to vector<16xf32>
        %mul3A_1038 = arith.mulf %gather3A_974, %get3A_1037 : vector<16xf32>
        %add3A_1039 = arith.addf %mul3A_1031, %mul3A_1038 : vector<16xf32>
        %get3A_1040 = arith.constant 0 : i32
        %get3A_1041 = tpu.memref_slice %arg14[%add3A_986, %get3A_1040] : memref<1408x32xf32, #tpu.memory_space<vmem>> -> memref<1x32xf32, #tpu.memory_space<vmem>>
        %get3A_1042 = tpu.memref_squeeze %get3A_1041 : memref<1x32xf32, #tpu.memory_space<vmem>> -> memref<32xf32, #tpu.memory_space<vmem>>
        %get3A_1043 = arith.constant 16 : index
        %get3A_1044 = tpu.vector_load %get3A_1042[%get3A_1043] {strides = array<i32>} : memref<32xf32, #tpu.memory_space<vmem>>, vector<16xf32>,
        %get3A_1045 = vector.shape_cast %get3A_1044 : vector<16xf32> to vector<16xf32>
        %mul3A_1046 = arith.mulf %gather3A_978, %get3A_1045 : vector<16xf32>
        %add3A_1047 = arith.addf %add3A_1039, %mul3A_1046 : vector<16xf32>
        %get3A_1048 = arith.constant 0 : i32
        %get3A_1049 = tpu.memref_slice %arg14[%add3A_988, %get3A_1048] : memref<1408x32xf32, #tpu.memory_space<vmem>> -> memref<1x32xf32, #tpu.memory_space<vmem>>
        %get3A_1050 = tpu.memref_squeeze %get3A_1049 : memref<1x32xf32, #tpu.memory_space<vmem>> -> memref<32xf32, #tpu.memory_space<vmem>>
        %get3A_1051 = arith.constant 16 : index
        %get3A_1052 = tpu.vector_load %get3A_1050[%get3A_1051] {strides = array<i32>} : memref<32xf32, #tpu.memory_space<vmem>>, vector<16xf32>,
        %get3A_1053 = vector.shape_cast %get3A_1052 : vector<16xf32> to vector<16xf32>
        %mul3A_1054 = arith.mulf %gather3A_982, %get3A_1053 : vector<16xf32>
        %add3A_1055 = arith.addf %add3A_1047, %mul3A_1054 : vector<16xf32>
        %swap3A_1056 = arith.index_cast %add3A_966 : i32 to index
        %swap3A_1057 = arith.constant 16 : index
        %swap3A_1058 = tpu.vector_load %arg16[%swap3A_1056, %swap3A_1057] {strides = array<i32>} : memref<352x32xf32, #tpu.memory_space<vmem>>, vector<1x16xf32>,
        %swap3A_1059 = vector.shape_cast %swap3A_1058 : vector<1x16xf32> to vector<16xf32>
        %swap3A_1060 = vector.shape_cast %add3A_1055 : vector<16xf32> to vector<1x16xf32>
        tpu.vector_store %arg16[%swap3A_1056, %swap3A_1057], %swap3A_1060 {strides = array<i32>} : memref<352x32xf32, #tpu.memory_space<vmem>>, vector<1x16xf32>,
        %mul3A_1061 = arith.constant 16 : i32
        %mul3A_1062 = arith.muli %add3A_154, %mul3A_1061 : i32
        %add3A_1063 = arith.constant 9 : i32
        %add3A_1064 = arith.addi %mul3A_1062, %add3A_1063 : i32
        %broadcast_in_dim3A_1065 = arith.constant 9 : i32
        %broadcast_in_dim3A_1066 = vector.broadcast %broadcast_in_dim3A_1065 : i32 to vector<16x1xi32>
        %gather3A_1067 = vector.shape_cast %broadcast_in_dim3A_1066 : vector<16x1xi32> to vector<16xi32>
        %gather3A_1068 = tpu.dynamic_gather %get3A_160[%gather3A_1067] in [0] : vector<16xf32>, vector<16xi32> -> vector<16xf32>
        %broadcast_in_dim3A_1069 = arith.constant 9 : i32
        %broadcast_in_dim3A_1070 = vector.broadcast %broadcast_in_dim3A_1069 : i32 to vector<16x1xi32>
        %gather3A_1071 = vector.shape_cast %broadcast_in_dim3A_1070 : vector<16x1xi32> to vector<16xi32>
        %gather3A_1072 = tpu.dynamic_gather %get3A_167[%gather3A_1071] in [0] : vector<16xf32>, vector<16xi32> -> vector<16xf32>
        %broadcast_in_dim3A_1073 = arith.constant 9 : i32
        %broadcast_in_dim3A_1074 = vector.broadcast %broadcast_in_dim3A_1073 : i32 to vector<16x1xi32>
        %gather3A_1075 = vector.shape_cast %broadcast_in_dim3A_1074 : vector<16x1xi32> to vector<16xi32>
        %gather3A_1076 = tpu.dynamic_gather %get3A_174[%gather3A_1075] in [0] : vector<16xf32>, vector<16xi32> -> vector<16xf32>
        %broadcast_in_dim3A_1077 = arith.constant 9 : i32
        %broadcast_in_dim3A_1078 = vector.broadcast %broadcast_in_dim3A_1077 : i32 to vector<16x1xi32>
        %gather3A_1079 = vector.shape_cast %broadcast_in_dim3A_1078 : vector<16x1xi32> to vector<16xi32>
        %gather3A_1080 = tpu.dynamic_gather %get3A_181[%gather3A_1079] in [0] : vector<16xf32>, vector<16xi32> -> vector<16xf32>
        %add3A_1081 = arith.constant 352 : i32
        %add3A_1082 = arith.addi %add3A_1064, %add3A_1081 : i32
        %add3A_1083 = arith.constant 704 : i32
        %add3A_1084 = arith.addi %add3A_1064, %add3A_1083 : i32
        %add3A_1085 = arith.constant 1056 : i32
        %add3A_1086 = arith.addi %add3A_1064, %add3A_1085 : i32
        %get3A_1087 = arith.constant 0 : i32
        %get3A_1088 = tpu.memref_slice %arg14[%add3A_1064, %get3A_1087] : memref<1408x32xf32, #tpu.memory_space<vmem>> -> memref<1x32xf32, #tpu.memory_space<vmem>>
        %get3A_1089 = tpu.memref_squeeze %get3A_1088 : memref<1x32xf32, #tpu.memory_space<vmem>> -> memref<32xf32, #tpu.memory_space<vmem>>
        %get3A_1090 = arith.constant 0 : index
        %get3A_1091 = tpu.vector_load %get3A_1089[%get3A_1090] {strides = array<i32>} : memref<32xf32, #tpu.memory_space<vmem>>, vector<16xf32>,
        %get3A_1092 = vector.shape_cast %get3A_1091 : vector<16xf32> to vector<16xf32>
        %mul3A_1093 = arith.mulf %gather3A_1068, %get3A_1092 : vector<16xf32>
        %get3A_1094 = arith.constant 0 : i32
        %get3A_1095 = tpu.memref_slice %arg14[%add3A_1082, %get3A_1094] : memref<1408x32xf32, #tpu.memory_space<vmem>> -> memref<1x32xf32, #tpu.memory_space<vmem>>
        %get3A_1096 = tpu.memref_squeeze %get3A_1095 : memref<1x32xf32, #tpu.memory_space<vmem>> -> memref<32xf32, #tpu.memory_space<vmem>>
        %get3A_1097 = arith.constant 0 : index
        %get3A_1098 = tpu.vector_load %get3A_1096[%get3A_1097] {strides = array<i32>} : memref<32xf32, #tpu.memory_space<vmem>>, vector<16xf32>,
        %get3A_1099 = vector.shape_cast %get3A_1098 : vector<16xf32> to vector<16xf32>
        %mul3A_1100 = arith.mulf %gather3A_1072, %get3A_1099 : vector<16xf32>
        %add3A_1101 = arith.addf %mul3A_1093, %mul3A_1100 : vector<16xf32>
        %get3A_1102 = arith.constant 0 : i32
        %get3A_1103 = tpu.memref_slice %arg14[%add3A_1084, %get3A_1102] : memref<1408x32xf32, #tpu.memory_space<vmem>> -> memref<1x32xf32, #tpu.memory_space<vmem>>
        %get3A_1104 = tpu.memref_squeeze %get3A_1103 : memref<1x32xf32, #tpu.memory_space<vmem>> -> memref<32xf32, #tpu.memory_space<vmem>>
        %get3A_1105 = arith.constant 0 : index
        %get3A_1106 = tpu.vector_load %get3A_1104[%get3A_1105] {strides = array<i32>} : memref<32xf32, #tpu.memory_space<vmem>>, vector<16xf32>,
        %get3A_1107 = vector.shape_cast %get3A_1106 : vector<16xf32> to vector<16xf32>
        %mul3A_1108 = arith.mulf %gather3A_1076, %get3A_1107 : vector<16xf32>
        %add3A_1109 = arith.addf %add3A_1101, %mul3A_1108 : vector<16xf32>
        %get3A_1110 = arith.constant 0 : i32
        %get3A_1111 = tpu.memref_slice %arg14[%add3A_1086, %get3A_1110] : memref<1408x32xf32, #tpu.memory_space<vmem>> -> memref<1x32xf32, #tpu.memory_space<vmem>>
        %get3A_1112 = tpu.memref_squeeze %get3A_1111 : memref<1x32xf32, #tpu.memory_space<vmem>> -> memref<32xf32, #tpu.memory_space<vmem>>
        %get3A_1113 = arith.constant 0 : index
        %get3A_1114 = tpu.vector_load %get3A_1112[%get3A_1113] {strides = array<i32>} : memref<32xf32, #tpu.memory_space<vmem>>, vector<16xf32>,
        %get3A_1115 = vector.shape_cast %get3A_1114 : vector<16xf32> to vector<16xf32>
        %mul3A_1116 = arith.mulf %gather3A_1080, %get3A_1115 : vector<16xf32>
        %add3A_1117 = arith.addf %add3A_1109, %mul3A_1116 : vector<16xf32>
        %swap3A_1118 = arith.index_cast %add3A_1064 : i32 to index
        %swap3A_1119 = arith.constant 0 : index
        %swap3A_1120 = tpu.vector_load %arg16[%swap3A_1118, %swap3A_1119] {strides = array<i32>} : memref<352x32xf32, #tpu.memory_space<vmem>>, vector<1x16xf32>,
        %swap3A_1121 = vector.shape_cast %swap3A_1120 : vector<1x16xf32> to vector<16xf32>
        %swap3A_1122 = vector.shape_cast %add3A_1117 : vector<16xf32> to vector<1x16xf32>
        tpu.vector_store %arg16[%swap3A_1118, %swap3A_1119], %swap3A_1122 {strides = array<i32>} : memref<352x32xf32, #tpu.memory_space<vmem>>, vector<1x16xf32>,
        %get3A_1123 = arith.constant 0 : i32
        %get3A_1124 = tpu.memref_slice %arg14[%add3A_1064, %get3A_1123] : memref<1408x32xf32, #tpu.memory_space<vmem>> -> memref<1x32xf32, #tpu.memory_space<vmem>>
        %get3A_1125 = tpu.memref_squeeze %get3A_1124 : memref<1x32xf32, #tpu.memory_space<vmem>> -> memref<32xf32, #tpu.memory_space<vmem>>
        %get3A_1126 = arith.constant 16 : index
        %get3A_1127 = tpu.vector_load %get3A_1125[%get3A_1126] {strides = array<i32>} : memref<32xf32, #tpu.memory_space<vmem>>, vector<16xf32>,
        %get3A_1128 = vector.shape_cast %get3A_1127 : vector<16xf32> to vector<16xf32>
        %mul3A_1129 = arith.mulf %gather3A_1068, %get3A_1128 : vector<16xf32>
        %get3A_1130 = arith.constant 0 : i32
        %get3A_1131 = tpu.memref_slice %arg14[%add3A_1082, %get3A_1130] : memref<1408x32xf32, #tpu.memory_space<vmem>> -> memref<1x32xf32, #tpu.memory_space<vmem>>
        %get3A_1132 = tpu.memref_squeeze %get3A_1131 : memref<1x32xf32, #tpu.memory_space<vmem>> -> memref<32xf32, #tpu.memory_space<vmem>>
        %get3A_1133 = arith.constant 16 : index
        %get3A_1134 = tpu.vector_load %get3A_1132[%get3A_1133] {strides = array<i32>} : memref<32xf32, #tpu.memory_space<vmem>>, vector<16xf32>,
        %get3A_1135 = vector.shape_cast %get3A_1134 : vector<16xf32> to vector<16xf32>
        %mul3A_1136 = arith.mulf %gather3A_1072, %get3A_1135 : vector<16xf32>
        %add3A_1137 = arith.addf %mul3A_1129, %mul3A_1136 : vector<16xf32>
        %get3A_1138 = arith.constant 0 : i32
        %get3A_1139 = tpu.memref_slice %arg14[%add3A_1084, %get3A_1138] : memref<1408x32xf32, #tpu.memory_space<vmem>> -> memref<1x32xf32, #tpu.memory_space<vmem>>
        %get3A_1140 = tpu.memref_squeeze %get3A_1139 : memref<1x32xf32, #tpu.memory_space<vmem>> -> memref<32xf32, #tpu.memory_space<vmem>>
        %get3A_1141 = arith.constant 16 : index
        %get3A_1142 = tpu.vector_load %get3A_1140[%get3A_1141] {strides = array<i32>} : memref<32xf32, #tpu.memory_space<vmem>>, vector<16xf32>,
        %get3A_1143 = vector.shape_cast %get3A_1142 : vector<16xf32> to vector<16xf32>
        %mul3A_1144 = arith.mulf %gather3A_1076, %get3A_1143 : vector<16xf32>
        %add3A_1145 = arith.addf %add3A_1137, %mul3A_1144 : vector<16xf32>
        %get3A_1146 = arith.constant 0 : i32
        %get3A_1147 = tpu.memref_slice %arg14[%add3A_1086, %get3A_1146] : memref<1408x32xf32, #tpu.memory_space<vmem>> -> memref<1x32xf32, #tpu.memory_space<vmem>>
        %get3A_1148 = tpu.memref_squeeze %get3A_1147 : memref<1x32xf32, #tpu.memory_space<vmem>> -> memref<32xf32, #tpu.memory_space<vmem>>
        %get3A_1149 = arith.constant 16 : index
        %get3A_1150 = tpu.vector_load %get3A_1148[%get3A_1149] {strides = array<i32>} : memref<32xf32, #tpu.memory_space<vmem>>, vector<16xf32>,
        %get3A_1151 = vector.shape_cast %get3A_1150 : vector<16xf32> to vector<16xf32>
        %mul3A_1152 = arith.mulf %gather3A_1080, %get3A_1151 : vector<16xf32>
        %add3A_1153 = arith.addf %add3A_1145, %mul3A_1152 : vector<16xf32>
        %swap3A_1154 = arith.index_cast %add3A_1064 : i32 to index
        %swap3A_1155 = arith.constant 16 : index
        %swap3A_1156 = tpu.vector_load %arg16[%swap3A_1154, %swap3A_1155] {strides = array<i32>} : memref<352x32xf32, #tpu.memory_space<vmem>>, vector<1x16xf32>,
        %swap3A_1157 = vector.shape_cast %swap3A_1156 : vector<1x16xf32> to vector<16xf32>
        %swap3A_1158 = vector.shape_cast %add3A_1153 : vector<16xf32> to vector<1x16xf32>
        tpu.vector_store %arg16[%swap3A_1154, %swap3A_1155], %swap3A_1158 {strides = array<i32>} : memref<352x32xf32, #tpu.memory_space<vmem>>, vector<1x16xf32>,
        %mul3A_1159 = arith.constant 16 : i32
        %mul3A_1160 = arith.muli %add3A_154, %mul3A_1159 : i32
        %add3A_1161 = arith.constant 10 : i32
        %add3A_1162 = arith.addi %mul3A_1160, %add3A_1161 : i32
        %broadcast_in_dim3A_1163 = arith.constant 10 : i32
        %broadcast_in_dim3A_1164 = vector.broadcast %broadcast_in_dim3A_1163 : i32 to vector<16x1xi32>
        %gather3A_1165 = vector.shape_cast %broadcast_in_dim3A_1164 : vector<16x1xi32> to vector<16xi32>
        %gather3A_1166 = tpu.dynamic_gather %get3A_160[%gather3A_1165] in [0] : vector<16xf32>, vector<16xi32> -> vector<16xf32>
        %broadcast_in_dim3A_1167 = arith.constant 10 : i32
        %broadcast_in_dim3A_1168 = vector.broadcast %broadcast_in_dim3A_1167 : i32 to vector<16x1xi32>
        %gather3A_1169 = vector.shape_cast %broadcast_in_dim3A_1168 : vector<16x1xi32> to vector<16xi32>
        %gather3A_1170 = tpu.dynamic_gather %get3A_167[%gather3A_1169] in [0] : vector<16xf32>, vector<16xi32> -> vector<16xf32>
        %broadcast_in_dim3A_1171 = arith.constant 10 : i32
        %broadcast_in_dim3A_1172 = vector.broadcast %broadcast_in_dim3A_1171 : i32 to vector<16x1xi32>
        %gather3A_1173 = vector.shape_cast %broadcast_in_dim3A_1172 : vector<16x1xi32> to vector<16xi32>
        %gather3A_1174 = tpu.dynamic_gather %get3A_174[%gather3A_1173] in [0] : vector<16xf32>, vector<16xi32> -> vector<16xf32>
        %broadcast_in_dim3A_1175 = arith.constant 10 : i32
        %broadcast_in_dim3A_1176 = vector.broadcast %broadcast_in_dim3A_1175 : i32 to vector<16x1xi32>
        %gather3A_1177 = vector.shape_cast %broadcast_in_dim3A_1176 : vector<16x1xi32> to vector<16xi32>
        %gather3A_1178 = tpu.dynamic_gather %get3A_181[%gather3A_1177] in [0] : vector<16xf32>, vector<16xi32> -> vector<16xf32>
        %add3A_1179 = arith.constant 352 : i32
        %add3A_1180 = arith.addi %add3A_1162, %add3A_1179 : i32
        %add3A_1181 = arith.constant 704 : i32
        %add3A_1182 = arith.addi %add3A_1162, %add3A_1181 : i32
        %add3A_1183 = arith.constant 1056 : i32
        %add3A_1184 = arith.addi %add3A_1162, %add3A_1183 : i32
        %get3A_1185 = arith.constant 0 : i32
        %get3A_1186 = tpu.memref_slice %arg14[%add3A_1162, %get3A_1185] : memref<1408x32xf32, #tpu.memory_space<vmem>> -> memref<1x32xf32, #tpu.memory_space<vmem>>
        %get3A_1187 = tpu.memref_squeeze %get3A_1186 : memref<1x32xf32, #tpu.memory_space<vmem>> -> memref<32xf32, #tpu.memory_space<vmem>>
        %get3A_1188 = arith.constant 0 : index
        %get3A_1189 = tpu.vector_load %get3A_1187[%get3A_1188] {strides = array<i32>} : memref<32xf32, #tpu.memory_space<vmem>>, vector<16xf32>,
        %get3A_1190 = vector.shape_cast %get3A_1189 : vector<16xf32> to vector<16xf32>
        %mul3A_1191 = arith.mulf %gather3A_1166, %get3A_1190 : vector<16xf32>
        %get3A_1192 = arith.constant 0 : i32
        %get3A_1193 = tpu.memref_slice %arg14[%add3A_1180, %get3A_1192] : memref<1408x32xf32, #tpu.memory_space<vmem>> -> memref<1x32xf32, #tpu.memory_space<vmem>>
        %get3A_1194 = tpu.memref_squeeze %get3A_1193 : memref<1x32xf32, #tpu.memory_space<vmem>> -> memref<32xf32, #tpu.memory_space<vmem>>
        %get3A_1195 = arith.constant 0 : index
        %get3A_1196 = tpu.vector_load %get3A_1194[%get3A_1195] {strides = array<i32>} : memref<32xf32, #tpu.memory_space<vmem>>, vector<16xf32>,
        %get3A_1197 = vector.shape_cast %get3A_1196 : vector<16xf32> to vector<16xf32>
        %mul3A_1198 = arith.mulf %gather3A_1170, %get3A_1197 : vector<16xf32>
        %add3A_1199 = arith.addf %mul3A_1191, %mul3A_1198 : vector<16xf32>
        %get3A_1200 = arith.constant 0 : i32
        %get3A_1201 = tpu.memref_slice %arg14[%add3A_1182, %get3A_1200] : memref<1408x32xf32, #tpu.memory_space<vmem>> -> memref<1x32xf32, #tpu.memory_space<vmem>>
        %get3A_1202 = tpu.memref_squeeze %get3A_1201 : memref<1x32xf32, #tpu.memory_space<vmem>> -> memref<32xf32, #tpu.memory_space<vmem>>
        %get3A_1203 = arith.constant 0 : index
        %get3A_1204 = tpu.vector_load %get3A_1202[%get3A_1203] {strides = array<i32>} : memref<32xf32, #tpu.memory_space<vmem>>, vector<16xf32>,
        %get3A_1205 = vector.shape_cast %get3A_1204 : vector<16xf32> to vector<16xf32>
        %mul3A_1206 = arith.mulf %gather3A_1174, %get3A_1205 : vector<16xf32>
        %add3A_1207 = arith.addf %add3A_1199, %mul3A_1206 : vector<16xf32>
        %get3A_1208 = arith.constant 0 : i32
        %get3A_1209 = tpu.memref_slice %arg14[%add3A_1184, %get3A_1208] : memref<1408x32xf32, #tpu.memory_space<vmem>> -> memref<1x32xf32, #tpu.memory_space<vmem>>
        %get3A_1210 = tpu.memref_squeeze %get3A_1209 : memref<1x32xf32, #tpu.memory_space<vmem>> -> memref<32xf32, #tpu.memory_space<vmem>>
        %get3A_1211 = arith.constant 0 : index
        %get3A_1212 = tpu.vector_load %get3A_1210[%get3A_1211] {strides = array<i32>} : memref<32xf32, #tpu.memory_space<vmem>>, vector<16xf32>,
        %get3A_1213 = vector.shape_cast %get3A_1212 : vector<16xf32> to vector<16xf32>
        %mul3A_1214 = arith.mulf %gather3A_1178, %get3A_1213 : vector<16xf32>
        %add3A_1215 = arith.addf %add3A_1207, %mul3A_1214 : vector<16xf32>
        %swap3A_1216 = arith.index_cast %add3A_1162 : i32 to index
        %swap3A_1217 = arith.constant 0 : index
        %swap3A_1218 = tpu.vector_load %arg16[%swap3A_1216, %swap3A_1217] {strides = array<i32>} : memref<352x32xf32, #tpu.memory_space<vmem>>, vector<1x16xf32>,
        %swap3A_1219 = vector.shape_cast %swap3A_1218 : vector<1x16xf32> to vector<16xf32>
        %swap3A_1220 = vector.shape_cast %add3A_1215 : vector<16xf32> to vector<1x16xf32>
        tpu.vector_store %arg16[%swap3A_1216, %swap3A_1217], %swap3A_1220 {strides = array<i32>} : memref<352x32xf32, #tpu.memory_space<vmem>>, vector<1x16xf32>,
        %get3A_1221 = arith.constant 0 : i32
        %get3A_1222 = tpu.memref_slice %arg14[%add3A_1162, %get3A_1221] : memref<1408x32xf32, #tpu.memory_space<vmem>> -> memref<1x32xf32, #tpu.memory_space<vmem>>
        %get3A_1223 = tpu.memref_squeeze %get3A_1222 : memref<1x32xf32, #tpu.memory_space<vmem>> -> memref<32xf32, #tpu.memory_space<vmem>>
        %get3A_1224 = arith.constant 16 : index
        %get3A_1225 = tpu.vector_load %get3A_1223[%get3A_1224] {strides = array<i32>} : memref<32xf32, #tpu.memory_space<vmem>>, vector<16xf32>,
        %get3A_1226 = vector.shape_cast %get3A_1225 : vector<16xf32> to vector<16xf32>
        %mul3A_1227 = arith.mulf %gather3A_1166, %get3A_1226 : vector<16xf32>
        %get3A_1228 = arith.constant 0 : i32
        %get3A_1229 = tpu.memref_slice %arg14[%add3A_1180, %get3A_1228] : memref<1408x32xf32, #tpu.memory_space<vmem>> -> memref<1x32xf32, #tpu.memory_space<vmem>>
        %get3A_1230 = tpu.memref_squeeze %get3A_1229 : memref<1x32xf32, #tpu.memory_space<vmem>> -> memref<32xf32, #tpu.memory_space<vmem>>
        %get3A_1231 = arith.constant 16 : index
        %get3A_1232 = tpu.vector_load %get3A_1230[%get3A_1231] {strides = array<i32>} : memref<32xf32, #tpu.memory_space<vmem>>, vector<16xf32>,
        %get3A_1233 = vector.shape_cast %get3A_1232 : vector<16xf32> to vector<16xf32>
        %mul3A_1234 = arith.mulf %gather3A_1170, %get3A_1233 : vector<16xf32>
        %add3A_1235 = arith.addf %mul3A_1227, %mul3A_1234 : vector<16xf32>
        %get3A_1236 = arith.constant 0 : i32
        %get3A_1237 = tpu.memref_slice %arg14[%add3A_1182, %get3A_1236] : memref<1408x32xf32, #tpu.memory_space<vmem>> -> memref<1x32xf32, #tpu.memory_space<vmem>>
        %get3A_1238 = tpu.memref_squeeze %get3A_1237 : memref<1x32xf32, #tpu.memory_space<vmem>> -> memref<32xf32, #tpu.memory_space<vmem>>
        %get3A_1239 = arith.constant 16 : index
        %get3A_1240 = tpu.vector_load %get3A_1238[%get3A_1239] {strides = array<i32>} : memref<32xf32, #tpu.memory_space<vmem>>, vector<16xf32>,
        %get3A_1241 = vector.shape_cast %get3A_1240 : vector<16xf32> to vector<16xf32>
        %mul3A_1242 = arith.mulf %gather3A_1174, %get3A_1241 : vector<16xf32>
        %add3A_1243 = arith.addf %add3A_1235, %mul3A_1242 : vector<16xf32>
        %get3A_1244 = arith.constant 0 : i32
        %get3A_1245 = tpu.memref_slice %arg14[%add3A_1184, %get3A_1244] : memref<1408x32xf32, #tpu.memory_space<vmem>> -> memref<1x32xf32, #tpu.memory_space<vmem>>
        %get3A_1246 = tpu.memref_squeeze %get3A_1245 : memref<1x32xf32, #tpu.memory_space<vmem>> -> memref<32xf32, #tpu.memory_space<vmem>>
        %get3A_1247 = arith.constant 16 : index
        %get3A_1248 = tpu.vector_load %get3A_1246[%get3A_1247] {strides = array<i32>} : memref<32xf32, #tpu.memory_space<vmem>>, vector<16xf32>,
        %get3A_1249 = vector.shape_cast %get3A_1248 : vector<16xf32> to vector<16xf32>
        %mul3A_1250 = arith.mulf %gather3A_1178, %get3A_1249 : vector<16xf32>
        %add3A_1251 = arith.addf %add3A_1243, %mul3A_1250 : vector<16xf32>
        %swap3A_1252 = arith.index_cast %add3A_1162 : i32 to index
        %swap3A_1253 = arith.constant 16 : index
        %swap3A_1254 = tpu.vector_load %arg16[%swap3A_1252, %swap3A_1253] {strides = array<i32>} : memref<352x32xf32, #tpu.memory_space<vmem>>, vector<1x16xf32>,
        %swap3A_1255 = vector.shape_cast %swap3A_1254 : vector<1x16xf32> to vector<16xf32>
        %swap3A_1256 = vector.shape_cast %add3A_1251 : vector<16xf32> to vector<1x16xf32>
        tpu.vector_store %arg16[%swap3A_1252, %swap3A_1253], %swap3A_1256 {strides = array<i32>} : memref<352x32xf32, #tpu.memory_space<vmem>>, vector<1x16xf32>,
        %mul3A_1257 = arith.constant 16 : i32
        %mul3A_1258 = arith.muli %add3A_154, %mul3A_1257 : i32
        %add3A_1259 = arith.constant 11 : i32
        %add3A_1260 = arith.addi %mul3A_1258, %add3A_1259 : i32
        %broadcast_in_dim3A_1261 = arith.constant 11 : i32
        %broadcast_in_dim3A_1262 = vector.broadcast %broadcast_in_dim3A_1261 : i32 to vector<16x1xi32>
        %gather3A_1263 = vector.shape_cast %broadcast_in_dim3A_1262 : vector<16x1xi32> to vector<16xi32>
        %gather3A_1264 = tpu.dynamic_gather %get3A_160[%gather3A_1263] in [0] : vector<16xf32>, vector<16xi32> -> vector<16xf32>
        %broadcast_in_dim3A_1265 = arith.constant 11 : i32
        %broadcast_in_dim3A_1266 = vector.broadcast %broadcast_in_dim3A_1265 : i32 to vector<16x1xi32>
        %gather3A_1267 = vector.shape_cast %broadcast_in_dim3A_1266 : vector<16x1xi32> to vector<16xi32>
        %gather3A_1268 = tpu.dynamic_gather %get3A_167[%gather3A_1267] in [0] : vector<16xf32>, vector<16xi32> -> vector<16xf32>
        %broadcast_in_dim3A_1269 = arith.constant 11 : i32
        %broadcast_in_dim3A_1270 = vector.broadcast %broadcast_in_dim3A_1269 : i32 to vector<16x1xi32>
        %gather3A_1271 = vector.shape_cast %broadcast_in_dim3A_1270 : vector<16x1xi32> to vector<16xi32>
        %gather3A_1272 = tpu.dynamic_gather %get3A_174[%gather3A_1271] in [0] : vector<16xf32>, vector<16xi32> -> vector<16xf32>
        %broadcast_in_dim3A_1273 = arith.constant 11 : i32
        %broadcast_in_dim3A_1274 = vector.broadcast %broadcast_in_dim3A_1273 : i32 to vector<16x1xi32>
        %gather3A_1275 = vector.shape_cast %broadcast_in_dim3A_1274 : vector<16x1xi32> to vector<16xi32>
        %gather3A_1276 = tpu.dynamic_gather %get3A_181[%gather3A_1275] in [0] : vector<16xf32>, vector<16xi32> -> vector<16xf32>
        %add3A_1277 = arith.constant 352 : i32
        %add3A_1278 = arith.addi %add3A_1260, %add3A_1277 : i32
        %add3A_1279 = arith.constant 704 : i32
        %add3A_1280 = arith.addi %add3A_1260, %add3A_1279 : i32
        %add3A_1281 = arith.constant 1056 : i32
        %add3A_1282 = arith.addi %add3A_1260, %add3A_1281 : i32
        %get3A_1283 = arith.constant 0 : i32
        %get3A_1284 = tpu.memref_slice %arg14[%add3A_1260, %get3A_1283] : memref<1408x32xf32, #tpu.memory_space<vmem>> -> memref<1x32xf32, #tpu.memory_space<vmem>>
        %get3A_1285 = tpu.memref_squeeze %get3A_1284 : memref<1x32xf32, #tpu.memory_space<vmem>> -> memref<32xf32, #tpu.memory_space<vmem>>
        %get3A_1286 = arith.constant 0 : index
        %get3A_1287 = tpu.vector_load %get3A_1285[%get3A_1286] {strides = array<i32>} : memref<32xf32, #tpu.memory_space<vmem>>, vector<16xf32>,
        %get3A_1288 = vector.shape_cast %get3A_1287 : vector<16xf32> to vector<16xf32>
        %mul3A_1289 = arith.mulf %gather3A_1264, %get3A_1288 : vector<16xf32>
        %get3A_1290 = arith.constant 0 : i32
        %get3A_1291 = tpu.memref_slice %arg14[%add3A_1278, %get3A_1290] : memref<1408x32xf32, #tpu.memory_space<vmem>> -> memref<1x32xf32, #tpu.memory_space<vmem>>
        %get3A_1292 = tpu.memref_squeeze %get3A_1291 : memref<1x32xf32, #tpu.memory_space<vmem>> -> memref<32xf32, #tpu.memory_space<vmem>>
        %get3A_1293 = arith.constant 0 : index
        %get3A_1294 = tpu.vector_load %get3A_1292[%get3A_1293] {strides = array<i32>} : memref<32xf32, #tpu.memory_space<vmem>>, vector<16xf32>,
        %get3A_1295 = vector.shape_cast %get3A_1294 : vector<16xf32> to vector<16xf32>
        %mul3A_1296 = arith.mulf %gather3A_1268, %get3A_1295 : vector<16xf32>
        %add3A_1297 = arith.addf %mul3A_1289, %mul3A_1296 : vector<16xf32>
        %get3A_1298 = arith.constant 0 : i32
        %get3A_1299 = tpu.memref_slice %arg14[%add3A_1280, %get3A_1298] : memref<1408x32xf32, #tpu.memory_space<vmem>> -> memref<1x32xf32, #tpu.memory_space<vmem>>
        %get3A_1300 = tpu.memref_squeeze %get3A_1299 : memref<1x32xf32, #tpu.memory_space<vmem>> -> memref<32xf32, #tpu.memory_space<vmem>>
        %get3A_1301 = arith.constant 0 : index
        %get3A_1302 = tpu.vector_load %get3A_1300[%get3A_1301] {strides = array<i32>} : memref<32xf32, #tpu.memory_space<vmem>>, vector<16xf32>,
        %get3A_1303 = vector.shape_cast %get3A_1302 : vector<16xf32> to vector<16xf32>
        %mul3A_1304 = arith.mulf %gather3A_1272, %get3A_1303 : vector<16xf32>
        %add3A_1305 = arith.addf %add3A_1297, %mul3A_1304 : vector<16xf32>
        %get3A_1306 = arith.constant 0 : i32
        %get3A_1307 = tpu.memref_slice %arg14[%add3A_1282, %get3A_1306] : memref<1408x32xf32, #tpu.memory_space<vmem>> -> memref<1x32xf32, #tpu.memory_space<vmem>>
        %get3A_1308 = tpu.memref_squeeze %get3A_1307 : memref<1x32xf32, #tpu.memory_space<vmem>> -> memref<32xf32, #tpu.memory_space<vmem>>
        %get3A_1309 = arith.constant 0 : index
        %get3A_1310 = tpu.vector_load %get3A_1308[%get3A_1309] {strides = array<i32>} : memref<32xf32, #tpu.memory_space<vmem>>, vector<16xf32>,
        %get3A_1311 = vector.shape_cast %get3A_1310 : vector<16xf32> to vector<16xf32>
        %mul3A_1312 = arith.mulf %gather3A_1276, %get3A_1311 : vector<16xf32>
        %add3A_1313 = arith.addf %add3A_1305, %mul3A_1312 : vector<16xf32>
        %swap3A_1314 = arith.index_cast %add3A_1260 : i32 to index
        %swap3A_1315 = arith.constant 0 : index
        %swap3A_1316 = tpu.vector_load %arg16[%swap3A_1314, %swap3A_1315] {strides = array<i32>} : memref<352x32xf32, #tpu.memory_space<vmem>>, vector<1x16xf32>,
        %swap3A_1317 = vector.shape_cast %swap3A_1316 : vector<1x16xf32> to vector<16xf32>
        %swap3A_1318 = vector.shape_cast %add3A_1313 : vector<16xf32> to vector<1x16xf32>
        tpu.vector_store %arg16[%swap3A_1314, %swap3A_1315], %swap3A_1318 {strides = array<i32>} : memref<352x32xf32, #tpu.memory_space<vmem>>, vector<1x16xf32>,
        %get3A_1319 = arith.constant 0 : i32
        %get3A_1320 = tpu.memref_slice %arg14[%add3A_1260, %get3A_1319] : memref<1408x32xf32, #tpu.memory_space<vmem>> -> memref<1x32xf32, #tpu.memory_space<vmem>>
        %get3A_1321 = tpu.memref_squeeze %get3A_1320 : memref<1x32xf32, #tpu.memory_space<vmem>> -> memref<32xf32, #tpu.memory_space<vmem>>
        %get3A_1322 = arith.constant 16 : index
        %get3A_1323 = tpu.vector_load %get3A_1321[%get3A_1322] {strides = array<i32>} : memref<32xf32, #tpu.memory_space<vmem>>, vector<16xf32>,
        %get3A_1324 = vector.shape_cast %get3A_1323 : vector<16xf32> to vector<16xf32>
        %mul3A_1325 = arith.mulf %gather3A_1264, %get3A_1324 : vector<16xf32>
        %get3A_1326 = arith.constant 0 : i32
        %get3A_1327 = tpu.memref_slice %arg14[%add3A_1278, %get3A_1326] : memref<1408x32xf32, #tpu.memory_space<vmem>> -> memref<1x32xf32, #tpu.memory_space<vmem>>
        %get3A_1328 = tpu.memref_squeeze %get3A_1327 : memref<1x32xf32, #tpu.memory_space<vmem>> -> memref<32xf32, #tpu.memory_space<vmem>>
        %get3A_1329 = arith.constant 16 : index
        %get3A_1330 = tpu.vector_load %get3A_1328[%get3A_1329] {strides = array<i32>} : memref<32xf32, #tpu.memory_space<vmem>>, vector<16xf32>,
        %get3A_1331 = vector.shape_cast %get3A_1330 : vector<16xf32> to vector<16xf32>
        %mul3A_1332 = arith.mulf %gather3A_1268, %get3A_1331 : vector<16xf32>
        %add3A_1333 = arith.addf %mul3A_1325, %mul3A_1332 : vector<16xf32>
        %get3A_1334 = arith.constant 0 : i32
        %get3A_1335 = tpu.memref_slice %arg14[%add3A_1280, %get3A_1334] : memref<1408x32xf32, #tpu.memory_space<vmem>> -> memref<1x32xf32, #tpu.memory_space<vmem>>
        %get3A_1336 = tpu.memref_squeeze %get3A_1335 : memref<1x32xf32, #tpu.memory_space<vmem>> -> memref<32xf32, #tpu.memory_space<vmem>>
        %get3A_1337 = arith.constant 16 : index
        %get3A_1338 = tpu.vector_load %get3A_1336[%get3A_1337] {strides = array<i32>} : memref<32xf32, #tpu.memory_space<vmem>>, vector<16xf32>,
        %get3A_1339 = vector.shape_cast %get3A_1338 : vector<16xf32> to vector<16xf32>
        %mul3A_1340 = arith.mulf %gather3A_1272, %get3A_1339 : vector<16xf32>
        %add3A_1341 = arith.addf %add3A_1333, %mul3A_1340 : vector<16xf32>
        %get3A_1342 = arith.constant 0 : i32
        %get3A_1343 = tpu.memref_slice %arg14[%add3A_1282, %get3A_1342] : memref<1408x32xf32, #tpu.memory_space<vmem>> -> memref<1x32xf32, #tpu.memory_space<vmem>>
        %get3A_1344 = tpu.memref_squeeze %get3A_1343 : memref<1x32xf32, #tpu.memory_space<vmem>> -> memref<32xf32, #tpu.memory_space<vmem>>
        %get3A_1345 = arith.constant 16 : index
        %get3A_1346 = tpu.vector_load %get3A_1344[%get3A_1345] {strides = array<i32>} : memref<32xf32, #tpu.memory_space<vmem>>, vector<16xf32>,
        %get3A_1347 = vector.shape_cast %get3A_1346 : vector<16xf32> to vector<16xf32>
        %mul3A_1348 = arith.mulf %gather3A_1276, %get3A_1347 : vector<16xf32>
        %add3A_1349 = arith.addf %add3A_1341, %mul3A_1348 : vector<16xf32>
        %swap3A_1350 = arith.index_cast %add3A_1260 : i32 to index
        %swap3A_1351 = arith.constant 16 : index
        %swap3A_1352 = tpu.vector_load %arg16[%swap3A_1350, %swap3A_1351] {strides = array<i32>} : memref<352x32xf32, #tpu.memory_space<vmem>>, vector<1x16xf32>,
        %swap3A_1353 = vector.shape_cast %swap3A_1352 : vector<1x16xf32> to vector<16xf32>
        %swap3A_1354 = vector.shape_cast %add3A_1349 : vector<16xf32> to vector<1x16xf32>
        tpu.vector_store %arg16[%swap3A_1350, %swap3A_1351], %swap3A_1354 {strides = array<i32>} : memref<352x32xf32, #tpu.memory_space<vmem>>, vector<1x16xf32>,
        %mul3A_1355 = arith.constant 16 : i32
        %mul3A_1356 = arith.muli %add3A_154, %mul3A_1355 : i32
        %add3A_1357 = arith.constant 12 : i32
        %add3A_1358 = arith.addi %mul3A_1356, %add3A_1357 : i32
        %broadcast_in_dim3A_1359 = arith.constant 12 : i32
        %broadcast_in_dim3A_1360 = vector.broadcast %broadcast_in_dim3A_1359 : i32 to vector<16x1xi32>
        %gather3A_1361 = vector.shape_cast %broadcast_in_dim3A_1360 : vector<16x1xi32> to vector<16xi32>
        %gather3A_1362 = tpu.dynamic_gather %get3A_160[%gather3A_1361] in [0] : vector<16xf32>, vector<16xi32> -> vector<16xf32>
        %broadcast_in_dim3A_1363 = arith.constant 12 : i32
        %broadcast_in_dim3A_1364 = vector.broadcast %broadcast_in_dim3A_1363 : i32 to vector<16x1xi32>
        %gather3A_1365 = vector.shape_cast %broadcast_in_dim3A_1364 : vector<16x1xi32> to vector<16xi32>
        %gather3A_1366 = tpu.dynamic_gather %get3A_167[%gather3A_1365] in [0] : vector<16xf32>, vector<16xi32> -> vector<16xf32>
        %broadcast_in_dim3A_1367 = arith.constant 12 : i32
        %broadcast_in_dim3A_1368 = vector.broadcast %broadcast_in_dim3A_1367 : i32 to vector<16x1xi32>
        %gather3A_1369 = vector.shape_cast %broadcast_in_dim3A_1368 : vector<16x1xi32> to vector<16xi32>
        %gather3A_1370 = tpu.dynamic_gather %get3A_174[%gather3A_1369] in [0] : vector<16xf32>, vector<16xi32> -> vector<16xf32>
        %broadcast_in_dim3A_1371 = arith.constant 12 : i32
        %broadcast_in_dim3A_1372 = vector.broadcast %broadcast_in_dim3A_1371 : i32 to vector<16x1xi32>
        %gather3A_1373 = vector.shape_cast %broadcast_in_dim3A_1372 : vector<16x1xi32> to vector<16xi32>
        %gather3A_1374 = tpu.dynamic_gather %get3A_181[%gather3A_1373] in [0] : vector<16xf32>, vector<16xi32> -> vector<16xf32>
        %add3A_1375 = arith.constant 352 : i32
        %add3A_1376 = arith.addi %add3A_1358, %add3A_1375 : i32
        %add3A_1377 = arith.constant 704 : i32
        %add3A_1378 = arith.addi %add3A_1358, %add3A_1377 : i32
        %add3A_1379 = arith.constant 1056 : i32
        %add3A_1380 = arith.addi %add3A_1358, %add3A_1379 : i32
        %get3A_1381 = arith.constant 0 : i32
        %get3A_1382 = tpu.memref_slice %arg14[%add3A_1358, %get3A_1381] : memref<1408x32xf32, #tpu.memory_space<vmem>> -> memref<1x32xf32, #tpu.memory_space<vmem>>
        %get3A_1383 = tpu.memref_squeeze %get3A_1382 : memref<1x32xf32, #tpu.memory_space<vmem>> -> memref<32xf32, #tpu.memory_space<vmem>>
        %get3A_1384 = arith.constant 0 : index
        %get3A_1385 = tpu.vector_load %get3A_1383[%get3A_1384] {strides = array<i32>} : memref<32xf32, #tpu.memory_space<vmem>>, vector<16xf32>,
        %get3A_1386 = vector.shape_cast %get3A_1385 : vector<16xf32> to vector<16xf32>
        %mul3A_1387 = arith.mulf %gather3A_1362, %get3A_1386 : vector<16xf32>
        %get3A_1388 = arith.constant 0 : i32
        %get3A_1389 = tpu.memref_slice %arg14[%add3A_1376, %get3A_1388] : memref<1408x32xf32, #tpu.memory_space<vmem>> -> memref<1x32xf32, #tpu.memory_space<vmem>>
        %get3A_1390 = tpu.memref_squeeze %get3A_1389 : memref<1x32xf32, #tpu.memory_space<vmem>> -> memref<32xf32, #tpu.memory_space<vmem>>
        %get3A_1391 = arith.constant 0 : index
        %get3A_1392 = tpu.vector_load %get3A_1390[%get3A_1391] {strides = array<i32>} : memref<32xf32, #tpu.memory_space<vmem>>, vector<16xf32>,
        %get3A_1393 = vector.shape_cast %get3A_1392 : vector<16xf32> to vector<16xf32>
        %mul3A_1394 = arith.mulf %gather3A_1366, %get3A_1393 : vector<16xf32>
        %add3A_1395 = arith.addf %mul3A_1387, %mul3A_1394 : vector<16xf32>
        %get3A_1396 = arith.constant 0 : i32
        %get3A_1397 = tpu.memref_slice %arg14[%add3A_1378, %get3A_1396] : memref<1408x32xf32, #tpu.memory_space<vmem>> -> memref<1x32xf32, #tpu.memory_space<vmem>>
        %get3A_1398 = tpu.memref_squeeze %get3A_1397 : memref<1x32xf32, #tpu.memory_space<vmem>> -> memref<32xf32, #tpu.memory_space<vmem>>
        %get3A_1399 = arith.constant 0 : index
        %get3A_1400 = tpu.vector_load %get3A_1398[%get3A_1399] {strides = array<i32>} : memref<32xf32, #tpu.memory_space<vmem>>, vector<16xf32>,
        %get3A_1401 = vector.shape_cast %get3A_1400 : vector<16xf32> to vector<16xf32>
        %mul3A_1402 = arith.mulf %gather3A_1370, %get3A_1401 : vector<16xf32>
        %add3A_1403 = arith.addf %add3A_1395, %mul3A_1402 : vector<16xf32>
        %get3A_1404 = arith.constant 0 : i32
        %get3A_1405 = tpu.memref_slice %arg14[%add3A_1380, %get3A_1404] : memref<1408x32xf32, #tpu.memory_space<vmem>> -> memref<1x32xf32, #tpu.memory_space<vmem>>
        %get3A_1406 = tpu.memref_squeeze %get3A_1405 : memref<1x32xf32, #tpu.memory_space<vmem>> -> memref<32xf32, #tpu.memory_space<vmem>>
        %get3A_1407 = arith.constant 0 : index
        %get3A_1408 = tpu.vector_load %get3A_1406[%get3A_1407] {strides = array<i32>} : memref<32xf32, #tpu.memory_space<vmem>>, vector<16xf32>,
        %get3A_1409 = vector.shape_cast %get3A_1408 : vector<16xf32> to vector<16xf32>
        %mul3A_1410 = arith.mulf %gather3A_1374, %get3A_1409 : vector<16xf32>
        %add3A_1411 = arith.addf %add3A_1403, %mul3A_1410 : vector<16xf32>
        %swap3A_1412 = arith.index_cast %add3A_1358 : i32 to index
        %swap3A_1413 = arith.constant 0 : index
        %swap3A_1414 = tpu.vector_load %arg16[%swap3A_1412, %swap3A_1413] {strides = array<i32>} : memref<352x32xf32, #tpu.memory_space<vmem>>, vector<1x16xf32>,
        %swap3A_1415 = vector.shape_cast %swap3A_1414 : vector<1x16xf32> to vector<16xf32>
        %swap3A_1416 = vector.shape_cast %add3A_1411 : vector<16xf32> to vector<1x16xf32>
        tpu.vector_store %arg16[%swap3A_1412, %swap3A_1413], %swap3A_1416 {strides = array<i32>} : memref<352x32xf32, #tpu.memory_space<vmem>>, vector<1x16xf32>,
        %get3A_1417 = arith.constant 0 : i32
        %get3A_1418 = tpu.memref_slice %arg14[%add3A_1358, %get3A_1417] : memref<1408x32xf32, #tpu.memory_space<vmem>> -> memref<1x32xf32, #tpu.memory_space<vmem>>
        %get3A_1419 = tpu.memref_squeeze %get3A_1418 : memref<1x32xf32, #tpu.memory_space<vmem>> -> memref<32xf32, #tpu.memory_space<vmem>>
        %get3A_1420 = arith.constant 16 : index
        %get3A_1421 = tpu.vector_load %get3A_1419[%get3A_1420] {strides = array<i32>} : memref<32xf32, #tpu.memory_space<vmem>>, vector<16xf32>,
        %get3A_1422 = vector.shape_cast %get3A_1421 : vector<16xf32> to vector<16xf32>
        %mul3A_1423 = arith.mulf %gather3A_1362, %get3A_1422 : vector<16xf32>
        %get3A_1424 = arith.constant 0 : i32
        %get3A_1425 = tpu.memref_slice %arg14[%add3A_1376, %get3A_1424] : memref<1408x32xf32, #tpu.memory_space<vmem>> -> memref<1x32xf32, #tpu.memory_space<vmem>>
        %get3A_1426 = tpu.memref_squeeze %get3A_1425 : memref<1x32xf32, #tpu.memory_space<vmem>> -> memref<32xf32, #tpu.memory_space<vmem>>
        %get3A_1427 = arith.constant 16 : index
        %get3A_1428 = tpu.vector_load %get3A_1426[%get3A_1427] {strides = array<i32>} : memref<32xf32, #tpu.memory_space<vmem>>, vector<16xf32>,
        %get3A_1429 = vector.shape_cast %get3A_1428 : vector<16xf32> to vector<16xf32>
        %mul3A_1430 = arith.mulf %gather3A_1366, %get3A_1429 : vector<16xf32>
        %add3A_1431 = arith.addf %mul3A_1423, %mul3A_1430 : vector<16xf32>
        %get3A_1432 = arith.constant 0 : i32
        %get3A_1433 = tpu.memref_slice %arg14[%add3A_1378, %get3A_1432] : memref<1408x32xf32, #tpu.memory_space<vmem>> -> memref<1x32xf32, #tpu.memory_space<vmem>>
        %get3A_1434 = tpu.memref_squeeze %get3A_1433 : memref<1x32xf32, #tpu.memory_space<vmem>> -> memref<32xf32, #tpu.memory_space<vmem>>
        %get3A_1435 = arith.constant 16 : index
        %get3A_1436 = tpu.vector_load %get3A_1434[%get3A_1435] {strides = array<i32>} : memref<32xf32, #tpu.memory_space<vmem>>, vector<16xf32>,
        %get3A_1437 = vector.shape_cast %get3A_1436 : vector<16xf32> to vector<16xf32>
        %mul3A_1438 = arith.mulf %gather3A_1370, %get3A_1437 : vector<16xf32>
        %add3A_1439 = arith.addf %add3A_1431, %mul3A_1438 : vector<16xf32>
        %get3A_1440 = arith.constant 0 : i32
        %get3A_1441 = tpu.memref_slice %arg14[%add3A_1380, %get3A_1440] : memref<1408x32xf32, #tpu.memory_space<vmem>> -> memref<1x32xf32, #tpu.memory_space<vmem>>
        %get3A_1442 = tpu.memref_squeeze %get3A_1441 : memref<1x32xf32, #tpu.memory_space<vmem>> -> memref<32xf32, #tpu.memory_space<vmem>>
        %get3A_1443 = arith.constant 16 : index
        %get3A_1444 = tpu.vector_load %get3A_1442[%get3A_1443] {strides = array<i32>} : memref<32xf32, #tpu.memory_space<vmem>>, vector<16xf32>,
        %get3A_1445 = vector.shape_cast %get3A_1444 : vector<16xf32> to vector<16xf32>
        %mul3A_1446 = arith.mulf %gather3A_1374, %get3A_1445 : vector<16xf32>
        %add3A_1447 = arith.addf %add3A_1439, %mul3A_1446 : vector<16xf32>
        %swap3A_1448 = arith.index_cast %add3A_1358 : i32 to index
        %swap3A_1449 = arith.constant 16 : index
        %swap3A_1450 = tpu.vector_load %arg16[%swap3A_1448, %swap3A_1449] {strides = array<i32>} : memref<352x32xf32, #tpu.memory_space<vmem>>, vector<1x16xf32>,
        %swap3A_1451 = vector.shape_cast %swap3A_1450 : vector<1x16xf32> to vector<16xf32>
        %swap3A_1452 = vector.shape_cast %add3A_1447 : vector<16xf32> to vector<1x16xf32>
        tpu.vector_store %arg16[%swap3A_1448, %swap3A_1449], %swap3A_1452 {strides = array<i32>} : memref<352x32xf32, #tpu.memory_space<vmem>>, vector<1x16xf32>,
        %mul3A_1453 = arith.constant 16 : i32
        %mul3A_1454 = arith.muli %add3A_154, %mul3A_1453 : i32
        %add3A_1455 = arith.constant 13 : i32
        %add3A_1456 = arith.addi %mul3A_1454, %add3A_1455 : i32
        %broadcast_in_dim3A_1457 = arith.constant 13 : i32
        %broadcast_in_dim3A_1458 = vector.broadcast %broadcast_in_dim3A_1457 : i32 to vector<16x1xi32>
        %gather3A_1459 = vector.shape_cast %broadcast_in_dim3A_1458 : vector<16x1xi32> to vector<16xi32>
        %gather3A_1460 = tpu.dynamic_gather %get3A_160[%gather3A_1459] in [0] : vector<16xf32>, vector<16xi32> -> vector<16xf32>
        %broadcast_in_dim3A_1461 = arith.constant 13 : i32
        %broadcast_in_dim3A_1462 = vector.broadcast %broadcast_in_dim3A_1461 : i32 to vector<16x1xi32>
        %gather3A_1463 = vector.shape_cast %broadcast_in_dim3A_1462 : vector<16x1xi32> to vector<16xi32>
        %gather3A_1464 = tpu.dynamic_gather %get3A_167[%gather3A_1463] in [0] : vector<16xf32>, vector<16xi32> -> vector<16xf32>
        %broadcast_in_dim3A_1465 = arith.constant 13 : i32
        %broadcast_in_dim3A_1466 = vector.broadcast %broadcast_in_dim3A_1465 : i32 to vector<16x1xi32>
        %gather3A_1467 = vector.shape_cast %broadcast_in_dim3A_1466 : vector<16x1xi32> to vector<16xi32>
        %gather3A_1468 = tpu.dynamic_gather %get3A_174[%gather3A_1467] in [0] : vector<16xf32>, vector<16xi32> -> vector<16xf32>
        %broadcast_in_dim3A_1469 = arith.constant 13 : i32
        %broadcast_in_dim3A_1470 = vector.broadcast %broadcast_in_dim3A_1469 : i32 to vector<16x1xi32>
        %gather3A_1471 = vector.shape_cast %broadcast_in_dim3A_1470 : vector<16x1xi32> to vector<16xi32>
        %gather3A_1472 = tpu.dynamic_gather %get3A_181[%gather3A_1471] in [0] : vector<16xf32>, vector<16xi32> -> vector<16xf32>
        %add3A_1473 = arith.constant 352 : i32
        %add3A_1474 = arith.addi %add3A_1456, %add3A_1473 : i32
        %add3A_1475 = arith.constant 704 : i32
        %add3A_1476 = arith.addi %add3A_1456, %add3A_1475 : i32
        %add3A_1477 = arith.constant 1056 : i32
        %add3A_1478 = arith.addi %add3A_1456, %add3A_1477 : i32
        %get3A_1479 = arith.constant 0 : i32
        %get3A_1480 = tpu.memref_slice %arg14[%add3A_1456, %get3A_1479] : memref<1408x32xf32, #tpu.memory_space<vmem>> -> memref<1x32xf32, #tpu.memory_space<vmem>>
        %get3A_1481 = tpu.memref_squeeze %get3A_1480 : memref<1x32xf32, #tpu.memory_space<vmem>> -> memref<32xf32, #tpu.memory_space<vmem>>
        %get3A_1482 = arith.constant 0 : index
        %get3A_1483 = tpu.vector_load %get3A_1481[%get3A_1482] {strides = array<i32>} : memref<32xf32, #tpu.memory_space<vmem>>, vector<16xf32>,
        %get3A_1484 = vector.shape_cast %get3A_1483 : vector<16xf32> to vector<16xf32>
        %mul3A_1485 = arith.mulf %gather3A_1460, %get3A_1484 : vector<16xf32>
        %get3A_1486 = arith.constant 0 : i32
        %get3A_1487 = tpu.memref_slice %arg14[%add3A_1474, %get3A_1486] : memref<1408x32xf32, #tpu.memory_space<vmem>> -> memref<1x32xf32, #tpu.memory_space<vmem>>
        %get3A_1488 = tpu.memref_squeeze %get3A_1487 : memref<1x32xf32, #tpu.memory_space<vmem>> -> memref<32xf32, #tpu.memory_space<vmem>>
        %get3A_1489 = arith.constant 0 : index
        %get3A_1490 = tpu.vector_load %get3A_1488[%get3A_1489] {strides = array<i32>} : memref<32xf32, #tpu.memory_space<vmem>>, vector<16xf32>,
        %get3A_1491 = vector.shape_cast %get3A_1490 : vector<16xf32> to vector<16xf32>
        %mul3A_1492 = arith.mulf %gather3A_1464, %get3A_1491 : vector<16xf32>
        %add3A_1493 = arith.addf %mul3A_1485, %mul3A_1492 : vector<16xf32>
        %get3A_1494 = arith.constant 0 : i32
        %get3A_1495 = tpu.memref_slice %arg14[%add3A_1476, %get3A_1494] : memref<1408x32xf32, #tpu.memory_space<vmem>> -> memref<1x32xf32, #tpu.memory_space<vmem>>
        %get3A_1496 = tpu.memref_squeeze %get3A_1495 : memref<1x32xf32, #tpu.memory_space<vmem>> -> memref<32xf32, #tpu.memory_space<vmem>>
        %get3A_1497 = arith.constant 0 : index
        %get3A_1498 = tpu.vector_load %get3A_1496[%get3A_1497] {strides = array<i32>} : memref<32xf32, #tpu.memory_space<vmem>>, vector<16xf32>,
        %get3A_1499 = vector.shape_cast %get3A_1498 : vector<16xf32> to vector<16xf32>
        %mul3A_1500 = arith.mulf %gather3A_1468, %get3A_1499 : vector<16xf32>
        %add3A_1501 = arith.addf %add3A_1493, %mul3A_1500 : vector<16xf32>
        %get3A_1502 = arith.constant 0 : i32
        %get3A_1503 = tpu.memref_slice %arg14[%add3A_1478, %get3A_1502] : memref<1408x32xf32, #tpu.memory_space<vmem>> -> memref<1x32xf32, #tpu.memory_space<vmem>>
        %get3A_1504 = tpu.memref_squeeze %get3A_1503 : memref<1x32xf32, #tpu.memory_space<vmem>> -> memref<32xf32, #tpu.memory_space<vmem>>
        %get3A_1505 = arith.constant 0 : index
        %get3A_1506 = tpu.vector_load %get3A_1504[%get3A_1505] {strides = array<i32>} : memref<32xf32, #tpu.memory_space<vmem>>, vector<16xf32>,
        %get3A_1507 = vector.shape_cast %get3A_1506 : vector<16xf32> to vector<16xf32>
        %mul3A_1508 = arith.mulf %gather3A_1472, %get3A_1507 : vector<16xf32>
        %add3A_1509 = arith.addf %add3A_1501, %mul3A_1508 : vector<16xf32>
        %swap3A_1510 = arith.index_cast %add3A_1456 : i32 to index
        %swap3A_1511 = arith.constant 0 : index
        %swap3A_1512 = tpu.vector_load %arg16[%swap3A_1510, %swap3A_1511] {strides = array<i32>} : memref<352x32xf32, #tpu.memory_space<vmem>>, vector<1x16xf32>,
        %swap3A_1513 = vector.shape_cast %swap3A_1512 : vector<1x16xf32> to vector<16xf32>
        %swap3A_1514 = vector.shape_cast %add3A_1509 : vector<16xf32> to vector<1x16xf32>
        tpu.vector_store %arg16[%swap3A_1510, %swap3A_1511], %swap3A_1514 {strides = array<i32>} : memref<352x32xf32, #tpu.memory_space<vmem>>, vector<1x16xf32>,
        %get3A_1515 = arith.constant 0 : i32
        %get3A_1516 = tpu.memref_slice %arg14[%add3A_1456, %get3A_1515] : memref<1408x32xf32, #tpu.memory_space<vmem>> -> memref<1x32xf32, #tpu.memory_space<vmem>>
        %get3A_1517 = tpu.memref_squeeze %get3A_1516 : memref<1x32xf32, #tpu.memory_space<vmem>> -> memref<32xf32, #tpu.memory_space<vmem>>
        %get3A_1518 = arith.constant 16 : index
        %get3A_1519 = tpu.vector_load %get3A_1517[%get3A_1518] {strides = array<i32>} : memref<32xf32, #tpu.memory_space<vmem>>, vector<16xf32>,
        %get3A_1520 = vector.shape_cast %get3A_1519 : vector<16xf32> to vector<16xf32>
        %mul3A_1521 = arith.mulf %gather3A_1460, %get3A_1520 : vector<16xf32>
        %get3A_1522 = arith.constant 0 : i32
        %get3A_1523 = tpu.memref_slice %arg14[%add3A_1474, %get3A_1522] : memref<1408x32xf32, #tpu.memory_space<vmem>> -> memref<1x32xf32, #tpu.memory_space<vmem>>
        %get3A_1524 = tpu.memref_squeeze %get3A_1523 : memref<1x32xf32, #tpu.memory_space<vmem>> -> memref<32xf32, #tpu.memory_space<vmem>>
        %get3A_1525 = arith.constant 16 : index
        %get3A_1526 = tpu.vector_load %get3A_1524[%get3A_1525] {strides = array<i32>} : memref<32xf32, #tpu.memory_space<vmem>>, vector<16xf32>,
        %get3A_1527 = vector.shape_cast %get3A_1526 : vector<16xf32> to vector<16xf32>
        %mul3A_1528 = arith.mulf %gather3A_1464, %get3A_1527 : vector<16xf32>
        %add3A_1529 = arith.addf %mul3A_1521, %mul3A_1528 : vector<16xf32>
        %get3A_1530 = arith.constant 0 : i32
        %get3A_1531 = tpu.memref_slice %arg14[%add3A_1476, %get3A_1530] : memref<1408x32xf32, #tpu.memory_space<vmem>> -> memref<1x32xf32, #tpu.memory_space<vmem>>
        %get3A_1532 = tpu.memref_squeeze %get3A_1531 : memref<1x32xf32, #tpu.memory_space<vmem>> -> memref<32xf32, #tpu.memory_space<vmem>>
        %get3A_1533 = arith.constant 16 : index
        %get3A_1534 = tpu.vector_load %get3A_1532[%get3A_1533] {strides = array<i32>} : memref<32xf32, #tpu.memory_space<vmem>>, vector<16xf32>,
        %get3A_1535 = vector.shape_cast %get3A_1534 : vector<16xf32> to vector<16xf32>
        %mul3A_1536 = arith.mulf %gather3A_1468, %get3A_1535 : vector<16xf32>
        %add3A_1537 = arith.addf %add3A_1529, %mul3A_1536 : vector<16xf32>
        %get3A_1538 = arith.constant 0 : i32
        %get3A_1539 = tpu.memref_slice %arg14[%add3A_1478, %get3A_1538] : memref<1408x32xf32, #tpu.memory_space<vmem>> -> memref<1x32xf32, #tpu.memory_space<vmem>>
        %get3A_1540 = tpu.memref_squeeze %get3A_1539 : memref<1x32xf32, #tpu.memory_space<vmem>> -> memref<32xf32, #tpu.memory_space<vmem>>
        %get3A_1541 = arith.constant 16 : index
        %get3A_1542 = tpu.vector_load %get3A_1540[%get3A_1541] {strides = array<i32>} : memref<32xf32, #tpu.memory_space<vmem>>, vector<16xf32>,
        %get3A_1543 = vector.shape_cast %get3A_1542 : vector<16xf32> to vector<16xf32>
        %mul3A_1544 = arith.mulf %gather3A_1472, %get3A_1543 : vector<16xf32>
        %add3A_1545 = arith.addf %add3A_1537, %mul3A_1544 : vector<16xf32>
        %swap3A_1546 = arith.index_cast %add3A_1456 : i32 to index
        %swap3A_1547 = arith.constant 16 : index
        %swap3A_1548 = tpu.vector_load %arg16[%swap3A_1546, %swap3A_1547] {strides = array<i32>} : memref<352x32xf32, #tpu.memory_space<vmem>>, vector<1x16xf32>,
        %swap3A_1549 = vector.shape_cast %swap3A_1548 : vector<1x16xf32> to vector<16xf32>
        %swap3A_1550 = vector.shape_cast %add3A_1545 : vector<16xf32> to vector<1x16xf32>
        tpu.vector_store %arg16[%swap3A_1546, %swap3A_1547], %swap3A_1550 {strides = array<i32>} : memref<352x32xf32, #tpu.memory_space<vmem>>, vector<1x16xf32>,
        %mul3A_1551 = arith.constant 16 : i32
        %mul3A_1552 = arith.muli %add3A_154, %mul3A_1551 : i32
        %add3A_1553 = arith.constant 14 : i32
        %add3A_1554 = arith.addi %mul3A_1552, %add3A_1553 : i32
        %broadcast_in_dim3A_1555 = arith.constant 14 : i32
        %broadcast_in_dim3A_1556 = vector.broadcast %broadcast_in_dim3A_1555 : i32 to vector<16x1xi32>
        %gather3A_1557 = vector.shape_cast %broadcast_in_dim3A_1556 : vector<16x1xi32> to vector<16xi32>
        %gather3A_1558 = tpu.dynamic_gather %get3A_160[%gather3A_1557] in [0] : vector<16xf32>, vector<16xi32> -> vector<16xf32>
        %broadcast_in_dim3A_1559 = arith.constant 14 : i32
        %broadcast_in_dim3A_1560 = vector.broadcast %broadcast_in_dim3A_1559 : i32 to vector<16x1xi32>
        %gather3A_1561 = vector.shape_cast %broadcast_in_dim3A_1560 : vector<16x1xi32> to vector<16xi32>
        %gather3A_1562 = tpu.dynamic_gather %get3A_167[%gather3A_1561] in [0] : vector<16xf32>, vector<16xi32> -> vector<16xf32>
        %broadcast_in_dim3A_1563 = arith.constant 14 : i32
        %broadcast_in_dim3A_1564 = vector.broadcast %broadcast_in_dim3A_1563 : i32 to vector<16x1xi32>
        %gather3A_1565 = vector.shape_cast %broadcast_in_dim3A_1564 : vector<16x1xi32> to vector<16xi32>
        %gather3A_1566 = tpu.dynamic_gather %get3A_174[%gather3A_1565] in [0] : vector<16xf32>, vector<16xi32> -> vector<16xf32>
        %broadcast_in_dim3A_1567 = arith.constant 14 : i32
        %broadcast_in_dim3A_1568 = vector.broadcast %broadcast_in_dim3A_1567 : i32 to vector<16x1xi32>
        %gather3A_1569 = vector.shape_cast %broadcast_in_dim3A_1568 : vector<16x1xi32> to vector<16xi32>
        %gather3A_1570 = tpu.dynamic_gather %get3A_181[%gather3A_1569] in [0] : vector<16xf32>, vector<16xi32> -> vector<16xf32>
        %add3A_1571 = arith.constant 352 : i32
        %add3A_1572 = arith.addi %add3A_1554, %add3A_1571 : i32
        %add3A_1573 = arith.constant 704 : i32
        %add3A_1574 = arith.addi %add3A_1554, %add3A_1573 : i32
        %add3A_1575 = arith.constant 1056 : i32
        %add3A_1576 = arith.addi %add3A_1554, %add3A_1575 : i32
        %get3A_1577 = arith.constant 0 : i32
        %get3A_1578 = tpu.memref_slice %arg14[%add3A_1554, %get3A_1577] : memref<1408x32xf32, #tpu.memory_space<vmem>> -> memref<1x32xf32, #tpu.memory_space<vmem>>
        %get3A_1579 = tpu.memref_squeeze %get3A_1578 : memref<1x32xf32, #tpu.memory_space<vmem>> -> memref<32xf32, #tpu.memory_space<vmem>>
        %get3A_1580 = arith.constant 0 : index
        %get3A_1581 = tpu.vector_load %get3A_1579[%get3A_1580] {strides = array<i32>} : memref<32xf32, #tpu.memory_space<vmem>>, vector<16xf32>,
        %get3A_1582 = vector.shape_cast %get3A_1581 : vector<16xf32> to vector<16xf32>
        %mul3A_1583 = arith.mulf %gather3A_1558, %get3A_1582 : vector<16xf32>
        %get3A_1584 = arith.constant 0 : i32
        %get3A_1585 = tpu.memref_slice %arg14[%add3A_1572, %get3A_1584] : memref<1408x32xf32, #tpu.memory_space<vmem>> -> memref<1x32xf32, #tpu.memory_space<vmem>>
        %get3A_1586 = tpu.memref_squeeze %get3A_1585 : memref<1x32xf32, #tpu.memory_space<vmem>> -> memref<32xf32, #tpu.memory_space<vmem>>
        %get3A_1587 = arith.constant 0 : index
        %get3A_1588 = tpu.vector_load %get3A_1586[%get3A_1587] {strides = array<i32>} : memref<32xf32, #tpu.memory_space<vmem>>, vector<16xf32>,
        %get3A_1589 = vector.shape_cast %get3A_1588 : vector<16xf32> to vector<16xf32>
        %mul3A_1590 = arith.mulf %gather3A_1562, %get3A_1589 : vector<16xf32>
        %add3A_1591 = arith.addf %mul3A_1583, %mul3A_1590 : vector<16xf32>
        %get3A_1592 = arith.constant 0 : i32
        %get3A_1593 = tpu.memref_slice %arg14[%add3A_1574, %get3A_1592] : memref<1408x32xf32, #tpu.memory_space<vmem>> -> memref<1x32xf32, #tpu.memory_space<vmem>>
        %get3A_1594 = tpu.memref_squeeze %get3A_1593 : memref<1x32xf32, #tpu.memory_space<vmem>> -> memref<32xf32, #tpu.memory_space<vmem>>
        %get3A_1595 = arith.constant 0 : index
        %get3A_1596 = tpu.vector_load %get3A_1594[%get3A_1595] {strides = array<i32>} : memref<32xf32, #tpu.memory_space<vmem>>, vector<16xf32>,
        %get3A_1597 = vector.shape_cast %get3A_1596 : vector<16xf32> to vector<16xf32>
        %mul3A_1598 = arith.mulf %gather3A_1566, %get3A_1597 : vector<16xf32>
        %add3A_1599 = arith.addf %add3A_1591, %mul3A_1598 : vector<16xf32>
        %get3A_1600 = arith.constant 0 : i32
        %get3A_1601 = tpu.memref_slice %arg14[%add3A_1576, %get3A_1600] : memref<1408x32xf32, #tpu.memory_space<vmem>> -> memref<1x32xf32, #tpu.memory_space<vmem>>
        %get3A_1602 = tpu.memref_squeeze %get3A_1601 : memref<1x32xf32, #tpu.memory_space<vmem>> -> memref<32xf32, #tpu.memory_space<vmem>>
        %get3A_1603 = arith.constant 0 : index
        %get3A_1604 = tpu.vector_load %get3A_1602[%get3A_1603] {strides = array<i32>} : memref<32xf32, #tpu.memory_space<vmem>>, vector<16xf32>,
        %get3A_1605 = vector.shape_cast %get3A_1604 : vector<16xf32> to vector<16xf32>
        %mul3A_1606 = arith.mulf %gather3A_1570, %get3A_1605 : vector<16xf32>
        %add3A_1607 = arith.addf %add3A_1599, %mul3A_1606 : vector<16xf32>
        %swap3A_1608 = arith.index_cast %add3A_1554 : i32 to index
        %swap3A_1609 = arith.constant 0 : index
        %swap3A_1610 = tpu.vector_load %arg16[%swap3A_1608, %swap3A_1609] {strides = array<i32>} : memref<352x32xf32, #tpu.memory_space<vmem>>, vector<1x16xf32>,
        %swap3A_1611 = vector.shape_cast %swap3A_1610 : vector<1x16xf32> to vector<16xf32>
        %swap3A_1612 = vector.shape_cast %add3A_1607 : vector<16xf32> to vector<1x16xf32>
        tpu.vector_store %arg16[%swap3A_1608, %swap3A_1609], %swap3A_1612 {strides = array<i32>} : memref<352x32xf32, #tpu.memory_space<vmem>>, vector<1x16xf32>,
        %get3A_1613 = arith.constant 0 : i32
        %get3A_1614 = tpu.memref_slice %arg14[%add3A_1554, %get3A_1613] : memref<1408x32xf32, #tpu.memory_space<vmem>> -> memref<1x32xf32, #tpu.memory_space<vmem>>
        %get3A_1615 = tpu.memref_squeeze %get3A_1614 : memref<1x32xf32, #tpu.memory_space<vmem>> -> memref<32xf32, #tpu.memory_space<vmem>>
        %get3A_1616 = arith.constant 16 : index
        %get3A_1617 = tpu.vector_load %get3A_1615[%get3A_1616] {strides = array<i32>} : memref<32xf32, #tpu.memory_space<vmem>>, vector<16xf32>,
        %get3A_1618 = vector.shape_cast %get3A_1617 : vector<16xf32> to vector<16xf32>
        %mul3A_1619 = arith.mulf %gather3A_1558, %get3A_1618 : vector<16xf32>
        %get3A_1620 = arith.constant 0 : i32
        %get3A_1621 = tpu.memref_slice %arg14[%add3A_1572, %get3A_1620] : memref<1408x32xf32, #tpu.memory_space<vmem>> -> memref<1x32xf32, #tpu.memory_space<vmem>>
        %get3A_1622 = tpu.memref_squeeze %get3A_1621 : memref<1x32xf32, #tpu.memory_space<vmem>> -> memref<32xf32, #tpu.memory_space<vmem>>
        %get3A_1623 = arith.constant 16 : index
        %get3A_1624 = tpu.vector_load %get3A_1622[%get3A_1623] {strides = array<i32>} : memref<32xf32, #tpu.memory_space<vmem>>, vector<16xf32>,
        %get3A_1625 = vector.shape_cast %get3A_1624 : vector<16xf32> to vector<16xf32>
        %mul3A_1626 = arith.mulf %gather3A_1562, %get3A_1625 : vector<16xf32>
        %add3A_1627 = arith.addf %mul3A_1619, %mul3A_1626 : vector<16xf32>
        %get3A_1628 = arith.constant 0 : i32
        %get3A_1629 = tpu.memref_slice %arg14[%add3A_1574, %get3A_1628] : memref<1408x32xf32, #tpu.memory_space<vmem>> -> memref<1x32xf32, #tpu.memory_space<vmem>>
        %get3A_1630 = tpu.memref_squeeze %get3A_1629 : memref<1x32xf32, #tpu.memory_space<vmem>> -> memref<32xf32, #tpu.memory_space<vmem>>
        %get3A_1631 = arith.constant 16 : index
        %get3A_1632 = tpu.vector_load %get3A_1630[%get3A_1631] {strides = array<i32>} : memref<32xf32, #tpu.memory_space<vmem>>, vector<16xf32>,
        %get3A_1633 = vector.shape_cast %get3A_1632 : vector<16xf32> to vector<16xf32>
        %mul3A_1634 = arith.mulf %gather3A_1566, %get3A_1633 : vector<16xf32>
        %add3A_1635 = arith.addf %add3A_1627, %mul3A_1634 : vector<16xf32>
        %get3A_1636 = arith.constant 0 : i32
        %get3A_1637 = tpu.memref_slice %arg14[%add3A_1576, %get3A_1636] : memref<1408x32xf32, #tpu.memory_space<vmem>> -> memref<1x32xf32, #tpu.memory_space<vmem>>
        %get3A_1638 = tpu.memref_squeeze %get3A_1637 : memref<1x32xf32, #tpu.memory_space<vmem>> -> memref<32xf32, #tpu.memory_space<vmem>>
        %get3A_1639 = arith.constant 16 : index
        %get3A_1640 = tpu.vector_load %get3A_1638[%get3A_1639] {strides = array<i32>} : memref<32xf32, #tpu.memory_space<vmem>>, vector<16xf32>,
        %get3A_1641 = vector.shape_cast %get3A_1640 : vector<16xf32> to vector<16xf32>
        %mul3A_1642 = arith.mulf %gather3A_1570, %get3A_1641 : vector<16xf32>
        %add3A_1643 = arith.addf %add3A_1635, %mul3A_1642 : vector<16xf32>
        %swap3A_1644 = arith.index_cast %add3A_1554 : i32 to index
        %swap3A_1645 = arith.constant 16 : index
        %swap3A_1646 = tpu.vector_load %arg16[%swap3A_1644, %swap3A_1645] {strides = array<i32>} : memref<352x32xf32, #tpu.memory_space<vmem>>, vector<1x16xf32>,
        %swap3A_1647 = vector.shape_cast %swap3A_1646 : vector<1x16xf32> to vector<16xf32>
        %swap3A_1648 = vector.shape_cast %add3A_1643 : vector<16xf32> to vector<1x16xf32>
        tpu.vector_store %arg16[%swap3A_1644, %swap3A_1645], %swap3A_1648 {strides = array<i32>} : memref<352x32xf32, #tpu.memory_space<vmem>>, vector<1x16xf32>,
        %mul3A_1649 = arith.constant 16 : i32
        %mul3A_1650 = arith.muli %add3A_154, %mul3A_1649 : i32
        %add3A_1651 = arith.constant 15 : i32
        %add3A_1652 = arith.addi %mul3A_1650, %add3A_1651 : i32
        %broadcast_in_dim3A_1653 = arith.constant 15 : i32
        %broadcast_in_dim3A_1654 = vector.broadcast %broadcast_in_dim3A_1653 : i32 to vector<16x1xi32>
        %gather3A_1655 = vector.shape_cast %broadcast_in_dim3A_1654 : vector<16x1xi32> to vector<16xi32>
        %gather3A_1656 = tpu.dynamic_gather %get3A_160[%gather3A_1655] in [0] : vector<16xf32>, vector<16xi32> -> vector<16xf32>
        %broadcast_in_dim3A_1657 = arith.constant 15 : i32
        %broadcast_in_dim3A_1658 = vector.broadcast %broadcast_in_dim3A_1657 : i32 to vector<16x1xi32>
        %gather3A_1659 = vector.shape_cast %broadcast_in_dim3A_1658 : vector<16x1xi32> to vector<16xi32>
        %gather3A_1660 = tpu.dynamic_gather %get3A_167[%gather3A_1659] in [0] : vector<16xf32>, vector<16xi32> -> vector<16xf32>
        %broadcast_in_dim3A_1661 = arith.constant 15 : i32
        %broadcast_in_dim3A_1662 = vector.broadcast %broadcast_in_dim3A_1661 : i32 to vector<16x1xi32>
        %gather3A_1663 = vector.shape_cast %broadcast_in_dim3A_1662 : vector<16x1xi32> to vector<16xi32>
        %gather3A_1664 = tpu.dynamic_gather %get3A_174[%gather3A_1663] in [0] : vector<16xf32>, vector<16xi32> -> vector<16xf32>
        %broadcast_in_dim3A_1665 = arith.constant 15 : i32
        %broadcast_in_dim3A_1666 = vector.broadcast %broadcast_in_dim3A_1665 : i32 to vector<16x1xi32>
        %gather3A_1667 = vector.shape_cast %broadcast_in_dim3A_1666 : vector<16x1xi32> to vector<16xi32>
        %gather3A_1668 = tpu.dynamic_gather %get3A_181[%gather3A_1667] in [0] : vector<16xf32>, vector<16xi32> -> vector<16xf32>
        %add3A_1669 = arith.constant 352 : i32
        %add3A_1670 = arith.addi %add3A_1652, %add3A_1669 : i32
        %add3A_1671 = arith.constant 704 : i32
        %add3A_1672 = arith.addi %add3A_1652, %add3A_1671 : i32
        %add3A_1673 = arith.constant 1056 : i32
        %add3A_1674 = arith.addi %add3A_1652, %add3A_1673 : i32
        %get3A_1675 = arith.constant 0 : i32
        %get3A_1676 = tpu.memref_slice %arg14[%add3A_1652, %get3A_1675] : memref<1408x32xf32, #tpu.memory_space<vmem>> -> memref<1x32xf32, #tpu.memory_space<vmem>>
        %get3A_1677 = tpu.memref_squeeze %get3A_1676 : memref<1x32xf32, #tpu.memory_space<vmem>> -> memref<32xf32, #tpu.memory_space<vmem>>
        %get3A_1678 = arith.constant 0 : index
        %get3A_1679 = tpu.vector_load %get3A_1677[%get3A_1678] {strides = array<i32>} : memref<32xf32, #tpu.memory_space<vmem>>, vector<16xf32>,
        %get3A_1680 = vector.shape_cast %get3A_1679 : vector<16xf32> to vector<16xf32>
        %mul3A_1681 = arith.mulf %gather3A_1656, %get3A_1680 : vector<16xf32>
        %get3A_1682 = arith.constant 0 : i32
        %get3A_1683 = tpu.memref_slice %arg14[%add3A_1670, %get3A_1682] : memref<1408x32xf32, #tpu.memory_space<vmem>> -> memref<1x32xf32, #tpu.memory_space<vmem>>
        %get3A_1684 = tpu.memref_squeeze %get3A_1683 : memref<1x32xf32, #tpu.memory_space<vmem>> -> memref<32xf32, #tpu.memory_space<vmem>>
        %get3A_1685 = arith.constant 0 : index
        %get3A_1686 = tpu.vector_load %get3A_1684[%get3A_1685] {strides = array<i32>} : memref<32xf32, #tpu.memory_space<vmem>>, vector<16xf32>,
        %get3A_1687 = vector.shape_cast %get3A_1686 : vector<16xf32> to vector<16xf32>
        %mul3A_1688 = arith.mulf %gather3A_1660, %get3A_1687 : vector<16xf32>
        %add3A_1689 = arith.addf %mul3A_1681, %mul3A_1688 : vector<16xf32>
        %get3A_1690 = arith.constant 0 : i32
        %get3A_1691 = tpu.memref_slice %arg14[%add3A_1672, %get3A_1690] : memref<1408x32xf32, #tpu.memory_space<vmem>> -> memref<1x32xf32, #tpu.memory_space<vmem>>
        %get3A_1692 = tpu.memref_squeeze %get3A_1691 : memref<1x32xf32, #tpu.memory_space<vmem>> -> memref<32xf32, #tpu.memory_space<vmem>>
        %get3A_1693 = arith.constant 0 : index
        %get3A_1694 = tpu.vector_load %get3A_1692[%get3A_1693] {strides = array<i32>} : memref<32xf32, #tpu.memory_space<vmem>>, vector<16xf32>,
        %get3A_1695 = vector.shape_cast %get3A_1694 : vector<16xf32> to vector<16xf32>
        %mul3A_1696 = arith.mulf %gather3A_1664, %get3A_1695 : vector<16xf32>
        %add3A_1697 = arith.addf %add3A_1689, %mul3A_1696 : vector<16xf32>
        %get3A_1698 = arith.constant 0 : i32
        %get3A_1699 = tpu.memref_slice %arg14[%add3A_1674, %get3A_1698] : memref<1408x32xf32, #tpu.memory_space<vmem>> -> memref<1x32xf32, #tpu.memory_space<vmem>>
        %get3A_1700 = tpu.memref_squeeze %get3A_1699 : memref<1x32xf32, #tpu.memory_space<vmem>> -> memref<32xf32, #tpu.memory_space<vmem>>
        %get3A_1701 = arith.constant 0 : index
        %get3A_1702 = tpu.vector_load %get3A_1700[%get3A_1701] {strides = array<i32>} : memref<32xf32, #tpu.memory_space<vmem>>, vector<16xf32>,
        %get3A_1703 = vector.shape_cast %get3A_1702 : vector<16xf32> to vector<16xf32>
        %mul3A_1704 = arith.mulf %gather3A_1668, %get3A_1703 : vector<16xf32>
        %add3A_1705 = arith.addf %add3A_1697, %mul3A_1704 : vector<16xf32>
        %swap3A_1706 = arith.index_cast %add3A_1652 : i32 to index
        %swap3A_1707 = arith.constant 0 : index
        %swap3A_1708 = tpu.vector_load %arg16[%swap3A_1706, %swap3A_1707] {strides = array<i32>} : memref<352x32xf32, #tpu.memory_space<vmem>>, vector<1x16xf32>,
        %swap3A_1709 = vector.shape_cast %swap3A_1708 : vector<1x16xf32> to vector<16xf32>
        %swap3A_1710 = vector.shape_cast %add3A_1705 : vector<16xf32> to vector<1x16xf32>
        tpu.vector_store %arg16[%swap3A_1706, %swap3A_1707], %swap3A_1710 {strides = array<i32>} : memref<352x32xf32, #tpu.memory_space<vmem>>, vector<1x16xf32>,
        %get3A_1711 = arith.constant 0 : i32
        %get3A_1712 = tpu.memref_slice %arg14[%add3A_1652, %get3A_1711] : memref<1408x32xf32, #tpu.memory_space<vmem>> -> memref<1x32xf32, #tpu.memory_space<vmem>>
        %get3A_1713 = tpu.memref_squeeze %get3A_1712 : memref<1x32xf32, #tpu.memory_space<vmem>> -> memref<32xf32, #tpu.memory_space<vmem>>
        %get3A_1714 = arith.constant 16 : index
        %get3A_1715 = tpu.vector_load %get3A_1713[%get3A_1714] {strides = array<i32>} : memref<32xf32, #tpu.memory_space<vmem>>, vector<16xf32>,
        %get3A_1716 = vector.shape_cast %get3A_1715 : vector<16xf32> to vector<16xf32>
        %mul3A_1717 = arith.mulf %gather3A_1656, %get3A_1716 : vector<16xf32>
        %get3A_1718 = arith.constant 0 : i32
        %get3A_1719 = tpu.memref_slice %arg14[%add3A_1670, %get3A_1718] : memref<1408x32xf32, #tpu.memory_space<vmem>> -> memref<1x32xf32, #tpu.memory_space<vmem>>
        %get3A_1720 = tpu.memref_squeeze %get3A_1719 : memref<1x32xf32, #tpu.memory_space<vmem>> -> memref<32xf32, #tpu.memory_space<vmem>>
        %get3A_1721 = arith.constant 16 : index
        %get3A_1722 = tpu.vector_load %get3A_1720[%get3A_1721] {strides = array<i32>} : memref<32xf32, #tpu.memory_space<vmem>>, vector<16xf32>,
        %get3A_1723 = vector.shape_cast %get3A_1722 : vector<16xf32> to vector<16xf32>
        %mul3A_1724 = arith.mulf %gather3A_1660, %get3A_1723 : vector<16xf32>
        %add3A_1725 = arith.addf %mul3A_1717, %mul3A_1724 : vector<16xf32>
        %get3A_1726 = arith.constant 0 : i32
        %get3A_1727 = tpu.memref_slice %arg14[%add3A_1672, %get3A_1726] : memref<1408x32xf32, #tpu.memory_space<vmem>> -> memref<1x32xf32, #tpu.memory_space<vmem>>
        %get3A_1728 = tpu.memref_squeeze %get3A_1727 : memref<1x32xf32, #tpu.memory_space<vmem>> -> memref<32xf32, #tpu.memory_space<vmem>>
        %get3A_1729 = arith.constant 16 : index
        %get3A_1730 = tpu.vector_load %get3A_1728[%get3A_1729] {strides = array<i32>} : memref<32xf32, #tpu.memory_space<vmem>>, vector<16xf32>,
        %get3A_1731 = vector.shape_cast %get3A_1730 : vector<16xf32> to vector<16xf32>
        %mul3A_1732 = arith.mulf %gather3A_1664, %get3A_1731 : vector<16xf32>
        %add3A_1733 = arith.addf %add3A_1725, %mul3A_1732 : vector<16xf32>
        %get3A_1734 = arith.constant 0 : i32
        %get3A_1735 = tpu.memref_slice %arg14[%add3A_1674, %get3A_1734] : memref<1408x32xf32, #tpu.memory_space<vmem>> -> memref<1x32xf32, #tpu.memory_space<vmem>>
        %get3A_1736 = tpu.memref_squeeze %get3A_1735 : memref<1x32xf32, #tpu.memory_space<vmem>> -> memref<32xf32, #tpu.memory_space<vmem>>
        %get3A_1737 = arith.constant 16 : index
        %get3A_1738 = tpu.vector_load %get3A_1736[%get3A_1737] {strides = array<i32>} : memref<32xf32, #tpu.memory_space<vmem>>, vector<16xf32>,
        %get3A_1739 = vector.shape_cast %get3A_1738 : vector<16xf32> to vector<16xf32>
        %mul3A_1740 = arith.mulf %gather3A_1668, %get3A_1739 : vector<16xf32>
        %add3A_1741 = arith.addf %add3A_1733, %mul3A_1740 : vector<16xf32>
        %swap3A_1742 = arith.index_cast %add3A_1652 : i32 to index
        %swap3A_1743 = arith.constant 16 : index
        %swap3A_1744 = tpu.vector_load %arg16[%swap3A_1742, %swap3A_1743] {strides = array<i32>} : memref<352x32xf32, #tpu.memory_space<vmem>>, vector<1x16xf32>,
        %swap3A_1745 = vector.shape_cast %swap3A_1744 : vector<1x16xf32> to vector<16xf32>
        %swap3A_1746 = vector.shape_cast %add3A_1741 : vector<16xf32> to vector<1x16xf32>
        tpu.vector_store %arg16[%swap3A_1742, %swap3A_1743], %swap3A_1746 {strides = array<i32>} : memref<352x32xf32, #tpu.memory_space<vmem>>, vector<1x16xf32>,
      }
      %scan3A_98 = arith.constant 22 : i32
      %mul3A_99 = arith.constant 352 : i32
      %mul3A_100 = arith.muli %add3A_74, %mul3A_99 : i32
      %min3A_101 = arith.constant 24648 : i32
      %min3A_102 = arith.minsi %mul3A_100, %min3A_101 : i32
      %add3A_103 = arith.addi %mul3A_34, %min3A_102 : i32
      %dma_start3A_104 = arith.constant 0 : i32
      %dma_start3A_105 = tpu.memref_slice %arg5[%select_n3A, %add3A_103, %dma_start3A_104] : memref<16x50000x32xf32, #tpu.memory_space<hbm>> -> memref<1x352x32xf32, #tpu.memory_space<hbm>>
      %dma_start3A_106 = tpu.memref_squeeze %dma_start3A_105 : memref<1x352x32xf32, #tpu.memory_space<hbm>> -> memref<352x32xf32, #tpu.memory_space<hbm>>
      %dma_start3A_107 = arith.constant 0 : i32
      %dma_start3A_108 = tpu.memref_slice %arg5[%select_n3A, %add3A_103, %dma_start3A_107] : memref<16x50000x32xf32, #tpu.memory_space<hbm>> -> memref<1x352x32xf32, #tpu.memory_space<hbm>>
      %dma_start3A_109 = tpu.memref_squeeze %dma_start3A_108 : memref<1x352x32xf32, #tpu.memory_space<hbm>> -> memref<352x32xf32, #tpu.memory_space<hbm>>
      tpu.enqueue_dma source(%arg16 : memref<352x32xf32, #tpu.memory_space<vmem>>) target(%dma_start3A_109 : memref<352x32xf32, #tpu.memory_space<hbm>>) target_semaphore(%arg22 : memref<!tpu.dma_semaphore, #tpu.memory_space<semaphore_mem>>)
      %add3A_110 = arith.constant 1 : i32
      %add3A_111 = arith.addi %add3A_72, %add3A_110 : i32
      %add3A_112 = arith.constant 1 : i32
      %add3A_113 = arith.addi %add3A_111, %add3A_112 : i32
      %lt3A_114 = arith.constant 72 : i32
      %lt3A_115 = arith.cmpi slt, %add3A_113, %lt3A_114 : i32
      %convert_element_type3A_116 = arith.extui %lt3A_115 : i1 to i32
      %cond3A_117 = arith.constant 0 : i32
      %cond3A_118 = arith.cmpi ne, %convert_element_type3A_116, %cond3A_117 : i32
      scf.if %cond3A_118 {
        %dma_wait3A_150 = tpu.memref_slice %arg3[%mul3A_2] : memref<800000xf32, #tpu.memory_space<hbm>> -> memref<352xf32, #tpu.memory_space<hbm>>
        %dma_wait3A_151 = tpu.memref_slice %arg3[%mul3A_2] : memref<800000xf32, #tpu.memory_space<hbm>> -> memref<352xf32, #tpu.memory_space<hbm>>
        tpu.wait_dma2 semaphore(%arg18 : memref<!tpu.dma_semaphore, #tpu.memory_space<semaphore_mem>>) src(%dma_wait3A_151 : memref<352xf32, #tpu.memory_space<hbm>>) dst(%arg6 : memref<352xf32, #tpu.memory_space<vmem>>)
        %dma_wait3A_152 = tpu.memref_slice %arg4[%mul3A_2] : memref<800000xf32, #tpu.memory_space<hbm>> -> memref<352xf32, #tpu.memory_space<hbm>>
        %dma_wait3A_153 = tpu.memref_slice %arg4[%mul3A_2] : memref<800000xf32, #tpu.memory_space<hbm>> -> memref<352xf32, #tpu.memory_space<hbm>>
        tpu.wait_dma2 semaphore(%arg18 : memref<!tpu.dma_semaphore, #tpu.memory_space<semaphore_mem>>) src(%dma_wait3A_153 : memref<352xf32, #tpu.memory_space<hbm>>) dst(%arg8 : memref<352xf32, #tpu.memory_space<vmem>>)
        %add3A_154 = arith.constant 1 : i32
        %add3A_155 = arith.addi %add3A_111, %add3A_154 : i32
        %mul3A_156 = arith.constant 352 : i32
        %mul3A_157 = arith.muli %add3A_155, %mul3A_156 : i32
        %min3A_158 = arith.constant 24648 : i32
        %min3A_159 = arith.minsi %mul3A_157, %min3A_158 : i32
        %add3A_160 = arith.addi %mul3A_2, %min3A_159 : i32
        %scan3A_161 = arith.constant 0 : i32
        %scan3A_162 = arith.constant 22 : i32
        %scan3A_163 = arith.addi %scan3A_161, %scan3A_162 : i32
        %scan3A_164 = arith.constant 1 : i32
        scf.for %scan3A_169 = %scan3A_161 to %scan3A_163 step %scan3A_164  : i32 {
          %mul3A_170 = arith.constant 1 : i32
          %mul3A_171 = arith.muli %scan3A_169, %mul3A_170 : i32
          %add3A_172 = arith.constant 0 : i32
          %add3A_173 = arith.addi %add3A_172, %mul3A_171 : i32
          %mul3A_174 = arith.constant 16 : i32
          %mul3A_175 = arith.muli %add3A_173, %mul3A_174 : i32
          %get3A = arith.index_cast %mul3A_175 : i32 to index
          %get3A_176 = tpu.vector_load %arg6[%get3A] {strides = array<i32>} : memref<352xf32, #tpu.memory_space<vmem>>, vector<16xf32>,
          %get3A_177 = vector.shape_cast %get3A_176 : vector<16xf32> to vector<16xf32>
          %mul3A_178 = arith.constant 1.270000e+02 : f32
          %mul3A_179 = vector.broadcast %mul3A_178 : f32 to vector<16xf32>
          %mul3A_180 = arith.mulf %get3A_177, %mul3A_179 : vector<16xf32>
          %jit3A_181 = arith.constant 0.000000e+00 : f32
          %jit3A_182 = arith.constant 1.270000e+02 : f32
          %max3A = vector.broadcast %jit3A_181 : f32 to vector<16xf32>
          %max3A_183 = arith.maximumf %max3A, %mul3A_180 : vector<16xf32>
          %min3A_184 = vector.broadcast %jit3A_182 : f32 to vector<16xf32>
          %min3A_185 = arith.minimumf %min3A_184, %max3A_183 : vector<16xf32>
          %mul3A_186 = arith.constant 16 : i32
          %mul3A_187 = arith.muli %add3A_173, %mul3A_186 : i32
          %get3A_188 = arith.index_cast %mul3A_187 : i32 to index
          %get3A_189 = tpu.vector_load %arg8[%get3A_188] {strides = array<i32>} : memref<352xf32, #tpu.memory_space<vmem>>, vector<16xf32>,
          %get3A_190 = vector.shape_cast %get3A_189 : vector<16xf32> to vector<16xf32>
          %mul3A_191 = arith.constant 1.270000e+02 : f32
          %mul3A_192 = vector.broadcast %mul3A_191 : f32 to vector<16xf32>
          %mul3A_193 = arith.mulf %get3A_190, %mul3A_192 : vector<16xf32>
          %jit3A_194 = arith.constant 0.000000e+00 : f32
          %jit3A_195 = arith.constant 1.270000e+02 : f32
          %max3A_196 = vector.broadcast %jit3A_194 : f32 to vector<16xf32>
          %max3A_197 = arith.maximumf %max3A_196, %mul3A_193 : vector<16xf32>
          %min3A_198 = vector.broadcast %jit3A_195 : f32 to vector<16xf32>
          %min3A_199 = arith.minimumf %min3A_198, %max3A_197 : vector<16xf32>
          %convert_element_type3A_200 = arith.fptosi %min3A_185 : vector<16xf32> to vector<16xi32>
          %convert_element_type3A_201 = arith.fptosi %min3A_199 : vector<16xf32> to vector<16xi32>
          %convert_element_type3A_202 = arith.sitofp %convert_element_type3A_200 : vector<16xi32> to vector<16xf32>
          %sub3A_203 = arith.subf %min3A_185, %convert_element_type3A_202 : vector<16xf32>
          %convert_element_type3A_204 = arith.sitofp %convert_element_type3A_201 : vector<16xi32> to vector<16xf32>
          %sub3A_205 = arith.subf %min3A_199, %convert_element_type3A_204 : vector<16xf32>
          %sub3A_206 = arith.constant 1.000000e+00 : f32
          %sub3A_207 = vector.broadcast %sub3A_206 : f32 to vector<16xf32>
          %sub3A_208 = arith.subf %sub3A_207, %sub3A_203 : vector<16xf32>
          %sub3A_209 = arith.constant 1.000000e+00 : f32
          %sub3A_210 = vector.broadcast %sub3A_209 : f32 to vector<16xf32>
          %sub3A_211 = arith.subf %sub3A_210, %sub3A_205 : vector<16xf32>
          %mul3A_212 = arith.mulf %sub3A_208, %sub3A_211 : vector<16xf32>
          %mul3A_213 = arith.constant 16 : i32
          %mul3A_214 = arith.muli %add3A_173, %mul3A_213 : i32
          %swap3A = arith.constant 0 : i32
          %swap3A_215 = arith.index_cast %swap3A : i32 to index
          %swap3A_216 = arith.index_cast %mul3A_214 : i32 to index
          %swap3A_217 = tpu.vector_load %arg10[%swap3A_215, %swap3A_216] {strides = array<i32>} : memref<4x352xf32, #tpu.memory_space<vmem>>, vector<1x16xf32>,
          %swap3A_218 = vector.shape_cast %swap3A_217 : vector<1x16xf32> to vector<16xf32>
          %swap3A_219 = vector.shape_cast %mul3A_212 : vector<16xf32> to vector<1x16xf32>
          tpu.vector_store %arg10[%swap3A_215, %swap3A_216], %swap3A_219 {strides = array<i32>} : memref<4x352xf32, #tpu.memory_space<vmem>>, vector<1x16xf32>,
          %mul3A_220 = arith.mulf %sub3A_203, %sub3A_211 : vector<16xf32>
          %mul3A_221 = arith.constant 16 : i32
          %mul3A_222 = arith.muli %add3A_173, %mul3A_221 : i32
          %swap3A_223 = arith.constant 1 : i32
          %swap3A_224 = arith.index_cast %swap3A_223 : i32 to index
          %swap3A_225 = arith.index_cast %mul3A_222 : i32 to index
          %swap3A_226 = tpu.vector_load %arg10[%swap3A_224, %swap3A_225] {strides = array<i32>} : memref<4x352xf32, #tpu.memory_space<vmem>>, vector<1x16xf32>,
          %swap3A_227 = vector.shape_cast %swap3A_226 : vector<1x16xf32> to vector<16xf32>
          %swap3A_228 = vector.shape_cast %mul3A_220 : vector<16xf32> to vector<1x16xf32>
          tpu.vector_store %arg10[%swap3A_224, %swap3A_225], %swap3A_228 {strides = array<i32>} : memref<4x352xf32, #tpu.memory_space<vmem>>, vector<1x16xf32>,
          %mul3A_229 = arith.mulf %sub3A_208, %sub3A_205 : vector<16xf32>
          %mul3A_230 = arith.constant 16 : i32
          %mul3A_231 = arith.muli %add3A_173, %mul3A_230 : i32
          %swap3A_232 = arith.constant 2 : i32
          %swap3A_233 = arith.index_cast %swap3A_232 : i32 to index
          %swap3A_234 = arith.index_cast %mul3A_231 : i32 to index
          %swap3A_235 = tpu.vector_load %arg10[%swap3A_233, %swap3A_234] {strides = array<i32>} : memref<4x352xf32, #tpu.memory_space<vmem>>, vector<1x16xf32>,
          %swap3A_236 = vector.shape_cast %swap3A_235 : vector<1x16xf32> to vector<16xf32>
          %swap3A_237 = vector.shape_cast %mul3A_229 : vector<16xf32> to vector<1x16xf32>
          tpu.vector_store %arg10[%swap3A_233, %swap3A_234], %swap3A_237 {strides = array<i32>} : memref<4x352xf32, #tpu.memory_space<vmem>>, vector<1x16xf32>,
          %mul3A_238 = arith.mulf %sub3A_203, %sub3A_205 : vector<16xf32>
          %mul3A_239 = arith.constant 16 : i32
          %mul3A_240 = arith.muli %add3A_173, %mul3A_239 : i32
          %swap3A_241 = arith.constant 3 : i32
          %swap3A_242 = arith.index_cast %swap3A_241 : i32 to index
          %swap3A_243 = arith.index_cast %mul3A_240 : i32 to index
          %swap3A_244 = tpu.vector_load %arg10[%swap3A_242, %swap3A_243] {strides = array<i32>} : memref<4x352xf32, #tpu.memory_space<vmem>>, vector<1x16xf32>,
          %swap3A_245 = vector.shape_cast %swap3A_244 : vector<1x16xf32> to vector<16xf32>
          %swap3A_246 = vector.shape_cast %mul3A_238 : vector<16xf32> to vector<1x16xf32>
          tpu.vector_store %arg10[%swap3A_242, %swap3A_243], %swap3A_246 {strides = array<i32>} : memref<4x352xf32, #tpu.memory_space<vmem>>, vector<1x16xf32>,
          %add3A_247 = arith.constant 1 : i32
          %add3A_248 = vector.broadcast %add3A_247 : i32 to vector<16xi32>
          %add3A_249 = arith.addi %convert_element_type3A_200, %add3A_248 : vector<16xi32>
          %min3A_250 = arith.constant 127 : i32
          %min3A_251 = vector.broadcast %min3A_250 : i32 to vector<16xi32>
          %min3A_252 = arith.minsi %add3A_249, %min3A_251 : vector<16xi32>
          %mul3A_253 = arith.constant 16384 : i32
          %mul3A_254 = arith.muli %select_n3A, %mul3A_253 : i32
          %mul3A_255 = arith.constant 128 : i32
          %mul3A_256 = vector.broadcast %mul3A_255 : i32 to vector<16xi32>
          %mul3A_257 = arith.muli %convert_element_type3A_201, %mul3A_256 : vector<16xi32>
          %add3A_258 = vector.broadcast %mul3A_254 : i32 to vector<16xi32>
          %add3A_259 = arith.addi %add3A_258, %mul3A_257 : vector<16xi32>
          %lt3A_260 = arith.constant 127 : i32
          %lt3A_261 = vector.broadcast %lt3A_260 : i32 to vector<16xi32>
          %lt3A_262 = arith.cmpi slt, %convert_element_type3A_201, %lt3A_261 : vector<16xi32>
          %jit3A_263 = arith.constant 128 : i32
          %jit3A_264 = arith.constant 0 : i32
          %broadcast_in_dim3A = vector.broadcast %jit3A_263 : i32 to vector<16xi32>
          %broadcast_in_dim3A_265 = vector.broadcast %jit3A_264 : i32 to vector<16xi32>
          %select_n3A_266 = arith.select %lt3A_262, %broadcast_in_dim3A, %broadcast_in_dim3A_265 : vector<16xi1>, vector<16xi32>
          %add3A_267 = arith.addi %add3A_259, %select_n3A_266 : vector<16xi32>
          %add3A_268 = arith.addi %add3A_259, %convert_element_type3A_200 : vector<16xi32>
          %mul3A_269 = arith.constant 16 : i32
          %mul3A_270 = arith.muli %add3A_173, %mul3A_269 : i32
          %add3A_271 = arith.constant 0 : i32
          %add3A_272 = arith.addi %add3A_271, %mul3A_270 : i32
          %swap3A_273 = arith.index_cast %add3A_272 : i32 to index
          %swap3A_274 = tpu.vector_load %arg12[%swap3A_273] {strides = array<i32>} : memref<1408xi32, #tpu.memory_space<vmem>>, vector<16xi32>,
          %swap3A_275 = vector.shape_cast %swap3A_274 : vector<16xi32> to vector<16xi32>
          %swap3A_276 = vector.shape_cast %add3A_268 : vector<16xi32> to vector<16xi32>
          tpu.vector_store %arg12[%swap3A_273], %swap3A_276 {strides = array<i32>} : memref<1408xi32, #tpu.memory_space<vmem>>, vector<16xi32>,
          %add3A_277 = arith.addi %add3A_259, %min3A_252 : vector<16xi32>
          %mul3A_278 = arith.constant 16 : i32
          %mul3A_279 = arith.muli %add3A_173, %mul3A_278 : i32
          %add3A_280 = arith.constant 352 : i32
          %add3A_281 = arith.addi %add3A_280, %mul3A_279 : i32
          %swap3A_282 = arith.index_cast %add3A_281 : i32 to index
          %swap3A_283 = tpu.vector_load %arg12[%swap3A_282] {strides = array<i32>} : memref<1408xi32, #tpu.memory_space<vmem>>, vector<16xi32>,
          %swap3A_284 = vector.shape_cast %swap3A_283 : vector<16xi32> to vector<16xi32>
          %swap3A_285 = vector.shape_cast %add3A_277 : vector<16xi32> to vector<16xi32>
          tpu.vector_store %arg12[%swap3A_282], %swap3A_285 {strides = array<i32>} : memref<1408xi32, #tpu.memory_space<vmem>>, vector<16xi32>,
          %add3A_286 = arith.addi %add3A_267, %convert_element_type3A_200 : vector<16xi32>
          %mul3A_287 = arith.constant 16 : i32
          %mul3A_288 = arith.muli %add3A_173, %mul3A_287 : i32
          %add3A_289 = arith.constant 704 : i32
          %add3A_290 = arith.addi %add3A_289, %mul3A_288 : i32
          %swap3A_291 = arith.index_cast %add3A_290 : i32 to index
          %swap3A_292 = tpu.vector_load %arg12[%swap3A_291] {strides = array<i32>} : memref<1408xi32, #tpu.memory_space<vmem>>, vector<16xi32>,
          %swap3A_293 = vector.shape_cast %swap3A_292 : vector<16xi32> to vector<16xi32>
          %swap3A_294 = vector.shape_cast %add3A_286 : vector<16xi32> to vector<16xi32>
          tpu.vector_store %arg12[%swap3A_291], %swap3A_294 {strides = array<i32>} : memref<1408xi32, #tpu.memory_space<vmem>>, vector<16xi32>,
          %add3A_295 = arith.addi %add3A_267, %min3A_252 : vector<16xi32>
          %mul3A_296 = arith.constant 16 : i32
          %mul3A_297 = arith.muli %add3A_173, %mul3A_296 : i32
          %add3A_298 = arith.constant 1056 : i32
          %add3A_299 = arith.addi %add3A_298, %mul3A_297 : i32
          %swap3A_300 = arith.index_cast %add3A_299 : i32 to index
          %swap3A_301 = tpu.vector_load %arg12[%swap3A_300] {strides = array<i32>} : memref<1408xi32, #tpu.memory_space<vmem>>, vector<16xi32>,
          %swap3A_302 = vector.shape_cast %swap3A_301 : vector<16xi32> to vector<16xi32>
          %swap3A_303 = vector.shape_cast %add3A_295 : vector<16xi32> to vector<16xi32>
          tpu.vector_store %arg12[%swap3A_300], %swap3A_303 {strides = array<i32>} : memref<1408xi32, #tpu.memory_space<vmem>>, vector<16xi32>,
        }
        %scan3A_165 = arith.constant 22 : i32
        %dma_start3A_166 = arith.constant 0 : i32
        %dma_start3A_167 = arith.constant 0 : i32
        %dma_start3A_168 = tpu.memref_slice %arg2[%dma_start3A_166, %dma_start3A_167] : memref<262144x32xf32, #tpu.memory_space<hbm>> -> memref<262144x32xf32, #tpu.memory_space<hbm>>
        tpu.enqueue_indirect_dma source(%dma_start3A_168 : memref<262144x32xf32, #tpu.memory_space<hbm>>) target(%arg14 : memref<1408x32xf32, #tpu.memory_space<vmem>>) offsets(%arg12 : memref<1408xi32, #tpu.memory_space<vmem>>) semaphore(%arg20 : memref<!tpu.dma_semaphore, #tpu.memory_space<semaphore_mem>>)
      } else {
      }
      %add3A_119 = arith.constant 2 : i32
      %add3A_120 = arith.addi %add3A_111, %add3A_119 : i32
      %lt3A_121 = arith.constant 72 : i32
      %lt3A_122 = arith.cmpi slt, %add3A_120, %lt3A_121 : i32
      %convert_element_type3A_123 = arith.extui %lt3A_122 : i1 to i32
      %cond3A_124 = arith.constant 0 : i32
      %cond3A_125 = arith.cmpi ne, %convert_element_type3A_123, %cond3A_124 : i32
      scf.if %cond3A_125 {
        %add3A_150 = arith.constant 2 : i32
        %add3A_151 = arith.addi %add3A_111, %add3A_150 : i32
        %mul3A_152 = arith.constant 352 : i32
        %mul3A_153 = arith.muli %add3A_151, %mul3A_152 : i32
        %min3A_154 = arith.constant 24648 : i32
        %min3A_155 = arith.minsi %mul3A_153, %min3A_154 : i32
        %add3A_156 = arith.addi %mul3A_2, %min3A_155 : i32
        %dma_start3A_157 = tpu.memref_slice %arg3[%add3A_156] : memref<800000xf32, #tpu.memory_space<hbm>> -> memref<352xf32, #tpu.memory_space<hbm>>
        %dma_start3A_158 = tpu.memref_slice %arg3[%add3A_156] : memref<800000xf32, #tpu.memory_space<hbm>> -> memref<352xf32, #tpu.memory_space<hbm>>
        tpu.enqueue_dma source(%dma_start3A_158 : memref<352xf32, #tpu.memory_space<hbm>>) target(%arg7 : memref<352xf32, #tpu.memory_space<vmem>>) target_semaphore(%arg19 : memref<!tpu.dma_semaphore, #tpu.memory_space<semaphore_mem>>)
        %dma_start3A_159 = tpu.memref_slice %arg4[%add3A_156] : memref<800000xf32, #tpu.memory_space<hbm>> -> memref<352xf32, #tpu.memory_space<hbm>>
        %dma_start3A_160 = tpu.memref_slice %arg4[%add3A_156] : memref<800000xf32, #tpu.memory_space<hbm>> -> memref<352xf32, #tpu.memory_space<hbm>>
        tpu.enqueue_dma source(%dma_start3A_160 : memref<352xf32, #tpu.memory_space<hbm>>) target(%arg9 : memref<352xf32, #tpu.memory_space<vmem>>) target_semaphore(%arg19 : memref<!tpu.dma_semaphore, #tpu.memory_space<semaphore_mem>>)
      } else {
      }
      %ge3A_126 = arith.constant 2 : i32
      %ge3A_127 = arith.cmpi sge, %add3A_111, %ge3A_126 : i32
      %convert_element_type3A_128 = arith.extui %ge3A_127 : i1 to i32
      %cond3A_129 = arith.constant 0 : i32
      %cond3A_130 = arith.cmpi ne, %convert_element_type3A_128, %cond3A_129 : i32
      scf.if %cond3A_130 {
        %dma_wait3A_150 = arith.constant 0 : i32
        %dma_wait3A_151 = tpu.memref_slice %arg5[%select_n3A, %mul3A_34, %dma_wait3A_150] : memref<16x50000x32xf32, #tpu.memory_space<hbm>> -> memref<1x352x32xf32, #tpu.memory_space<hbm>>
        %dma_wait3A_152 = tpu.memref_squeeze %dma_wait3A_151 : memref<1x352x32xf32, #tpu.memory_space<hbm>> -> memref<352x32xf32, #tpu.memory_space<hbm>>
        %dma_wait3A_153 = arith.constant 0 : i32
        %dma_wait3A_154 = tpu.memref_slice %arg5[%select_n3A, %mul3A_34, %dma_wait3A_153] : memref<16x50000x32xf32, #tpu.memory_space<hbm>> -> memref<1x352x32xf32, #tpu.memory_space<hbm>>
        %dma_wait3A_155 = tpu.memref_squeeze %dma_wait3A_154 : memref<1x352x32xf32, #tpu.memory_space<hbm>> -> memref<352x32xf32, #tpu.memory_space<hbm>>
        tpu.wait_dma2 semaphore(%arg23 : memref<!tpu.dma_semaphore, #tpu.memory_space<semaphore_mem>>) src(%arg17 : memref<352x32xf32, #tpu.memory_space<vmem>>) dst(%dma_wait3A_155 : memref<352x32xf32, #tpu.memory_space<hbm>>)
      } else {
      }
      %dma_wait3A_131 = arith.constant 0 : i32
      %dma_wait3A_132 = arith.constant 0 : i32
      %dma_wait3A_133 = tpu.memref_slice %arg2[%dma_wait3A_131, %dma_wait3A_132] : memref<262144x32xf32, #tpu.memory_space<hbm>> -> memref<262144x32xf32, #tpu.memory_space<hbm>>
      tpu.wait_indirect_dma semaphore(%arg21 : memref<!tpu.dma_semaphore, #tpu.memory_space<semaphore_mem>>) src(%dma_wait3A_133 : memref<262144x32xf32, #tpu.memory_space<hbm>>) dst(%arg15 : memref<1408x32xf32, #tpu.memory_space<vmem>>)
      %scan3A_134 = arith.constant 0 : i32
      %scan3A_135 = arith.constant 22 : i32
      %scan3A_136 = arith.addi %scan3A_134, %scan3A_135 : i32
      %scan3A_137 = arith.constant 1 : i32
      scf.for %scan3A_150 = %scan3A_134 to %scan3A_136 step %scan3A_137  : i32 {
        %mul3A_151 = arith.constant 1 : i32
        %mul3A_152 = arith.muli %scan3A_150, %mul3A_151 : i32
        %add3A_153 = arith.constant 0 : i32
        %add3A_154 = arith.addi %add3A_153, %mul3A_152 : i32
        %mul3A_155 = arith.constant 16 : i32
        %mul3A_156 = arith.muli %add3A_154, %mul3A_155 : i32
        %get3A = arith.constant 0 : i32
        %get3A_157 = arith.index_cast %get3A : i32 to index
        %get3A_158 = arith.index_cast %mul3A_156 : i32 to index
        %get3A_159 = tpu.vector_load %arg11[%get3A_157, %get3A_158] {strides = array<i32>} : memref<4x352xf32, #tpu.memory_space<vmem>>, vector<1x16xf32>,
        %get3A_160 = vector.shape_cast %get3A_159 : vector<1x16xf32> to vector<16xf32>
        %mul3A_161 = arith.constant 16 : i32
        %mul3A_162 = arith.muli %add3A_154, %mul3A_161 : i32
        %get3A_163 = arith.constant 1 : i32
        %get3A_164 = arith.index_cast %get3A_163 : i32 to index
        %get3A_165 = arith.index_cast %mul3A_162 : i32 to index
        %get3A_166 = tpu.vector_load %arg11[%get3A_164, %get3A_165] {strides = array<i32>} : memref<4x352xf32, #tpu.memory_space<vmem>>, vector<1x16xf32>,
        %get3A_167 = vector.shape_cast %get3A_166 : vector<1x16xf32> to vector<16xf32>
        %mul3A_168 = arith.constant 16 : i32
        %mul3A_169 = arith.muli %add3A_154, %mul3A_168 : i32
        %get3A_170 = arith.constant 2 : i32
        %get3A_171 = arith.index_cast %get3A_170 : i32 to index
        %get3A_172 = arith.index_cast %mul3A_169 : i32 to index
        %get3A_173 = tpu.vector_load %arg11[%get3A_171, %get3A_172] {strides = array<i32>} : memref<4x352xf32, #tpu.memory_space<vmem>>, vector<1x16xf32>,
        %get3A_174 = vector.shape_cast %get3A_173 : vector<1x16xf32> to vector<16xf32>
        %mul3A_175 = arith.constant 16 : i32
        %mul3A_176 = arith.muli %add3A_154, %mul3A_175 : i32
        %get3A_177 = arith.constant 3 : i32
        %get3A_178 = arith.index_cast %get3A_177 : i32 to index
        %get3A_179 = arith.index_cast %mul3A_176 : i32 to index
        %get3A_180 = tpu.vector_load %arg11[%get3A_178, %get3A_179] {strides = array<i32>} : memref<4x352xf32, #tpu.memory_space<vmem>>, vector<1x16xf32>,
        %get3A_181 = vector.shape_cast %get3A_180 : vector<1x16xf32> to vector<16xf32>
        %mul3A_182 = arith.constant 16 : i32
        %mul3A_183 = arith.muli %add3A_154, %mul3A_182 : i32
        %add3A_184 = arith.constant 0 : i32
        %add3A_185 = arith.addi %mul3A_183, %add3A_184 : i32
        %broadcast_in_dim3A = arith.constant 0 : i32
        %broadcast_in_dim3A_186 = vector.broadcast %broadcast_in_dim3A : i32 to vector<16x1xi32>
        %gather3A = vector.shape_cast %broadcast_in_dim3A_186 : vector<16x1xi32> to vector<16xi32>
        %gather3A_187 = tpu.dynamic_gather %get3A_160[%gather3A] in [0] : vector<16xf32>, vector<16xi32> -> vector<16xf32>
        %broadcast_in_dim3A_188 = arith.constant 0 : i32
        %broadcast_in_dim3A_189 = vector.broadcast %broadcast_in_dim3A_188 : i32 to vector<16x1xi32>
        %gather3A_190 = vector.shape_cast %broadcast_in_dim3A_189 : vector<16x1xi32> to vector<16xi32>
        %gather3A_191 = tpu.dynamic_gather %get3A_167[%gather3A_190] in [0] : vector<16xf32>, vector<16xi32> -> vector<16xf32>
        %broadcast_in_dim3A_192 = arith.constant 0 : i32
        %broadcast_in_dim3A_193 = vector.broadcast %broadcast_in_dim3A_192 : i32 to vector<16x1xi32>
        %gather3A_194 = vector.shape_cast %broadcast_in_dim3A_193 : vector<16x1xi32> to vector<16xi32>
        %gather3A_195 = tpu.dynamic_gather %get3A_174[%gather3A_194] in [0] : vector<16xf32>, vector<16xi32> -> vector<16xf32>
        %broadcast_in_dim3A_196 = arith.constant 0 : i32
        %broadcast_in_dim3A_197 = vector.broadcast %broadcast_in_dim3A_196 : i32 to vector<16x1xi32>
        %gather3A_198 = vector.shape_cast %broadcast_in_dim3A_197 : vector<16x1xi32> to vector<16xi32>
        %gather3A_199 = tpu.dynamic_gather %get3A_181[%gather3A_198] in [0] : vector<16xf32>, vector<16xi32> -> vector<16xf32>
        %add3A_200 = arith.constant 352 : i32
        %add3A_201 = arith.addi %add3A_185, %add3A_200 : i32
        %add3A_202 = arith.constant 704 : i32
        %add3A_203 = arith.addi %add3A_185, %add3A_202 : i32
        %add3A_204 = arith.constant 1056 : i32
        %add3A_205 = arith.addi %add3A_185, %add3A_204 : i32
        %get3A_206 = arith.constant 0 : i32
        %get3A_207 = tpu.memref_slice %arg15[%add3A_185, %get3A_206] : memref<1408x32xf32, #tpu.memory_space<vmem>> -> memref<1x32xf32, #tpu.memory_space<vmem>>
        %get3A_208 = tpu.memref_squeeze %get3A_207 : memref<1x32xf32, #tpu.memory_space<vmem>> -> memref<32xf32, #tpu.memory_space<vmem>>
        %get3A_209 = arith.constant 0 : index
        %get3A_210 = tpu.vector_load %get3A_208[%get3A_209] {strides = array<i32>} : memref<32xf32, #tpu.memory_space<vmem>>, vector<16xf32>,
        %get3A_211 = vector.shape_cast %get3A_210 : vector<16xf32> to vector<16xf32>
        %mul3A_212 = arith.mulf %gather3A_187, %get3A_211 : vector<16xf32>
        %get3A_213 = arith.constant 0 : i32
        %get3A_214 = tpu.memref_slice %arg15[%add3A_201, %get3A_213] : memref<1408x32xf32, #tpu.memory_space<vmem>> -> memref<1x32xf32, #tpu.memory_space<vmem>>
        %get3A_215 = tpu.memref_squeeze %get3A_214 : memref<1x32xf32, #tpu.memory_space<vmem>> -> memref<32xf32, #tpu.memory_space<vmem>>
        %get3A_216 = arith.constant 0 : index
        %get3A_217 = tpu.vector_load %get3A_215[%get3A_216] {strides = array<i32>} : memref<32xf32, #tpu.memory_space<vmem>>, vector<16xf32>,
        %get3A_218 = vector.shape_cast %get3A_217 : vector<16xf32> to vector<16xf32>
        %mul3A_219 = arith.mulf %gather3A_191, %get3A_218 : vector<16xf32>
        %add3A_220 = arith.addf %mul3A_212, %mul3A_219 : vector<16xf32>
        %get3A_221 = arith.constant 0 : i32
        %get3A_222 = tpu.memref_slice %arg15[%add3A_203, %get3A_221] : memref<1408x32xf32, #tpu.memory_space<vmem>> -> memref<1x32xf32, #tpu.memory_space<vmem>>
        %get3A_223 = tpu.memref_squeeze %get3A_222 : memref<1x32xf32, #tpu.memory_space<vmem>> -> memref<32xf32, #tpu.memory_space<vmem>>
        %get3A_224 = arith.constant 0 : index
        %get3A_225 = tpu.vector_load %get3A_223[%get3A_224] {strides = array<i32>} : memref<32xf32, #tpu.memory_space<vmem>>, vector<16xf32>,
        %get3A_226 = vector.shape_cast %get3A_225 : vector<16xf32> to vector<16xf32>
        %mul3A_227 = arith.mulf %gather3A_195, %get3A_226 : vector<16xf32>
        %add3A_228 = arith.addf %add3A_220, %mul3A_227 : vector<16xf32>
        %get3A_229 = arith.constant 0 : i32
        %get3A_230 = tpu.memref_slice %arg15[%add3A_205, %get3A_229] : memref<1408x32xf32, #tpu.memory_space<vmem>> -> memref<1x32xf32, #tpu.memory_space<vmem>>
        %get3A_231 = tpu.memref_squeeze %get3A_230 : memref<1x32xf32, #tpu.memory_space<vmem>> -> memref<32xf32, #tpu.memory_space<vmem>>
        %get3A_232 = arith.constant 0 : index
        %get3A_233 = tpu.vector_load %get3A_231[%get3A_232] {strides = array<i32>} : memref<32xf32, #tpu.memory_space<vmem>>, vector<16xf32>,
        %get3A_234 = vector.shape_cast %get3A_233 : vector<16xf32> to vector<16xf32>
        %mul3A_235 = arith.mulf %gather3A_199, %get3A_234 : vector<16xf32>
        %add3A_236 = arith.addf %add3A_228, %mul3A_235 : vector<16xf32>
        %swap3A = arith.index_cast %add3A_185 : i32 to index
        %swap3A_237 = arith.constant 0 : index
        %swap3A_238 = tpu.vector_load %arg17[%swap3A, %swap3A_237] {strides = array<i32>} : memref<352x32xf32, #tpu.memory_space<vmem>>, vector<1x16xf32>,
        %swap3A_239 = vector.shape_cast %swap3A_238 : vector<1x16xf32> to vector<16xf32>
        %swap3A_240 = vector.shape_cast %add3A_236 : vector<16xf32> to vector<1x16xf32>
        tpu.vector_store %arg17[%swap3A, %swap3A_237], %swap3A_240 {strides = array<i32>} : memref<352x32xf32, #tpu.memory_space<vmem>>, vector<1x16xf32>,
        %get3A_241 = arith.constant 0 : i32
        %get3A_242 = tpu.memref_slice %arg15[%add3A_185, %get3A_241] : memref<1408x32xf32, #tpu.memory_space<vmem>> -> memref<1x32xf32, #tpu.memory_space<vmem>>
        %get3A_243 = tpu.memref_squeeze %get3A_242 : memref<1x32xf32, #tpu.memory_space<vmem>> -> memref<32xf32, #tpu.memory_space<vmem>>
        %get3A_244 = arith.constant 16 : index
        %get3A_245 = tpu.vector_load %get3A_243[%get3A_244] {strides = array<i32>} : memref<32xf32, #tpu.memory_space<vmem>>, vector<16xf32>,
        %get3A_246 = vector.shape_cast %get3A_245 : vector<16xf32> to vector<16xf32>
        %mul3A_247 = arith.mulf %gather3A_187, %get3A_246 : vector<16xf32>
        %get3A_248 = arith.constant 0 : i32
        %get3A_249 = tpu.memref_slice %arg15[%add3A_201, %get3A_248] : memref<1408x32xf32, #tpu.memory_space<vmem>> -> memref<1x32xf32, #tpu.memory_space<vmem>>
        %get3A_250 = tpu.memref_squeeze %get3A_249 : memref<1x32xf32, #tpu.memory_space<vmem>> -> memref<32xf32, #tpu.memory_space<vmem>>
        %get3A_251 = arith.constant 16 : index
        %get3A_252 = tpu.vector_load %get3A_250[%get3A_251] {strides = array<i32>} : memref<32xf32, #tpu.memory_space<vmem>>, vector<16xf32>,
        %get3A_253 = vector.shape_cast %get3A_252 : vector<16xf32> to vector<16xf32>
        %mul3A_254 = arith.mulf %gather3A_191, %get3A_253 : vector<16xf32>
        %add3A_255 = arith.addf %mul3A_247, %mul3A_254 : vector<16xf32>
        %get3A_256 = arith.constant 0 : i32
        %get3A_257 = tpu.memref_slice %arg15[%add3A_203, %get3A_256] : memref<1408x32xf32, #tpu.memory_space<vmem>> -> memref<1x32xf32, #tpu.memory_space<vmem>>
        %get3A_258 = tpu.memref_squeeze %get3A_257 : memref<1x32xf32, #tpu.memory_space<vmem>> -> memref<32xf32, #tpu.memory_space<vmem>>
        %get3A_259 = arith.constant 16 : index
        %get3A_260 = tpu.vector_load %get3A_258[%get3A_259] {strides = array<i32>} : memref<32xf32, #tpu.memory_space<vmem>>, vector<16xf32>,
        %get3A_261 = vector.shape_cast %get3A_260 : vector<16xf32> to vector<16xf32>
        %mul3A_262 = arith.mulf %gather3A_195, %get3A_261 : vector<16xf32>
        %add3A_263 = arith.addf %add3A_255, %mul3A_262 : vector<16xf32>
        %get3A_264 = arith.constant 0 : i32
        %get3A_265 = tpu.memref_slice %arg15[%add3A_205, %get3A_264] : memref<1408x32xf32, #tpu.memory_space<vmem>> -> memref<1x32xf32, #tpu.memory_space<vmem>>
        %get3A_266 = tpu.memref_squeeze %get3A_265 : memref<1x32xf32, #tpu.memory_space<vmem>> -> memref<32xf32, #tpu.memory_space<vmem>>
        %get3A_267 = arith.constant 16 : index
        %get3A_268 = tpu.vector_load %get3A_266[%get3A_267] {strides = array<i32>} : memref<32xf32, #tpu.memory_space<vmem>>, vector<16xf32>,
        %get3A_269 = vector.shape_cast %get3A_268 : vector<16xf32> to vector<16xf32>
        %mul3A_270 = arith.mulf %gather3A_199, %get3A_269 : vector<16xf32>
        %add3A_271 = arith.addf %add3A_263, %mul3A_270 : vector<16xf32>
        %swap3A_272 = arith.index_cast %add3A_185 : i32 to index
        %swap3A_273 = arith.constant 16 : index
        %swap3A_274 = tpu.vector_load %arg17[%swap3A_272, %swap3A_273] {strides = array<i32>} : memref<352x32xf32, #tpu.memory_space<vmem>>, vector<1x16xf32>,
        %swap3A_275 = vector.shape_cast %swap3A_274 : vector<1x16xf32> to vector<16xf32>
        %swap3A_276 = vector.shape_cast %add3A_271 : vector<16xf32> to vector<1x16xf32>
        tpu.vector_store %arg17[%swap3A_272, %swap3A_273], %swap3A_276 {strides = array<i32>} : memref<352x32xf32, #tpu.memory_space<vmem>>, vector<1x16xf32>,
        %mul3A_277 = arith.constant 16 : i32
        %mul3A_278 = arith.muli %add3A_154, %mul3A_277 : i32
        %add3A_279 = arith.constant 1 : i32
        %add3A_280 = arith.addi %mul3A_278, %add3A_279 : i32
        %broadcast_in_dim3A_281 = arith.constant 1 : i32
        %broadcast_in_dim3A_282 = vector.broadcast %broadcast_in_dim3A_281 : i32 to vector<16x1xi32>
        %gather3A_283 = vector.shape_cast %broadcast_in_dim3A_282 : vector<16x1xi32> to vector<16xi32>
        %gather3A_284 = tpu.dynamic_gather %get3A_160[%gather3A_283] in [0] : vector<16xf32>, vector<16xi32> -> vector<16xf32>
        %broadcast_in_dim3A_285 = arith.constant 1 : i32
        %broadcast_in_dim3A_286 = vector.broadcast %broadcast_in_dim3A_285 : i32 to vector<16x1xi32>
        %gather3A_287 = vector.shape_cast %broadcast_in_dim3A_286 : vector<16x1xi32> to vector<16xi32>
        %gather3A_288 = tpu.dynamic_gather %get3A_167[%gather3A_287] in [0] : vector<16xf32>, vector<16xi32> -> vector<16xf32>
        %broadcast_in_dim3A_289 = arith.constant 1 : i32
        %broadcast_in_dim3A_290 = vector.broadcast %broadcast_in_dim3A_289 : i32 to vector<16x1xi32>
        %gather3A_291 = vector.shape_cast %broadcast_in_dim3A_290 : vector<16x1xi32> to vector<16xi32>
        %gather3A_292 = tpu.dynamic_gather %get3A_174[%gather3A_291] in [0] : vector<16xf32>, vector<16xi32> -> vector<16xf32>
        %broadcast_in_dim3A_293 = arith.constant 1 : i32
        %broadcast_in_dim3A_294 = vector.broadcast %broadcast_in_dim3A_293 : i32 to vector<16x1xi32>
        %gather3A_295 = vector.shape_cast %broadcast_in_dim3A_294 : vector<16x1xi32> to vector<16xi32>
        %gather3A_296 = tpu.dynamic_gather %get3A_181[%gather3A_295] in [0] : vector<16xf32>, vector<16xi32> -> vector<16xf32>
        %add3A_297 = arith.constant 352 : i32
        %add3A_298 = arith.addi %add3A_280, %add3A_297 : i32
        %add3A_299 = arith.constant 704 : i32
        %add3A_300 = arith.addi %add3A_280, %add3A_299 : i32
        %add3A_301 = arith.constant 1056 : i32
        %add3A_302 = arith.addi %add3A_280, %add3A_301 : i32
        %get3A_303 = arith.constant 0 : i32
        %get3A_304 = tpu.memref_slice %arg15[%add3A_280, %get3A_303] : memref<1408x32xf32, #tpu.memory_space<vmem>> -> memref<1x32xf32, #tpu.memory_space<vmem>>
        %get3A_305 = tpu.memref_squeeze %get3A_304 : memref<1x32xf32, #tpu.memory_space<vmem>> -> memref<32xf32, #tpu.memory_space<vmem>>
        %get3A_306 = arith.constant 0 : index
        %get3A_307 = tpu.vector_load %get3A_305[%get3A_306] {strides = array<i32>} : memref<32xf32, #tpu.memory_space<vmem>>, vector<16xf32>,
        %get3A_308 = vector.shape_cast %get3A_307 : vector<16xf32> to vector<16xf32>
        %mul3A_309 = arith.mulf %gather3A_284, %get3A_308 : vector<16xf32>
        %get3A_310 = arith.constant 0 : i32
        %get3A_311 = tpu.memref_slice %arg15[%add3A_298, %get3A_310] : memref<1408x32xf32, #tpu.memory_space<vmem>> -> memref<1x32xf32, #tpu.memory_space<vmem>>
        %get3A_312 = tpu.memref_squeeze %get3A_311 : memref<1x32xf32, #tpu.memory_space<vmem>> -> memref<32xf32, #tpu.memory_space<vmem>>
        %get3A_313 = arith.constant 0 : index
        %get3A_314 = tpu.vector_load %get3A_312[%get3A_313] {strides = array<i32>} : memref<32xf32, #tpu.memory_space<vmem>>, vector<16xf32>,
        %get3A_315 = vector.shape_cast %get3A_314 : vector<16xf32> to vector<16xf32>
        %mul3A_316 = arith.mulf %gather3A_288, %get3A_315 : vector<16xf32>
        %add3A_317 = arith.addf %mul3A_309, %mul3A_316 : vector<16xf32>
        %get3A_318 = arith.constant 0 : i32
        %get3A_319 = tpu.memref_slice %arg15[%add3A_300, %get3A_318] : memref<1408x32xf32, #tpu.memory_space<vmem>> -> memref<1x32xf32, #tpu.memory_space<vmem>>
        %get3A_320 = tpu.memref_squeeze %get3A_319 : memref<1x32xf32, #tpu.memory_space<vmem>> -> memref<32xf32, #tpu.memory_space<vmem>>
        %get3A_321 = arith.constant 0 : index
        %get3A_322 = tpu.vector_load %get3A_320[%get3A_321] {strides = array<i32>} : memref<32xf32, #tpu.memory_space<vmem>>, vector<16xf32>,
        %get3A_323 = vector.shape_cast %get3A_322 : vector<16xf32> to vector<16xf32>
        %mul3A_324 = arith.mulf %gather3A_292, %get3A_323 : vector<16xf32>
        %add3A_325 = arith.addf %add3A_317, %mul3A_324 : vector<16xf32>
        %get3A_326 = arith.constant 0 : i32
        %get3A_327 = tpu.memref_slice %arg15[%add3A_302, %get3A_326] : memref<1408x32xf32, #tpu.memory_space<vmem>> -> memref<1x32xf32, #tpu.memory_space<vmem>>
        %get3A_328 = tpu.memref_squeeze %get3A_327 : memref<1x32xf32, #tpu.memory_space<vmem>> -> memref<32xf32, #tpu.memory_space<vmem>>
        %get3A_329 = arith.constant 0 : index
        %get3A_330 = tpu.vector_load %get3A_328[%get3A_329] {strides = array<i32>} : memref<32xf32, #tpu.memory_space<vmem>>, vector<16xf32>,
        %get3A_331 = vector.shape_cast %get3A_330 : vector<16xf32> to vector<16xf32>
        %mul3A_332 = arith.mulf %gather3A_296, %get3A_331 : vector<16xf32>
        %add3A_333 = arith.addf %add3A_325, %mul3A_332 : vector<16xf32>
        %swap3A_334 = arith.index_cast %add3A_280 : i32 to index
        %swap3A_335 = arith.constant 0 : index
        %swap3A_336 = tpu.vector_load %arg17[%swap3A_334, %swap3A_335] {strides = array<i32>} : memref<352x32xf32, #tpu.memory_space<vmem>>, vector<1x16xf32>,
        %swap3A_337 = vector.shape_cast %swap3A_336 : vector<1x16xf32> to vector<16xf32>
        %swap3A_338 = vector.shape_cast %add3A_333 : vector<16xf32> to vector<1x16xf32>
        tpu.vector_store %arg17[%swap3A_334, %swap3A_335], %swap3A_338 {strides = array<i32>} : memref<352x32xf32, #tpu.memory_space<vmem>>, vector<1x16xf32>,
        %get3A_339 = arith.constant 0 : i32
        %get3A_340 = tpu.memref_slice %arg15[%add3A_280, %get3A_339] : memref<1408x32xf32, #tpu.memory_space<vmem>> -> memref<1x32xf32, #tpu.memory_space<vmem>>
        %get3A_341 = tpu.memref_squeeze %get3A_340 : memref<1x32xf32, #tpu.memory_space<vmem>> -> memref<32xf32, #tpu.memory_space<vmem>>
        %get3A_342 = arith.constant 16 : index
        %get3A_343 = tpu.vector_load %get3A_341[%get3A_342] {strides = array<i32>} : memref<32xf32, #tpu.memory_space<vmem>>, vector<16xf32>,
        %get3A_344 = vector.shape_cast %get3A_343 : vector<16xf32> to vector<16xf32>
        %mul3A_345 = arith.mulf %gather3A_284, %get3A_344 : vector<16xf32>
        %get3A_346 = arith.constant 0 : i32
        %get3A_347 = tpu.memref_slice %arg15[%add3A_298, %get3A_346] : memref<1408x32xf32, #tpu.memory_space<vmem>> -> memref<1x32xf32, #tpu.memory_space<vmem>>
        %get3A_348 = tpu.memref_squeeze %get3A_347 : memref<1x32xf32, #tpu.memory_space<vmem>> -> memref<32xf32, #tpu.memory_space<vmem>>
        %get3A_349 = arith.constant 16 : index
        %get3A_350 = tpu.vector_load %get3A_348[%get3A_349] {strides = array<i32>} : memref<32xf32, #tpu.memory_space<vmem>>, vector<16xf32>,
        %get3A_351 = vector.shape_cast %get3A_350 : vector<16xf32> to vector<16xf32>
        %mul3A_352 = arith.mulf %gather3A_288, %get3A_351 : vector<16xf32>
        %add3A_353 = arith.addf %mul3A_345, %mul3A_352 : vector<16xf32>
        %get3A_354 = arith.constant 0 : i32
        %get3A_355 = tpu.memref_slice %arg15[%add3A_300, %get3A_354] : memref<1408x32xf32, #tpu.memory_space<vmem>> -> memref<1x32xf32, #tpu.memory_space<vmem>>
        %get3A_356 = tpu.memref_squeeze %get3A_355 : memref<1x32xf32, #tpu.memory_space<vmem>> -> memref<32xf32, #tpu.memory_space<vmem>>
        %get3A_357 = arith.constant 16 : index
        %get3A_358 = tpu.vector_load %get3A_356[%get3A_357] {strides = array<i32>} : memref<32xf32, #tpu.memory_space<vmem>>, vector<16xf32>,
        %get3A_359 = vector.shape_cast %get3A_358 : vector<16xf32> to vector<16xf32>
        %mul3A_360 = arith.mulf %gather3A_292, %get3A_359 : vector<16xf32>
        %add3A_361 = arith.addf %add3A_353, %mul3A_360 : vector<16xf32>
        %get3A_362 = arith.constant 0 : i32
        %get3A_363 = tpu.memref_slice %arg15[%add3A_302, %get3A_362] : memref<1408x32xf32, #tpu.memory_space<vmem>> -> memref<1x32xf32, #tpu.memory_space<vmem>>
        %get3A_364 = tpu.memref_squeeze %get3A_363 : memref<1x32xf32, #tpu.memory_space<vmem>> -> memref<32xf32, #tpu.memory_space<vmem>>
        %get3A_365 = arith.constant 16 : index
        %get3A_366 = tpu.vector_load %get3A_364[%get3A_365] {strides = array<i32>} : memref<32xf32, #tpu.memory_space<vmem>>, vector<16xf32>,
        %get3A_367 = vector.shape_cast %get3A_366 : vector<16xf32> to vector<16xf32>
        %mul3A_368 = arith.mulf %gather3A_296, %get3A_367 : vector<16xf32>
        %add3A_369 = arith.addf %add3A_361, %mul3A_368 : vector<16xf32>
        %swap3A_370 = arith.index_cast %add3A_280 : i32 to index
        %swap3A_371 = arith.constant 16 : index
        %swap3A_372 = tpu.vector_load %arg17[%swap3A_370, %swap3A_371] {strides = array<i32>} : memref<352x32xf32, #tpu.memory_space<vmem>>, vector<1x16xf32>,
        %swap3A_373 = vector.shape_cast %swap3A_372 : vector<1x16xf32> to vector<16xf32>
        %swap3A_374 = vector.shape_cast %add3A_369 : vector<16xf32> to vector<1x16xf32>
        tpu.vector_store %arg17[%swap3A_370, %swap3A_371], %swap3A_374 {strides = array<i32>} : memref<352x32xf32, #tpu.memory_space<vmem>>, vector<1x16xf32>,
        %mul3A_375 = arith.constant 16 : i32
        %mul3A_376 = arith.muli %add3A_154, %mul3A_375 : i32
        %add3A_377 = arith.constant 2 : i32
        %add3A_378 = arith.addi %mul3A_376, %add3A_377 : i32
        %broadcast_in_dim3A_379 = arith.constant 2 : i32
        %broadcast_in_dim3A_380 = vector.broadcast %broadcast_in_dim3A_379 : i32 to vector<16x1xi32>
        %gather3A_381 = vector.shape_cast %broadcast_in_dim3A_380 : vector<16x1xi32> to vector<16xi32>
        %gather3A_382 = tpu.dynamic_gather %get3A_160[%gather3A_381] in [0] : vector<16xf32>, vector<16xi32> -> vector<16xf32>
        %broadcast_in_dim3A_383 = arith.constant 2 : i32
        %broadcast_in_dim3A_384 = vector.broadcast %broadcast_in_dim3A_383 : i32 to vector<16x1xi32>
        %gather3A_385 = vector.shape_cast %broadcast_in_dim3A_384 : vector<16x1xi32> to vector<16xi32>
        %gather3A_386 = tpu.dynamic_gather %get3A_167[%gather3A_385] in [0] : vector<16xf32>, vector<16xi32> -> vector<16xf32>
        %broadcast_in_dim3A_387 = arith.constant 2 : i32
        %broadcast_in_dim3A_388 = vector.broadcast %broadcast_in_dim3A_387 : i32 to vector<16x1xi32>
        %gather3A_389 = vector.shape_cast %broadcast_in_dim3A_388 : vector<16x1xi32> to vector<16xi32>
        %gather3A_390 = tpu.dynamic_gather %get3A_174[%gather3A_389] in [0] : vector<16xf32>, vector<16xi32> -> vector<16xf32>
        %broadcast_in_dim3A_391 = arith.constant 2 : i32
        %broadcast_in_dim3A_392 = vector.broadcast %broadcast_in_dim3A_391 : i32 to vector<16x1xi32>
        %gather3A_393 = vector.shape_cast %broadcast_in_dim3A_392 : vector<16x1xi32> to vector<16xi32>
        %gather3A_394 = tpu.dynamic_gather %get3A_181[%gather3A_393] in [0] : vector<16xf32>, vector<16xi32> -> vector<16xf32>
        %add3A_395 = arith.constant 352 : i32
        %add3A_396 = arith.addi %add3A_378, %add3A_395 : i32
        %add3A_397 = arith.constant 704 : i32
        %add3A_398 = arith.addi %add3A_378, %add3A_397 : i32
        %add3A_399 = arith.constant 1056 : i32
        %add3A_400 = arith.addi %add3A_378, %add3A_399 : i32
        %get3A_401 = arith.constant 0 : i32
        %get3A_402 = tpu.memref_slice %arg15[%add3A_378, %get3A_401] : memref<1408x32xf32, #tpu.memory_space<vmem>> -> memref<1x32xf32, #tpu.memory_space<vmem>>
        %get3A_403 = tpu.memref_squeeze %get3A_402 : memref<1x32xf32, #tpu.memory_space<vmem>> -> memref<32xf32, #tpu.memory_space<vmem>>
        %get3A_404 = arith.constant 0 : index
        %get3A_405 = tpu.vector_load %get3A_403[%get3A_404] {strides = array<i32>} : memref<32xf32, #tpu.memory_space<vmem>>, vector<16xf32>,
        %get3A_406 = vector.shape_cast %get3A_405 : vector<16xf32> to vector<16xf32>
        %mul3A_407 = arith.mulf %gather3A_382, %get3A_406 : vector<16xf32>
        %get3A_408 = arith.constant 0 : i32
        %get3A_409 = tpu.memref_slice %arg15[%add3A_396, %get3A_408] : memref<1408x32xf32, #tpu.memory_space<vmem>> -> memref<1x32xf32, #tpu.memory_space<vmem>>
        %get3A_410 = tpu.memref_squeeze %get3A_409 : memref<1x32xf32, #tpu.memory_space<vmem>> -> memref<32xf32, #tpu.memory_space<vmem>>
        %get3A_411 = arith.constant 0 : index
        %get3A_412 = tpu.vector_load %get3A_410[%get3A_411] {strides = array<i32>} : memref<32xf32, #tpu.memory_space<vmem>>, vector<16xf32>,
        %get3A_413 = vector.shape_cast %get3A_412 : vector<16xf32> to vector<16xf32>
        %mul3A_414 = arith.mulf %gather3A_386, %get3A_413 : vector<16xf32>
        %add3A_415 = arith.addf %mul3A_407, %mul3A_414 : vector<16xf32>
        %get3A_416 = arith.constant 0 : i32
        %get3A_417 = tpu.memref_slice %arg15[%add3A_398, %get3A_416] : memref<1408x32xf32, #tpu.memory_space<vmem>> -> memref<1x32xf32, #tpu.memory_space<vmem>>
        %get3A_418 = tpu.memref_squeeze %get3A_417 : memref<1x32xf32, #tpu.memory_space<vmem>> -> memref<32xf32, #tpu.memory_space<vmem>>
        %get3A_419 = arith.constant 0 : index
        %get3A_420 = tpu.vector_load %get3A_418[%get3A_419] {strides = array<i32>} : memref<32xf32, #tpu.memory_space<vmem>>, vector<16xf32>,
        %get3A_421 = vector.shape_cast %get3A_420 : vector<16xf32> to vector<16xf32>
        %mul3A_422 = arith.mulf %gather3A_390, %get3A_421 : vector<16xf32>
        %add3A_423 = arith.addf %add3A_415, %mul3A_422 : vector<16xf32>
        %get3A_424 = arith.constant 0 : i32
        %get3A_425 = tpu.memref_slice %arg15[%add3A_400, %get3A_424] : memref<1408x32xf32, #tpu.memory_space<vmem>> -> memref<1x32xf32, #tpu.memory_space<vmem>>
        %get3A_426 = tpu.memref_squeeze %get3A_425 : memref<1x32xf32, #tpu.memory_space<vmem>> -> memref<32xf32, #tpu.memory_space<vmem>>
        %get3A_427 = arith.constant 0 : index
        %get3A_428 = tpu.vector_load %get3A_426[%get3A_427] {strides = array<i32>} : memref<32xf32, #tpu.memory_space<vmem>>, vector<16xf32>,
        %get3A_429 = vector.shape_cast %get3A_428 : vector<16xf32> to vector<16xf32>
        %mul3A_430 = arith.mulf %gather3A_394, %get3A_429 : vector<16xf32>
        %add3A_431 = arith.addf %add3A_423, %mul3A_430 : vector<16xf32>
        %swap3A_432 = arith.index_cast %add3A_378 : i32 to index
        %swap3A_433 = arith.constant 0 : index
        %swap3A_434 = tpu.vector_load %arg17[%swap3A_432, %swap3A_433] {strides = array<i32>} : memref<352x32xf32, #tpu.memory_space<vmem>>, vector<1x16xf32>,
        %swap3A_435 = vector.shape_cast %swap3A_434 : vector<1x16xf32> to vector<16xf32>
        %swap3A_436 = vector.shape_cast %add3A_431 : vector<16xf32> to vector<1x16xf32>
        tpu.vector_store %arg17[%swap3A_432, %swap3A_433], %swap3A_436 {strides = array<i32>} : memref<352x32xf32, #tpu.memory_space<vmem>>, vector<1x16xf32>,
        %get3A_437 = arith.constant 0 : i32
        %get3A_438 = tpu.memref_slice %arg15[%add3A_378, %get3A_437] : memref<1408x32xf32, #tpu.memory_space<vmem>> -> memref<1x32xf32, #tpu.memory_space<vmem>>
        %get3A_439 = tpu.memref_squeeze %get3A_438 : memref<1x32xf32, #tpu.memory_space<vmem>> -> memref<32xf32, #tpu.memory_space<vmem>>
        %get3A_440 = arith.constant 16 : index
        %get3A_441 = tpu.vector_load %get3A_439[%get3A_440] {strides = array<i32>} : memref<32xf32, #tpu.memory_space<vmem>>, vector<16xf32>,
        %get3A_442 = vector.shape_cast %get3A_441 : vector<16xf32> to vector<16xf32>
        %mul3A_443 = arith.mulf %gather3A_382, %get3A_442 : vector<16xf32>
        %get3A_444 = arith.constant 0 : i32
        %get3A_445 = tpu.memref_slice %arg15[%add3A_396, %get3A_444] : memref<1408x32xf32, #tpu.memory_space<vmem>> -> memref<1x32xf32, #tpu.memory_space<vmem>>
        %get3A_446 = tpu.memref_squeeze %get3A_445 : memref<1x32xf32, #tpu.memory_space<vmem>> -> memref<32xf32, #tpu.memory_space<vmem>>
        %get3A_447 = arith.constant 16 : index
        %get3A_448 = tpu.vector_load %get3A_446[%get3A_447] {strides = array<i32>} : memref<32xf32, #tpu.memory_space<vmem>>, vector<16xf32>,
        %get3A_449 = vector.shape_cast %get3A_448 : vector<16xf32> to vector<16xf32>
        %mul3A_450 = arith.mulf %gather3A_386, %get3A_449 : vector<16xf32>
        %add3A_451 = arith.addf %mul3A_443, %mul3A_450 : vector<16xf32>
        %get3A_452 = arith.constant 0 : i32
        %get3A_453 = tpu.memref_slice %arg15[%add3A_398, %get3A_452] : memref<1408x32xf32, #tpu.memory_space<vmem>> -> memref<1x32xf32, #tpu.memory_space<vmem>>
        %get3A_454 = tpu.memref_squeeze %get3A_453 : memref<1x32xf32, #tpu.memory_space<vmem>> -> memref<32xf32, #tpu.memory_space<vmem>>
        %get3A_455 = arith.constant 16 : index
        %get3A_456 = tpu.vector_load %get3A_454[%get3A_455] {strides = array<i32>} : memref<32xf32, #tpu.memory_space<vmem>>, vector<16xf32>,
        %get3A_457 = vector.shape_cast %get3A_456 : vector<16xf32> to vector<16xf32>
        %mul3A_458 = arith.mulf %gather3A_390, %get3A_457 : vector<16xf32>
        %add3A_459 = arith.addf %add3A_451, %mul3A_458 : vector<16xf32>
        %get3A_460 = arith.constant 0 : i32
        %get3A_461 = tpu.memref_slice %arg15[%add3A_400, %get3A_460] : memref<1408x32xf32, #tpu.memory_space<vmem>> -> memref<1x32xf32, #tpu.memory_space<vmem>>
        %get3A_462 = tpu.memref_squeeze %get3A_461 : memref<1x32xf32, #tpu.memory_space<vmem>> -> memref<32xf32, #tpu.memory_space<vmem>>
        %get3A_463 = arith.constant 16 : index
        %get3A_464 = tpu.vector_load %get3A_462[%get3A_463] {strides = array<i32>} : memref<32xf32, #tpu.memory_space<vmem>>, vector<16xf32>,
        %get3A_465 = vector.shape_cast %get3A_464 : vector<16xf32> to vector<16xf32>
        %mul3A_466 = arith.mulf %gather3A_394, %get3A_465 : vector<16xf32>
        %add3A_467 = arith.addf %add3A_459, %mul3A_466 : vector<16xf32>
        %swap3A_468 = arith.index_cast %add3A_378 : i32 to index
        %swap3A_469 = arith.constant 16 : index
        %swap3A_470 = tpu.vector_load %arg17[%swap3A_468, %swap3A_469] {strides = array<i32>} : memref<352x32xf32, #tpu.memory_space<vmem>>, vector<1x16xf32>,
        %swap3A_471 = vector.shape_cast %swap3A_470 : vector<1x16xf32> to vector<16xf32>
        %swap3A_472 = vector.shape_cast %add3A_467 : vector<16xf32> to vector<1x16xf32>
        tpu.vector_store %arg17[%swap3A_468, %swap3A_469], %swap3A_472 {strides = array<i32>} : memref<352x32xf32, #tpu.memory_space<vmem>>, vector<1x16xf32>,
        %mul3A_473 = arith.constant 16 : i32
        %mul3A_474 = arith.muli %add3A_154, %mul3A_473 : i32
        %add3A_475 = arith.constant 3 : i32
        %add3A_476 = arith.addi %mul3A_474, %add3A_475 : i32
        %broadcast_in_dim3A_477 = arith.constant 3 : i32
        %broadcast_in_dim3A_478 = vector.broadcast %broadcast_in_dim3A_477 : i32 to vector<16x1xi32>
        %gather3A_479 = vector.shape_cast %broadcast_in_dim3A_478 : vector<16x1xi32> to vector<16xi32>
        %gather3A_480 = tpu.dynamic_gather %get3A_160[%gather3A_479] in [0] : vector<16xf32>, vector<16xi32> -> vector<16xf32>
        %broadcast_in_dim3A_481 = arith.constant 3 : i32
        %broadcast_in_dim3A_482 = vector.broadcast %broadcast_in_dim3A_481 : i32 to vector<16x1xi32>
        %gather3A_483 = vector.shape_cast %broadcast_in_dim3A_482 : vector<16x1xi32> to vector<16xi32>
        %gather3A_484 = tpu.dynamic_gather %get3A_167[%gather3A_483] in [0] : vector<16xf32>, vector<16xi32> -> vector<16xf32>
        %broadcast_in_dim3A_485 = arith.constant 3 : i32
        %broadcast_in_dim3A_486 = vector.broadcast %broadcast_in_dim3A_485 : i32 to vector<16x1xi32>
        %gather3A_487 = vector.shape_cast %broadcast_in_dim3A_486 : vector<16x1xi32> to vector<16xi32>
        %gather3A_488 = tpu.dynamic_gather %get3A_174[%gather3A_487] in [0] : vector<16xf32>, vector<16xi32> -> vector<16xf32>
        %broadcast_in_dim3A_489 = arith.constant 3 : i32
        %broadcast_in_dim3A_490 = vector.broadcast %broadcast_in_dim3A_489 : i32 to vector<16x1xi32>
        %gather3A_491 = vector.shape_cast %broadcast_in_dim3A_490 : vector<16x1xi32> to vector<16xi32>
        %gather3A_492 = tpu.dynamic_gather %get3A_181[%gather3A_491] in [0] : vector<16xf32>, vector<16xi32> -> vector<16xf32>
        %add3A_493 = arith.constant 352 : i32
        %add3A_494 = arith.addi %add3A_476, %add3A_493 : i32
        %add3A_495 = arith.constant 704 : i32
        %add3A_496 = arith.addi %add3A_476, %add3A_495 : i32
        %add3A_497 = arith.constant 1056 : i32
        %add3A_498 = arith.addi %add3A_476, %add3A_497 : i32
        %get3A_499 = arith.constant 0 : i32
        %get3A_500 = tpu.memref_slice %arg15[%add3A_476, %get3A_499] : memref<1408x32xf32, #tpu.memory_space<vmem>> -> memref<1x32xf32, #tpu.memory_space<vmem>>
        %get3A_501 = tpu.memref_squeeze %get3A_500 : memref<1x32xf32, #tpu.memory_space<vmem>> -> memref<32xf32, #tpu.memory_space<vmem>>
        %get3A_502 = arith.constant 0 : index
        %get3A_503 = tpu.vector_load %get3A_501[%get3A_502] {strides = array<i32>} : memref<32xf32, #tpu.memory_space<vmem>>, vector<16xf32>,
        %get3A_504 = vector.shape_cast %get3A_503 : vector<16xf32> to vector<16xf32>
        %mul3A_505 = arith.mulf %gather3A_480, %get3A_504 : vector<16xf32>
        %get3A_506 = arith.constant 0 : i32
        %get3A_507 = tpu.memref_slice %arg15[%add3A_494, %get3A_506] : memref<1408x32xf32, #tpu.memory_space<vmem>> -> memref<1x32xf32, #tpu.memory_space<vmem>>
        %get3A_508 = tpu.memref_squeeze %get3A_507 : memref<1x32xf32, #tpu.memory_space<vmem>> -> memref<32xf32, #tpu.memory_space<vmem>>
        %get3A_509 = arith.constant 0 : index
        %get3A_510 = tpu.vector_load %get3A_508[%get3A_509] {strides = array<i32>} : memref<32xf32, #tpu.memory_space<vmem>>, vector<16xf32>,
        %get3A_511 = vector.shape_cast %get3A_510 : vector<16xf32> to vector<16xf32>
        %mul3A_512 = arith.mulf %gather3A_484, %get3A_511 : vector<16xf32>
        %add3A_513 = arith.addf %mul3A_505, %mul3A_512 : vector<16xf32>
        %get3A_514 = arith.constant 0 : i32
        %get3A_515 = tpu.memref_slice %arg15[%add3A_496, %get3A_514] : memref<1408x32xf32, #tpu.memory_space<vmem>> -> memref<1x32xf32, #tpu.memory_space<vmem>>
        %get3A_516 = tpu.memref_squeeze %get3A_515 : memref<1x32xf32, #tpu.memory_space<vmem>> -> memref<32xf32, #tpu.memory_space<vmem>>
        %get3A_517 = arith.constant 0 : index
        %get3A_518 = tpu.vector_load %get3A_516[%get3A_517] {strides = array<i32>} : memref<32xf32, #tpu.memory_space<vmem>>, vector<16xf32>,
        %get3A_519 = vector.shape_cast %get3A_518 : vector<16xf32> to vector<16xf32>
        %mul3A_520 = arith.mulf %gather3A_488, %get3A_519 : vector<16xf32>
        %add3A_521 = arith.addf %add3A_513, %mul3A_520 : vector<16xf32>
        %get3A_522 = arith.constant 0 : i32
        %get3A_523 = tpu.memref_slice %arg15[%add3A_498, %get3A_522] : memref<1408x32xf32, #tpu.memory_space<vmem>> -> memref<1x32xf32, #tpu.memory_space<vmem>>
        %get3A_524 = tpu.memref_squeeze %get3A_523 : memref<1x32xf32, #tpu.memory_space<vmem>> -> memref<32xf32, #tpu.memory_space<vmem>>
        %get3A_525 = arith.constant 0 : index
        %get3A_526 = tpu.vector_load %get3A_524[%get3A_525] {strides = array<i32>} : memref<32xf32, #tpu.memory_space<vmem>>, vector<16xf32>,
        %get3A_527 = vector.shape_cast %get3A_526 : vector<16xf32> to vector<16xf32>
        %mul3A_528 = arith.mulf %gather3A_492, %get3A_527 : vector<16xf32>
        %add3A_529 = arith.addf %add3A_521, %mul3A_528 : vector<16xf32>
        %swap3A_530 = arith.index_cast %add3A_476 : i32 to index
        %swap3A_531 = arith.constant 0 : index
        %swap3A_532 = tpu.vector_load %arg17[%swap3A_530, %swap3A_531] {strides = array<i32>} : memref<352x32xf32, #tpu.memory_space<vmem>>, vector<1x16xf32>,
        %swap3A_533 = vector.shape_cast %swap3A_532 : vector<1x16xf32> to vector<16xf32>
        %swap3A_534 = vector.shape_cast %add3A_529 : vector<16xf32> to vector<1x16xf32>
        tpu.vector_store %arg17[%swap3A_530, %swap3A_531], %swap3A_534 {strides = array<i32>} : memref<352x32xf32, #tpu.memory_space<vmem>>, vector<1x16xf32>,
        %get3A_535 = arith.constant 0 : i32
        %get3A_536 = tpu.memref_slice %arg15[%add3A_476, %get3A_535] : memref<1408x32xf32, #tpu.memory_space<vmem>> -> memref<1x32xf32, #tpu.memory_space<vmem>>
        %get3A_537 = tpu.memref_squeeze %get3A_536 : memref<1x32xf32, #tpu.memory_space<vmem>> -> memref<32xf32, #tpu.memory_space<vmem>>
        %get3A_538 = arith.constant 16 : index
        %get3A_539 = tpu.vector_load %get3A_537[%get3A_538] {strides = array<i32>} : memref<32xf32, #tpu.memory_space<vmem>>, vector<16xf32>,
        %get3A_540 = vector.shape_cast %get3A_539 : vector<16xf32> to vector<16xf32>
        %mul3A_541 = arith.mulf %gather3A_480, %get3A_540 : vector<16xf32>
        %get3A_542 = arith.constant 0 : i32
        %get3A_543 = tpu.memref_slice %arg15[%add3A_494, %get3A_542] : memref<1408x32xf32, #tpu.memory_space<vmem>> -> memref<1x32xf32, #tpu.memory_space<vmem>>
        %get3A_544 = tpu.memref_squeeze %get3A_543 : memref<1x32xf32, #tpu.memory_space<vmem>> -> memref<32xf32, #tpu.memory_space<vmem>>
        %get3A_545 = arith.constant 16 : index
        %get3A_546 = tpu.vector_load %get3A_544[%get3A_545] {strides = array<i32>} : memref<32xf32, #tpu.memory_space<vmem>>, vector<16xf32>,
        %get3A_547 = vector.shape_cast %get3A_546 : vector<16xf32> to vector<16xf32>
        %mul3A_548 = arith.mulf %gather3A_484, %get3A_547 : vector<16xf32>
        %add3A_549 = arith.addf %mul3A_541, %mul3A_548 : vector<16xf32>
        %get3A_550 = arith.constant 0 : i32
        %get3A_551 = tpu.memref_slice %arg15[%add3A_496, %get3A_550] : memref<1408x32xf32, #tpu.memory_space<vmem>> -> memref<1x32xf32, #tpu.memory_space<vmem>>
        %get3A_552 = tpu.memref_squeeze %get3A_551 : memref<1x32xf32, #tpu.memory_space<vmem>> -> memref<32xf32, #tpu.memory_space<vmem>>
        %get3A_553 = arith.constant 16 : index
        %get3A_554 = tpu.vector_load %get3A_552[%get3A_553] {strides = array<i32>} : memref<32xf32, #tpu.memory_space<vmem>>, vector<16xf32>,
        %get3A_555 = vector.shape_cast %get3A_554 : vector<16xf32> to vector<16xf32>
        %mul3A_556 = arith.mulf %gather3A_488, %get3A_555 : vector<16xf32>
        %add3A_557 = arith.addf %add3A_549, %mul3A_556 : vector<16xf32>
        %get3A_558 = arith.constant 0 : i32
        %get3A_559 = tpu.memref_slice %arg15[%add3A_498, %get3A_558] : memref<1408x32xf32, #tpu.memory_space<vmem>> -> memref<1x32xf32, #tpu.memory_space<vmem>>
        %get3A_560 = tpu.memref_squeeze %get3A_559 : memref<1x32xf32, #tpu.memory_space<vmem>> -> memref<32xf32, #tpu.memory_space<vmem>>
        %get3A_561 = arith.constant 16 : index
        %get3A_562 = tpu.vector_load %get3A_560[%get3A_561] {strides = array<i32>} : memref<32xf32, #tpu.memory_space<vmem>>, vector<16xf32>,
        %get3A_563 = vector.shape_cast %get3A_562 : vector<16xf32> to vector<16xf32>
        %mul3A_564 = arith.mulf %gather3A_492, %get3A_563 : vector<16xf32>
        %add3A_565 = arith.addf %add3A_557, %mul3A_564 : vector<16xf32>
        %swap3A_566 = arith.index_cast %add3A_476 : i32 to index
        %swap3A_567 = arith.constant 16 : index
        %swap3A_568 = tpu.vector_load %arg17[%swap3A_566, %swap3A_567] {strides = array<i32>} : memref<352x32xf32, #tpu.memory_space<vmem>>, vector<1x16xf32>,
        %swap3A_569 = vector.shape_cast %swap3A_568 : vector<1x16xf32> to vector<16xf32>
        %swap3A_570 = vector.shape_cast %add3A_565 : vector<16xf32> to vector<1x16xf32>
        tpu.vector_store %arg17[%swap3A_566, %swap3A_567], %swap3A_570 {strides = array<i32>} : memref<352x32xf32, #tpu.memory_space<vmem>>, vector<1x16xf32>,
        %mul3A_571 = arith.constant 16 : i32
        %mul3A_572 = arith.muli %add3A_154, %mul3A_571 : i32
        %add3A_573 = arith.constant 4 : i32
        %add3A_574 = arith.addi %mul3A_572, %add3A_573 : i32
        %broadcast_in_dim3A_575 = arith.constant 4 : i32
        %broadcast_in_dim3A_576 = vector.broadcast %broadcast_in_dim3A_575 : i32 to vector<16x1xi32>
        %gather3A_577 = vector.shape_cast %broadcast_in_dim3A_576 : vector<16x1xi32> to vector<16xi32>
        %gather3A_578 = tpu.dynamic_gather %get3A_160[%gather3A_577] in [0] : vector<16xf32>, vector<16xi32> -> vector<16xf32>
        %broadcast_in_dim3A_579 = arith.constant 4 : i32
        %broadcast_in_dim3A_580 = vector.broadcast %broadcast_in_dim3A_579 : i32 to vector<16x1xi32>
        %gather3A_581 = vector.shape_cast %broadcast_in_dim3A_580 : vector<16x1xi32> to vector<16xi32>
        %gather3A_582 = tpu.dynamic_gather %get3A_167[%gather3A_581] in [0] : vector<16xf32>, vector<16xi32> -> vector<16xf32>
        %broadcast_in_dim3A_583 = arith.constant 4 : i32
        %broadcast_in_dim3A_584 = vector.broadcast %broadcast_in_dim3A_583 : i32 to vector<16x1xi32>
        %gather3A_585 = vector.shape_cast %broadcast_in_dim3A_584 : vector<16x1xi32> to vector<16xi32>
        %gather3A_586 = tpu.dynamic_gather %get3A_174[%gather3A_585] in [0] : vector<16xf32>, vector<16xi32> -> vector<16xf32>
        %broadcast_in_dim3A_587 = arith.constant 4 : i32
        %broadcast_in_dim3A_588 = vector.broadcast %broadcast_in_dim3A_587 : i32 to vector<16x1xi32>
        %gather3A_589 = vector.shape_cast %broadcast_in_dim3A_588 : vector<16x1xi32> to vector<16xi32>
        %gather3A_590 = tpu.dynamic_gather %get3A_181[%gather3A_589] in [0] : vector<16xf32>, vector<16xi32> -> vector<16xf32>
        %add3A_591 = arith.constant 352 : i32
        %add3A_592 = arith.addi %add3A_574, %add3A_591 : i32
        %add3A_593 = arith.constant 704 : i32
        %add3A_594 = arith.addi %add3A_574, %add3A_593 : i32
        %add3A_595 = arith.constant 1056 : i32
        %add3A_596 = arith.addi %add3A_574, %add3A_595 : i32
        %get3A_597 = arith.constant 0 : i32
        %get3A_598 = tpu.memref_slice %arg15[%add3A_574, %get3A_597] : memref<1408x32xf32, #tpu.memory_space<vmem>> -> memref<1x32xf32, #tpu.memory_space<vmem>>
        %get3A_599 = tpu.memref_squeeze %get3A_598 : memref<1x32xf32, #tpu.memory_space<vmem>> -> memref<32xf32, #tpu.memory_space<vmem>>
        %get3A_600 = arith.constant 0 : index
        %get3A_601 = tpu.vector_load %get3A_599[%get3A_600] {strides = array<i32>} : memref<32xf32, #tpu.memory_space<vmem>>, vector<16xf32>,
        %get3A_602 = vector.shape_cast %get3A_601 : vector<16xf32> to vector<16xf32>
        %mul3A_603 = arith.mulf %gather3A_578, %get3A_602 : vector<16xf32>
        %get3A_604 = arith.constant 0 : i32
        %get3A_605 = tpu.memref_slice %arg15[%add3A_592, %get3A_604] : memref<1408x32xf32, #tpu.memory_space<vmem>> -> memref<1x32xf32, #tpu.memory_space<vmem>>
        %get3A_606 = tpu.memref_squeeze %get3A_605 : memref<1x32xf32, #tpu.memory_space<vmem>> -> memref<32xf32, #tpu.memory_space<vmem>>
        %get3A_607 = arith.constant 0 : index
        %get3A_608 = tpu.vector_load %get3A_606[%get3A_607] {strides = array<i32>} : memref<32xf32, #tpu.memory_space<vmem>>, vector<16xf32>,
        %get3A_609 = vector.shape_cast %get3A_608 : vector<16xf32> to vector<16xf32>
        %mul3A_610 = arith.mulf %gather3A_582, %get3A_609 : vector<16xf32>
        %add3A_611 = arith.addf %mul3A_603, %mul3A_610 : vector<16xf32>
        %get3A_612 = arith.constant 0 : i32
        %get3A_613 = tpu.memref_slice %arg15[%add3A_594, %get3A_612] : memref<1408x32xf32, #tpu.memory_space<vmem>> -> memref<1x32xf32, #tpu.memory_space<vmem>>
        %get3A_614 = tpu.memref_squeeze %get3A_613 : memref<1x32xf32, #tpu.memory_space<vmem>> -> memref<32xf32, #tpu.memory_space<vmem>>
        %get3A_615 = arith.constant 0 : index
        %get3A_616 = tpu.vector_load %get3A_614[%get3A_615] {strides = array<i32>} : memref<32xf32, #tpu.memory_space<vmem>>, vector<16xf32>,
        %get3A_617 = vector.shape_cast %get3A_616 : vector<16xf32> to vector<16xf32>
        %mul3A_618 = arith.mulf %gather3A_586, %get3A_617 : vector<16xf32>
        %add3A_619 = arith.addf %add3A_611, %mul3A_618 : vector<16xf32>
        %get3A_620 = arith.constant 0 : i32
        %get3A_621 = tpu.memref_slice %arg15[%add3A_596, %get3A_620] : memref<1408x32xf32, #tpu.memory_space<vmem>> -> memref<1x32xf32, #tpu.memory_space<vmem>>
        %get3A_622 = tpu.memref_squeeze %get3A_621 : memref<1x32xf32, #tpu.memory_space<vmem>> -> memref<32xf32, #tpu.memory_space<vmem>>
        %get3A_623 = arith.constant 0 : index
        %get3A_624 = tpu.vector_load %get3A_622[%get3A_623] {strides = array<i32>} : memref<32xf32, #tpu.memory_space<vmem>>, vector<16xf32>,
        %get3A_625 = vector.shape_cast %get3A_624 : vector<16xf32> to vector<16xf32>
        %mul3A_626 = arith.mulf %gather3A_590, %get3A_625 : vector<16xf32>
        %add3A_627 = arith.addf %add3A_619, %mul3A_626 : vector<16xf32>
        %swap3A_628 = arith.index_cast %add3A_574 : i32 to index
        %swap3A_629 = arith.constant 0 : index
        %swap3A_630 = tpu.vector_load %arg17[%swap3A_628, %swap3A_629] {strides = array<i32>} : memref<352x32xf32, #tpu.memory_space<vmem>>, vector<1x16xf32>,
        %swap3A_631 = vector.shape_cast %swap3A_630 : vector<1x16xf32> to vector<16xf32>
        %swap3A_632 = vector.shape_cast %add3A_627 : vector<16xf32> to vector<1x16xf32>
        tpu.vector_store %arg17[%swap3A_628, %swap3A_629], %swap3A_632 {strides = array<i32>} : memref<352x32xf32, #tpu.memory_space<vmem>>, vector<1x16xf32>,
        %get3A_633 = arith.constant 0 : i32
        %get3A_634 = tpu.memref_slice %arg15[%add3A_574, %get3A_633] : memref<1408x32xf32, #tpu.memory_space<vmem>> -> memref<1x32xf32, #tpu.memory_space<vmem>>
        %get3A_635 = tpu.memref_squeeze %get3A_634 : memref<1x32xf32, #tpu.memory_space<vmem>> -> memref<32xf32, #tpu.memory_space<vmem>>
        %get3A_636 = arith.constant 16 : index
        %get3A_637 = tpu.vector_load %get3A_635[%get3A_636] {strides = array<i32>} : memref<32xf32, #tpu.memory_space<vmem>>, vector<16xf32>,
        %get3A_638 = vector.shape_cast %get3A_637 : vector<16xf32> to vector<16xf32>
        %mul3A_639 = arith.mulf %gather3A_578, %get3A_638 : vector<16xf32>
        %get3A_640 = arith.constant 0 : i32
        %get3A_641 = tpu.memref_slice %arg15[%add3A_592, %get3A_640] : memref<1408x32xf32, #tpu.memory_space<vmem>> -> memref<1x32xf32, #tpu.memory_space<vmem>>
        %get3A_642 = tpu.memref_squeeze %get3A_641 : memref<1x32xf32, #tpu.memory_space<vmem>> -> memref<32xf32, #tpu.memory_space<vmem>>
        %get3A_643 = arith.constant 16 : index
        %get3A_644 = tpu.vector_load %get3A_642[%get3A_643] {strides = array<i32>} : memref<32xf32, #tpu.memory_space<vmem>>, vector<16xf32>,
        %get3A_645 = vector.shape_cast %get3A_644 : vector<16xf32> to vector<16xf32>
        %mul3A_646 = arith.mulf %gather3A_582, %get3A_645 : vector<16xf32>
        %add3A_647 = arith.addf %mul3A_639, %mul3A_646 : vector<16xf32>
        %get3A_648 = arith.constant 0 : i32
        %get3A_649 = tpu.memref_slice %arg15[%add3A_594, %get3A_648] : memref<1408x32xf32, #tpu.memory_space<vmem>> -> memref<1x32xf32, #tpu.memory_space<vmem>>
        %get3A_650 = tpu.memref_squeeze %get3A_649 : memref<1x32xf32, #tpu.memory_space<vmem>> -> memref<32xf32, #tpu.memory_space<vmem>>
        %get3A_651 = arith.constant 16 : index
        %get3A_652 = tpu.vector_load %get3A_650[%get3A_651] {strides = array<i32>} : memref<32xf32, #tpu.memory_space<vmem>>, vector<16xf32>,
        %get3A_653 = vector.shape_cast %get3A_652 : vector<16xf32> to vector<16xf32>
        %mul3A_654 = arith.mulf %gather3A_586, %get3A_653 : vector<16xf32>
        %add3A_655 = arith.addf %add3A_647, %mul3A_654 : vector<16xf32>
        %get3A_656 = arith.constant 0 : i32
        %get3A_657 = tpu.memref_slice %arg15[%add3A_596, %get3A_656] : memref<1408x32xf32, #tpu.memory_space<vmem>> -> memref<1x32xf32, #tpu.memory_space<vmem>>
        %get3A_658 = tpu.memref_squeeze %get3A_657 : memref<1x32xf32, #tpu.memory_space<vmem>> -> memref<32xf32, #tpu.memory_space<vmem>>
        %get3A_659 = arith.constant 16 : index
        %get3A_660 = tpu.vector_load %get3A_658[%get3A_659] {strides = array<i32>} : memref<32xf32, #tpu.memory_space<vmem>>, vector<16xf32>,
        %get3A_661 = vector.shape_cast %get3A_660 : vector<16xf32> to vector<16xf32>
        %mul3A_662 = arith.mulf %gather3A_590, %get3A_661 : vector<16xf32>
        %add3A_663 = arith.addf %add3A_655, %mul3A_662 : vector<16xf32>
        %swap3A_664 = arith.index_cast %add3A_574 : i32 to index
        %swap3A_665 = arith.constant 16 : index
        %swap3A_666 = tpu.vector_load %arg17[%swap3A_664, %swap3A_665] {strides = array<i32>} : memref<352x32xf32, #tpu.memory_space<vmem>>, vector<1x16xf32>,
        %swap3A_667 = vector.shape_cast %swap3A_666 : vector<1x16xf32> to vector<16xf32>
        %swap3A_668 = vector.shape_cast %add3A_663 : vector<16xf32> to vector<1x16xf32>
        tpu.vector_store %arg17[%swap3A_664, %swap3A_665], %swap3A_668 {strides = array<i32>} : memref<352x32xf32, #tpu.memory_space<vmem>>, vector<1x16xf32>,
        %mul3A_669 = arith.constant 16 : i32
        %mul3A_670 = arith.muli %add3A_154, %mul3A_669 : i32
        %add3A_671 = arith.constant 5 : i32
        %add3A_672 = arith.addi %mul3A_670, %add3A_671 : i32
        %broadcast_in_dim3A_673 = arith.constant 5 : i32
        %broadcast_in_dim3A_674 = vector.broadcast %broadcast_in_dim3A_673 : i32 to vector<16x1xi32>
        %gather3A_675 = vector.shape_cast %broadcast_in_dim3A_674 : vector<16x1xi32> to vector<16xi32>
        %gather3A_676 = tpu.dynamic_gather %get3A_160[%gather3A_675] in [0] : vector<16xf32>, vector<16xi32> -> vector<16xf32>
        %broadcast_in_dim3A_677 = arith.constant 5 : i32
        %broadcast_in_dim3A_678 = vector.broadcast %broadcast_in_dim3A_677 : i32 to vector<16x1xi32>
        %gather3A_679 = vector.shape_cast %broadcast_in_dim3A_678 : vector<16x1xi32> to vector<16xi32>
        %gather3A_680 = tpu.dynamic_gather %get3A_167[%gather3A_679] in [0] : vector<16xf32>, vector<16xi32> -> vector<16xf32>
        %broadcast_in_dim3A_681 = arith.constant 5 : i32
        %broadcast_in_dim3A_682 = vector.broadcast %broadcast_in_dim3A_681 : i32 to vector<16x1xi32>
        %gather3A_683 = vector.shape_cast %broadcast_in_dim3A_682 : vector<16x1xi32> to vector<16xi32>
        %gather3A_684 = tpu.dynamic_gather %get3A_174[%gather3A_683] in [0] : vector<16xf32>, vector<16xi32> -> vector<16xf32>
        %broadcast_in_dim3A_685 = arith.constant 5 : i32
        %broadcast_in_dim3A_686 = vector.broadcast %broadcast_in_dim3A_685 : i32 to vector<16x1xi32>
        %gather3A_687 = vector.shape_cast %broadcast_in_dim3A_686 : vector<16x1xi32> to vector<16xi32>
        %gather3A_688 = tpu.dynamic_gather %get3A_181[%gather3A_687] in [0] : vector<16xf32>, vector<16xi32> -> vector<16xf32>
        %add3A_689 = arith.constant 352 : i32
        %add3A_690 = arith.addi %add3A_672, %add3A_689 : i32
        %add3A_691 = arith.constant 704 : i32
        %add3A_692 = arith.addi %add3A_672, %add3A_691 : i32
        %add3A_693 = arith.constant 1056 : i32
        %add3A_694 = arith.addi %add3A_672, %add3A_693 : i32
        %get3A_695 = arith.constant 0 : i32
        %get3A_696 = tpu.memref_slice %arg15[%add3A_672, %get3A_695] : memref<1408x32xf32, #tpu.memory_space<vmem>> -> memref<1x32xf32, #tpu.memory_space<vmem>>
        %get3A_697 = tpu.memref_squeeze %get3A_696 : memref<1x32xf32, #tpu.memory_space<vmem>> -> memref<32xf32, #tpu.memory_space<vmem>>
        %get3A_698 = arith.constant 0 : index
        %get3A_699 = tpu.vector_load %get3A_697[%get3A_698] {strides = array<i32>} : memref<32xf32, #tpu.memory_space<vmem>>, vector<16xf32>,
        %get3A_700 = vector.shape_cast %get3A_699 : vector<16xf32> to vector<16xf32>
        %mul3A_701 = arith.mulf %gather3A_676, %get3A_700 : vector<16xf32>
        %get3A_702 = arith.constant 0 : i32
        %get3A_703 = tpu.memref_slice %arg15[%add3A_690, %get3A_702] : memref<1408x32xf32, #tpu.memory_space<vmem>> -> memref<1x32xf32, #tpu.memory_space<vmem>>
        %get3A_704 = tpu.memref_squeeze %get3A_703 : memref<1x32xf32, #tpu.memory_space<vmem>> -> memref<32xf32, #tpu.memory_space<vmem>>
        %get3A_705 = arith.constant 0 : index
        %get3A_706 = tpu.vector_load %get3A_704[%get3A_705] {strides = array<i32>} : memref<32xf32, #tpu.memory_space<vmem>>, vector<16xf32>,
        %get3A_707 = vector.shape_cast %get3A_706 : vector<16xf32> to vector<16xf32>
        %mul3A_708 = arith.mulf %gather3A_680, %get3A_707 : vector<16xf32>
        %add3A_709 = arith.addf %mul3A_701, %mul3A_708 : vector<16xf32>
        %get3A_710 = arith.constant 0 : i32
        %get3A_711 = tpu.memref_slice %arg15[%add3A_692, %get3A_710] : memref<1408x32xf32, #tpu.memory_space<vmem>> -> memref<1x32xf32, #tpu.memory_space<vmem>>
        %get3A_712 = tpu.memref_squeeze %get3A_711 : memref<1x32xf32, #tpu.memory_space<vmem>> -> memref<32xf32, #tpu.memory_space<vmem>>
        %get3A_713 = arith.constant 0 : index
        %get3A_714 = tpu.vector_load %get3A_712[%get3A_713] {strides = array<i32>} : memref<32xf32, #tpu.memory_space<vmem>>, vector<16xf32>,
        %get3A_715 = vector.shape_cast %get3A_714 : vector<16xf32> to vector<16xf32>
        %mul3A_716 = arith.mulf %gather3A_684, %get3A_715 : vector<16xf32>
        %add3A_717 = arith.addf %add3A_709, %mul3A_716 : vector<16xf32>
        %get3A_718 = arith.constant 0 : i32
        %get3A_719 = tpu.memref_slice %arg15[%add3A_694, %get3A_718] : memref<1408x32xf32, #tpu.memory_space<vmem>> -> memref<1x32xf32, #tpu.memory_space<vmem>>
        %get3A_720 = tpu.memref_squeeze %get3A_719 : memref<1x32xf32, #tpu.memory_space<vmem>> -> memref<32xf32, #tpu.memory_space<vmem>>
        %get3A_721 = arith.constant 0 : index
        %get3A_722 = tpu.vector_load %get3A_720[%get3A_721] {strides = array<i32>} : memref<32xf32, #tpu.memory_space<vmem>>, vector<16xf32>,
        %get3A_723 = vector.shape_cast %get3A_722 : vector<16xf32> to vector<16xf32>
        %mul3A_724 = arith.mulf %gather3A_688, %get3A_723 : vector<16xf32>
        %add3A_725 = arith.addf %add3A_717, %mul3A_724 : vector<16xf32>
        %swap3A_726 = arith.index_cast %add3A_672 : i32 to index
        %swap3A_727 = arith.constant 0 : index
        %swap3A_728 = tpu.vector_load %arg17[%swap3A_726, %swap3A_727] {strides = array<i32>} : memref<352x32xf32, #tpu.memory_space<vmem>>, vector<1x16xf32>,
        %swap3A_729 = vector.shape_cast %swap3A_728 : vector<1x16xf32> to vector<16xf32>
        %swap3A_730 = vector.shape_cast %add3A_725 : vector<16xf32> to vector<1x16xf32>
        tpu.vector_store %arg17[%swap3A_726, %swap3A_727], %swap3A_730 {strides = array<i32>} : memref<352x32xf32, #tpu.memory_space<vmem>>, vector<1x16xf32>,
        %get3A_731 = arith.constant 0 : i32
        %get3A_732 = tpu.memref_slice %arg15[%add3A_672, %get3A_731] : memref<1408x32xf32, #tpu.memory_space<vmem>> -> memref<1x32xf32, #tpu.memory_space<vmem>>
        %get3A_733 = tpu.memref_squeeze %get3A_732 : memref<1x32xf32, #tpu.memory_space<vmem>> -> memref<32xf32, #tpu.memory_space<vmem>>
        %get3A_734 = arith.constant 16 : index
        %get3A_735 = tpu.vector_load %get3A_733[%get3A_734] {strides = array<i32>} : memref<32xf32, #tpu.memory_space<vmem>>, vector<16xf32>,
        %get3A_736 = vector.shape_cast %get3A_735 : vector<16xf32> to vector<16xf32>
        %mul3A_737 = arith.mulf %gather3A_676, %get3A_736 : vector<16xf32>
        %get3A_738 = arith.constant 0 : i32
        %get3A_739 = tpu.memref_slice %arg15[%add3A_690, %get3A_738] : memref<1408x32xf32, #tpu.memory_space<vmem>> -> memref<1x32xf32, #tpu.memory_space<vmem>>
        %get3A_740 = tpu.memref_squeeze %get3A_739 : memref<1x32xf32, #tpu.memory_space<vmem>> -> memref<32xf32, #tpu.memory_space<vmem>>
        %get3A_741 = arith.constant 16 : index
        %get3A_742 = tpu.vector_load %get3A_740[%get3A_741] {strides = array<i32>} : memref<32xf32, #tpu.memory_space<vmem>>, vector<16xf32>,
        %get3A_743 = vector.shape_cast %get3A_742 : vector<16xf32> to vector<16xf32>
        %mul3A_744 = arith.mulf %gather3A_680, %get3A_743 : vector<16xf32>
        %add3A_745 = arith.addf %mul3A_737, %mul3A_744 : vector<16xf32>
        %get3A_746 = arith.constant 0 : i32
        %get3A_747 = tpu.memref_slice %arg15[%add3A_692, %get3A_746] : memref<1408x32xf32, #tpu.memory_space<vmem>> -> memref<1x32xf32, #tpu.memory_space<vmem>>
        %get3A_748 = tpu.memref_squeeze %get3A_747 : memref<1x32xf32, #tpu.memory_space<vmem>> -> memref<32xf32, #tpu.memory_space<vmem>>
        %get3A_749 = arith.constant 16 : index
        %get3A_750 = tpu.vector_load %get3A_748[%get3A_749] {strides = array<i32>} : memref<32xf32, #tpu.memory_space<vmem>>, vector<16xf32>,
        %get3A_751 = vector.shape_cast %get3A_750 : vector<16xf32> to vector<16xf32>
        %mul3A_752 = arith.mulf %gather3A_684, %get3A_751 : vector<16xf32>
        %add3A_753 = arith.addf %add3A_745, %mul3A_752 : vector<16xf32>
        %get3A_754 = arith.constant 0 : i32
        %get3A_755 = tpu.memref_slice %arg15[%add3A_694, %get3A_754] : memref<1408x32xf32, #tpu.memory_space<vmem>> -> memref<1x32xf32, #tpu.memory_space<vmem>>
        %get3A_756 = tpu.memref_squeeze %get3A_755 : memref<1x32xf32, #tpu.memory_space<vmem>> -> memref<32xf32, #tpu.memory_space<vmem>>
        %get3A_757 = arith.constant 16 : index
        %get3A_758 = tpu.vector_load %get3A_756[%get3A_757] {strides = array<i32>} : memref<32xf32, #tpu.memory_space<vmem>>, vector<16xf32>,
        %get3A_759 = vector.shape_cast %get3A_758 : vector<16xf32> to vector<16xf32>
        %mul3A_760 = arith.mulf %gather3A_688, %get3A_759 : vector<16xf32>
        %add3A_761 = arith.addf %add3A_753, %mul3A_760 : vector<16xf32>
        %swap3A_762 = arith.index_cast %add3A_672 : i32 to index
        %swap3A_763 = arith.constant 16 : index
        %swap3A_764 = tpu.vector_load %arg17[%swap3A_762, %swap3A_763] {strides = array<i32>} : memref<352x32xf32, #tpu.memory_space<vmem>>, vector<1x16xf32>,
        %swap3A_765 = vector.shape_cast %swap3A_764 : vector<1x16xf32> to vector<16xf32>
        %swap3A_766 = vector.shape_cast %add3A_761 : vector<16xf32> to vector<1x16xf32>
        tpu.vector_store %arg17[%swap3A_762, %swap3A_763], %swap3A_766 {strides = array<i32>} : memref<352x32xf32, #tpu.memory_space<vmem>>, vector<1x16xf32>,
        %mul3A_767 = arith.constant 16 : i32
        %mul3A_768 = arith.muli %add3A_154, %mul3A_767 : i32
        %add3A_769 = arith.constant 6 : i32
        %add3A_770 = arith.addi %mul3A_768, %add3A_769 : i32
        %broadcast_in_dim3A_771 = arith.constant 6 : i32
        %broadcast_in_dim3A_772 = vector.broadcast %broadcast_in_dim3A_771 : i32 to vector<16x1xi32>
        %gather3A_773 = vector.shape_cast %broadcast_in_dim3A_772 : vector<16x1xi32> to vector<16xi32>
        %gather3A_774 = tpu.dynamic_gather %get3A_160[%gather3A_773] in [0] : vector<16xf32>, vector<16xi32> -> vector<16xf32>
        %broadcast_in_dim3A_775 = arith.constant 6 : i32
        %broadcast_in_dim3A_776 = vector.broadcast %broadcast_in_dim3A_775 : i32 to vector<16x1xi32>
        %gather3A_777 = vector.shape_cast %broadcast_in_dim3A_776 : vector<16x1xi32> to vector<16xi32>
        %gather3A_778 = tpu.dynamic_gather %get3A_167[%gather3A_777] in [0] : vector<16xf32>, vector<16xi32> -> vector<16xf32>
        %broadcast_in_dim3A_779 = arith.constant 6 : i32
        %broadcast_in_dim3A_780 = vector.broadcast %broadcast_in_dim3A_779 : i32 to vector<16x1xi32>
        %gather3A_781 = vector.shape_cast %broadcast_in_dim3A_780 : vector<16x1xi32> to vector<16xi32>
        %gather3A_782 = tpu.dynamic_gather %get3A_174[%gather3A_781] in [0] : vector<16xf32>, vector<16xi32> -> vector<16xf32>
        %broadcast_in_dim3A_783 = arith.constant 6 : i32
        %broadcast_in_dim3A_784 = vector.broadcast %broadcast_in_dim3A_783 : i32 to vector<16x1xi32>
        %gather3A_785 = vector.shape_cast %broadcast_in_dim3A_784 : vector<16x1xi32> to vector<16xi32>
        %gather3A_786 = tpu.dynamic_gather %get3A_181[%gather3A_785] in [0] : vector<16xf32>, vector<16xi32> -> vector<16xf32>
        %add3A_787 = arith.constant 352 : i32
        %add3A_788 = arith.addi %add3A_770, %add3A_787 : i32
        %add3A_789 = arith.constant 704 : i32
        %add3A_790 = arith.addi %add3A_770, %add3A_789 : i32
        %add3A_791 = arith.constant 1056 : i32
        %add3A_792 = arith.addi %add3A_770, %add3A_791 : i32
        %get3A_793 = arith.constant 0 : i32
        %get3A_794 = tpu.memref_slice %arg15[%add3A_770, %get3A_793] : memref<1408x32xf32, #tpu.memory_space<vmem>> -> memref<1x32xf32, #tpu.memory_space<vmem>>
        %get3A_795 = tpu.memref_squeeze %get3A_794 : memref<1x32xf32, #tpu.memory_space<vmem>> -> memref<32xf32, #tpu.memory_space<vmem>>
        %get3A_796 = arith.constant 0 : index
        %get3A_797 = tpu.vector_load %get3A_795[%get3A_796] {strides = array<i32>} : memref<32xf32, #tpu.memory_space<vmem>>, vector<16xf32>,
        %get3A_798 = vector.shape_cast %get3A_797 : vector<16xf32> to vector<16xf32>
        %mul3A_799 = arith.mulf %gather3A_774, %get3A_798 : vector<16xf32>
        %get3A_800 = arith.constant 0 : i32
        %get3A_801 = tpu.memref_slice %arg15[%add3A_788, %get3A_800] : memref<1408x32xf32, #tpu.memory_space<vmem>> -> memref<1x32xf32, #tpu.memory_space<vmem>>
        %get3A_802 = tpu.memref_squeeze %get3A_801 : memref<1x32xf32, #tpu.memory_space<vmem>> -> memref<32xf32, #tpu.memory_space<vmem>>
        %get3A_803 = arith.constant 0 : index
        %get3A_804 = tpu.vector_load %get3A_802[%get3A_803] {strides = array<i32>} : memref<32xf32, #tpu.memory_space<vmem>>, vector<16xf32>,
        %get3A_805 = vector.shape_cast %get3A_804 : vector<16xf32> to vector<16xf32>
        %mul3A_806 = arith.mulf %gather3A_778, %get3A_805 : vector<16xf32>
        %add3A_807 = arith.addf %mul3A_799, %mul3A_806 : vector<16xf32>
        %get3A_808 = arith.constant 0 : i32
        %get3A_809 = tpu.memref_slice %arg15[%add3A_790, %get3A_808] : memref<1408x32xf32, #tpu.memory_space<vmem>> -> memref<1x32xf32, #tpu.memory_space<vmem>>
        %get3A_810 = tpu.memref_squeeze %get3A_809 : memref<1x32xf32, #tpu.memory_space<vmem>> -> memref<32xf32, #tpu.memory_space<vmem>>
        %get3A_811 = arith.constant 0 : index
        %get3A_812 = tpu.vector_load %get3A_810[%get3A_811] {strides = array<i32>} : memref<32xf32, #tpu.memory_space<vmem>>, vector<16xf32>,
        %get3A_813 = vector.shape_cast %get3A_812 : vector<16xf32> to vector<16xf32>
        %mul3A_814 = arith.mulf %gather3A_782, %get3A_813 : vector<16xf32>
        %add3A_815 = arith.addf %add3A_807, %mul3A_814 : vector<16xf32>
        %get3A_816 = arith.constant 0 : i32
        %get3A_817 = tpu.memref_slice %arg15[%add3A_792, %get3A_816] : memref<1408x32xf32, #tpu.memory_space<vmem>> -> memref<1x32xf32, #tpu.memory_space<vmem>>
        %get3A_818 = tpu.memref_squeeze %get3A_817 : memref<1x32xf32, #tpu.memory_space<vmem>> -> memref<32xf32, #tpu.memory_space<vmem>>
        %get3A_819 = arith.constant 0 : index
        %get3A_820 = tpu.vector_load %get3A_818[%get3A_819] {strides = array<i32>} : memref<32xf32, #tpu.memory_space<vmem>>, vector<16xf32>,
        %get3A_821 = vector.shape_cast %get3A_820 : vector<16xf32> to vector<16xf32>
        %mul3A_822 = arith.mulf %gather3A_786, %get3A_821 : vector<16xf32>
        %add3A_823 = arith.addf %add3A_815, %mul3A_822 : vector<16xf32>
        %swap3A_824 = arith.index_cast %add3A_770 : i32 to index
        %swap3A_825 = arith.constant 0 : index
        %swap3A_826 = tpu.vector_load %arg17[%swap3A_824, %swap3A_825] {strides = array<i32>} : memref<352x32xf32, #tpu.memory_space<vmem>>, vector<1x16xf32>,
        %swap3A_827 = vector.shape_cast %swap3A_826 : vector<1x16xf32> to vector<16xf32>
        %swap3A_828 = vector.shape_cast %add3A_823 : vector<16xf32> to vector<1x16xf32>
        tpu.vector_store %arg17[%swap3A_824, %swap3A_825], %swap3A_828 {strides = array<i32>} : memref<352x32xf32, #tpu.memory_space<vmem>>, vector<1x16xf32>,
        %get3A_829 = arith.constant 0 : i32
        %get3A_830 = tpu.memref_slice %arg15[%add3A_770, %get3A_829] : memref<1408x32xf32, #tpu.memory_space<vmem>> -> memref<1x32xf32, #tpu.memory_space<vmem>>
        %get3A_831 = tpu.memref_squeeze %get3A_830 : memref<1x32xf32, #tpu.memory_space<vmem>> -> memref<32xf32, #tpu.memory_space<vmem>>
        %get3A_832 = arith.constant 16 : index
        %get3A_833 = tpu.vector_load %get3A_831[%get3A_832] {strides = array<i32>} : memref<32xf32, #tpu.memory_space<vmem>>, vector<16xf32>,
        %get3A_834 = vector.shape_cast %get3A_833 : vector<16xf32> to vector<16xf32>
        %mul3A_835 = arith.mulf %gather3A_774, %get3A_834 : vector<16xf32>
        %get3A_836 = arith.constant 0 : i32
        %get3A_837 = tpu.memref_slice %arg15[%add3A_788, %get3A_836] : memref<1408x32xf32, #tpu.memory_space<vmem>> -> memref<1x32xf32, #tpu.memory_space<vmem>>
        %get3A_838 = tpu.memref_squeeze %get3A_837 : memref<1x32xf32, #tpu.memory_space<vmem>> -> memref<32xf32, #tpu.memory_space<vmem>>
        %get3A_839 = arith.constant 16 : index
        %get3A_840 = tpu.vector_load %get3A_838[%get3A_839] {strides = array<i32>} : memref<32xf32, #tpu.memory_space<vmem>>, vector<16xf32>,
        %get3A_841 = vector.shape_cast %get3A_840 : vector<16xf32> to vector<16xf32>
        %mul3A_842 = arith.mulf %gather3A_778, %get3A_841 : vector<16xf32>
        %add3A_843 = arith.addf %mul3A_835, %mul3A_842 : vector<16xf32>
        %get3A_844 = arith.constant 0 : i32
        %get3A_845 = tpu.memref_slice %arg15[%add3A_790, %get3A_844] : memref<1408x32xf32, #tpu.memory_space<vmem>> -> memref<1x32xf32, #tpu.memory_space<vmem>>
        %get3A_846 = tpu.memref_squeeze %get3A_845 : memref<1x32xf32, #tpu.memory_space<vmem>> -> memref<32xf32, #tpu.memory_space<vmem>>
        %get3A_847 = arith.constant 16 : index
        %get3A_848 = tpu.vector_load %get3A_846[%get3A_847] {strides = array<i32>} : memref<32xf32, #tpu.memory_space<vmem>>, vector<16xf32>,
        %get3A_849 = vector.shape_cast %get3A_848 : vector<16xf32> to vector<16xf32>
        %mul3A_850 = arith.mulf %gather3A_782, %get3A_849 : vector<16xf32>
        %add3A_851 = arith.addf %add3A_843, %mul3A_850 : vector<16xf32>
        %get3A_852 = arith.constant 0 : i32
        %get3A_853 = tpu.memref_slice %arg15[%add3A_792, %get3A_852] : memref<1408x32xf32, #tpu.memory_space<vmem>> -> memref<1x32xf32, #tpu.memory_space<vmem>>
        %get3A_854 = tpu.memref_squeeze %get3A_853 : memref<1x32xf32, #tpu.memory_space<vmem>> -> memref<32xf32, #tpu.memory_space<vmem>>
        %get3A_855 = arith.constant 16 : index
        %get3A_856 = tpu.vector_load %get3A_854[%get3A_855] {strides = array<i32>} : memref<32xf32, #tpu.memory_space<vmem>>, vector<16xf32>,
        %get3A_857 = vector.shape_cast %get3A_856 : vector<16xf32> to vector<16xf32>
        %mul3A_858 = arith.mulf %gather3A_786, %get3A_857 : vector<16xf32>
        %add3A_859 = arith.addf %add3A_851, %mul3A_858 : vector<16xf32>
        %swap3A_860 = arith.index_cast %add3A_770 : i32 to index
        %swap3A_861 = arith.constant 16 : index
        %swap3A_862 = tpu.vector_load %arg17[%swap3A_860, %swap3A_861] {strides = array<i32>} : memref<352x32xf32, #tpu.memory_space<vmem>>, vector<1x16xf32>,
        %swap3A_863 = vector.shape_cast %swap3A_862 : vector<1x16xf32> to vector<16xf32>
        %swap3A_864 = vector.shape_cast %add3A_859 : vector<16xf32> to vector<1x16xf32>
        tpu.vector_store %arg17[%swap3A_860, %swap3A_861], %swap3A_864 {strides = array<i32>} : memref<352x32xf32, #tpu.memory_space<vmem>>, vector<1x16xf32>,
        %mul3A_865 = arith.constant 16 : i32
        %mul3A_866 = arith.muli %add3A_154, %mul3A_865 : i32
        %add3A_867 = arith.constant 7 : i32
        %add3A_868 = arith.addi %mul3A_866, %add3A_867 : i32
        %broadcast_in_dim3A_869 = arith.constant 7 : i32
        %broadcast_in_dim3A_870 = vector.broadcast %broadcast_in_dim3A_869 : i32 to vector<16x1xi32>
        %gather3A_871 = vector.shape_cast %broadcast_in_dim3A_870 : vector<16x1xi32> to vector<16xi32>
        %gather3A_872 = tpu.dynamic_gather %get3A_160[%gather3A_871] in [0] : vector<16xf32>, vector<16xi32> -> vector<16xf32>
        %broadcast_in_dim3A_873 = arith.constant 7 : i32
        %broadcast_in_dim3A_874 = vector.broadcast %broadcast_in_dim3A_873 : i32 to vector<16x1xi32>
        %gather3A_875 = vector.shape_cast %broadcast_in_dim3A_874 : vector<16x1xi32> to vector<16xi32>
        %gather3A_876 = tpu.dynamic_gather %get3A_167[%gather3A_875] in [0] : vector<16xf32>, vector<16xi32> -> vector<16xf32>
        %broadcast_in_dim3A_877 = arith.constant 7 : i32
        %broadcast_in_dim3A_878 = vector.broadcast %broadcast_in_dim3A_877 : i32 to vector<16x1xi32>
        %gather3A_879 = vector.shape_cast %broadcast_in_dim3A_878 : vector<16x1xi32> to vector<16xi32>
        %gather3A_880 = tpu.dynamic_gather %get3A_174[%gather3A_879] in [0] : vector<16xf32>, vector<16xi32> -> vector<16xf32>
        %broadcast_in_dim3A_881 = arith.constant 7 : i32
        %broadcast_in_dim3A_882 = vector.broadcast %broadcast_in_dim3A_881 : i32 to vector<16x1xi32>
        %gather3A_883 = vector.shape_cast %broadcast_in_dim3A_882 : vector<16x1xi32> to vector<16xi32>
        %gather3A_884 = tpu.dynamic_gather %get3A_181[%gather3A_883] in [0] : vector<16xf32>, vector<16xi32> -> vector<16xf32>
        %add3A_885 = arith.constant 352 : i32
        %add3A_886 = arith.addi %add3A_868, %add3A_885 : i32
        %add3A_887 = arith.constant 704 : i32
        %add3A_888 = arith.addi %add3A_868, %add3A_887 : i32
        %add3A_889 = arith.constant 1056 : i32
        %add3A_890 = arith.addi %add3A_868, %add3A_889 : i32
        %get3A_891 = arith.constant 0 : i32
        %get3A_892 = tpu.memref_slice %arg15[%add3A_868, %get3A_891] : memref<1408x32xf32, #tpu.memory_space<vmem>> -> memref<1x32xf32, #tpu.memory_space<vmem>>
        %get3A_893 = tpu.memref_squeeze %get3A_892 : memref<1x32xf32, #tpu.memory_space<vmem>> -> memref<32xf32, #tpu.memory_space<vmem>>
        %get3A_894 = arith.constant 0 : index
        %get3A_895 = tpu.vector_load %get3A_893[%get3A_894] {strides = array<i32>} : memref<32xf32, #tpu.memory_space<vmem>>, vector<16xf32>,
        %get3A_896 = vector.shape_cast %get3A_895 : vector<16xf32> to vector<16xf32>
        %mul3A_897 = arith.mulf %gather3A_872, %get3A_896 : vector<16xf32>
        %get3A_898 = arith.constant 0 : i32
        %get3A_899 = tpu.memref_slice %arg15[%add3A_886, %get3A_898] : memref<1408x32xf32, #tpu.memory_space<vmem>> -> memref<1x32xf32, #tpu.memory_space<vmem>>
        %get3A_900 = tpu.memref_squeeze %get3A_899 : memref<1x32xf32, #tpu.memory_space<vmem>> -> memref<32xf32, #tpu.memory_space<vmem>>
        %get3A_901 = arith.constant 0 : index
        %get3A_902 = tpu.vector_load %get3A_900[%get3A_901] {strides = array<i32>} : memref<32xf32, #tpu.memory_space<vmem>>, vector<16xf32>,
        %get3A_903 = vector.shape_cast %get3A_902 : vector<16xf32> to vector<16xf32>
        %mul3A_904 = arith.mulf %gather3A_876, %get3A_903 : vector<16xf32>
        %add3A_905 = arith.addf %mul3A_897, %mul3A_904 : vector<16xf32>
        %get3A_906 = arith.constant 0 : i32
        %get3A_907 = tpu.memref_slice %arg15[%add3A_888, %get3A_906] : memref<1408x32xf32, #tpu.memory_space<vmem>> -> memref<1x32xf32, #tpu.memory_space<vmem>>
        %get3A_908 = tpu.memref_squeeze %get3A_907 : memref<1x32xf32, #tpu.memory_space<vmem>> -> memref<32xf32, #tpu.memory_space<vmem>>
        %get3A_909 = arith.constant 0 : index
        %get3A_910 = tpu.vector_load %get3A_908[%get3A_909] {strides = array<i32>} : memref<32xf32, #tpu.memory_space<vmem>>, vector<16xf32>,
        %get3A_911 = vector.shape_cast %get3A_910 : vector<16xf32> to vector<16xf32>
        %mul3A_912 = arith.mulf %gather3A_880, %get3A_911 : vector<16xf32>
        %add3A_913 = arith.addf %add3A_905, %mul3A_912 : vector<16xf32>
        %get3A_914 = arith.constant 0 : i32
        %get3A_915 = tpu.memref_slice %arg15[%add3A_890, %get3A_914] : memref<1408x32xf32, #tpu.memory_space<vmem>> -> memref<1x32xf32, #tpu.memory_space<vmem>>
        %get3A_916 = tpu.memref_squeeze %get3A_915 : memref<1x32xf32, #tpu.memory_space<vmem>> -> memref<32xf32, #tpu.memory_space<vmem>>
        %get3A_917 = arith.constant 0 : index
        %get3A_918 = tpu.vector_load %get3A_916[%get3A_917] {strides = array<i32>} : memref<32xf32, #tpu.memory_space<vmem>>, vector<16xf32>,
        %get3A_919 = vector.shape_cast %get3A_918 : vector<16xf32> to vector<16xf32>
        %mul3A_920 = arith.mulf %gather3A_884, %get3A_919 : vector<16xf32>
        %add3A_921 = arith.addf %add3A_913, %mul3A_920 : vector<16xf32>
        %swap3A_922 = arith.index_cast %add3A_868 : i32 to index
        %swap3A_923 = arith.constant 0 : index
        %swap3A_924 = tpu.vector_load %arg17[%swap3A_922, %swap3A_923] {strides = array<i32>} : memref<352x32xf32, #tpu.memory_space<vmem>>, vector<1x16xf32>,
        %swap3A_925 = vector.shape_cast %swap3A_924 : vector<1x16xf32> to vector<16xf32>
        %swap3A_926 = vector.shape_cast %add3A_921 : vector<16xf32> to vector<1x16xf32>
        tpu.vector_store %arg17[%swap3A_922, %swap3A_923], %swap3A_926 {strides = array<i32>} : memref<352x32xf32, #tpu.memory_space<vmem>>, vector<1x16xf32>,
        %get3A_927 = arith.constant 0 : i32
        %get3A_928 = tpu.memref_slice %arg15[%add3A_868, %get3A_927] : memref<1408x32xf32, #tpu.memory_space<vmem>> -> memref<1x32xf32, #tpu.memory_space<vmem>>
        %get3A_929 = tpu.memref_squeeze %get3A_928 : memref<1x32xf32, #tpu.memory_space<vmem>> -> memref<32xf32, #tpu.memory_space<vmem>>
        %get3A_930 = arith.constant 16 : index
        %get3A_931 = tpu.vector_load %get3A_929[%get3A_930] {strides = array<i32>} : memref<32xf32, #tpu.memory_space<vmem>>, vector<16xf32>,
        %get3A_932 = vector.shape_cast %get3A_931 : vector<16xf32> to vector<16xf32>
        %mul3A_933 = arith.mulf %gather3A_872, %get3A_932 : vector<16xf32>
        %get3A_934 = arith.constant 0 : i32
        %get3A_935 = tpu.memref_slice %arg15[%add3A_886, %get3A_934] : memref<1408x32xf32, #tpu.memory_space<vmem>> -> memref<1x32xf32, #tpu.memory_space<vmem>>
        %get3A_936 = tpu.memref_squeeze %get3A_935 : memref<1x32xf32, #tpu.memory_space<vmem>> -> memref<32xf32, #tpu.memory_space<vmem>>
        %get3A_937 = arith.constant 16 : index
        %get3A_938 = tpu.vector_load %get3A_936[%get3A_937] {strides = array<i32>} : memref<32xf32, #tpu.memory_space<vmem>>, vector<16xf32>,
        %get3A_939 = vector.shape_cast %get3A_938 : vector<16xf32> to vector<16xf32>
        %mul3A_940 = arith.mulf %gather3A_876, %get3A_939 : vector<16xf32>
        %add3A_941 = arith.addf %mul3A_933, %mul3A_940 : vector<16xf32>
        %get3A_942 = arith.constant 0 : i32
        %get3A_943 = tpu.memref_slice %arg15[%add3A_888, %get3A_942] : memref<1408x32xf32, #tpu.memory_space<vmem>> -> memref<1x32xf32, #tpu.memory_space<vmem>>
        %get3A_944 = tpu.memref_squeeze %get3A_943 : memref<1x32xf32, #tpu.memory_space<vmem>> -> memref<32xf32, #tpu.memory_space<vmem>>
        %get3A_945 = arith.constant 16 : index
        %get3A_946 = tpu.vector_load %get3A_944[%get3A_945] {strides = array<i32>} : memref<32xf32, #tpu.memory_space<vmem>>, vector<16xf32>,
        %get3A_947 = vector.shape_cast %get3A_946 : vector<16xf32> to vector<16xf32>
        %mul3A_948 = arith.mulf %gather3A_880, %get3A_947 : vector<16xf32>
        %add3A_949 = arith.addf %add3A_941, %mul3A_948 : vector<16xf32>
        %get3A_950 = arith.constant 0 : i32
        %get3A_951 = tpu.memref_slice %arg15[%add3A_890, %get3A_950] : memref<1408x32xf32, #tpu.memory_space<vmem>> -> memref<1x32xf32, #tpu.memory_space<vmem>>
        %get3A_952 = tpu.memref_squeeze %get3A_951 : memref<1x32xf32, #tpu.memory_space<vmem>> -> memref<32xf32, #tpu.memory_space<vmem>>
        %get3A_953 = arith.constant 16 : index
        %get3A_954 = tpu.vector_load %get3A_952[%get3A_953] {strides = array<i32>} : memref<32xf32, #tpu.memory_space<vmem>>, vector<16xf32>,
        %get3A_955 = vector.shape_cast %get3A_954 : vector<16xf32> to vector<16xf32>
        %mul3A_956 = arith.mulf %gather3A_884, %get3A_955 : vector<16xf32>
        %add3A_957 = arith.addf %add3A_949, %mul3A_956 : vector<16xf32>
        %swap3A_958 = arith.index_cast %add3A_868 : i32 to index
        %swap3A_959 = arith.constant 16 : index
        %swap3A_960 = tpu.vector_load %arg17[%swap3A_958, %swap3A_959] {strides = array<i32>} : memref<352x32xf32, #tpu.memory_space<vmem>>, vector<1x16xf32>,
        %swap3A_961 = vector.shape_cast %swap3A_960 : vector<1x16xf32> to vector<16xf32>
        %swap3A_962 = vector.shape_cast %add3A_957 : vector<16xf32> to vector<1x16xf32>
        tpu.vector_store %arg17[%swap3A_958, %swap3A_959], %swap3A_962 {strides = array<i32>} : memref<352x32xf32, #tpu.memory_space<vmem>>, vector<1x16xf32>,
        %mul3A_963 = arith.constant 16 : i32
        %mul3A_964 = arith.muli %add3A_154, %mul3A_963 : i32
        %add3A_965 = arith.constant 8 : i32
        %add3A_966 = arith.addi %mul3A_964, %add3A_965 : i32
        %broadcast_in_dim3A_967 = arith.constant 8 : i32
        %broadcast_in_dim3A_968 = vector.broadcast %broadcast_in_dim3A_967 : i32 to vector<16x1xi32>
        %gather3A_969 = vector.shape_cast %broadcast_in_dim3A_968 : vector<16x1xi32> to vector<16xi32>
        %gather3A_970 = tpu.dynamic_gather %get3A_160[%gather3A_969] in [0] : vector<16xf32>, vector<16xi32> -> vector<16xf32>
        %broadcast_in_dim3A_971 = arith.constant 8 : i32
        %broadcast_in_dim3A_972 = vector.broadcast %broadcast_in_dim3A_971 : i32 to vector<16x1xi32>
        %gather3A_973 = vector.shape_cast %broadcast_in_dim3A_972 : vector<16x1xi32> to vector<16xi32>
        %gather3A_974 = tpu.dynamic_gather %get3A_167[%gather3A_973] in [0] : vector<16xf32>, vector<16xi32> -> vector<16xf32>
        %broadcast_in_dim3A_975 = arith.constant 8 : i32
        %broadcast_in_dim3A_976 = vector.broadcast %broadcast_in_dim3A_975 : i32 to vector<16x1xi32>
        %gather3A_977 = vector.shape_cast %broadcast_in_dim3A_976 : vector<16x1xi32> to vector<16xi32>
        %gather3A_978 = tpu.dynamic_gather %get3A_174[%gather3A_977] in [0] : vector<16xf32>, vector<16xi32> -> vector<16xf32>
        %broadcast_in_dim3A_979 = arith.constant 8 : i32
        %broadcast_in_dim3A_980 = vector.broadcast %broadcast_in_dim3A_979 : i32 to vector<16x1xi32>
        %gather3A_981 = vector.shape_cast %broadcast_in_dim3A_980 : vector<16x1xi32> to vector<16xi32>
        %gather3A_982 = tpu.dynamic_gather %get3A_181[%gather3A_981] in [0] : vector<16xf32>, vector<16xi32> -> vector<16xf32>
        %add3A_983 = arith.constant 352 : i32
        %add3A_984 = arith.addi %add3A_966, %add3A_983 : i32
        %add3A_985 = arith.constant 704 : i32
        %add3A_986 = arith.addi %add3A_966, %add3A_985 : i32
        %add3A_987 = arith.constant 1056 : i32
        %add3A_988 = arith.addi %add3A_966, %add3A_987 : i32
        %get3A_989 = arith.constant 0 : i32
        %get3A_990 = tpu.memref_slice %arg15[%add3A_966, %get3A_989] : memref<1408x32xf32, #tpu.memory_space<vmem>> -> memref<1x32xf32, #tpu.memory_space<vmem>>
        %get3A_991 = tpu.memref_squeeze %get3A_990 : memref<1x32xf32, #tpu.memory_space<vmem>> -> memref<32xf32, #tpu.memory_space<vmem>>
        %get3A_992 = arith.constant 0 : index
        %get3A_993 = tpu.vector_load %get3A_991[%get3A_992] {strides = array<i32>} : memref<32xf32, #tpu.memory_space<vmem>>, vector<16xf32>,
        %get3A_994 = vector.shape_cast %get3A_993 : vector<16xf32> to vector<16xf32>
        %mul3A_995 = arith.mulf %gather3A_970, %get3A_994 : vector<16xf32>
        %get3A_996 = arith.constant 0 : i32
        %get3A_997 = tpu.memref_slice %arg15[%add3A_984, %get3A_996] : memref<1408x32xf32, #tpu.memory_space<vmem>> -> memref<1x32xf32, #tpu.memory_space<vmem>>
        %get3A_998 = tpu.memref_squeeze %get3A_997 : memref<1x32xf32, #tpu.memory_space<vmem>> -> memref<32xf32, #tpu.memory_space<vmem>>
        %get3A_999 = arith.constant 0 : index
        %get3A_1000 = tpu.vector_load %get3A_998[%get3A_999] {strides = array<i32>} : memref<32xf32, #tpu.memory_space<vmem>>, vector<16xf32>,
        %get3A_1001 = vector.shape_cast %get3A_1000 : vector<16xf32> to vector<16xf32>
        %mul3A_1002 = arith.mulf %gather3A_974, %get3A_1001 : vector<16xf32>
        %add3A_1003 = arith.addf %mul3A_995, %mul3A_1002 : vector<16xf32>
        %get3A_1004 = arith.constant 0 : i32
        %get3A_1005 = tpu.memref_slice %arg15[%add3A_986, %get3A_1004] : memref<1408x32xf32, #tpu.memory_space<vmem>> -> memref<1x32xf32, #tpu.memory_space<vmem>>
        %get3A_1006 = tpu.memref_squeeze %get3A_1005 : memref<1x32xf32, #tpu.memory_space<vmem>> -> memref<32xf32, #tpu.memory_space<vmem>>
        %get3A_1007 = arith.constant 0 : index
        %get3A_1008 = tpu.vector_load %get3A_1006[%get3A_1007] {strides = array<i32>} : memref<32xf32, #tpu.memory_space<vmem>>, vector<16xf32>,
        %get3A_1009 = vector.shape_cast %get3A_1008 : vector<16xf32> to vector<16xf32>
        %mul3A_1010 = arith.mulf %gather3A_978, %get3A_1009 : vector<16xf32>
        %add3A_1011 = arith.addf %add3A_1003, %mul3A_1010 : vector<16xf32>
        %get3A_1012 = arith.constant 0 : i32
        %get3A_1013 = tpu.memref_slice %arg15[%add3A_988, %get3A_1012] : memref<1408x32xf32, #tpu.memory_space<vmem>> -> memref<1x32xf32, #tpu.memory_space<vmem>>
        %get3A_1014 = tpu.memref_squeeze %get3A_1013 : memref<1x32xf32, #tpu.memory_space<vmem>> -> memref<32xf32, #tpu.memory_space<vmem>>
        %get3A_1015 = arith.constant 0 : index
        %get3A_1016 = tpu.vector_load %get3A_1014[%get3A_1015] {strides = array<i32>} : memref<32xf32, #tpu.memory_space<vmem>>, vector<16xf32>,
        %get3A_1017 = vector.shape_cast %get3A_1016 : vector<16xf32> to vector<16xf32>
        %mul3A_1018 = arith.mulf %gather3A_982, %get3A_1017 : vector<16xf32>
        %add3A_1019 = arith.addf %add3A_1011, %mul3A_1018 : vector<16xf32>
        %swap3A_1020 = arith.index_cast %add3A_966 : i32 to index
        %swap3A_1021 = arith.constant 0 : index
        %swap3A_1022 = tpu.vector_load %arg17[%swap3A_1020, %swap3A_1021] {strides = array<i32>} : memref<352x32xf32, #tpu.memory_space<vmem>>, vector<1x16xf32>,
        %swap3A_1023 = vector.shape_cast %swap3A_1022 : vector<1x16xf32> to vector<16xf32>
        %swap3A_1024 = vector.shape_cast %add3A_1019 : vector<16xf32> to vector<1x16xf32>
        tpu.vector_store %arg17[%swap3A_1020, %swap3A_1021], %swap3A_1024 {strides = array<i32>} : memref<352x32xf32, #tpu.memory_space<vmem>>, vector<1x16xf32>,
        %get3A_1025 = arith.constant 0 : i32
        %get3A_1026 = tpu.memref_slice %arg15[%add3A_966, %get3A_1025] : memref<1408x32xf32, #tpu.memory_space<vmem>> -> memref<1x32xf32, #tpu.memory_space<vmem>>
        %get3A_1027 = tpu.memref_squeeze %get3A_1026 : memref<1x32xf32, #tpu.memory_space<vmem>> -> memref<32xf32, #tpu.memory_space<vmem>>
        %get3A_1028 = arith.constant 16 : index
        %get3A_1029 = tpu.vector_load %get3A_1027[%get3A_1028] {strides = array<i32>} : memref<32xf32, #tpu.memory_space<vmem>>, vector<16xf32>,
        %get3A_1030 = vector.shape_cast %get3A_1029 : vector<16xf32> to vector<16xf32>
        %mul3A_1031 = arith.mulf %gather3A_970, %get3A_1030 : vector<16xf32>
        %get3A_1032 = arith.constant 0 : i32
        %get3A_1033 = tpu.memref_slice %arg15[%add3A_984, %get3A_1032] : memref<1408x32xf32, #tpu.memory_space<vmem>> -> memref<1x32xf32, #tpu.memory_space<vmem>>
        %get3A_1034 = tpu.memref_squeeze %get3A_1033 : memref<1x32xf32, #tpu.memory_space<vmem>> -> memref<32xf32, #tpu.memory_space<vmem>>
        %get3A_1035 = arith.constant 16 : index
        %get3A_1036 = tpu.vector_load %get3A_1034[%get3A_1035] {strides = array<i32>} : memref<32xf32, #tpu.memory_space<vmem>>, vector<16xf32>,
        %get3A_1037 = vector.shape_cast %get3A_1036 : vector<16xf32> to vector<16xf32>
        %mul3A_1038 = arith.mulf %gather3A_974, %get3A_1037 : vector<16xf32>
        %add3A_1039 = arith.addf %mul3A_1031, %mul3A_1038 : vector<16xf32>
        %get3A_1040 = arith.constant 0 : i32
        %get3A_1041 = tpu.memref_slice %arg15[%add3A_986, %get3A_1040] : memref<1408x32xf32, #tpu.memory_space<vmem>> -> memref<1x32xf32, #tpu.memory_space<vmem>>
        %get3A_1042 = tpu.memref_squeeze %get3A_1041 : memref<1x32xf32, #tpu.memory_space<vmem>> -> memref<32xf32, #tpu.memory_space<vmem>>
        %get3A_1043 = arith.constant 16 : index
        %get3A_1044 = tpu.vector_load %get3A_1042[%get3A_1043] {strides = array<i32>} : memref<32xf32, #tpu.memory_space<vmem>>, vector<16xf32>,
        %get3A_1045 = vector.shape_cast %get3A_1044 : vector<16xf32> to vector<16xf32>
        %mul3A_1046 = arith.mulf %gather3A_978, %get3A_1045 : vector<16xf32>
        %add3A_1047 = arith.addf %add3A_1039, %mul3A_1046 : vector<16xf32>
        %get3A_1048 = arith.constant 0 : i32
        %get3A_1049 = tpu.memref_slice %arg15[%add3A_988, %get3A_1048] : memref<1408x32xf32, #tpu.memory_space<vmem>> -> memref<1x32xf32, #tpu.memory_space<vmem>>
        %get3A_1050 = tpu.memref_squeeze %get3A_1049 : memref<1x32xf32, #tpu.memory_space<vmem>> -> memref<32xf32, #tpu.memory_space<vmem>>
        %get3A_1051 = arith.constant 16 : index
        %get3A_1052 = tpu.vector_load %get3A_1050[%get3A_1051] {strides = array<i32>} : memref<32xf32, #tpu.memory_space<vmem>>, vector<16xf32>,
        %get3A_1053 = vector.shape_cast %get3A_1052 : vector<16xf32> to vector<16xf32>
        %mul3A_1054 = arith.mulf %gather3A_982, %get3A_1053 : vector<16xf32>
        %add3A_1055 = arith.addf %add3A_1047, %mul3A_1054 : vector<16xf32>
        %swap3A_1056 = arith.index_cast %add3A_966 : i32 to index
        %swap3A_1057 = arith.constant 16 : index
        %swap3A_1058 = tpu.vector_load %arg17[%swap3A_1056, %swap3A_1057] {strides = array<i32>} : memref<352x32xf32, #tpu.memory_space<vmem>>, vector<1x16xf32>,
        %swap3A_1059 = vector.shape_cast %swap3A_1058 : vector<1x16xf32> to vector<16xf32>
        %swap3A_1060 = vector.shape_cast %add3A_1055 : vector<16xf32> to vector<1x16xf32>
        tpu.vector_store %arg17[%swap3A_1056, %swap3A_1057], %swap3A_1060 {strides = array<i32>} : memref<352x32xf32, #tpu.memory_space<vmem>>, vector<1x16xf32>,
        %mul3A_1061 = arith.constant 16 : i32
        %mul3A_1062 = arith.muli %add3A_154, %mul3A_1061 : i32
        %add3A_1063 = arith.constant 9 : i32
        %add3A_1064 = arith.addi %mul3A_1062, %add3A_1063 : i32
        %broadcast_in_dim3A_1065 = arith.constant 9 : i32
        %broadcast_in_dim3A_1066 = vector.broadcast %broadcast_in_dim3A_1065 : i32 to vector<16x1xi32>
        %gather3A_1067 = vector.shape_cast %broadcast_in_dim3A_1066 : vector<16x1xi32> to vector<16xi32>
        %gather3A_1068 = tpu.dynamic_gather %get3A_160[%gather3A_1067] in [0] : vector<16xf32>, vector<16xi32> -> vector<16xf32>
        %broadcast_in_dim3A_1069 = arith.constant 9 : i32
        %broadcast_in_dim3A_1070 = vector.broadcast %broadcast_in_dim3A_1069 : i32 to vector<16x1xi32>
        %gather3A_1071 = vector.shape_cast %broadcast_in_dim3A_1070 : vector<16x1xi32> to vector<16xi32>
        %gather3A_1072 = tpu.dynamic_gather %get3A_167[%gather3A_1071] in [0] : vector<16xf32>, vector<16xi32> -> vector<16xf32>
        %broadcast_in_dim3A_1073 = arith.constant 9 : i32
        %broadcast_in_dim3A_1074 = vector.broadcast %broadcast_in_dim3A_1073 : i32 to vector<16x1xi32>
        %gather3A_1075 = vector.shape_cast %broadcast_in_dim3A_1074 : vector<16x1xi32> to vector<16xi32>
        %gather3A_1076 = tpu.dynamic_gather %get3A_174[%gather3A_1075] in [0] : vector<16xf32>, vector<16xi32> -> vector<16xf32>
        %broadcast_in_dim3A_1077 = arith.constant 9 : i32
        %broadcast_in_dim3A_1078 = vector.broadcast %broadcast_in_dim3A_1077 : i32 to vector<16x1xi32>
        %gather3A_1079 = vector.shape_cast %broadcast_in_dim3A_1078 : vector<16x1xi32> to vector<16xi32>
        %gather3A_1080 = tpu.dynamic_gather %get3A_181[%gather3A_1079] in [0] : vector<16xf32>, vector<16xi32> -> vector<16xf32>
        %add3A_1081 = arith.constant 352 : i32
        %add3A_1082 = arith.addi %add3A_1064, %add3A_1081 : i32
        %add3A_1083 = arith.constant 704 : i32
        %add3A_1084 = arith.addi %add3A_1064, %add3A_1083 : i32
        %add3A_1085 = arith.constant 1056 : i32
        %add3A_1086 = arith.addi %add3A_1064, %add3A_1085 : i32
        %get3A_1087 = arith.constant 0 : i32
        %get3A_1088 = tpu.memref_slice %arg15[%add3A_1064, %get3A_1087] : memref<1408x32xf32, #tpu.memory_space<vmem>> -> memref<1x32xf32, #tpu.memory_space<vmem>>
        %get3A_1089 = tpu.memref_squeeze %get3A_1088 : memref<1x32xf32, #tpu.memory_space<vmem>> -> memref<32xf32, #tpu.memory_space<vmem>>
        %get3A_1090 = arith.constant 0 : index
        %get3A_1091 = tpu.vector_load %get3A_1089[%get3A_1090] {strides = array<i32>} : memref<32xf32, #tpu.memory_space<vmem>>, vector<16xf32>,
        %get3A_1092 = vector.shape_cast %get3A_1091 : vector<16xf32> to vector<16xf32>
        %mul3A_1093 = arith.mulf %gather3A_1068, %get3A_1092 : vector<16xf32>
        %get3A_1094 = arith.constant 0 : i32
        %get3A_1095 = tpu.memref_slice %arg15[%add3A_1082, %get3A_1094] : memref<1408x32xf32, #tpu.memory_space<vmem>> -> memref<1x32xf32, #tpu.memory_space<vmem>>
        %get3A_1096 = tpu.memref_squeeze %get3A_1095 : memref<1x32xf32, #tpu.memory_space<vmem>> -> memref<32xf32, #tpu.memory_space<vmem>>
        %get3A_1097 = arith.constant 0 : index
        %get3A_1098 = tpu.vector_load %get3A_1096[%get3A_1097] {strides = array<i32>} : memref<32xf32, #tpu.memory_space<vmem>>, vector<16xf32>,
        %get3A_1099 = vector.shape_cast %get3A_1098 : vector<16xf32> to vector<16xf32>
        %mul3A_1100 = arith.mulf %gather3A_1072, %get3A_1099 : vector<16xf32>
        %add3A_1101 = arith.addf %mul3A_1093, %mul3A_1100 : vector<16xf32>
        %get3A_1102 = arith.constant 0 : i32
        %get3A_1103 = tpu.memref_slice %arg15[%add3A_1084, %get3A_1102] : memref<1408x32xf32, #tpu.memory_space<vmem>> -> memref<1x32xf32, #tpu.memory_space<vmem>>
        %get3A_1104 = tpu.memref_squeeze %get3A_1103 : memref<1x32xf32, #tpu.memory_space<vmem>> -> memref<32xf32, #tpu.memory_space<vmem>>
        %get3A_1105 = arith.constant 0 : index
        %get3A_1106 = tpu.vector_load %get3A_1104[%get3A_1105] {strides = array<i32>} : memref<32xf32, #tpu.memory_space<vmem>>, vector<16xf32>,
        %get3A_1107 = vector.shape_cast %get3A_1106 : vector<16xf32> to vector<16xf32>
        %mul3A_1108 = arith.mulf %gather3A_1076, %get3A_1107 : vector<16xf32>
        %add3A_1109 = arith.addf %add3A_1101, %mul3A_1108 : vector<16xf32>
        %get3A_1110 = arith.constant 0 : i32
        %get3A_1111 = tpu.memref_slice %arg15[%add3A_1086, %get3A_1110] : memref<1408x32xf32, #tpu.memory_space<vmem>> -> memref<1x32xf32, #tpu.memory_space<vmem>>
        %get3A_1112 = tpu.memref_squeeze %get3A_1111 : memref<1x32xf32, #tpu.memory_space<vmem>> -> memref<32xf32, #tpu.memory_space<vmem>>
        %get3A_1113 = arith.constant 0 : index
        %get3A_1114 = tpu.vector_load %get3A_1112[%get3A_1113] {strides = array<i32>} : memref<32xf32, #tpu.memory_space<vmem>>, vector<16xf32>,
        %get3A_1115 = vector.shape_cast %get3A_1114 : vector<16xf32> to vector<16xf32>
        %mul3A_1116 = arith.mulf %gather3A_1080, %get3A_1115 : vector<16xf32>
        %add3A_1117 = arith.addf %add3A_1109, %mul3A_1116 : vector<16xf32>
        %swap3A_1118 = arith.index_cast %add3A_1064 : i32 to index
        %swap3A_1119 = arith.constant 0 : index
        %swap3A_1120 = tpu.vector_load %arg17[%swap3A_1118, %swap3A_1119] {strides = array<i32>} : memref<352x32xf32, #tpu.memory_space<vmem>>, vector<1x16xf32>,
        %swap3A_1121 = vector.shape_cast %swap3A_1120 : vector<1x16xf32> to vector<16xf32>
        %swap3A_1122 = vector.shape_cast %add3A_1117 : vector<16xf32> to vector<1x16xf32>
        tpu.vector_store %arg17[%swap3A_1118, %swap3A_1119], %swap3A_1122 {strides = array<i32>} : memref<352x32xf32, #tpu.memory_space<vmem>>, vector<1x16xf32>,
        %get3A_1123 = arith.constant 0 : i32
        %get3A_1124 = tpu.memref_slice %arg15[%add3A_1064, %get3A_1123] : memref<1408x32xf32, #tpu.memory_space<vmem>> -> memref<1x32xf32, #tpu.memory_space<vmem>>
        %get3A_1125 = tpu.memref_squeeze %get3A_1124 : memref<1x32xf32, #tpu.memory_space<vmem>> -> memref<32xf32, #tpu.memory_space<vmem>>
        %get3A_1126 = arith.constant 16 : index
        %get3A_1127 = tpu.vector_load %get3A_1125[%get3A_1126] {strides = array<i32>} : memref<32xf32, #tpu.memory_space<vmem>>, vector<16xf32>,
        %get3A_1128 = vector.shape_cast %get3A_1127 : vector<16xf32> to vector<16xf32>
        %mul3A_1129 = arith.mulf %gather3A_1068, %get3A_1128 : vector<16xf32>
        %get3A_1130 = arith.constant 0 : i32
        %get3A_1131 = tpu.memref_slice %arg15[%add3A_1082, %get3A_1130] : memref<1408x32xf32, #tpu.memory_space<vmem>> -> memref<1x32xf32, #tpu.memory_space<vmem>>
        %get3A_1132 = tpu.memref_squeeze %get3A_1131 : memref<1x32xf32, #tpu.memory_space<vmem>> -> memref<32xf32, #tpu.memory_space<vmem>>
        %get3A_1133 = arith.constant 16 : index
        %get3A_1134 = tpu.vector_load %get3A_1132[%get3A_1133] {strides = array<i32>} : memref<32xf32, #tpu.memory_space<vmem>>, vector<16xf32>,
        %get3A_1135 = vector.shape_cast %get3A_1134 : vector<16xf32> to vector<16xf32>
        %mul3A_1136 = arith.mulf %gather3A_1072, %get3A_1135 : vector<16xf32>
        %add3A_1137 = arith.addf %mul3A_1129, %mul3A_1136 : vector<16xf32>
        %get3A_1138 = arith.constant 0 : i32
        %get3A_1139 = tpu.memref_slice %arg15[%add3A_1084, %get3A_1138] : memref<1408x32xf32, #tpu.memory_space<vmem>> -> memref<1x32xf32, #tpu.memory_space<vmem>>
        %get3A_1140 = tpu.memref_squeeze %get3A_1139 : memref<1x32xf32, #tpu.memory_space<vmem>> -> memref<32xf32, #tpu.memory_space<vmem>>
        %get3A_1141 = arith.constant 16 : index
        %get3A_1142 = tpu.vector_load %get3A_1140[%get3A_1141] {strides = array<i32>} : memref<32xf32, #tpu.memory_space<vmem>>, vector<16xf32>,
        %get3A_1143 = vector.shape_cast %get3A_1142 : vector<16xf32> to vector<16xf32>
        %mul3A_1144 = arith.mulf %gather3A_1076, %get3A_1143 : vector<16xf32>
        %add3A_1145 = arith.addf %add3A_1137, %mul3A_1144 : vector<16xf32>
        %get3A_1146 = arith.constant 0 : i32
        %get3A_1147 = tpu.memref_slice %arg15[%add3A_1086, %get3A_1146] : memref<1408x32xf32, #tpu.memory_space<vmem>> -> memref<1x32xf32, #tpu.memory_space<vmem>>
        %get3A_1148 = tpu.memref_squeeze %get3A_1147 : memref<1x32xf32, #tpu.memory_space<vmem>> -> memref<32xf32, #tpu.memory_space<vmem>>
        %get3A_1149 = arith.constant 16 : index
        %get3A_1150 = tpu.vector_load %get3A_1148[%get3A_1149] {strides = array<i32>} : memref<32xf32, #tpu.memory_space<vmem>>, vector<16xf32>,
        %get3A_1151 = vector.shape_cast %get3A_1150 : vector<16xf32> to vector<16xf32>
        %mul3A_1152 = arith.mulf %gather3A_1080, %get3A_1151 : vector<16xf32>
        %add3A_1153 = arith.addf %add3A_1145, %mul3A_1152 : vector<16xf32>
        %swap3A_1154 = arith.index_cast %add3A_1064 : i32 to index
        %swap3A_1155 = arith.constant 16 : index
        %swap3A_1156 = tpu.vector_load %arg17[%swap3A_1154, %swap3A_1155] {strides = array<i32>} : memref<352x32xf32, #tpu.memory_space<vmem>>, vector<1x16xf32>,
        %swap3A_1157 = vector.shape_cast %swap3A_1156 : vector<1x16xf32> to vector<16xf32>
        %swap3A_1158 = vector.shape_cast %add3A_1153 : vector<16xf32> to vector<1x16xf32>
        tpu.vector_store %arg17[%swap3A_1154, %swap3A_1155], %swap3A_1158 {strides = array<i32>} : memref<352x32xf32, #tpu.memory_space<vmem>>, vector<1x16xf32>,
        %mul3A_1159 = arith.constant 16 : i32
        %mul3A_1160 = arith.muli %add3A_154, %mul3A_1159 : i32
        %add3A_1161 = arith.constant 10 : i32
        %add3A_1162 = arith.addi %mul3A_1160, %add3A_1161 : i32
        %broadcast_in_dim3A_1163 = arith.constant 10 : i32
        %broadcast_in_dim3A_1164 = vector.broadcast %broadcast_in_dim3A_1163 : i32 to vector<16x1xi32>
        %gather3A_1165 = vector.shape_cast %broadcast_in_dim3A_1164 : vector<16x1xi32> to vector<16xi32>
        %gather3A_1166 = tpu.dynamic_gather %get3A_160[%gather3A_1165] in [0] : vector<16xf32>, vector<16xi32> -> vector<16xf32>
        %broadcast_in_dim3A_1167 = arith.constant 10 : i32
        %broadcast_in_dim3A_1168 = vector.broadcast %broadcast_in_dim3A_1167 : i32 to vector<16x1xi32>
        %gather3A_1169 = vector.shape_cast %broadcast_in_dim3A_1168 : vector<16x1xi32> to vector<16xi32>
        %gather3A_1170 = tpu.dynamic_gather %get3A_167[%gather3A_1169] in [0] : vector<16xf32>, vector<16xi32> -> vector<16xf32>
        %broadcast_in_dim3A_1171 = arith.constant 10 : i32
        %broadcast_in_dim3A_1172 = vector.broadcast %broadcast_in_dim3A_1171 : i32 to vector<16x1xi32>
        %gather3A_1173 = vector.shape_cast %broadcast_in_dim3A_1172 : vector<16x1xi32> to vector<16xi32>
        %gather3A_1174 = tpu.dynamic_gather %get3A_174[%gather3A_1173] in [0] : vector<16xf32>, vector<16xi32> -> vector<16xf32>
        %broadcast_in_dim3A_1175 = arith.constant 10 : i32
        %broadcast_in_dim3A_1176 = vector.broadcast %broadcast_in_dim3A_1175 : i32 to vector<16x1xi32>
        %gather3A_1177 = vector.shape_cast %broadcast_in_dim3A_1176 : vector<16x1xi32> to vector<16xi32>
        %gather3A_1178 = tpu.dynamic_gather %get3A_181[%gather3A_1177] in [0] : vector<16xf32>, vector<16xi32> -> vector<16xf32>
        %add3A_1179 = arith.constant 352 : i32
        %add3A_1180 = arith.addi %add3A_1162, %add3A_1179 : i32
        %add3A_1181 = arith.constant 704 : i32
        %add3A_1182 = arith.addi %add3A_1162, %add3A_1181 : i32
        %add3A_1183 = arith.constant 1056 : i32
        %add3A_1184 = arith.addi %add3A_1162, %add3A_1183 : i32
        %get3A_1185 = arith.constant 0 : i32
        %get3A_1186 = tpu.memref_slice %arg15[%add3A_1162, %get3A_1185] : memref<1408x32xf32, #tpu.memory_space<vmem>> -> memref<1x32xf32, #tpu.memory_space<vmem>>
        %get3A_1187 = tpu.memref_squeeze %get3A_1186 : memref<1x32xf32, #tpu.memory_space<vmem>> -> memref<32xf32, #tpu.memory_space<vmem>>
        %get3A_1188 = arith.constant 0 : index
        %get3A_1189 = tpu.vector_load %get3A_1187[%get3A_1188] {strides = array<i32>} : memref<32xf32, #tpu.memory_space<vmem>>, vector<16xf32>,
        %get3A_1190 = vector.shape_cast %get3A_1189 : vector<16xf32> to vector<16xf32>
        %mul3A_1191 = arith.mulf %gather3A_1166, %get3A_1190 : vector<16xf32>
        %get3A_1192 = arith.constant 0 : i32
        %get3A_1193 = tpu.memref_slice %arg15[%add3A_1180, %get3A_1192] : memref<1408x32xf32, #tpu.memory_space<vmem>> -> memref<1x32xf32, #tpu.memory_space<vmem>>
        %get3A_1194 = tpu.memref_squeeze %get3A_1193 : memref<1x32xf32, #tpu.memory_space<vmem>> -> memref<32xf32, #tpu.memory_space<vmem>>
        %get3A_1195 = arith.constant 0 : index
        %get3A_1196 = tpu.vector_load %get3A_1194[%get3A_1195] {strides = array<i32>} : memref<32xf32, #tpu.memory_space<vmem>>, vector<16xf32>,
        %get3A_1197 = vector.shape_cast %get3A_1196 : vector<16xf32> to vector<16xf32>
        %mul3A_1198 = arith.mulf %gather3A_1170, %get3A_1197 : vector<16xf32>
        %add3A_1199 = arith.addf %mul3A_1191, %mul3A_1198 : vector<16xf32>
        %get3A_1200 = arith.constant 0 : i32
        %get3A_1201 = tpu.memref_slice %arg15[%add3A_1182, %get3A_1200] : memref<1408x32xf32, #tpu.memory_space<vmem>> -> memref<1x32xf32, #tpu.memory_space<vmem>>
        %get3A_1202 = tpu.memref_squeeze %get3A_1201 : memref<1x32xf32, #tpu.memory_space<vmem>> -> memref<32xf32, #tpu.memory_space<vmem>>
        %get3A_1203 = arith.constant 0 : index
        %get3A_1204 = tpu.vector_load %get3A_1202[%get3A_1203] {strides = array<i32>} : memref<32xf32, #tpu.memory_space<vmem>>, vector<16xf32>,
        %get3A_1205 = vector.shape_cast %get3A_1204 : vector<16xf32> to vector<16xf32>
        %mul3A_1206 = arith.mulf %gather3A_1174, %get3A_1205 : vector<16xf32>
        %add3A_1207 = arith.addf %add3A_1199, %mul3A_1206 : vector<16xf32>
        %get3A_1208 = arith.constant 0 : i32
        %get3A_1209 = tpu.memref_slice %arg15[%add3A_1184, %get3A_1208] : memref<1408x32xf32, #tpu.memory_space<vmem>> -> memref<1x32xf32, #tpu.memory_space<vmem>>
        %get3A_1210 = tpu.memref_squeeze %get3A_1209 : memref<1x32xf32, #tpu.memory_space<vmem>> -> memref<32xf32, #tpu.memory_space<vmem>>
        %get3A_1211 = arith.constant 0 : index
        %get3A_1212 = tpu.vector_load %get3A_1210[%get3A_1211] {strides = array<i32>} : memref<32xf32, #tpu.memory_space<vmem>>, vector<16xf32>,
        %get3A_1213 = vector.shape_cast %get3A_1212 : vector<16xf32> to vector<16xf32>
        %mul3A_1214 = arith.mulf %gather3A_1178, %get3A_1213 : vector<16xf32>
        %add3A_1215 = arith.addf %add3A_1207, %mul3A_1214 : vector<16xf32>
        %swap3A_1216 = arith.index_cast %add3A_1162 : i32 to index
        %swap3A_1217 = arith.constant 0 : index
        %swap3A_1218 = tpu.vector_load %arg17[%swap3A_1216, %swap3A_1217] {strides = array<i32>} : memref<352x32xf32, #tpu.memory_space<vmem>>, vector<1x16xf32>,
        %swap3A_1219 = vector.shape_cast %swap3A_1218 : vector<1x16xf32> to vector<16xf32>
        %swap3A_1220 = vector.shape_cast %add3A_1215 : vector<16xf32> to vector<1x16xf32>
        tpu.vector_store %arg17[%swap3A_1216, %swap3A_1217], %swap3A_1220 {strides = array<i32>} : memref<352x32xf32, #tpu.memory_space<vmem>>, vector<1x16xf32>,
        %get3A_1221 = arith.constant 0 : i32
        %get3A_1222 = tpu.memref_slice %arg15[%add3A_1162, %get3A_1221] : memref<1408x32xf32, #tpu.memory_space<vmem>> -> memref<1x32xf32, #tpu.memory_space<vmem>>
        %get3A_1223 = tpu.memref_squeeze %get3A_1222 : memref<1x32xf32, #tpu.memory_space<vmem>> -> memref<32xf32, #tpu.memory_space<vmem>>
        %get3A_1224 = arith.constant 16 : index
        %get3A_1225 = tpu.vector_load %get3A_1223[%get3A_1224] {strides = array<i32>} : memref<32xf32, #tpu.memory_space<vmem>>, vector<16xf32>,
        %get3A_1226 = vector.shape_cast %get3A_1225 : vector<16xf32> to vector<16xf32>
        %mul3A_1227 = arith.mulf %gather3A_1166, %get3A_1226 : vector<16xf32>
        %get3A_1228 = arith.constant 0 : i32
        %get3A_1229 = tpu.memref_slice %arg15[%add3A_1180, %get3A_1228] : memref<1408x32xf32, #tpu.memory_space<vmem>> -> memref<1x32xf32, #tpu.memory_space<vmem>>
        %get3A_1230 = tpu.memref_squeeze %get3A_1229 : memref<1x32xf32, #tpu.memory_space<vmem>> -> memref<32xf32, #tpu.memory_space<vmem>>
        %get3A_1231 = arith.constant 16 : index
        %get3A_1232 = tpu.vector_load %get3A_1230[%get3A_1231] {strides = array<i32>} : memref<32xf32, #tpu.memory_space<vmem>>, vector<16xf32>,
        %get3A_1233 = vector.shape_cast %get3A_1232 : vector<16xf32> to vector<16xf32>
        %mul3A_1234 = arith.mulf %gather3A_1170, %get3A_1233 : vector<16xf32>
        %add3A_1235 = arith.addf %mul3A_1227, %mul3A_1234 : vector<16xf32>
        %get3A_1236 = arith.constant 0 : i32
        %get3A_1237 = tpu.memref_slice %arg15[%add3A_1182, %get3A_1236] : memref<1408x32xf32, #tpu.memory_space<vmem>> -> memref<1x32xf32, #tpu.memory_space<vmem>>
        %get3A_1238 = tpu.memref_squeeze %get3A_1237 : memref<1x32xf32, #tpu.memory_space<vmem>> -> memref<32xf32, #tpu.memory_space<vmem>>
        %get3A_1239 = arith.constant 16 : index
        %get3A_1240 = tpu.vector_load %get3A_1238[%get3A_1239] {strides = array<i32>} : memref<32xf32, #tpu.memory_space<vmem>>, vector<16xf32>,
        %get3A_1241 = vector.shape_cast %get3A_1240 : vector<16xf32> to vector<16xf32>
        %mul3A_1242 = arith.mulf %gather3A_1174, %get3A_1241 : vector<16xf32>
        %add3A_1243 = arith.addf %add3A_1235, %mul3A_1242 : vector<16xf32>
        %get3A_1244 = arith.constant 0 : i32
        %get3A_1245 = tpu.memref_slice %arg15[%add3A_1184, %get3A_1244] : memref<1408x32xf32, #tpu.memory_space<vmem>> -> memref<1x32xf32, #tpu.memory_space<vmem>>
        %get3A_1246 = tpu.memref_squeeze %get3A_1245 : memref<1x32xf32, #tpu.memory_space<vmem>> -> memref<32xf32, #tpu.memory_space<vmem>>
        %get3A_1247 = arith.constant 16 : index
        %get3A_1248 = tpu.vector_load %get3A_1246[%get3A_1247] {strides = array<i32>} : memref<32xf32, #tpu.memory_space<vmem>>, vector<16xf32>,
        %get3A_1249 = vector.shape_cast %get3A_1248 : vector<16xf32> to vector<16xf32>
        %mul3A_1250 = arith.mulf %gather3A_1178, %get3A_1249 : vector<16xf32>
        %add3A_1251 = arith.addf %add3A_1243, %mul3A_1250 : vector<16xf32>
        %swap3A_1252 = arith.index_cast %add3A_1162 : i32 to index
        %swap3A_1253 = arith.constant 16 : index
        %swap3A_1254 = tpu.vector_load %arg17[%swap3A_1252, %swap3A_1253] {strides = array<i32>} : memref<352x32xf32, #tpu.memory_space<vmem>>, vector<1x16xf32>,
        %swap3A_1255 = vector.shape_cast %swap3A_1254 : vector<1x16xf32> to vector<16xf32>
        %swap3A_1256 = vector.shape_cast %add3A_1251 : vector<16xf32> to vector<1x16xf32>
        tpu.vector_store %arg17[%swap3A_1252, %swap3A_1253], %swap3A_1256 {strides = array<i32>} : memref<352x32xf32, #tpu.memory_space<vmem>>, vector<1x16xf32>,
        %mul3A_1257 = arith.constant 16 : i32
        %mul3A_1258 = arith.muli %add3A_154, %mul3A_1257 : i32
        %add3A_1259 = arith.constant 11 : i32
        %add3A_1260 = arith.addi %mul3A_1258, %add3A_1259 : i32
        %broadcast_in_dim3A_1261 = arith.constant 11 : i32
        %broadcast_in_dim3A_1262 = vector.broadcast %broadcast_in_dim3A_1261 : i32 to vector<16x1xi32>
        %gather3A_1263 = vector.shape_cast %broadcast_in_dim3A_1262 : vector<16x1xi32> to vector<16xi32>
        %gather3A_1264 = tpu.dynamic_gather %get3A_160[%gather3A_1263] in [0] : vector<16xf32>, vector<16xi32> -> vector<16xf32>
        %broadcast_in_dim3A_1265 = arith.constant 11 : i32
        %broadcast_in_dim3A_1266 = vector.broadcast %broadcast_in_dim3A_1265 : i32 to vector<16x1xi32>
        %gather3A_1267 = vector.shape_cast %broadcast_in_dim3A_1266 : vector<16x1xi32> to vector<16xi32>
        %gather3A_1268 = tpu.dynamic_gather %get3A_167[%gather3A_1267] in [0] : vector<16xf32>, vector<16xi32> -> vector<16xf32>
        %broadcast_in_dim3A_1269 = arith.constant 11 : i32
        %broadcast_in_dim3A_1270 = vector.broadcast %broadcast_in_dim3A_1269 : i32 to vector<16x1xi32>
        %gather3A_1271 = vector.shape_cast %broadcast_in_dim3A_1270 : vector<16x1xi32> to vector<16xi32>
        %gather3A_1272 = tpu.dynamic_gather %get3A_174[%gather3A_1271] in [0] : vector<16xf32>, vector<16xi32> -> vector<16xf32>
        %broadcast_in_dim3A_1273 = arith.constant 11 : i32
        %broadcast_in_dim3A_1274 = vector.broadcast %broadcast_in_dim3A_1273 : i32 to vector<16x1xi32>
        %gather3A_1275 = vector.shape_cast %broadcast_in_dim3A_1274 : vector<16x1xi32> to vector<16xi32>
        %gather3A_1276 = tpu.dynamic_gather %get3A_181[%gather3A_1275] in [0] : vector<16xf32>, vector<16xi32> -> vector<16xf32>
        %add3A_1277 = arith.constant 352 : i32
        %add3A_1278 = arith.addi %add3A_1260, %add3A_1277 : i32
        %add3A_1279 = arith.constant 704 : i32
        %add3A_1280 = arith.addi %add3A_1260, %add3A_1279 : i32
        %add3A_1281 = arith.constant 1056 : i32
        %add3A_1282 = arith.addi %add3A_1260, %add3A_1281 : i32
        %get3A_1283 = arith.constant 0 : i32
        %get3A_1284 = tpu.memref_slice %arg15[%add3A_1260, %get3A_1283] : memref<1408x32xf32, #tpu.memory_space<vmem>> -> memref<1x32xf32, #tpu.memory_space<vmem>>
        %get3A_1285 = tpu.memref_squeeze %get3A_1284 : memref<1x32xf32, #tpu.memory_space<vmem>> -> memref<32xf32, #tpu.memory_space<vmem>>
        %get3A_1286 = arith.constant 0 : index
        %get3A_1287 = tpu.vector_load %get3A_1285[%get3A_1286] {strides = array<i32>} : memref<32xf32, #tpu.memory_space<vmem>>, vector<16xf32>,
        %get3A_1288 = vector.shape_cast %get3A_1287 : vector<16xf32> to vector<16xf32>
        %mul3A_1289 = arith.mulf %gather3A_1264, %get3A_1288 : vector<16xf32>
        %get3A_1290 = arith.constant 0 : i32
        %get3A_1291 = tpu.memref_slice %arg15[%add3A_1278, %get3A_1290] : memref<1408x32xf32, #tpu.memory_space<vmem>> -> memref<1x32xf32, #tpu.memory_space<vmem>>
        %get3A_1292 = tpu.memref_squeeze %get3A_1291 : memref<1x32xf32, #tpu.memory_space<vmem>> -> memref<32xf32, #tpu.memory_space<vmem>>
        %get3A_1293 = arith.constant 0 : index
        %get3A_1294 = tpu.vector_load %get3A_1292[%get3A_1293] {strides = array<i32>} : memref<32xf32, #tpu.memory_space<vmem>>, vector<16xf32>,
        %get3A_1295 = vector.shape_cast %get3A_1294 : vector<16xf32> to vector<16xf32>
        %mul3A_1296 = arith.mulf %gather3A_1268, %get3A_1295 : vector<16xf32>
        %add3A_1297 = arith.addf %mul3A_1289, %mul3A_1296 : vector<16xf32>
        %get3A_1298 = arith.constant 0 : i32
        %get3A_1299 = tpu.memref_slice %arg15[%add3A_1280, %get3A_1298] : memref<1408x32xf32, #tpu.memory_space<vmem>> -> memref<1x32xf32, #tpu.memory_space<vmem>>
        %get3A_1300 = tpu.memref_squeeze %get3A_1299 : memref<1x32xf32, #tpu.memory_space<vmem>> -> memref<32xf32, #tpu.memory_space<vmem>>
        %get3A_1301 = arith.constant 0 : index
        %get3A_1302 = tpu.vector_load %get3A_1300[%get3A_1301] {strides = array<i32>} : memref<32xf32, #tpu.memory_space<vmem>>, vector<16xf32>,
        %get3A_1303 = vector.shape_cast %get3A_1302 : vector<16xf32> to vector<16xf32>
        %mul3A_1304 = arith.mulf %gather3A_1272, %get3A_1303 : vector<16xf32>
        %add3A_1305 = arith.addf %add3A_1297, %mul3A_1304 : vector<16xf32>
        %get3A_1306 = arith.constant 0 : i32
        %get3A_1307 = tpu.memref_slice %arg15[%add3A_1282, %get3A_1306] : memref<1408x32xf32, #tpu.memory_space<vmem>> -> memref<1x32xf32, #tpu.memory_space<vmem>>
        %get3A_1308 = tpu.memref_squeeze %get3A_1307 : memref<1x32xf32, #tpu.memory_space<vmem>> -> memref<32xf32, #tpu.memory_space<vmem>>
        %get3A_1309 = arith.constant 0 : index
        %get3A_1310 = tpu.vector_load %get3A_1308[%get3A_1309] {strides = array<i32>} : memref<32xf32, #tpu.memory_space<vmem>>, vector<16xf32>,
        %get3A_1311 = vector.shape_cast %get3A_1310 : vector<16xf32> to vector<16xf32>
        %mul3A_1312 = arith.mulf %gather3A_1276, %get3A_1311 : vector<16xf32>
        %add3A_1313 = arith.addf %add3A_1305, %mul3A_1312 : vector<16xf32>
        %swap3A_1314 = arith.index_cast %add3A_1260 : i32 to index
        %swap3A_1315 = arith.constant 0 : index
        %swap3A_1316 = tpu.vector_load %arg17[%swap3A_1314, %swap3A_1315] {strides = array<i32>} : memref<352x32xf32, #tpu.memory_space<vmem>>, vector<1x16xf32>,
        %swap3A_1317 = vector.shape_cast %swap3A_1316 : vector<1x16xf32> to vector<16xf32>
        %swap3A_1318 = vector.shape_cast %add3A_1313 : vector<16xf32> to vector<1x16xf32>
        tpu.vector_store %arg17[%swap3A_1314, %swap3A_1315], %swap3A_1318 {strides = array<i32>} : memref<352x32xf32, #tpu.memory_space<vmem>>, vector<1x16xf32>,
        %get3A_1319 = arith.constant 0 : i32
        %get3A_1320 = tpu.memref_slice %arg15[%add3A_1260, %get3A_1319] : memref<1408x32xf32, #tpu.memory_space<vmem>> -> memref<1x32xf32, #tpu.memory_space<vmem>>
        %get3A_1321 = tpu.memref_squeeze %get3A_1320 : memref<1x32xf32, #tpu.memory_space<vmem>> -> memref<32xf32, #tpu.memory_space<vmem>>
        %get3A_1322 = arith.constant 16 : index
        %get3A_1323 = tpu.vector_load %get3A_1321[%get3A_1322] {strides = array<i32>} : memref<32xf32, #tpu.memory_space<vmem>>, vector<16xf32>,
        %get3A_1324 = vector.shape_cast %get3A_1323 : vector<16xf32> to vector<16xf32>
        %mul3A_1325 = arith.mulf %gather3A_1264, %get3A_1324 : vector<16xf32>
        %get3A_1326 = arith.constant 0 : i32
        %get3A_1327 = tpu.memref_slice %arg15[%add3A_1278, %get3A_1326] : memref<1408x32xf32, #tpu.memory_space<vmem>> -> memref<1x32xf32, #tpu.memory_space<vmem>>
        %get3A_1328 = tpu.memref_squeeze %get3A_1327 : memref<1x32xf32, #tpu.memory_space<vmem>> -> memref<32xf32, #tpu.memory_space<vmem>>
        %get3A_1329 = arith.constant 16 : index
        %get3A_1330 = tpu.vector_load %get3A_1328[%get3A_1329] {strides = array<i32>} : memref<32xf32, #tpu.memory_space<vmem>>, vector<16xf32>,
        %get3A_1331 = vector.shape_cast %get3A_1330 : vector<16xf32> to vector<16xf32>
        %mul3A_1332 = arith.mulf %gather3A_1268, %get3A_1331 : vector<16xf32>
        %add3A_1333 = arith.addf %mul3A_1325, %mul3A_1332 : vector<16xf32>
        %get3A_1334 = arith.constant 0 : i32
        %get3A_1335 = tpu.memref_slice %arg15[%add3A_1280, %get3A_1334] : memref<1408x32xf32, #tpu.memory_space<vmem>> -> memref<1x32xf32, #tpu.memory_space<vmem>>
        %get3A_1336 = tpu.memref_squeeze %get3A_1335 : memref<1x32xf32, #tpu.memory_space<vmem>> -> memref<32xf32, #tpu.memory_space<vmem>>
        %get3A_1337 = arith.constant 16 : index
        %get3A_1338 = tpu.vector_load %get3A_1336[%get3A_1337] {strides = array<i32>} : memref<32xf32, #tpu.memory_space<vmem>>, vector<16xf32>,
        %get3A_1339 = vector.shape_cast %get3A_1338 : vector<16xf32> to vector<16xf32>
        %mul3A_1340 = arith.mulf %gather3A_1272, %get3A_1339 : vector<16xf32>
        %add3A_1341 = arith.addf %add3A_1333, %mul3A_1340 : vector<16xf32>
        %get3A_1342 = arith.constant 0 : i32
        %get3A_1343 = tpu.memref_slice %arg15[%add3A_1282, %get3A_1342] : memref<1408x32xf32, #tpu.memory_space<vmem>> -> memref<1x32xf32, #tpu.memory_space<vmem>>
        %get3A_1344 = tpu.memref_squeeze %get3A_1343 : memref<1x32xf32, #tpu.memory_space<vmem>> -> memref<32xf32, #tpu.memory_space<vmem>>
        %get3A_1345 = arith.constant 16 : index
        %get3A_1346 = tpu.vector_load %get3A_1344[%get3A_1345] {strides = array<i32>} : memref<32xf32, #tpu.memory_space<vmem>>, vector<16xf32>,
        %get3A_1347 = vector.shape_cast %get3A_1346 : vector<16xf32> to vector<16xf32>
        %mul3A_1348 = arith.mulf %gather3A_1276, %get3A_1347 : vector<16xf32>
        %add3A_1349 = arith.addf %add3A_1341, %mul3A_1348 : vector<16xf32>
        %swap3A_1350 = arith.index_cast %add3A_1260 : i32 to index
        %swap3A_1351 = arith.constant 16 : index
        %swap3A_1352 = tpu.vector_load %arg17[%swap3A_1350, %swap3A_1351] {strides = array<i32>} : memref<352x32xf32, #tpu.memory_space<vmem>>, vector<1x16xf32>,
        %swap3A_1353 = vector.shape_cast %swap3A_1352 : vector<1x16xf32> to vector<16xf32>
        %swap3A_1354 = vector.shape_cast %add3A_1349 : vector<16xf32> to vector<1x16xf32>
        tpu.vector_store %arg17[%swap3A_1350, %swap3A_1351], %swap3A_1354 {strides = array<i32>} : memref<352x32xf32, #tpu.memory_space<vmem>>, vector<1x16xf32>,
        %mul3A_1355 = arith.constant 16 : i32
        %mul3A_1356 = arith.muli %add3A_154, %mul3A_1355 : i32
        %add3A_1357 = arith.constant 12 : i32
        %add3A_1358 = arith.addi %mul3A_1356, %add3A_1357 : i32
        %broadcast_in_dim3A_1359 = arith.constant 12 : i32
        %broadcast_in_dim3A_1360 = vector.broadcast %broadcast_in_dim3A_1359 : i32 to vector<16x1xi32>
        %gather3A_1361 = vector.shape_cast %broadcast_in_dim3A_1360 : vector<16x1xi32> to vector<16xi32>
        %gather3A_1362 = tpu.dynamic_gather %get3A_160[%gather3A_1361] in [0] : vector<16xf32>, vector<16xi32> -> vector<16xf32>
        %broadcast_in_dim3A_1363 = arith.constant 12 : i32
        %broadcast_in_dim3A_1364 = vector.broadcast %broadcast_in_dim3A_1363 : i32 to vector<16x1xi32>
        %gather3A_1365 = vector.shape_cast %broadcast_in_dim3A_1364 : vector<16x1xi32> to vector<16xi32>
        %gather3A_1366 = tpu.dynamic_gather %get3A_167[%gather3A_1365] in [0] : vector<16xf32>, vector<16xi32> -> vector<16xf32>
        %broadcast_in_dim3A_1367 = arith.constant 12 : i32
        %broadcast_in_dim3A_1368 = vector.broadcast %broadcast_in_dim3A_1367 : i32 to vector<16x1xi32>
        %gather3A_1369 = vector.shape_cast %broadcast_in_dim3A_1368 : vector<16x1xi32> to vector<16xi32>
        %gather3A_1370 = tpu.dynamic_gather %get3A_174[%gather3A_1369] in [0] : vector<16xf32>, vector<16xi32> -> vector<16xf32>
        %broadcast_in_dim3A_1371 = arith.constant 12 : i32
        %broadcast_in_dim3A_1372 = vector.broadcast %broadcast_in_dim3A_1371 : i32 to vector<16x1xi32>
        %gather3A_1373 = vector.shape_cast %broadcast_in_dim3A_1372 : vector<16x1xi32> to vector<16xi32>
        %gather3A_1374 = tpu.dynamic_gather %get3A_181[%gather3A_1373] in [0] : vector<16xf32>, vector<16xi32> -> vector<16xf32>
        %add3A_1375 = arith.constant 352 : i32
        %add3A_1376 = arith.addi %add3A_1358, %add3A_1375 : i32
        %add3A_1377 = arith.constant 704 : i32
        %add3A_1378 = arith.addi %add3A_1358, %add3A_1377 : i32
        %add3A_1379 = arith.constant 1056 : i32
        %add3A_1380 = arith.addi %add3A_1358, %add3A_1379 : i32
        %get3A_1381 = arith.constant 0 : i32
        %get3A_1382 = tpu.memref_slice %arg15[%add3A_1358, %get3A_1381] : memref<1408x32xf32, #tpu.memory_space<vmem>> -> memref<1x32xf32, #tpu.memory_space<vmem>>
        %get3A_1383 = tpu.memref_squeeze %get3A_1382 : memref<1x32xf32, #tpu.memory_space<vmem>> -> memref<32xf32, #tpu.memory_space<vmem>>
        %get3A_1384 = arith.constant 0 : index
        %get3A_1385 = tpu.vector_load %get3A_1383[%get3A_1384] {strides = array<i32>} : memref<32xf32, #tpu.memory_space<vmem>>, vector<16xf32>,
        %get3A_1386 = vector.shape_cast %get3A_1385 : vector<16xf32> to vector<16xf32>
        %mul3A_1387 = arith.mulf %gather3A_1362, %get3A_1386 : vector<16xf32>
        %get3A_1388 = arith.constant 0 : i32
        %get3A_1389 = tpu.memref_slice %arg15[%add3A_1376, %get3A_1388] : memref<1408x32xf32, #tpu.memory_space<vmem>> -> memref<1x32xf32, #tpu.memory_space<vmem>>
        %get3A_1390 = tpu.memref_squeeze %get3A_1389 : memref<1x32xf32, #tpu.memory_space<vmem>> -> memref<32xf32, #tpu.memory_space<vmem>>
        %get3A_1391 = arith.constant 0 : index
        %get3A_1392 = tpu.vector_load %get3A_1390[%get3A_1391] {strides = array<i32>} : memref<32xf32, #tpu.memory_space<vmem>>, vector<16xf32>,
        %get3A_1393 = vector.shape_cast %get3A_1392 : vector<16xf32> to vector<16xf32>
        %mul3A_1394 = arith.mulf %gather3A_1366, %get3A_1393 : vector<16xf32>
        %add3A_1395 = arith.addf %mul3A_1387, %mul3A_1394 : vector<16xf32>
        %get3A_1396 = arith.constant 0 : i32
        %get3A_1397 = tpu.memref_slice %arg15[%add3A_1378, %get3A_1396] : memref<1408x32xf32, #tpu.memory_space<vmem>> -> memref<1x32xf32, #tpu.memory_space<vmem>>
        %get3A_1398 = tpu.memref_squeeze %get3A_1397 : memref<1x32xf32, #tpu.memory_space<vmem>> -> memref<32xf32, #tpu.memory_space<vmem>>
        %get3A_1399 = arith.constant 0 : index
        %get3A_1400 = tpu.vector_load %get3A_1398[%get3A_1399] {strides = array<i32>} : memref<32xf32, #tpu.memory_space<vmem>>, vector<16xf32>,
        %get3A_1401 = vector.shape_cast %get3A_1400 : vector<16xf32> to vector<16xf32>
        %mul3A_1402 = arith.mulf %gather3A_1370, %get3A_1401 : vector<16xf32>
        %add3A_1403 = arith.addf %add3A_1395, %mul3A_1402 : vector<16xf32>
        %get3A_1404 = arith.constant 0 : i32
        %get3A_1405 = tpu.memref_slice %arg15[%add3A_1380, %get3A_1404] : memref<1408x32xf32, #tpu.memory_space<vmem>> -> memref<1x32xf32, #tpu.memory_space<vmem>>
        %get3A_1406 = tpu.memref_squeeze %get3A_1405 : memref<1x32xf32, #tpu.memory_space<vmem>> -> memref<32xf32, #tpu.memory_space<vmem>>
        %get3A_1407 = arith.constant 0 : index
        %get3A_1408 = tpu.vector_load %get3A_1406[%get3A_1407] {strides = array<i32>} : memref<32xf32, #tpu.memory_space<vmem>>, vector<16xf32>,
        %get3A_1409 = vector.shape_cast %get3A_1408 : vector<16xf32> to vector<16xf32>
        %mul3A_1410 = arith.mulf %gather3A_1374, %get3A_1409 : vector<16xf32>
        %add3A_1411 = arith.addf %add3A_1403, %mul3A_1410 : vector<16xf32>
        %swap3A_1412 = arith.index_cast %add3A_1358 : i32 to index
        %swap3A_1413 = arith.constant 0 : index
        %swap3A_1414 = tpu.vector_load %arg17[%swap3A_1412, %swap3A_1413] {strides = array<i32>} : memref<352x32xf32, #tpu.memory_space<vmem>>, vector<1x16xf32>,
        %swap3A_1415 = vector.shape_cast %swap3A_1414 : vector<1x16xf32> to vector<16xf32>
        %swap3A_1416 = vector.shape_cast %add3A_1411 : vector<16xf32> to vector<1x16xf32>
        tpu.vector_store %arg17[%swap3A_1412, %swap3A_1413], %swap3A_1416 {strides = array<i32>} : memref<352x32xf32, #tpu.memory_space<vmem>>, vector<1x16xf32>,
        %get3A_1417 = arith.constant 0 : i32
        %get3A_1418 = tpu.memref_slice %arg15[%add3A_1358, %get3A_1417] : memref<1408x32xf32, #tpu.memory_space<vmem>> -> memref<1x32xf32, #tpu.memory_space<vmem>>
        %get3A_1419 = tpu.memref_squeeze %get3A_1418 : memref<1x32xf32, #tpu.memory_space<vmem>> -> memref<32xf32, #tpu.memory_space<vmem>>
        %get3A_1420 = arith.constant 16 : index
        %get3A_1421 = tpu.vector_load %get3A_1419[%get3A_1420] {strides = array<i32>} : memref<32xf32, #tpu.memory_space<vmem>>, vector<16xf32>,
        %get3A_1422 = vector.shape_cast %get3A_1421 : vector<16xf32> to vector<16xf32>
        %mul3A_1423 = arith.mulf %gather3A_1362, %get3A_1422 : vector<16xf32>
        %get3A_1424 = arith.constant 0 : i32
        %get3A_1425 = tpu.memref_slice %arg15[%add3A_1376, %get3A_1424] : memref<1408x32xf32, #tpu.memory_space<vmem>> -> memref<1x32xf32, #tpu.memory_space<vmem>>
        %get3A_1426 = tpu.memref_squeeze %get3A_1425 : memref<1x32xf32, #tpu.memory_space<vmem>> -> memref<32xf32, #tpu.memory_space<vmem>>
        %get3A_1427 = arith.constant 16 : index
        %get3A_1428 = tpu.vector_load %get3A_1426[%get3A_1427] {strides = array<i32>} : memref<32xf32, #tpu.memory_space<vmem>>, vector<16xf32>,
        %get3A_1429 = vector.shape_cast %get3A_1428 : vector<16xf32> to vector<16xf32>
        %mul3A_1430 = arith.mulf %gather3A_1366, %get3A_1429 : vector<16xf32>
        %add3A_1431 = arith.addf %mul3A_1423, %mul3A_1430 : vector<16xf32>
        %get3A_1432 = arith.constant 0 : i32
        %get3A_1433 = tpu.memref_slice %arg15[%add3A_1378, %get3A_1432] : memref<1408x32xf32, #tpu.memory_space<vmem>> -> memref<1x32xf32, #tpu.memory_space<vmem>>
        %get3A_1434 = tpu.memref_squeeze %get3A_1433 : memref<1x32xf32, #tpu.memory_space<vmem>> -> memref<32xf32, #tpu.memory_space<vmem>>
        %get3A_1435 = arith.constant 16 : index
        %get3A_1436 = tpu.vector_load %get3A_1434[%get3A_1435] {strides = array<i32>} : memref<32xf32, #tpu.memory_space<vmem>>, vector<16xf32>,
        %get3A_1437 = vector.shape_cast %get3A_1436 : vector<16xf32> to vector<16xf32>
        %mul3A_1438 = arith.mulf %gather3A_1370, %get3A_1437 : vector<16xf32>
        %add3A_1439 = arith.addf %add3A_1431, %mul3A_1438 : vector<16xf32>
        %get3A_1440 = arith.constant 0 : i32
        %get3A_1441 = tpu.memref_slice %arg15[%add3A_1380, %get3A_1440] : memref<1408x32xf32, #tpu.memory_space<vmem>> -> memref<1x32xf32, #tpu.memory_space<vmem>>
        %get3A_1442 = tpu.memref_squeeze %get3A_1441 : memref<1x32xf32, #tpu.memory_space<vmem>> -> memref<32xf32, #tpu.memory_space<vmem>>
        %get3A_1443 = arith.constant 16 : index
        %get3A_1444 = tpu.vector_load %get3A_1442[%get3A_1443] {strides = array<i32>} : memref<32xf32, #tpu.memory_space<vmem>>, vector<16xf32>,
        %get3A_1445 = vector.shape_cast %get3A_1444 : vector<16xf32> to vector<16xf32>
        %mul3A_1446 = arith.mulf %gather3A_1374, %get3A_1445 : vector<16xf32>
        %add3A_1447 = arith.addf %add3A_1439, %mul3A_1446 : vector<16xf32>
        %swap3A_1448 = arith.index_cast %add3A_1358 : i32 to index
        %swap3A_1449 = arith.constant 16 : index
        %swap3A_1450 = tpu.vector_load %arg17[%swap3A_1448, %swap3A_1449] {strides = array<i32>} : memref<352x32xf32, #tpu.memory_space<vmem>>, vector<1x16xf32>,
        %swap3A_1451 = vector.shape_cast %swap3A_1450 : vector<1x16xf32> to vector<16xf32>
        %swap3A_1452 = vector.shape_cast %add3A_1447 : vector<16xf32> to vector<1x16xf32>
        tpu.vector_store %arg17[%swap3A_1448, %swap3A_1449], %swap3A_1452 {strides = array<i32>} : memref<352x32xf32, #tpu.memory_space<vmem>>, vector<1x16xf32>,
        %mul3A_1453 = arith.constant 16 : i32
        %mul3A_1454 = arith.muli %add3A_154, %mul3A_1453 : i32
        %add3A_1455 = arith.constant 13 : i32
        %add3A_1456 = arith.addi %mul3A_1454, %add3A_1455 : i32
        %broadcast_in_dim3A_1457 = arith.constant 13 : i32
        %broadcast_in_dim3A_1458 = vector.broadcast %broadcast_in_dim3A_1457 : i32 to vector<16x1xi32>
        %gather3A_1459 = vector.shape_cast %broadcast_in_dim3A_1458 : vector<16x1xi32> to vector<16xi32>
        %gather3A_1460 = tpu.dynamic_gather %get3A_160[%gather3A_1459] in [0] : vector<16xf32>, vector<16xi32> -> vector<16xf32>
        %broadcast_in_dim3A_1461 = arith.constant 13 : i32
        %broadcast_in_dim3A_1462 = vector.broadcast %broadcast_in_dim3A_1461 : i32 to vector<16x1xi32>
        %gather3A_1463 = vector.shape_cast %broadcast_in_dim3A_1462 : vector<16x1xi32> to vector<16xi32>
        %gather3A_1464 = tpu.dynamic_gather %get3A_167[%gather3A_1463] in [0] : vector<16xf32>, vector<16xi32> -> vector<16xf32>
        %broadcast_in_dim3A_1465 = arith.constant 13 : i32
        %broadcast_in_dim3A_1466 = vector.broadcast %broadcast_in_dim3A_1465 : i32 to vector<16x1xi32>
        %gather3A_1467 = vector.shape_cast %broadcast_in_dim3A_1466 : vector<16x1xi32> to vector<16xi32>
        %gather3A_1468 = tpu.dynamic_gather %get3A_174[%gather3A_1467] in [0] : vector<16xf32>, vector<16xi32> -> vector<16xf32>
        %broadcast_in_dim3A_1469 = arith.constant 13 : i32
        %broadcast_in_dim3A_1470 = vector.broadcast %broadcast_in_dim3A_1469 : i32 to vector<16x1xi32>
        %gather3A_1471 = vector.shape_cast %broadcast_in_dim3A_1470 : vector<16x1xi32> to vector<16xi32>
        %gather3A_1472 = tpu.dynamic_gather %get3A_181[%gather3A_1471] in [0] : vector<16xf32>, vector<16xi32> -> vector<16xf32>
        %add3A_1473 = arith.constant 352 : i32
        %add3A_1474 = arith.addi %add3A_1456, %add3A_1473 : i32
        %add3A_1475 = arith.constant 704 : i32
        %add3A_1476 = arith.addi %add3A_1456, %add3A_1475 : i32
        %add3A_1477 = arith.constant 1056 : i32
        %add3A_1478 = arith.addi %add3A_1456, %add3A_1477 : i32
        %get3A_1479 = arith.constant 0 : i32
        %get3A_1480 = tpu.memref_slice %arg15[%add3A_1456, %get3A_1479] : memref<1408x32xf32, #tpu.memory_space<vmem>> -> memref<1x32xf32, #tpu.memory_space<vmem>>
        %get3A_1481 = tpu.memref_squeeze %get3A_1480 : memref<1x32xf32, #tpu.memory_space<vmem>> -> memref<32xf32, #tpu.memory_space<vmem>>
        %get3A_1482 = arith.constant 0 : index
        %get3A_1483 = tpu.vector_load %get3A_1481[%get3A_1482] {strides = array<i32>} : memref<32xf32, #tpu.memory_space<vmem>>, vector<16xf32>,
        %get3A_1484 = vector.shape_cast %get3A_1483 : vector<16xf32> to vector<16xf32>
        %mul3A_1485 = arith.mulf %gather3A_1460, %get3A_1484 : vector<16xf32>
        %get3A_1486 = arith.constant 0 : i32
        %get3A_1487 = tpu.memref_slice %arg15[%add3A_1474, %get3A_1486] : memref<1408x32xf32, #tpu.memory_space<vmem>> -> memref<1x32xf32, #tpu.memory_space<vmem>>
        %get3A_1488 = tpu.memref_squeeze %get3A_1487 : memref<1x32xf32, #tpu.memory_space<vmem>> -> memref<32xf32, #tpu.memory_space<vmem>>
        %get3A_1489 = arith.constant 0 : index
        %get3A_1490 = tpu.vector_load %get3A_1488[%get3A_1489] {strides = array<i32>} : memref<32xf32, #tpu.memory_space<vmem>>, vector<16xf32>,
        %get3A_1491 = vector.shape_cast %get3A_1490 : vector<16xf32> to vector<16xf32>
        %mul3A_1492 = arith.mulf %gather3A_1464, %get3A_1491 : vector<16xf32>
        %add3A_1493 = arith.addf %mul3A_1485, %mul3A_1492 : vector<16xf32>
        %get3A_1494 = arith.constant 0 : i32
        %get3A_1495 = tpu.memref_slice %arg15[%add3A_1476, %get3A_1494] : memref<1408x32xf32, #tpu.memory_space<vmem>> -> memref<1x32xf32, #tpu.memory_space<vmem>>
        %get3A_1496 = tpu.memref_squeeze %get3A_1495 : memref<1x32xf32, #tpu.memory_space<vmem>> -> memref<32xf32, #tpu.memory_space<vmem>>
        %get3A_1497 = arith.constant 0 : index
        %get3A_1498 = tpu.vector_load %get3A_1496[%get3A_1497] {strides = array<i32>} : memref<32xf32, #tpu.memory_space<vmem>>, vector<16xf32>,
        %get3A_1499 = vector.shape_cast %get3A_1498 : vector<16xf32> to vector<16xf32>
        %mul3A_1500 = arith.mulf %gather3A_1468, %get3A_1499 : vector<16xf32>
        %add3A_1501 = arith.addf %add3A_1493, %mul3A_1500 : vector<16xf32>
        %get3A_1502 = arith.constant 0 : i32
        %get3A_1503 = tpu.memref_slice %arg15[%add3A_1478, %get3A_1502] : memref<1408x32xf32, #tpu.memory_space<vmem>> -> memref<1x32xf32, #tpu.memory_space<vmem>>
        %get3A_1504 = tpu.memref_squeeze %get3A_1503 : memref<1x32xf32, #tpu.memory_space<vmem>> -> memref<32xf32, #tpu.memory_space<vmem>>
        %get3A_1505 = arith.constant 0 : index
        %get3A_1506 = tpu.vector_load %get3A_1504[%get3A_1505] {strides = array<i32>} : memref<32xf32, #tpu.memory_space<vmem>>, vector<16xf32>,
        %get3A_1507 = vector.shape_cast %get3A_1506 : vector<16xf32> to vector<16xf32>
        %mul3A_1508 = arith.mulf %gather3A_1472, %get3A_1507 : vector<16xf32>
        %add3A_1509 = arith.addf %add3A_1501, %mul3A_1508 : vector<16xf32>
        %swap3A_1510 = arith.index_cast %add3A_1456 : i32 to index
        %swap3A_1511 = arith.constant 0 : index
        %swap3A_1512 = tpu.vector_load %arg17[%swap3A_1510, %swap3A_1511] {strides = array<i32>} : memref<352x32xf32, #tpu.memory_space<vmem>>, vector<1x16xf32>,
        %swap3A_1513 = vector.shape_cast %swap3A_1512 : vector<1x16xf32> to vector<16xf32>
        %swap3A_1514 = vector.shape_cast %add3A_1509 : vector<16xf32> to vector<1x16xf32>
        tpu.vector_store %arg17[%swap3A_1510, %swap3A_1511], %swap3A_1514 {strides = array<i32>} : memref<352x32xf32, #tpu.memory_space<vmem>>, vector<1x16xf32>,
        %get3A_1515 = arith.constant 0 : i32
        %get3A_1516 = tpu.memref_slice %arg15[%add3A_1456, %get3A_1515] : memref<1408x32xf32, #tpu.memory_space<vmem>> -> memref<1x32xf32, #tpu.memory_space<vmem>>
        %get3A_1517 = tpu.memref_squeeze %get3A_1516 : memref<1x32xf32, #tpu.memory_space<vmem>> -> memref<32xf32, #tpu.memory_space<vmem>>
        %get3A_1518 = arith.constant 16 : index
        %get3A_1519 = tpu.vector_load %get3A_1517[%get3A_1518] {strides = array<i32>} : memref<32xf32, #tpu.memory_space<vmem>>, vector<16xf32>,
        %get3A_1520 = vector.shape_cast %get3A_1519 : vector<16xf32> to vector<16xf32>
        %mul3A_1521 = arith.mulf %gather3A_1460, %get3A_1520 : vector<16xf32>
        %get3A_1522 = arith.constant 0 : i32
        %get3A_1523 = tpu.memref_slice %arg15[%add3A_1474, %get3A_1522] : memref<1408x32xf32, #tpu.memory_space<vmem>> -> memref<1x32xf32, #tpu.memory_space<vmem>>
        %get3A_1524 = tpu.memref_squeeze %get3A_1523 : memref<1x32xf32, #tpu.memory_space<vmem>> -> memref<32xf32, #tpu.memory_space<vmem>>
        %get3A_1525 = arith.constant 16 : index
        %get3A_1526 = tpu.vector_load %get3A_1524[%get3A_1525] {strides = array<i32>} : memref<32xf32, #tpu.memory_space<vmem>>, vector<16xf32>,
        %get3A_1527 = vector.shape_cast %get3A_1526 : vector<16xf32> to vector<16xf32>
        %mul3A_1528 = arith.mulf %gather3A_1464, %get3A_1527 : vector<16xf32>
        %add3A_1529 = arith.addf %mul3A_1521, %mul3A_1528 : vector<16xf32>
        %get3A_1530 = arith.constant 0 : i32
        %get3A_1531 = tpu.memref_slice %arg15[%add3A_1476, %get3A_1530] : memref<1408x32xf32, #tpu.memory_space<vmem>> -> memref<1x32xf32, #tpu.memory_space<vmem>>
        %get3A_1532 = tpu.memref_squeeze %get3A_1531 : memref<1x32xf32, #tpu.memory_space<vmem>> -> memref<32xf32, #tpu.memory_space<vmem>>
        %get3A_1533 = arith.constant 16 : index
        %get3A_1534 = tpu.vector_load %get3A_1532[%get3A_1533] {strides = array<i32>} : memref<32xf32, #tpu.memory_space<vmem>>, vector<16xf32>,
        %get3A_1535 = vector.shape_cast %get3A_1534 : vector<16xf32> to vector<16xf32>
        %mul3A_1536 = arith.mulf %gather3A_1468, %get3A_1535 : vector<16xf32>
        %add3A_1537 = arith.addf %add3A_1529, %mul3A_1536 : vector<16xf32>
        %get3A_1538 = arith.constant 0 : i32
        %get3A_1539 = tpu.memref_slice %arg15[%add3A_1478, %get3A_1538] : memref<1408x32xf32, #tpu.memory_space<vmem>> -> memref<1x32xf32, #tpu.memory_space<vmem>>
        %get3A_1540 = tpu.memref_squeeze %get3A_1539 : memref<1x32xf32, #tpu.memory_space<vmem>> -> memref<32xf32, #tpu.memory_space<vmem>>
        %get3A_1541 = arith.constant 16 : index
        %get3A_1542 = tpu.vector_load %get3A_1540[%get3A_1541] {strides = array<i32>} : memref<32xf32, #tpu.memory_space<vmem>>, vector<16xf32>,
        %get3A_1543 = vector.shape_cast %get3A_1542 : vector<16xf32> to vector<16xf32>
        %mul3A_1544 = arith.mulf %gather3A_1472, %get3A_1543 : vector<16xf32>
        %add3A_1545 = arith.addf %add3A_1537, %mul3A_1544 : vector<16xf32>
        %swap3A_1546 = arith.index_cast %add3A_1456 : i32 to index
        %swap3A_1547 = arith.constant 16 : index
        %swap3A_1548 = tpu.vector_load %arg17[%swap3A_1546, %swap3A_1547] {strides = array<i32>} : memref<352x32xf32, #tpu.memory_space<vmem>>, vector<1x16xf32>,
        %swap3A_1549 = vector.shape_cast %swap3A_1548 : vector<1x16xf32> to vector<16xf32>
        %swap3A_1550 = vector.shape_cast %add3A_1545 : vector<16xf32> to vector<1x16xf32>
        tpu.vector_store %arg17[%swap3A_1546, %swap3A_1547], %swap3A_1550 {strides = array<i32>} : memref<352x32xf32, #tpu.memory_space<vmem>>, vector<1x16xf32>,
        %mul3A_1551 = arith.constant 16 : i32
        %mul3A_1552 = arith.muli %add3A_154, %mul3A_1551 : i32
        %add3A_1553 = arith.constant 14 : i32
        %add3A_1554 = arith.addi %mul3A_1552, %add3A_1553 : i32
        %broadcast_in_dim3A_1555 = arith.constant 14 : i32
        %broadcast_in_dim3A_1556 = vector.broadcast %broadcast_in_dim3A_1555 : i32 to vector<16x1xi32>
        %gather3A_1557 = vector.shape_cast %broadcast_in_dim3A_1556 : vector<16x1xi32> to vector<16xi32>
        %gather3A_1558 = tpu.dynamic_gather %get3A_160[%gather3A_1557] in [0] : vector<16xf32>, vector<16xi32> -> vector<16xf32>
        %broadcast_in_dim3A_1559 = arith.constant 14 : i32
        %broadcast_in_dim3A_1560 = vector.broadcast %broadcast_in_dim3A_1559 : i32 to vector<16x1xi32>
        %gather3A_1561 = vector.shape_cast %broadcast_in_dim3A_1560 : vector<16x1xi32> to vector<16xi32>
        %gather3A_1562 = tpu.dynamic_gather %get3A_167[%gather3A_1561] in [0] : vector<16xf32>, vector<16xi32> -> vector<16xf32>
        %broadcast_in_dim3A_1563 = arith.constant 14 : i32
        %broadcast_in_dim3A_1564 = vector.broadcast %broadcast_in_dim3A_1563 : i32 to vector<16x1xi32>
        %gather3A_1565 = vector.shape_cast %broadcast_in_dim3A_1564 : vector<16x1xi32> to vector<16xi32>
        %gather3A_1566 = tpu.dynamic_gather %get3A_174[%gather3A_1565] in [0] : vector<16xf32>, vector<16xi32> -> vector<16xf32>
        %broadcast_in_dim3A_1567 = arith.constant 14 : i32
        %broadcast_in_dim3A_1568 = vector.broadcast %broadcast_in_dim3A_1567 : i32 to vector<16x1xi32>
        %gather3A_1569 = vector.shape_cast %broadcast_in_dim3A_1568 : vector<16x1xi32> to vector<16xi32>
        %gather3A_1570 = tpu.dynamic_gather %get3A_181[%gather3A_1569] in [0] : vector<16xf32>, vector<16xi32> -> vector<16xf32>
        %add3A_1571 = arith.constant 352 : i32
        %add3A_1572 = arith.addi %add3A_1554, %add3A_1571 : i32
        %add3A_1573 = arith.constant 704 : i32
        %add3A_1574 = arith.addi %add3A_1554, %add3A_1573 : i32
        %add3A_1575 = arith.constant 1056 : i32
        %add3A_1576 = arith.addi %add3A_1554, %add3A_1575 : i32
        %get3A_1577 = arith.constant 0 : i32
        %get3A_1578 = tpu.memref_slice %arg15[%add3A_1554, %get3A_1577] : memref<1408x32xf32, #tpu.memory_space<vmem>> -> memref<1x32xf32, #tpu.memory_space<vmem>>
        %get3A_1579 = tpu.memref_squeeze %get3A_1578 : memref<1x32xf32, #tpu.memory_space<vmem>> -> memref<32xf32, #tpu.memory_space<vmem>>
        %get3A_1580 = arith.constant 0 : index
        %get3A_1581 = tpu.vector_load %get3A_1579[%get3A_1580] {strides = array<i32>} : memref<32xf32, #tpu.memory_space<vmem>>, vector<16xf32>,
        %get3A_1582 = vector.shape_cast %get3A_1581 : vector<16xf32> to vector<16xf32>
        %mul3A_1583 = arith.mulf %gather3A_1558, %get3A_1582 : vector<16xf32>
        %get3A_1584 = arith.constant 0 : i32
        %get3A_1585 = tpu.memref_slice %arg15[%add3A_1572, %get3A_1584] : memref<1408x32xf32, #tpu.memory_space<vmem>> -> memref<1x32xf32, #tpu.memory_space<vmem>>
        %get3A_1586 = tpu.memref_squeeze %get3A_1585 : memref<1x32xf32, #tpu.memory_space<vmem>> -> memref<32xf32, #tpu.memory_space<vmem>>
        %get3A_1587 = arith.constant 0 : index
        %get3A_1588 = tpu.vector_load %get3A_1586[%get3A_1587] {strides = array<i32>} : memref<32xf32, #tpu.memory_space<vmem>>, vector<16xf32>,
        %get3A_1589 = vector.shape_cast %get3A_1588 : vector<16xf32> to vector<16xf32>
        %mul3A_1590 = arith.mulf %gather3A_1562, %get3A_1589 : vector<16xf32>
        %add3A_1591 = arith.addf %mul3A_1583, %mul3A_1590 : vector<16xf32>
        %get3A_1592 = arith.constant 0 : i32
        %get3A_1593 = tpu.memref_slice %arg15[%add3A_1574, %get3A_1592] : memref<1408x32xf32, #tpu.memory_space<vmem>> -> memref<1x32xf32, #tpu.memory_space<vmem>>
        %get3A_1594 = tpu.memref_squeeze %get3A_1593 : memref<1x32xf32, #tpu.memory_space<vmem>> -> memref<32xf32, #tpu.memory_space<vmem>>
        %get3A_1595 = arith.constant 0 : index
        %get3A_1596 = tpu.vector_load %get3A_1594[%get3A_1595] {strides = array<i32>} : memref<32xf32, #tpu.memory_space<vmem>>, vector<16xf32>,
        %get3A_1597 = vector.shape_cast %get3A_1596 : vector<16xf32> to vector<16xf32>
        %mul3A_1598 = arith.mulf %gather3A_1566, %get3A_1597 : vector<16xf32>
        %add3A_1599 = arith.addf %add3A_1591, %mul3A_1598 : vector<16xf32>
        %get3A_1600 = arith.constant 0 : i32
        %get3A_1601 = tpu.memref_slice %arg15[%add3A_1576, %get3A_1600] : memref<1408x32xf32, #tpu.memory_space<vmem>> -> memref<1x32xf32, #tpu.memory_space<vmem>>
        %get3A_1602 = tpu.memref_squeeze %get3A_1601 : memref<1x32xf32, #tpu.memory_space<vmem>> -> memref<32xf32, #tpu.memory_space<vmem>>
        %get3A_1603 = arith.constant 0 : index
        %get3A_1604 = tpu.vector_load %get3A_1602[%get3A_1603] {strides = array<i32>} : memref<32xf32, #tpu.memory_space<vmem>>, vector<16xf32>,
        %get3A_1605 = vector.shape_cast %get3A_1604 : vector<16xf32> to vector<16xf32>
        %mul3A_1606 = arith.mulf %gather3A_1570, %get3A_1605 : vector<16xf32>
        %add3A_1607 = arith.addf %add3A_1599, %mul3A_1606 : vector<16xf32>
        %swap3A_1608 = arith.index_cast %add3A_1554 : i32 to index
        %swap3A_1609 = arith.constant 0 : index
        %swap3A_1610 = tpu.vector_load %arg17[%swap3A_1608, %swap3A_1609] {strides = array<i32>} : memref<352x32xf32, #tpu.memory_space<vmem>>, vector<1x16xf32>,
        %swap3A_1611 = vector.shape_cast %swap3A_1610 : vector<1x16xf32> to vector<16xf32>
        %swap3A_1612 = vector.shape_cast %add3A_1607 : vector<16xf32> to vector<1x16xf32>
        tpu.vector_store %arg17[%swap3A_1608, %swap3A_1609], %swap3A_1612 {strides = array<i32>} : memref<352x32xf32, #tpu.memory_space<vmem>>, vector<1x16xf32>,
        %get3A_1613 = arith.constant 0 : i32
        %get3A_1614 = tpu.memref_slice %arg15[%add3A_1554, %get3A_1613] : memref<1408x32xf32, #tpu.memory_space<vmem>> -> memref<1x32xf32, #tpu.memory_space<vmem>>
        %get3A_1615 = tpu.memref_squeeze %get3A_1614 : memref<1x32xf32, #tpu.memory_space<vmem>> -> memref<32xf32, #tpu.memory_space<vmem>>
        %get3A_1616 = arith.constant 16 : index
        %get3A_1617 = tpu.vector_load %get3A_1615[%get3A_1616] {strides = array<i32>} : memref<32xf32, #tpu.memory_space<vmem>>, vector<16xf32>,
        %get3A_1618 = vector.shape_cast %get3A_1617 : vector<16xf32> to vector<16xf32>
        %mul3A_1619 = arith.mulf %gather3A_1558, %get3A_1618 : vector<16xf32>
        %get3A_1620 = arith.constant 0 : i32
        %get3A_1621 = tpu.memref_slice %arg15[%add3A_1572, %get3A_1620] : memref<1408x32xf32, #tpu.memory_space<vmem>> -> memref<1x32xf32, #tpu.memory_space<vmem>>
        %get3A_1622 = tpu.memref_squeeze %get3A_1621 : memref<1x32xf32, #tpu.memory_space<vmem>> -> memref<32xf32, #tpu.memory_space<vmem>>
        %get3A_1623 = arith.constant 16 : index
        %get3A_1624 = tpu.vector_load %get3A_1622[%get3A_1623] {strides = array<i32>} : memref<32xf32, #tpu.memory_space<vmem>>, vector<16xf32>,
        %get3A_1625 = vector.shape_cast %get3A_1624 : vector<16xf32> to vector<16xf32>
        %mul3A_1626 = arith.mulf %gather3A_1562, %get3A_1625 : vector<16xf32>
        %add3A_1627 = arith.addf %mul3A_1619, %mul3A_1626 : vector<16xf32>
        %get3A_1628 = arith.constant 0 : i32
        %get3A_1629 = tpu.memref_slice %arg15[%add3A_1574, %get3A_1628] : memref<1408x32xf32, #tpu.memory_space<vmem>> -> memref<1x32xf32, #tpu.memory_space<vmem>>
        %get3A_1630 = tpu.memref_squeeze %get3A_1629 : memref<1x32xf32, #tpu.memory_space<vmem>> -> memref<32xf32, #tpu.memory_space<vmem>>
        %get3A_1631 = arith.constant 16 : index
        %get3A_1632 = tpu.vector_load %get3A_1630[%get3A_1631] {strides = array<i32>} : memref<32xf32, #tpu.memory_space<vmem>>, vector<16xf32>,
        %get3A_1633 = vector.shape_cast %get3A_1632 : vector<16xf32> to vector<16xf32>
        %mul3A_1634 = arith.mulf %gather3A_1566, %get3A_1633 : vector<16xf32>
        %add3A_1635 = arith.addf %add3A_1627, %mul3A_1634 : vector<16xf32>
        %get3A_1636 = arith.constant 0 : i32
        %get3A_1637 = tpu.memref_slice %arg15[%add3A_1576, %get3A_1636] : memref<1408x32xf32, #tpu.memory_space<vmem>> -> memref<1x32xf32, #tpu.memory_space<vmem>>
        %get3A_1638 = tpu.memref_squeeze %get3A_1637 : memref<1x32xf32, #tpu.memory_space<vmem>> -> memref<32xf32, #tpu.memory_space<vmem>>
        %get3A_1639 = arith.constant 16 : index
        %get3A_1640 = tpu.vector_load %get3A_1638[%get3A_1639] {strides = array<i32>} : memref<32xf32, #tpu.memory_space<vmem>>, vector<16xf32>,
        %get3A_1641 = vector.shape_cast %get3A_1640 : vector<16xf32> to vector<16xf32>
        %mul3A_1642 = arith.mulf %gather3A_1570, %get3A_1641 : vector<16xf32>
        %add3A_1643 = arith.addf %add3A_1635, %mul3A_1642 : vector<16xf32>
        %swap3A_1644 = arith.index_cast %add3A_1554 : i32 to index
        %swap3A_1645 = arith.constant 16 : index
        %swap3A_1646 = tpu.vector_load %arg17[%swap3A_1644, %swap3A_1645] {strides = array<i32>} : memref<352x32xf32, #tpu.memory_space<vmem>>, vector<1x16xf32>,
        %swap3A_1647 = vector.shape_cast %swap3A_1646 : vector<1x16xf32> to vector<16xf32>
        %swap3A_1648 = vector.shape_cast %add3A_1643 : vector<16xf32> to vector<1x16xf32>
        tpu.vector_store %arg17[%swap3A_1644, %swap3A_1645], %swap3A_1648 {strides = array<i32>} : memref<352x32xf32, #tpu.memory_space<vmem>>, vector<1x16xf32>,
        %mul3A_1649 = arith.constant 16 : i32
        %mul3A_1650 = arith.muli %add3A_154, %mul3A_1649 : i32
        %add3A_1651 = arith.constant 15 : i32
        %add3A_1652 = arith.addi %mul3A_1650, %add3A_1651 : i32
        %broadcast_in_dim3A_1653 = arith.constant 15 : i32
        %broadcast_in_dim3A_1654 = vector.broadcast %broadcast_in_dim3A_1653 : i32 to vector<16x1xi32>
        %gather3A_1655 = vector.shape_cast %broadcast_in_dim3A_1654 : vector<16x1xi32> to vector<16xi32>
        %gather3A_1656 = tpu.dynamic_gather %get3A_160[%gather3A_1655] in [0] : vector<16xf32>, vector<16xi32> -> vector<16xf32>
        %broadcast_in_dim3A_1657 = arith.constant 15 : i32
        %broadcast_in_dim3A_1658 = vector.broadcast %broadcast_in_dim3A_1657 : i32 to vector<16x1xi32>
        %gather3A_1659 = vector.shape_cast %broadcast_in_dim3A_1658 : vector<16x1xi32> to vector<16xi32>
        %gather3A_1660 = tpu.dynamic_gather %get3A_167[%gather3A_1659] in [0] : vector<16xf32>, vector<16xi32> -> vector<16xf32>
        %broadcast_in_dim3A_1661 = arith.constant 15 : i32
        %broadcast_in_dim3A_1662 = vector.broadcast %broadcast_in_dim3A_1661 : i32 to vector<16x1xi32>
        %gather3A_1663 = vector.shape_cast %broadcast_in_dim3A_1662 : vector<16x1xi32> to vector<16xi32>
        %gather3A_1664 = tpu.dynamic_gather %get3A_174[%gather3A_1663] in [0] : vector<16xf32>, vector<16xi32> -> vector<16xf32>
        %broadcast_in_dim3A_1665 = arith.constant 15 : i32
        %broadcast_in_dim3A_1666 = vector.broadcast %broadcast_in_dim3A_1665 : i32 to vector<16x1xi32>
        %gather3A_1667 = vector.shape_cast %broadcast_in_dim3A_1666 : vector<16x1xi32> to vector<16xi32>
        %gather3A_1668 = tpu.dynamic_gather %get3A_181[%gather3A_1667] in [0] : vector<16xf32>, vector<16xi32> -> vector<16xf32>
        %add3A_1669 = arith.constant 352 : i32
        %add3A_1670 = arith.addi %add3A_1652, %add3A_1669 : i32
        %add3A_1671 = arith.constant 704 : i32
        %add3A_1672 = arith.addi %add3A_1652, %add3A_1671 : i32
        %add3A_1673 = arith.constant 1056 : i32
        %add3A_1674 = arith.addi %add3A_1652, %add3A_1673 : i32
        %get3A_1675 = arith.constant 0 : i32
        %get3A_1676 = tpu.memref_slice %arg15[%add3A_1652, %get3A_1675] : memref<1408x32xf32, #tpu.memory_space<vmem>> -> memref<1x32xf32, #tpu.memory_space<vmem>>
        %get3A_1677 = tpu.memref_squeeze %get3A_1676 : memref<1x32xf32, #tpu.memory_space<vmem>> -> memref<32xf32, #tpu.memory_space<vmem>>
        %get3A_1678 = arith.constant 0 : index
        %get3A_1679 = tpu.vector_load %get3A_1677[%get3A_1678] {strides = array<i32>} : memref<32xf32, #tpu.memory_space<vmem>>, vector<16xf32>,
        %get3A_1680 = vector.shape_cast %get3A_1679 : vector<16xf32> to vector<16xf32>
        %mul3A_1681 = arith.mulf %gather3A_1656, %get3A_1680 : vector<16xf32>
        %get3A_1682 = arith.constant 0 : i32
        %get3A_1683 = tpu.memref_slice %arg15[%add3A_1670, %get3A_1682] : memref<1408x32xf32, #tpu.memory_space<vmem>> -> memref<1x32xf32, #tpu.memory_space<vmem>>
        %get3A_1684 = tpu.memref_squeeze %get3A_1683 : memref<1x32xf32, #tpu.memory_space<vmem>> -> memref<32xf32, #tpu.memory_space<vmem>>
        %get3A_1685 = arith.constant 0 : index
        %get3A_1686 = tpu.vector_load %get3A_1684[%get3A_1685] {strides = array<i32>} : memref<32xf32, #tpu.memory_space<vmem>>, vector<16xf32>,
        %get3A_1687 = vector.shape_cast %get3A_1686 : vector<16xf32> to vector<16xf32>
        %mul3A_1688 = arith.mulf %gather3A_1660, %get3A_1687 : vector<16xf32>
        %add3A_1689 = arith.addf %mul3A_1681, %mul3A_1688 : vector<16xf32>
        %get3A_1690 = arith.constant 0 : i32
        %get3A_1691 = tpu.memref_slice %arg15[%add3A_1672, %get3A_1690] : memref<1408x32xf32, #tpu.memory_space<vmem>> -> memref<1x32xf32, #tpu.memory_space<vmem>>
        %get3A_1692 = tpu.memref_squeeze %get3A_1691 : memref<1x32xf32, #tpu.memory_space<vmem>> -> memref<32xf32, #tpu.memory_space<vmem>>
        %get3A_1693 = arith.constant 0 : index
        %get3A_1694 = tpu.vector_load %get3A_1692[%get3A_1693] {strides = array<i32>} : memref<32xf32, #tpu.memory_space<vmem>>, vector<16xf32>,
        %get3A_1695 = vector.shape_cast %get3A_1694 : vector<16xf32> to vector<16xf32>
        %mul3A_1696 = arith.mulf %gather3A_1664, %get3A_1695 : vector<16xf32>
        %add3A_1697 = arith.addf %add3A_1689, %mul3A_1696 : vector<16xf32>
        %get3A_1698 = arith.constant 0 : i32
        %get3A_1699 = tpu.memref_slice %arg15[%add3A_1674, %get3A_1698] : memref<1408x32xf32, #tpu.memory_space<vmem>> -> memref<1x32xf32, #tpu.memory_space<vmem>>
        %get3A_1700 = tpu.memref_squeeze %get3A_1699 : memref<1x32xf32, #tpu.memory_space<vmem>> -> memref<32xf32, #tpu.memory_space<vmem>>
        %get3A_1701 = arith.constant 0 : index
        %get3A_1702 = tpu.vector_load %get3A_1700[%get3A_1701] {strides = array<i32>} : memref<32xf32, #tpu.memory_space<vmem>>, vector<16xf32>,
        %get3A_1703 = vector.shape_cast %get3A_1702 : vector<16xf32> to vector<16xf32>
        %mul3A_1704 = arith.mulf %gather3A_1668, %get3A_1703 : vector<16xf32>
        %add3A_1705 = arith.addf %add3A_1697, %mul3A_1704 : vector<16xf32>
        %swap3A_1706 = arith.index_cast %add3A_1652 : i32 to index
        %swap3A_1707 = arith.constant 0 : index
        %swap3A_1708 = tpu.vector_load %arg17[%swap3A_1706, %swap3A_1707] {strides = array<i32>} : memref<352x32xf32, #tpu.memory_space<vmem>>, vector<1x16xf32>,
        %swap3A_1709 = vector.shape_cast %swap3A_1708 : vector<1x16xf32> to vector<16xf32>
        %swap3A_1710 = vector.shape_cast %add3A_1705 : vector<16xf32> to vector<1x16xf32>
        tpu.vector_store %arg17[%swap3A_1706, %swap3A_1707], %swap3A_1710 {strides = array<i32>} : memref<352x32xf32, #tpu.memory_space<vmem>>, vector<1x16xf32>,
        %get3A_1711 = arith.constant 0 : i32
        %get3A_1712 = tpu.memref_slice %arg15[%add3A_1652, %get3A_1711] : memref<1408x32xf32, #tpu.memory_space<vmem>> -> memref<1x32xf32, #tpu.memory_space<vmem>>
        %get3A_1713 = tpu.memref_squeeze %get3A_1712 : memref<1x32xf32, #tpu.memory_space<vmem>> -> memref<32xf32, #tpu.memory_space<vmem>>
        %get3A_1714 = arith.constant 16 : index
        %get3A_1715 = tpu.vector_load %get3A_1713[%get3A_1714] {strides = array<i32>} : memref<32xf32, #tpu.memory_space<vmem>>, vector<16xf32>,
        %get3A_1716 = vector.shape_cast %get3A_1715 : vector<16xf32> to vector<16xf32>
        %mul3A_1717 = arith.mulf %gather3A_1656, %get3A_1716 : vector<16xf32>
        %get3A_1718 = arith.constant 0 : i32
        %get3A_1719 = tpu.memref_slice %arg15[%add3A_1670, %get3A_1718] : memref<1408x32xf32, #tpu.memory_space<vmem>> -> memref<1x32xf32, #tpu.memory_space<vmem>>
        %get3A_1720 = tpu.memref_squeeze %get3A_1719 : memref<1x32xf32, #tpu.memory_space<vmem>> -> memref<32xf32, #tpu.memory_space<vmem>>
        %get3A_1721 = arith.constant 16 : index
        %get3A_1722 = tpu.vector_load %get3A_1720[%get3A_1721] {strides = array<i32>} : memref<32xf32, #tpu.memory_space<vmem>>, vector<16xf32>,
        %get3A_1723 = vector.shape_cast %get3A_1722 : vector<16xf32> to vector<16xf32>
        %mul3A_1724 = arith.mulf %gather3A_1660, %get3A_1723 : vector<16xf32>
        %add3A_1725 = arith.addf %mul3A_1717, %mul3A_1724 : vector<16xf32>
        %get3A_1726 = arith.constant 0 : i32
        %get3A_1727 = tpu.memref_slice %arg15[%add3A_1672, %get3A_1726] : memref<1408x32xf32, #tpu.memory_space<vmem>> -> memref<1x32xf32, #tpu.memory_space<vmem>>
        %get3A_1728 = tpu.memref_squeeze %get3A_1727 : memref<1x32xf32, #tpu.memory_space<vmem>> -> memref<32xf32, #tpu.memory_space<vmem>>
        %get3A_1729 = arith.constant 16 : index
        %get3A_1730 = tpu.vector_load %get3A_1728[%get3A_1729] {strides = array<i32>} : memref<32xf32, #tpu.memory_space<vmem>>, vector<16xf32>,
        %get3A_1731 = vector.shape_cast %get3A_1730 : vector<16xf32> to vector<16xf32>
        %mul3A_1732 = arith.mulf %gather3A_1664, %get3A_1731 : vector<16xf32>
        %add3A_1733 = arith.addf %add3A_1725, %mul3A_1732 : vector<16xf32>
        %get3A_1734 = arith.constant 0 : i32
        %get3A_1735 = tpu.memref_slice %arg15[%add3A_1674, %get3A_1734] : memref<1408x32xf32, #tpu.memory_space<vmem>> -> memref<1x32xf32, #tpu.memory_space<vmem>>
        %get3A_1736 = tpu.memref_squeeze %get3A_1735 : memref<1x32xf32, #tpu.memory_space<vmem>> -> memref<32xf32, #tpu.memory_space<vmem>>
        %get3A_1737 = arith.constant 16 : index
        %get3A_1738 = tpu.vector_load %get3A_1736[%get3A_1737] {strides = array<i32>} : memref<32xf32, #tpu.memory_space<vmem>>, vector<16xf32>,
        %get3A_1739 = vector.shape_cast %get3A_1738 : vector<16xf32> to vector<16xf32>
        %mul3A_1740 = arith.mulf %gather3A_1668, %get3A_1739 : vector<16xf32>
        %add3A_1741 = arith.addf %add3A_1733, %mul3A_1740 : vector<16xf32>
        %swap3A_1742 = arith.index_cast %add3A_1652 : i32 to index
        %swap3A_1743 = arith.constant 16 : index
        %swap3A_1744 = tpu.vector_load %arg17[%swap3A_1742, %swap3A_1743] {strides = array<i32>} : memref<352x32xf32, #tpu.memory_space<vmem>>, vector<1x16xf32>,
        %swap3A_1745 = vector.shape_cast %swap3A_1744 : vector<1x16xf32> to vector<16xf32>
        %swap3A_1746 = vector.shape_cast %add3A_1741 : vector<16xf32> to vector<1x16xf32>
        tpu.vector_store %arg17[%swap3A_1742, %swap3A_1743], %swap3A_1746 {strides = array<i32>} : memref<352x32xf32, #tpu.memory_space<vmem>>, vector<1x16xf32>,
      }
      %scan3A_138 = arith.constant 22 : i32
      %mul3A_139 = arith.constant 352 : i32
      %mul3A_140 = arith.muli %add3A_111, %mul3A_139 : i32
      %min3A_141 = arith.constant 24648 : i32
      %min3A_142 = arith.minsi %mul3A_140, %min3A_141 : i32
      %add3A_143 = arith.addi %mul3A_34, %min3A_142 : i32
      %dma_start3A_144 = arith.constant 0 : i32
      %dma_start3A_145 = tpu.memref_slice %arg5[%select_n3A, %add3A_143, %dma_start3A_144] : memref<16x50000x32xf32, #tpu.memory_space<hbm>> -> memref<1x352x32xf32, #tpu.memory_space<hbm>>
      %dma_start3A_146 = tpu.memref_squeeze %dma_start3A_145 : memref<1x352x32xf32, #tpu.memory_space<hbm>> -> memref<352x32xf32, #tpu.memory_space<hbm>>
      %dma_start3A_147 = arith.constant 0 : i32
      %dma_start3A_148 = tpu.memref_slice %arg5[%select_n3A, %add3A_143, %dma_start3A_147] : memref<16x50000x32xf32, #tpu.memory_space<hbm>> -> memref<1x352x32xf32, #tpu.memory_space<hbm>>
      %dma_start3A_149 = tpu.memref_squeeze %dma_start3A_148 : memref<1x352x32xf32, #tpu.memory_space<hbm>> -> memref<352x32xf32, #tpu.memory_space<hbm>>
      tpu.enqueue_dma source(%arg17 : memref<352x32xf32, #tpu.memory_space<vmem>>) target(%dma_start3A_149 : memref<352x32xf32, #tpu.memory_space<hbm>>) target_semaphore(%arg23 : memref<!tpu.dma_semaphore, #tpu.memory_space<semaphore_mem>>)
    }
    %scan3A_56 = arith.constant 36 : i32
    %dma_wait3A = arith.constant 0 : i32
    %dma_wait3A_57 = tpu.memref_slice %arg5[%select_n3A, %mul3A_34, %dma_wait3A] : memref<16x50000x32xf32, #tpu.memory_space<hbm>> -> memref<1x352x32xf32, #tpu.memory_space<hbm>>
    %dma_wait3A_58 = tpu.memref_squeeze %dma_wait3A_57 : memref<1x352x32xf32, #tpu.memory_space<hbm>> -> memref<352x32xf32, #tpu.memory_space<hbm>>
    %dma_wait3A_59 = arith.constant 0 : i32
    %dma_wait3A_60 = tpu.memref_slice %arg5[%select_n3A, %mul3A_34, %dma_wait3A_59] : memref<16x50000x32xf32, #tpu.memory_space<hbm>> -> memref<1x352x32xf32, #tpu.memory_space<hbm>>
    %dma_wait3A_61 = tpu.memref_squeeze %dma_wait3A_60 : memref<1x352x32xf32, #tpu.memory_space<hbm>> -> memref<352x32xf32, #tpu.memory_space<hbm>>
    tpu.wait_dma2 semaphore(%arg22 : memref<!tpu.dma_semaphore, #tpu.memory_space<semaphore_mem>>) src(%arg16 : memref<352x32xf32, #tpu.memory_space<vmem>>) dst(%dma_wait3A_61 : memref<352x32xf32, #tpu.memory_space<hbm>>)
    %dma_wait3A_62 = arith.constant 0 : i32
    %dma_wait3A_63 = tpu.memref_slice %arg5[%select_n3A, %mul3A_34, %dma_wait3A_62] : memref<16x50000x32xf32, #tpu.memory_space<hbm>> -> memref<1x352x32xf32, #tpu.memory_space<hbm>>
    %dma_wait3A_64 = tpu.memref_squeeze %dma_wait3A_63 : memref<1x352x32xf32, #tpu.memory_space<hbm>> -> memref<352x32xf32, #tpu.memory_space<hbm>>
    %dma_wait3A_65 = arith.constant 0 : i32
    %dma_wait3A_66 = tpu.memref_slice %arg5[%select_n3A, %mul3A_34, %dma_wait3A_65] : memref<16x50000x32xf32, #tpu.memory_space<hbm>> -> memref<1x352x32xf32, #tpu.memory_space<hbm>>
    %dma_wait3A_67 = tpu.memref_squeeze %dma_wait3A_66 : memref<1x352x32xf32, #tpu.memory_space<hbm>> -> memref<352x32xf32, #tpu.memory_space<hbm>>
    tpu.wait_dma2 semaphore(%arg23 : memref<!tpu.dma_semaphore, #tpu.memory_space<semaphore_mem>>) src(%arg17 : memref<352x32xf32, #tpu.memory_space<vmem>>) dst(%dma_wait3A_67 : memref<352x32xf32, #tpu.memory_space<hbm>>)
    return
  }
}

</mosaic_0001>

<sc_bundles>
// kernel: kernel.3.cloned.1.call-start
scs
__scs_entry_jumppad:
0x0: {  	(pc) =	sbr.rel $0x88, $3  }
0x1: {  	(tag) =	ssettag $0x0;
	lr =	simm.s32 $0x1  }
0x2: {  	[smem:$0x3F9F] =	sst lr;
	_ =	strace $0xD0000000  }
0x3: {  	_ = 	snop  }
0x4: {  	_ = 	snop  }
0x5: {  	_ = 	snop  }
0x6: {  	_ = 	snop  }
0x7: {  	_ = 	snop  }
__scs_overlays_trampoline_lowered:
0x8: {  	[smem:$0x3FAE] =	sst s0  }
0x9: {  	[smem:$0x3FAF] =	sst s1  }
0xa: {  	[smem:$0x3FB0] =	sst s2  }
0xb: {  	[smem:$0x3FB1] =	sst s3  }
0xc: {  	[smem:$0x3FB2] =	sst s4  }
0xd: {  	[smem:$0x3FB3] =	sst s5  }
0xe: {  	[smem:$0x3FB4] =	sst s6  }
0xf: {  	[smem:$0x3FB5] =	sst s7  }
0x10: {  	[smem:$0x3FB6] =	sst s8  }
0x11: {  	[smem:$0x3FB7] =	sst s9;
	s0 =	simm.s32 @!p0 $0x0  }
0x12: {  	s1 =	sld [smem:$0x3F9D];
	s0 =	simm.s32 @p0 $0x1  }
0x13: {  	[smem:$0x3FB8] =	sst s0;
	s0 =	simm.s32 @!p1 $0x0  }
0x14: {  	s2 =	sld [smem:$0x3F9C];
	s0 =	simm.s32 @p1 $0x1  }
0x15: {  	[smem:$0x3FB9] =	sst s0;
	s0 =	simm.s32 @!p2 $0x0  }
0x16: {  	s3 =	sld [smem:$0x3FDB];
	s0 =	simm.s32 @p2 $0x1  }
0x17: {  	s4 =	simm.s32 $0x1BF5;
	[smem:$0x3FBB] =	sst s0  }
0x18: {  	s0 =	sld [smem:$0x3F9E];
	_ =	swait.ge [sflag:s4], $0x0  }
0x19: {  	s7 =	sld [smem:$0x3F9F]  }
0x1a: {  	s8 =	sadd.s32 $0xFFFFE003, lr  }
0x1b: {  	s9 =	sadd.s32 $0xFFFFFEF7, lr;
	s5 =	simm.s32 $0xFFFFFFFF;
	p2 =	slt.u32 s8, $0xFFFFF086  }
0x1c: {  	p1 =	slt.u32 s9, $0xF7A;
	s5 =	simm.s32 @!p2 $0x0  }
0x1d: {  	s5 =	simm.s32 @p1 $0x1;
	p0 =	seq.s32 s7, s2  }
0x1e: {  	s7 =	smul.u32 @!p0 $0xF7A, s2;
	p2 =	seq.s32 @!p0 s5, $0x0  }
0x1f: {  	s9 =	smul.u32 $0xF7A, s1;
	s8 =	simm.s32 @!p0 $0x1BF5;
	p2 =	por !p2, p0  }
0x20: {  	[sflag:s8] =	ssyncset.s32 @!p0 $0xFFFFF086;
	s6 =	sadd.s32 @!p0 s3, s7;
	s7 =	simm.s32 @!p0 $0x108  }
0x21: {  	s3 =	sadd.s32 s3, s9;
	s6 =	sadd.s32 @!p0 $0x88, s6;
	s7 =	simm.s32 @p2 $0x1082  }
0x22: {  	[simem:s7], [sflag:s8] =	dma.local @!p0 [hbm:s6], $0xF7A  }
0x23: {  	s9 =	sor.u32 $0xD0000000, s2;
	s6 =	simm.s32 $0x108;
	_ =	swait.ge @!p0 [sflag:s8], $0x0  }
0x24: {  	s3 =	sadd.s32 $0x88, s3;
	s6 =	simm.s32 @!p1 $0x1082;
	[sflag:s4] =	ssyncset.s32 $0xFFFFF086  }
0x25: {  	[simem:s6], [sflag:s4] =	dma.local [hbm:s3], $0xF7A  }
0x26: {  	[smem:$0x3F9F] =	sst s1;
	(tag) =	ssettag s2;
	_ =	strace s9  }
0x27: {  	s1 =	sld [smem:$0x3FAF]  }
0x28: {  	s2 =	sld [smem:$0x3FB0]  }
0x29: {  	s4 =	sld [smem:$0x3FB2]  }
0x2a: {  	p0 =	seq.s32 s5, $0x0;
	s5 =	sld [smem:$0x3FB3]  }
0x2b: {  	s6 =	sld [smem:$0x3FB4]  }
0x2c: {  	s7 =	sld [smem:$0x3FB5]  }
0x2d: {  	s3 =	simm.s32 $0x108;
	s8 =	sld [smem:$0x3FB6]  }
0x2e: {  	s3 =	simm.s32 @!p0 $0x1082;
	s9 =	sld [smem:$0x3FB7]  }
0x2f: {  	lr =	sadd.s32 s0, s3;
	s0 =	sld [smem:$0x3FAE]  }
0x30: {  	s3 =	sld [smem:$0x3FB1]  }
0x31: {  	[smem:$0x3FBA] =	sst s10  }
0x32: {  	s10 =	sld [smem:$0x3FB8];
	_ =	sdelay $0x3  }
0x33: {  	p0 =	seq.s32 s10, $0x1;
	s10 =	sld [smem:$0x3FBA];
	_ =	sdelay $0x3  }
0x34: {  	[smem:$0x3FBA] =	sst s10  }
0x35: {  	s10 =	sld [smem:$0x3FB9];
	_ =	sdelay $0x3  }
0x36: {  	p1 =	seq.s32 s10, $0x1;
	s10 =	sld [smem:$0x3FBA];
	_ =	sdelay $0x3  }
0x37: {  	[smem:$0x3FBA] =	sst s10  }
0x38: {  	s10 =	sld [smem:$0x3FBB]  }
0x39: {  	_ = 	snop;
	(pc) =	sbr.ind lr, $3  }
0x3a: {  	_ = 	snop  }
0x3b: {  	_ = 	snop  }
0x3c: {  	p2 =	seq.s32 s10, $0x1;
	s10 =	sld [smem:$0x3FBA]  }
0x3d: {  	_ =	shalt  }
0x3e: {  	_ =	shalt  }
0x3f: {  	_ =	shalt  }
0x40: {  	_ =	shalt  }
0x41: {  	_ =	shalt  }
0x42: {  	_ =	shalt  }
0x43: {  	_ =	shalt  }
0x44: {  	_ =	shalt  }
0x45: {  	_ =	shalt  }
0x46: {  	_ =	shalt  }
0x47: {  	_ =	shalt  }
0x48: {  	_ =	shalt  }
0x49: {  	_ =	shalt  }
0x4a: {  	_ =	shalt  }
0x4b: {  	_ =	shalt  }
0x4c: {  	_ =	shalt  }
0x4d: {  	_ =	shalt  }
0x4e: {  	_ =	shalt  }
0x4f: {  	_ =	shalt  }
0x50: {  	_ =	shalt  }
0x51: {  	_ =	shalt  }
0x52: {  	_ =	shalt  }
0x53: {  	_ =	shalt  }
0x54: {  	_ =	shalt  }
0x55: {  	_ =	shalt  }
0x56: {  	_ =	shalt  }
0x57: {  	_ =	shalt  }
0x58: {  	_ =	shalt  }
0x59: {  	_ =	shalt  }
0x5a: {  	_ =	shalt  }
0x5b: {  	_ =	shalt  }
0x5c: {  	_ =	shalt  }
0x5d: {  	_ =	shalt  }
0x5e: {  	_ =	shalt  }
0x5f: {  	_ =	shalt  }
0x60: {  	_ =	shalt  }
0x61: {  	_ =	shalt  }
0x62: {  	_ =	shalt  }
0x63: {  	_ =	shalt  }
0x64: {  	_ =	shalt  }
0x65: {  	_ =	shalt  }
0x66: {  	_ =	shalt  }
0x67: {  	_ =	shalt  }
0x68: {  	_ =	shalt  }
0x69: {  	_ =	shalt  }
0x6a: {  	_ =	shalt  }
0x6b: {  	_ =	shalt  }
0x6c: {  	_ =	shalt  }
0x6d: {  	_ =	shalt  }
0x6e: {  	_ =	shalt  }
0x6f: {  	_ =	shalt  }
0x70: {  	_ =	shalt  }
0x71: {  	_ =	shalt  }
0x72: {  	_ =	shalt  }
0x73: {  	_ =	shalt  }
0x74: {  	_ =	shalt  }
0x75: {  	_ =	shalt  }
0x76: {  	_ =	shalt  }
0x77: {  	_ =	shalt  }
0x78: {  	_ =	shalt  }
0x79: {  	_ =	shalt  }
0x7a: {  	_ =	shalt  }
0x7b: {  	_ =	shalt  }
0x7c: {  	_ =	shalt  }
0x7d: {  	_ =	shalt  }
0x7e: {  	_ =	shalt  }
0x7f: {  	_ =	shalt  }
0x80: {  	_ =	shalt  }
0x81: {  	_ =	shalt  }
0x82: {  	_ =	shalt  }
0x83: {  	_ =	shalt  }
0x84: {  	_ =	shalt  }
0x85: {  	_ =	shalt  }
0x86: {  	_ =	shalt  }
0x87: {  	_ =	shalt  }
.Lfunc_end0:
.L_simem_size_0:
called_computation.2_lowered:
.L_overlay_start_0:
0x88: {  	s2 =	sld [smem:$0x3FD9]  }
0x89: {  	s3 =	sld [smem:$0x3FFE];
	_ =	sdelay $0x1  }
0x8a: {  	s1 =	srdreg.scid  }
0x8b: {  	s0 =	sand.u32 $0x1, s1  }
0x8c: {  	s17 =	sshll.u32 s0, $0xA;
	s2 =	sadd.s32 s3, s2  }
0x8d: {  	s2 =	sadd.s32 s2, s17  }
0x8e: {  	[smem:$0x3FC6] =	sst s2  }
0x8f: {  	_ = 	snop  }
0x90: {  	s2 =	sld [smem:$0x3FD0];
	(tm) =	ssettm $0x1  }
0x91: {  	s18 =	sld [smem:$0x3FFB];
	_ =	sdelay $0x3  }
0x92: {  	_ =	strace s18  }
0x93: {  	s3 =	sld [smem:$0x3FFC];
	_ =	sdelay $0x3  }
0x94: {  	_ =	strace s3  }
0x95: {  	s3 =	sld [smem:$0x3FFD];
	_ =	sdelay $0x3  }
0x96: {  	_ =	strace s3  }
0x97: {  	_ =	strace $0x8FFFFFFF  }
0x98: {  	s19 =	sld [smem:$0x3FDB];
	_ =	sdelay $0x1  }
0x99: {  	s4 =	simm.s32 $_scs_section_size  }
0x9a: {  	s5 =	simm.s32 $_size__tile_overlayer_lowered;
	s6 =	simm.s32 $_tile_overlayer_lowered  }
0x9b: {  	s22 =	simm.s32 $0x1BFF;
	s21 =	sshll.u32 s6, $0x1;
	s3 =	sadd.s32 s4, s19  }
0x9c: {  	s7 =	simm.s32 $0x0;
	s20 =	sshll.u32 s5, $0x1;
	s5 =	sadd.s32 s21, s3  }
0x9d: {  	[timem:s7], [sflag:s22] =	dma.local [hbm:s5], s20  }
0x9e: {  	_ =	swait.ge [sflag:s22], s20  }
0x9f: {  	s4 =	ssub.s32 $0x0, s20;
	[sflag:s22] =	ssyncset.done $0x0  }
0xa0: {  	[sflag:s22] =	ssyncadd.s32 s4;
	_ =	sdelay $0x1  }
0xa1: {  	s23 =	simm.s32 $0x1B8B  }
0xa2: {  	_ =	swait.ge [sflag:s23], $0x1  }
0xa3: {  	[sflag:s23] =	ssyncset.done $0x0  }
0xa4: {  	s25 =	simm.s32 $0x1B8E;
	s24 =	sld [smem:$0x3FFE];
	[sflag:s23] =	ssyncadd.s32 $0xFFFFFFFF  }
0xa5: {  	s26 =	simm.s32 $execute0_lowered;
	[smem:$0x3FD2] =	sst s25  }
0xa6: {  	s5 =	sshll.u32 s26, $0x1;
	_ =	strace $0x80000049;
	[dreg:$0x1] =	wrdreg $0xFFFFFFFF  }
0xa7: {  	s28 =	simm.s32 $_size_execute0_lowered;
	s3 =	sadd.s32 s3, s5;
	[dreg:$0x0] =	wrdreg $0x0  }
0xa8: {  	s5 =	sshll.u32 s28, $0x1;
	[dreg:$0x2] =	wrdreg s3  }
0xa9: {  	[dreg:$0x3] =	wrdreg s5  }
0xaa: {  	[dreg:$0x4] =	wrdreg $0xC0  }
0xab: {  	_ =	task [dreg:s7], $0x5FFFF  }
0xac: {  	[dreg:$0x1] =	wrdreg $0xFFFFFFFF  }
0xad: {  	[dreg:$0x0] =	wrdreg $0x60  }
0xae: {  	[dreg:$0x2] =	wrdreg s24  }
0xaf: {  	[dreg:$0x3] =	wrdreg s2  }
0xb0: {  	[dreg:$0x4] =	wrdreg $0x9  }
0xb1: {  	_ =	task.clear_ibuf [dreg:s7], $0x5FFFF;
	_ =	strace $0x90000049  }
0xb2: {  	s29 =	simm.s32 $0x9;
	_ =	strace $0x8000004B  }
0xb3: {  	_ =	swait.ge [sflag:s29], $0x1  }
0xb4: {  	[sflag:s29] =	ssyncadd.s32 $0xFFFFFFFF  }
0xb5: {  	_ =	strace $0x9000004B  }
0xb6: {  	_ =	sfence  }
0xb7: {  	s30 =	sld [smem:$0x0];
	_ =	sdelay $0x2  }
0xb8: {  	s31 =	sshll.u32 s1, $0xD;
	s1 =	sshrl.u32 s1, $0x2  }
0xb9: {  	s3 =	sand.u32 $0x4000, s31;
	s1 =	sadd.s32 s1, s30  }
0xba: {  	s0 =	sor.u32 s3, s0;
	s1 =	sshll.u32 s1, $0x11  }
0xbb: {  	s0 =	sor.u32 s1, s0  }
0xbc: {  	s0 =	sadd.s32 $0x8F2B, s0  }
0xbd: {  	[sflag:s0] =	ssyncadd.remote.s32 $0x1  }
0xbe: {  	_ =	sfence.sel $0xFFFF  }
0xbf: {  	[dreg:$0x0] =	wrdreg $0xFFFFFFFF;
	(pc) =	sbr.abs _section_cstart, $3  }
0xc0: {  	[dreg:$0x1] =	wrdreg $0xFFFFFFFF  }
0xc1: {  	_ =	task.clear_ibuf [dreg:s7], $0x2FFFF;
	_ =	strace $0x9FFFFFFF  }
0xc2: {  	(tm) =	ssettm $0x7FFFFFFF  }
0xc3: {  	_ =	shalt  }
tec
execute0_lowered:
.L_overlay_start_1:
0x0: {  	(tag) =	ssettag $0x1  }
0x1: {  	s0 =	rddreg [dreg:$0x0]  }
0x2: {  	s1 =	rddreg [dreg:$0x1]  }
0x3: {  	s2 =	simm.s32 $0x0;
	s3 =	srdreg.scid;
	s11 =	stileid.u32  }
0x4: {  	s9 =	simm.s32 $0x1;
	s20 =	simm.s32 $0x580;
	s21 =	simm.s32 $0x1080  }
0x5: {  	s28 =	simm.s32 $0xCB80;
	s29 =	simm.s32 $0x3;
	s30 =	simm.s32 $0x17B80  }
0x6: {  	s31 =	simm.s32 $0x6;
	s19 =	simm.s32 $0x5;
	[smem:$0x7FF] =	sst s2  }
0x7: {  	s4 =	sadd.s32 $0x431600, s0;
	s5 =	sadd.s32 $0x418E00, s0;
	s3 =	sand.u32 $0x1, s3  }
0x8: {  	s7 =	sshll.u32 s11, $0x1;
	s6 =	sadd.s32 $0x400600, s0;
	_ =	strace $0x8000004A  }
0x9: {  	s22 =	ssub.s32 $0x2, s3;
	s7 =	sor.u32 s3, s7;
	p1 =	seq.s32 s3, $0x1  }
0xa: {  	s3 =	simm.s32 $0x1A780;
	s8 =	sshrl.u32 s22, $0x1;
	p0 =	seq.s32 s7, $0x0  }
0xb: {  	s23 =	smul.u32 $0x61A8, s7;
	s7 =	simm.s32 $0x1;
	s0 =	ssub.s32 s22, s8  }
0xc: {  	p0 =	por !p0, !p1;
	s8 =	simm.s32 $0x61A8;
	s22 =	simm.s32 $0x1B80  }
0xd: {  	p0 =	por !p0, !p0;
	s10 =	sshrl.u32 s23, $0x3;
	s8 =	simm.s32 @!p1 $0x0  }
0xe: {  	s13 =	sadd.s32 $0x2C0, s23;
	s15 =	sadd.s32 $0x420, s23;
	s0 =	smax.u32 s0, $0x1  }
0xf: {  	s23 =	simm.s32 $0x160;
	s9 =	simm.s32 @!p0 $0x0;
	s24 =	sadd.s32 s5, s10  }
0x10: {  	s25 =	sadd.s32 s6, s10;
	s10 =	sadd.s32 $0x2C, s10;
	[dreg:$0x7] =	wrdreg s0  }
0x11: {  	s16 =	sadd.s32 $0x160, s8;
	s0 =	simm.s32 $0x4;
	[dreg:$0x3] =	wrdreg s24  }
0x12: {  	s9 =	ssub.s32 s11, s9;
	[dreg:$0x4] =	wrdreg s25;
	s12 =	sadd.s32 s5, s10  }
0x13: {  	s10 =	sadd.s32 s6, s10;
	s24 =	simm.s32 $0x420;
	[dreg:$0x5] =	wrdreg s12  }
0x14: {  	v1 =	vimm.s32 $0x0;
	v6 =	vimm.s32 $0x1;
	s25 =	simm.s32 $0x2;
	s26 =	sshll.u32 s9, $0xE;
	[dreg:$0x6] =	wrdreg s10  }
0x15: {  	v15 =	vimm.s32 $0xE;
	v16 =	vimm.s32 $0xF;
	s14 =	smul.u32 $0x186A00, s9;
	s10 =	simm.s32 $0x0;
	v0 =	vmov s26;
	s26 =	simm.s32 $0x1600  }
.LBB2_1:
0x16: {  	[dreg:$0x8] =	wrdreg s10  }
0x17: {  	s9 =	rddreg [dreg:$0x3];
	s17 =	simm.s32 $0x7  }
0x18: {  	[tilespmem:s2], [sflag:$0x7] =	stream.linear.gather [hbm4b:s9+s2], $0x160, $0x38;
	[tilespmem:$0x1D380] =	vst v63  }
0x19: {  	_ =	swait.ge [sflag:s17], $0x160  }
0x1a: {  	[sflag:s17] =	ssyncset.done $0x0  }
0x1b: {  	s11 =	simm.s32 $0x2C0;
	s18 =	rddreg [dreg:$0x4];
	[sflag:s17] =	ssyncadd.s32 $0xFFFFFEA0  }
0x1c: {  	[tilespmem:s11], [sflag:$0x7] =	stream.linear.gather [hbm4b:s18+s2], $0x160, $0x38;
	[tilespmem:$0x1D380] =	vst v63  }
0x1d: {  	_ =	swait.ge [sflag:s17], $0x160  }
0x1e: {  	[sflag:s17] =	ssyncset.done $0x0  }
0x1f: {  	s11 =	simm.s32 $0x0;
	[sflag:s17] =	ssyncadd.s32 $0xFFFFFEA0  }
0x20: {  	v17 =	vld [tilespmem:s11+$0x0]  }
0x21: {  	v18 =	vld [tilespmem:s11+$0x2C0];
	_ =	sdelay $0x3  }
0x22: {  	s10 =	simm.s32 $0x10;
	v17 =	vmul.f32 $1.270000000e+02, v17  }
0x23: {  	v21 =	vld [tilespmem:s10+$0x0];
	v18 =	vmul.f32 $1.270000000e+02, v18  }
0x24: {  	v24 =	vld [tilespmem:s10+$0x2C0];
	v17 =	vmax.f32 v17, $0.0e+00  }
0x25: {  	v19 =	vmin.f32 v17, $1.270000000e+02;
	v17 =	vmax.f32 v18, $0.0e+00  }
0x26: {  	v18 =	vtrunc.f32 v19;
	v20 =	vmin.f32 v17, $1.270000000e+02  }
0x27: {  	v17 =	vcvt.f32.s32 v18;
	v18 =	vtrunc.f32 v20  }
0x28: {  	v21 =	vmul.f32 $1.270000000e+02, v21;
	v22 =	vcvt.f32.s32 v18  }
0x29: {  	v28 =	vmul.f32 $1.270000000e+02, v24;
	v18 =	vcvt.s32.f32 v17  }
0x2a: {  	v21 =	vmax.f32 v21, $0.0e+00;
	v23 =	vadd.s32 $0x1, v17;
	v25 =	vcvt.s32.f32 v22  }
0x2b: {  	vm0 =	vlt.s32 v23, $0x7F;
	v26 =	vshll.u32 v22, $0x7;
	v19 =	vsub.f32 v19, v18  }
0x2c: {  	v18 =	vnsel vm0, $0x7F, v23;
	v23 =	vadd.s32 v0, v26;
	v20 =	vsub.f32 v20, v25  }
0x2d: {  	v21 =	vmin.f32 v21, $1.270000000e+02;
	v27 =	vadd.s32 v18, v23;
	v25 =	vsub.f32 $1.000000000e+00, v19  }
0x2e: {  	vm15 =	vlt.s32 v22, $0x7F;
	v26 =	vadd.s32 v17, v23;
	[tilespmem:s11+$0x11E0] =	vst v27;
	v27 =	vmul.f32 v20, v19  }
0x2f: {  	v22 =	vsel vm15, $0x80, v1;
	[tilespmem:s11+$0x1080] =	vst v26;
	v24 =	vsub.f32 $1.000000000e+00, v20;
	v29 =	vmul.f32 v20, v25  }
0x30: {  	v23 =	vadd.s32 v22, v23;
	v26 =	vtrunc.f32 v21;
	v20 =	vmax.f32 v28, $0.0e+00;
	[tilespmem:s11+$0x9A0] =	vst v27  }
0x31: {  	s12 =	simm.s32 $0x20;
	s17 =	simm.s32 $0xC0;
	v22 =	vmin.f32 v20, $1.270000000e+02;
	v20 =	vcvt.f32.s32 v26;
	v25 =	vmul.f32 v24, v25;
	[tilespmem:s11+$0x840] =	vst v29  }
.LBB2_2:
0x32: {  	p0 =	sne.s32 s17, $0x540;
	v26 =	vld [tilespmem:s12+$0x0];
	v27 =	vtrunc.f32 v22;
	v19 =	vmul.f32 v24, v19;
	v24 =	vadd.s32 v17, v23  }
0x33: {  	v27 =	vcvt.f32.s32 v27;
	v28 =	vcvt.s32.f32 v20;
	v29 =	vadd.s32 $0x1, v20;
	[tilespmem:s11+$0x580] =	vst v25;
	v17 =	vmovc v20  }
0x34: {  	v23 =	vadd.s32 v18, v23;
	v20 =	vld [tilespmem:s12+$0x2C0];
	vm0 =	vlt.s32 v29, $0x7F;
	[tilespmem:s11+$0x6E0] =	vst v19  }
0x35: {  	v19 =	vsub.f32 v21, v28;
	v21 =	vcvt.s32.f32 v27;
	v25 =	vshll.u32 v27, $0x7;
	[tilespmem:s11+$0x1340] =	vst v24  }
0x36: {  	v18 =	vnsel vm0, $0x7F, v29;
	vm0 =	vlt.s32 v27, $0x7F;
	v25 =	vadd.s32 v0, v25;
	[tilespmem:s11+$0x14A0] =	vst v23;
	s11 =	smov.u32 s10;
	s10 =	smov.u32 s12  }
0x37: {  	v23 =	vmul.f32 $1.270000000e+02, v26;
	v22 =	vsub.f32 v22, v21;
	v26 =	vsub.f32 $1.000000000e+00, v19  }
.Ltmp0:
0x38: {  	v27 =	vsel vm0, $0x80, v1;
	v28 =	vadd.s32 v17, v25;
	v21 =	vadd.s32 v18, v25;
	(pc) =	sbr.rel @p0 .LBB2_2-.Ltmp0, $4  }
0x39: {  	v23 =	vmax.f32 v23, $0.0e+00;
	v20 =	vmul.f32 $1.270000000e+02, v20;
	v29 =	vmul.f32 v22, v26;
	[tilespmem:s11+$0x11E0] =	vst v21  }
0x3a: {  	v24 =	vsub.f32 $1.000000000e+00, v22;
	v30 =	vmul.f32 v22, v19;
	v21 =	vmin.f32 v23, $1.270000000e+02;
	[tilespmem:s11+$0x1080] =	vst v28  }
0x3b: {  	v23 =	vadd.s32 v27, v25;
	v20 =	vmax.f32 v20, $0.0e+00;
	v28 =	vtrunc.f32 v21;
	[tilespmem:s11+$0x840] =	vst v29  }
0x3c: {  	s12 =	sshra.s32 s17, $0x2;
	s17 =	sadd.s32 $0x40, s17;
	v25 =	vmul.f32 v24, v26;
	v22 =	vmin.f32 v20, $1.270000000e+02;
	v20 =	vcvt.f32.s32 v28;
	[tilespmem:s11+$0x9A0] =	vst v30  }
0x3d: {  	v26 =	vld [tilespmem:s12+$0x0]  }
0x3e: {  	v27 =	vtrunc.f32 v22;
	v19 =	vmul.f32 v24, v19;
	[tilespmem:s11+$0x580] =	vst v25  }
0x3f: {  	v44 =	vcvt.f32.s32 v27;
	v45 =	vcvt.s32.f32 v20;
	v46 =	vadd.s32 $0x1, v20;
	v28 =	vld [tilespmem:s12+$0x2C0]  }
0x40: {  	v17 =	vadd.s32 v17, v23;
	v18 =	vadd.s32 v18, v23;
	vm0 =	vlt.s32 v46, $0x7F  }
0x41: {  	v21 =	vsub.f32 v21, v45;
	v47 =	vcvt.s32.f32 v44;
	v48 =	vshll.u32 v44, $0x7  }
0x42: {  	v27 =	vnsel vm0, $0x7F, v46;
	vm13 =	vlt.s32 v44, $0x7F;
	v26 =	vmul.f32 $1.270000000e+02, v26  }
0x43: {  	v25 =	vadd.s32 v0, v48;
	v49 =	vsub.f32 v22, v47;
	v50 =	vsub.f32 $1.000000000e+00, v21  }
0x44: {  	[tilespmem:s11+$0x6E0] =	vst v19;
	v19 =	vadd.s32 v20, v25;
	v51 =	vmax.f32 v26, $0.0e+00;
	v52 =	vmul.f32 $1.270000000e+02, v28  }
0x45: {  	[tilespmem:s11+$0x1340] =	vst v17;
	v17 =	vadd.s32 v27, v25;
	v53 =	vmul.f32 v49, v50;
	v24 =	vmin.f32 v51, $1.270000000e+02  }
0x46: {  	[tilespmem:s11+$0x14A0] =	vst v18;
	v18 =	vsub.f32 $1.000000000e+00, v49;
	v26 =	vmax.f32 v52, $0.0e+00;
	v29 =	vtrunc.f32 v24  }
0x47: {  	[tilespmem:s10+$0x11E0] =	vst v17;
	v17 =	vmul.f32 v49, v21;
	v54 =	vmin.f32 v26, $1.270000000e+02;
	v55 =	vcvt.f32.s32 v29  }
0x48: {  	v56 =	vsel vm13, $0x80, v1;
	[tilespmem:s10+$0x1080] =	vst v19;
	v19 =	vmul.f32 v18, v50;
	v57 =	vtrunc.f32 v54  }
0x49: {  	v25 =	vadd.s32 v56, v25;
	[tilespmem:s10+$0x840] =	vst v53;
	v23 =	vcvt.f32.s32 v57;
	v58 =	vcvt.s32.f32 v55  }
0x4a: {  	[tilespmem:s10+$0x9A0] =	vst v17;
	v17 =	vmul.f32 v18, v21;
	v18 =	vadd.s32 v20, v25;
	v59 =	vadd.s32 $0x1, v55  }
0x4b: {  	[tilespmem:s10+$0x580] =	vst v19;
	vm14 =	vlt.s32 v59, $0x7F;
	v19 =	vsub.f32 v24, v58;
	v60 =	vcvt.s32.f32 v23  }
0x4c: {  	[tilespmem:s10+$0x6E0] =	vst v17;
	v17 =	vadd.s32 v27, v25;
	v61 =	vshll.u32 v23, $0x7;
	v20 =	vnsel vm14, $0x7F, v59  }
0x4d: {  	[tilespmem:s10+$0x1340] =	vst v18;
	v18 =	vadd.s32 v0, v61;
	v21 =	vsub.f32 v54, v60;
	v62 =	vsub.f32 $1.000000000e+00, v19  }
0x4e: {  	[tilespmem:s10+$0x14A0] =	vst v17;
	v17 =	vadd.s32 v20, v18  }
0x4f: {  	vm15 =	vlt.s32 v23, $0x7F;
	v24 =	vadd.s32 v55, v18;
	[tilespmem:s12+$0x11E0] =	vst v17;
	v63 =	vmul.f32 v21, v62  }
0x50: {  	v23 =	vsel vm15, $0x80, v1;
	[tilespmem:s12+$0x1080] =	vst v24;
	v17 =	vsub.f32 $1.000000000e+00, v21;
	v21 =	vmul.f32 v21, v19  }
0x51: {  	v18 =	vadd.s32 v23, v18;
	[tilespmem:s12+$0x840] =	vst v63  }
0x52: {  	v22 =	vmul.f32 v17, v62;
	[tilespmem:s12+$0x9A0] =	vst v21;
	v17 =	vmul.f32 v17, v19;
	v19 =	vadd.s32 v55, v18  }
0x53: {  	[tilespmem:s12+$0x1340] =	vst v19  }
0x54: {  	[tilespmem:s12+$0x580] =	vst v22  }
0x55: {  	[tilespmem:s12+$0x6E0] =	vst v17;
	v17 =	vadd.s32 v20, v18  }
0x56: {  	[tilespmem:s12+$0x14A0] =	vst v17  }
0x57: {  	[tilespmem:s22], [sflag:$0x3] =	stream.indirect.gather [hbm4b:s4+s20], $0x20, s21, s20, $0xb8;
	[tilespmem:$0x1D380] =	vst v63  }
0x58: {  	s9 =	rddreg [dreg:$0x5];
	s10 =	simm.s32 $0x0  }
0x59: {  	[tilespmem:s23], [sflag:$0x2] =	stream.linear.gather [hbm4b:s9+s10], $0x160, $0x38;
	[tilespmem:$0x1D380] =	vst v63  }
0x5a: {  	s18 =	rddreg [dreg:$0x6]  }
0x5b: {  	[tilespmem:s24], [sflag:$0x2] =	stream.linear.gather [hbm4b:s18+s10], $0x160, $0x38;
	[tilespmem:$0x1D380] =	vst v63  }
.LBB2_4:
0x5c: {  	_ =	swait.ge [sflag:s25], $0x160  }
0x5d: {  	[sflag:s25] =	ssyncset.done $0x0  }
0x5e: {  	[sflag:s25] =	ssyncadd.s32 $0xFFFFFEA0  }
0x5f: {  	_ =	swait.ge [sflag:s25], $0x160  }
0x60: {  	[sflag:s25] =	ssyncset.done $0x0  }
0x61: {  	s12 =	simm.s32 $0x0;
	[sflag:s25] =	ssyncadd.s32 $0xFFFFFEA0  }
0x62: {  	v17 =	vld [tilespmem:s12+$0x160]  }
0x63: {  	v18 =	vld [tilespmem:s12+$0x420];
	_ =	sdelay $0x3  }
0x64: {  	s11 =	simm.s32 $0x10;
	v17 =	vmul.f32 $1.270000000e+02, v17  }
0x65: {  	v21 =	vld [tilespmem:s11+$0x160];
	v18 =	vmul.f32 $1.270000000e+02, v18  }
0x66: {  	v24 =	vld [tilespmem:s11+$0x420];
	v17 =	vmax.f32 v17, $0.0e+00  }
0x67: {  	v19 =	vmin.f32 v17, $1.270000000e+02;
	v17 =	vmax.f32 v18, $0.0e+00  }
0x68: {  	v18 =	vtrunc.f32 v19;
	v20 =	vmin.f32 v17, $1.270000000e+02  }
0x69: {  	v17 =	vcvt.f32.s32 v18;
	v18 =	vtrunc.f32 v20  }
0x6a: {  	v21 =	vmul.f32 $1.270000000e+02, v21;
	v22 =	vcvt.f32.s32 v18  }
0x6b: {  	v28 =	vmul.f32 $1.270000000e+02, v24;
	v18 =	vcvt.s32.f32 v17  }
0x6c: {  	v21 =	vmax.f32 v21, $0.0e+00;
	v23 =	vadd.s32 $0x1, v17;
	v25 =	vcvt.s32.f32 v22  }
0x6d: {  	vm0 =	vlt.s32 v23, $0x7F;
	v26 =	vshll.u32 v22, $0x7;
	v19 =	vsub.f32 v19, v18  }
0x6e: {  	v18 =	vnsel vm0, $0x7F, v23;
	v23 =	vadd.s32 v0, v26;
	v20 =	vsub.f32 v20, v25  }
0x6f: {  	v21 =	vmin.f32 v21, $1.270000000e+02;
	v27 =	vadd.s32 v18, v23;
	v25 =	vsub.f32 $1.000000000e+00, v19  }
0x70: {  	vm15 =	vlt.s32 v22, $0x7F;
	v26 =	vadd.s32 v17, v23;
	[tilespmem:s12+$0x1760] =	vst v27;
	v27 =	vmul.f32 v20, v19  }
0x71: {  	v22 =	vsel vm15, $0x80, v1;
	[tilespmem:s12+$0x1600] =	vst v26;
	v24 =	vsub.f32 $1.000000000e+00, v20;
	v29 =	vmul.f32 v20, v25  }
0x72: {  	v23 =	vadd.s32 v22, v23;
	v26 =	vtrunc.f32 v21;
	v20 =	vmax.f32 v28, $0.0e+00;
	[tilespmem:s12+$0xF20] =	vst v27  }
0x73: {  	s17 =	simm.s32 $0x20;
	s18 =	simm.s32 $0xC0;
	v22 =	vmin.f32 v20, $1.270000000e+02;
	v20 =	vcvt.f32.s32 v26;
	v25 =	vmul.f32 v24, v25;
	[tilespmem:s12+$0xDC0] =	vst v29  }
.LBB2_5:
0x74: {  	p0 =	sne.s32 s18, $0x540;
	v26 =	vld [tilespmem:s17+$0x160];
	v27 =	vtrunc.f32 v22;
	v19 =	vmul.f32 v24, v19;
	v24 =	vadd.s32 v17, v23  }
0x75: {  	v27 =	vcvt.f32.s32 v27;
	v28 =	vcvt.s32.f32 v20;
	v29 =	vadd.s32 $0x1, v20;
	[tilespmem:s12+$0xB00] =	vst v25;
	v17 =	vmovc v20  }
0x76: {  	v23 =	vadd.s32 v18, v23;
	v20 =	vld [tilespmem:s17+$0x420];
	vm0 =	vlt.s32 v29, $0x7F;
	[tilespmem:s12+$0xC60] =	vst v19  }
0x77: {  	v19 =	vsub.f32 v21, v28;
	v21 =	vcvt.s32.f32 v27;
	v25 =	vshll.u32 v27, $0x7;
	[tilespmem:s12+$0x18C0] =	vst v24  }
0x78: {  	v18 =	vnsel vm0, $0x7F, v29;
	vm0 =	vlt.s32 v27, $0x7F;
	v25 =	vadd.s32 v0, v25;
	[tilespmem:s12+$0x1A20] =	vst v23;
	s12 =	smov.u32 s11;
	s11 =	smov.u32 s17  }
0x79: {  	v23 =	vmul.f32 $1.270000000e+02, v26;
	v22 =	vsub.f32 v22, v21;
	v26 =	vsub.f32 $1.000000000e+00, v19  }
.Ltmp1:
0x7a: {  	v27 =	vsel vm0, $0x80, v1;
	v28 =	vadd.s32 v17, v25;
	v21 =	vadd.s32 v18, v25;
	(pc) =	sbr.rel @p0 .LBB2_5-.Ltmp1, $4  }
0x7b: {  	v23 =	vmax.f32 v23, $0.0e+00;
	v20 =	vmul.f32 $1.270000000e+02, v20;
	v29 =	vmul.f32 v22, v26;
	[tilespmem:s12+$0x1760] =	vst v21  }
0x7c: {  	v24 =	vsub.f32 $1.000000000e+00, v22;
	v30 =	vmul.f32 v22, v19;
	v21 =	vmin.f32 v23, $1.270000000e+02;
	[tilespmem:s12+$0x1600] =	vst v28  }
0x7d: {  	v23 =	vadd.s32 v27, v25;
	v20 =	vmax.f32 v20, $0.0e+00;
	v28 =	vtrunc.f32 v21;
	[tilespmem:s12+$0xDC0] =	vst v29  }
0x7e: {  	s17 =	sshra.s32 s18, $0x2;
	s18 =	sadd.s32 $0x40, s18;
	v25 =	vmul.f32 v24, v26;
	v22 =	vmin.f32 v20, $1.270000000e+02;
	v20 =	vcvt.f32.s32 v28;
	[tilespmem:s12+$0xF20] =	vst v30  }
0x7f: {  	v26 =	vld [tilespmem:s17+$0x160]  }
0x80: {  	v27 =	vtrunc.f32 v22;
	v19 =	vmul.f32 v24, v19;
	[tilespmem:s12+$0xB00] =	vst v25  }
0x81: {  	v44 =	vcvt.f32.s32 v27;
	v45 =	vcvt.s32.f32 v20;
	v46 =	vadd.s32 $0x1, v20;
	v28 =	vld [tilespmem:s17+$0x420]  }
0x82: {  	v17 =	vadd.s32 v17, v23;
	v18 =	vadd.s32 v18, v23;
	vm0 =	vlt.s32 v46, $0x7F  }
0x83: {  	v21 =	vsub.f32 v21, v45;
	v47 =	vcvt.s32.f32 v44;
	v48 =	vshll.u32 v44, $0x7  }
0x84: {  	v27 =	vnsel vm0, $0x7F, v46;
	vm13 =	vlt.s32 v44, $0x7F;
	v26 =	vmul.f32 $1.270000000e+02, v26  }
0x85: {  	v25 =	vadd.s32 v0, v48;
	v49 =	vsub.f32 v22, v47;
	v50 =	vsub.f32 $1.000000000e+00, v21  }
0x86: {  	[tilespmem:s12+$0xC60] =	vst v19;
	v19 =	vadd.s32 v20, v25;
	v51 =	vmax.f32 v26, $0.0e+00;
	v52 =	vmul.f32 $1.270000000e+02, v28  }
0x87: {  	[tilespmem:s12+$0x18C0] =	vst v17;
	v17 =	vadd.s32 v27, v25;
	v53 =	vmul.f32 v49, v50;
	v24 =	vmin.f32 v51, $1.270000000e+02  }
0x88: {  	[tilespmem:s12+$0x1A20] =	vst v18;
	v18 =	vsub.f32 $1.000000000e+00, v49;
	v26 =	vmax.f32 v52, $0.0e+00;
	v29 =	vtrunc.f32 v24  }
0x89: {  	[tilespmem:s11+$0x1760] =	vst v17;
	v17 =	vmul.f32 v49, v21;
	v54 =	vmin.f32 v26, $1.270000000e+02;
	v55 =	vcvt.f32.s32 v29  }
0x8a: {  	v56 =	vsel vm13, $0x80, v1;
	[tilespmem:s11+$0x1600] =	vst v19;
	v19 =	vmul.f32 v18, v50;
	v57 =	vtrunc.f32 v54  }
0x8b: {  	v25 =	vadd.s32 v56, v25;
	[tilespmem:s11+$0xDC0] =	vst v53;
	v23 =	vcvt.f32.s32 v57;
	v58 =	vcvt.s32.f32 v55  }
0x8c: {  	[tilespmem:s11+$0xF20] =	vst v17;
	v17 =	vmul.f32 v18, v21;
	v18 =	vadd.s32 v20, v25;
	v59 =	vadd.s32 $0x1, v55  }
0x8d: {  	[tilespmem:s11+$0xB00] =	vst v19;
	vm14 =	vlt.s32 v59, $0x7F;
	v19 =	vsub.f32 v24, v58;
	v60 =	vcvt.s32.f32 v23  }
0x8e: {  	[tilespmem:s11+$0xC60] =	vst v17;
	v17 =	vadd.s32 v27, v25;
	v61 =	vshll.u32 v23, $0x7;
	v20 =	vnsel vm14, $0x7F, v59  }
0x8f: {  	[tilespmem:s11+$0x18C0] =	vst v18;
	v18 =	vadd.s32 v0, v61;
	v21 =	vsub.f32 v54, v60;
	v62 =	vsub.f32 $1.000000000e+00, v19  }
0x90: {  	[tilespmem:s11+$0x1A20] =	vst v17;
	v17 =	vadd.s32 v20, v18  }
0x91: {  	vm15 =	vlt.s32 v23, $0x7F;
	v24 =	vadd.s32 v55, v18;
	[tilespmem:s17+$0x1760] =	vst v17;
	v63 =	vmul.f32 v21, v62  }
0x92: {  	v23 =	vsel vm15, $0x80, v1;
	[tilespmem:s17+$0x1600] =	vst v24;
	v17 =	vsub.f32 $1.000000000e+00, v21;
	v21 =	vmul.f32 v21, v19  }
0x93: {  	v18 =	vadd.s32 v23, v18;
	[tilespmem:s17+$0xDC0] =	vst v63  }
0x94: {  	p1 =	seq.s32 s10, $0x23;
	v22 =	vmul.f32 v17, v62;
	[tilespmem:s17+$0xF20] =	vst v21;
	v17 =	vmul.f32 v17, v19;
	v19 =	vadd.s32 v55, v18  }
0x95: {  	s9 =	smul.u32 @!p1 $0x2C0, s10;
	[tilespmem:s17+$0x18C0] =	vst v19  }
0x96: {  	[tilespmem:s17+$0xB00] =	vst v22  }
0x97: {  	p0 =	seq.s32 @!p1 s10, $0x0;
	s9 =	smin.u32 @!p1 s9, $0x5D88;
	[tilespmem:s17+$0xC60] =	vst v17;
	v17 =	vadd.s32 v20, v18  }
0x98: {  	p0 =	por p1, !p0;
	s9 =	sadd.s32 @!p1 s9, s13;
	[tilespmem:s17+$0x1A20] =	vst v17  }
0x99: {  	[tilespmem:s28], [sflag:$0x4] =	stream.indirect.gather [hbm4b:s4+s20], $0x20, s26, s20, $0xb8;
	[tilespmem:$0x1D380] =	vst v63  }
.Ltmp2:
0x9a: {  	s9 =	sshrl.u32 @!p1 s9, $0x3;
	(pc) =	sbr.rel @!p0 .LBB2_7-.Ltmp2, $4  }
0x9b: {  	s12 =	simm.s32 @!p1 $0x0;
	s11 =	sadd.s32 @!p1 s5, s9  }
0x9c: {  	[tilespmem:s12], [sflag:$0x1] =	stream.linear.gather @!p1 [hbm4b:s11+s12], $0x160, $0x38;
	[tilespmem:$0x1D380] =	vst v63  }
0x9d: {  	s9 =	sadd.s32 @!p1 s6, s9;
	s11 =	simm.s32 @!p1 $0x2C0  }
0x9e: {  	[tilespmem:s11], [sflag:$0x1] =	stream.linear.gather @!p1 [hbm4b:s9+s12], $0x160, $0x38;
	[tilespmem:$0x1D380] =	vst v63  }
.Ltmp3:
0x9f: {  	(pc) =	sbr.rel .LBB2_9-.Ltmp3, $4  }
0xa0: {  	_ = 	snop  }
0xa1: {  	_ =	swait.ge [sflag:s19], $0x2C00  }
0xa2: {  	[sflag:s19] =	ssyncset.done $0x0  }
0xa3: {  	p0 =	por $0x0, $0x0;
	[sflag:s19] =	ssyncadd.s32 $0xFFFFD400  }
.LBB2_7:
0xa4: {  	p0 =	por @!p1 $0x1, $0x1  }
.LBB2_9:
0xa5: {  	_ =	swait.ge [sflag:s29], $0xB000;
	v7 =	vimm.s32 $0x2;
	v8 =	vimm.s32 $0x3  }
0xa6: {  	v9 =	vimm.s32 $0x4;
	v10 =	vimm.s32 $0x5;
	v11 =	vimm.s32 $0x6;
	[sflag:s29] =	ssyncset.done $0x0  }
0xa7: {  	s11 =	simm.s32 $0x0;
	s12 =	simm.s32 $0x840;
	v12 =	vimm.s32 $0x7;
	v13 =	vimm.s32 $0x8;
	v14 =	vimm.s32 $0x9;
	[sflag:s29] =	ssyncadd.s32 $0xFFFF5000  }
.LBB2_10:
0xa8: {  	v20 =	vld [tilespmem:s12+$0xFFFFFD40]  }
0xa9: {  	v19 =	vld [tilespmem:s12+$0xFFFFFEA0]  }
0xaa: {  	v18 =	vld [tilespmem:s12+$0x0]  }
0xab: {  	v17 =	vld [tilespmem:s12+$0x160];
	s17 =	sshra.s32 s11, $0x2  }
0xac: {  	v21 =	vld [tilespmem:s17+$0x1B80]  }
0xad: {  	v22 =	vld [tilespmem:s17+$0x4780]  }
0xae: {  	v23 =	vld [tilespmem:s17+$0x7380]  }
0xaf: {  	v24 =	vld [tilespmem:s17+$0x9F80]  }
0xb0: {  	v25 =	vld [tilespmem:s17+$0x1B90]  }
0xb1: {  	v26 =	vld [tilespmem:s17+$0x4790]  }
0xb2: {  	v27 =	vld [tilespmem:s17+$0x7390]  }
0xb3: {  	v28 =	vld [tilespmem:s17+$0x9F90]  }
0xb4: {  	v29 =	vld [tilespmem:s17+$0x1BA0]  }
0xb5: {  	v30 =	vld [tilespmem:s17+$0x47A0]  }
0xb6: {  	v31 =	vld [tilespmem:s17+$0x73A0]  }
0xb7: {  	v32 =	vld [tilespmem:s17+$0x9FA0]  }
0xb8: {  	v33 =	vld [tilespmem:s17+$0x1BB0]  }
0xb9: {  	v34 =	vld [tilespmem:s17+$0x47B0]  }
0xba: {  	v35 =	vld [tilespmem:s17+$0x73B0]  }
0xbb: {  	v36 =	vld [tilespmem:s17+$0x9FB0]  }
0xbc: {  	v37 =	vld [tilespmem:s17+$0x1BC0]  }
0xbd: {  	v38 =	vld [tilespmem:s17+$0x47C0]  }
0xbe: {  	v39 =	vld [tilespmem:s17+$0x73C0]  }
0xbf: {  	v40 =	vld [tilespmem:s17+$0x9FC0]  }
0xc0: {  	v41 =	vld [tilespmem:s17+$0x1BD0]  }
0xc1: {  	v42 =	vld [tilespmem:s17+$0x47D0]  }
0xc2: {  	v43 =	vld [tilespmem:s17+$0x73D0]  }
0xc3: {  	v44 =	vld [tilespmem:s17+$0x9FD0]  }
0xc4: {  	v45 =	vld [tilespmem:s17+$0x1BE0]  }
0xc5: {  	v46 =	vld [tilespmem:s17+$0x47E0]  }
0xc6: {  	v47 =	vld [tilespmem:s17+$0x73E0]  }
0xc7: {  	v48 =	vld [tilespmem:s17+$0x9FE0]  }
0xc8: {  	v49 =	vld [tilespmem:s17+$0x1BF0]  }
0xc9: {  	v50 =	vld [tilespmem:s17+$0x47F0]  }
0xca: {  	v51 =	vld [tilespmem:s17+$0x73F0]  }
0xcb: {  	v52 =	vld [tilespmem:s17+$0x9FF0]  }
0xcc: {  	v53 =	vld [tilespmem:s17+$0x1C00];
	v57 =	vperm.xlane v20, v1  }
0xcd: {  	v54 =	vld [tilespmem:s17+$0x4800];
	v58 =	vperm.xlane v19, v1;
	v60 =	vperm.xlane v18, v1  }
0xce: {  	v55 =	vld [tilespmem:s17+$0x7400];
	v61 =	vperm.xlane v17, v1;
	v21 =	vmul.f32 v21, v57  }
0xcf: {  	v56 =	vld [tilespmem:s17+$0xA000];
	v22 =	vmul.f32 v22, v58;
	v23 =	vmul.f32 v23, v60  }
0xd0: {  	v59 =	vld [tilespmem:s17+$0x1C10];
	v25 =	vmul.f32 v25, v57;
	v26 =	vmul.f32 v26, v58  }
0xd1: {  	v62 =	vld [tilespmem:s17+$0x4810];
	v24 =	vmul.f32 v24, v61;
	v21 =	vadd.f32 v22, v21;
	v22 =	vmul.f32 v27, v60  }
0xd2: {  	v63 =	vld [tilespmem:s17+$0x7410];
	v27 =	vmul.f32 v28, v61;
	v25 =	vadd.f32 v26, v25;
	v26 =	vperm.xlane v20, v6  }
0xd3: {  	v2 =	vld [tilespmem:s17+$0xA010];
	v28 =	vperm.xlane v19, v6;
	v21 =	vadd.f32 v23, v21;
	v23 =	vperm.xlane v18, v6  }
0xd4: {  	v3 =	vld [tilespmem:s17+$0xA020];
	v61 =	vperm.xlane v17, v6;
	v25 =	vadd.f32 v22, v25;
	v29 =	vmul.f32 v29, v26  }
0xd5: {  	v4 =	vld [tilespmem:s17+$0x1C30];
	v30 =	vmul.f32 v30, v28;
	v22 =	vadd.f32 v24, v21;
	v24 =	vmul.f32 v31, v23  }
0xd6: {  	v5 =	vld [tilespmem:s17+$0x1CC0];
	v31 =	vmul.f32 v32, v61;
	v21 =	vadd.f32 v27, v25;
	v25 =	vmul.f32 v33, v26  }
0xd7: {  	v57 =	vld [tilespmem:s17+$0x1C20];
	v26 =	vmul.f32 v34, v28;
	v23 =	vmul.f32 v35, v23  }
0xd8: {  	v58 =	vld [tilespmem:s17+$0x4820];
	v27 =	vadd.f32 v30, v29;
	v28 =	vmul.f32 v36, v61;
	v30 =	vperm.xlane v17, v7  }
0xd9: {  	v60 =	vld [tilespmem:s17+$0x7420];
	v61 =	vperm.xlane v19, v7;
	v25 =	vadd.f32 v26, v25;
	v26 =	vperm.xlane v20, v7  }
0xda: {  	v32 =	vld [tilespmem:s17+$0x4830];
	v24 =	vadd.f32 v24, v27;
	v27 =	vperm.xlane v18, v7;
	v29 =	vmul.f32 v44, v30  }
0xdb: {  	v33 =	vld [tilespmem:s17+$0x7430];
	v23 =	vadd.f32 v23, v25;
	v25 =	vmul.f32 v37, v26;
	v37 =	vmul.f32 v38, v61  }
0xdc: {  	v34 =	vld [tilespmem:s17+$0xA030];
	v24 =	vadd.f32 v31, v24;
	v31 =	vmul.f32 v39, v27;
	v39 =	vmul.f32 v40, v30  }
0xdd: {  	v35 =	vld [tilespmem:s17+$0x1C40];
	v26 =	vmul.f32 v41, v26;
	v61 =	vmul.f32 v42, v61  }
0xde: {  	v36 =	vld [tilespmem:s17+$0x4840];
	v27 =	vmul.f32 v43, v27;
	v30 =	vperm.xlane v19, v8;
	v25 =	vadd.f32 v37, v25  }
0xdf: {  	v44 =	vld [tilespmem:s17+$0xA050];
	v23 =	vadd.f32 v28, v23;
	v26 =	vadd.f32 v61, v26;
	v28 =	vperm.xlane v20, v8  }
0xe0: {  	v38 =	vld [tilespmem:s17+$0x7440];
	v43 =	vperm.xlane v17, v8;
	v25 =	vadd.f32 v31, v25;
	v31 =	vperm.xlane v18, v8  }
0xe1: {  	v40 =	vld [tilespmem:s17+$0xA040];
	v46 =	vmul.f32 v46, v30;
	v27 =	vadd.f32 v27, v26;
	v45 =	vmul.f32 v45, v28  }
0xe2: {  	v41 =	vld [tilespmem:s17+$0x1C50];
	v26 =	vadd.f32 v39, v25;
	v39 =	vmul.f32 v47, v31;
	v47 =	vmul.f32 v48, v43  }
0xe3: {  	v42 =	vld [tilespmem:s17+$0x7450];
	v25 =	vadd.f32 v29, v27;
	v27 =	vmul.f32 v49, v28;
	v28 =	vmul.f32 v50, v30  }
0xe4: {  	v37 =	vld [tilespmem:s17+$0x4850];
	v29 =	vadd.f32 v46, v45;
	v30 =	vmul.f32 v51, v31;
	v31 =	vmul.f32 v52, v43  }
0xe5: {  	v61 =	vld [tilespmem:s17+$0x1C60];
	v45 =	vperm.xlane v20, v9;
	v46 =	vperm.xlane v19, v9;
	v27 =	vadd.f32 v28, v27  }
0xe6: {  	v48 =	vld [tilespmem:s17+$0x4860];
	v28 =	vadd.f32 v39, v29;
	v29 =	vperm.xlane v18, v9;
	v39 =	vperm.xlane v17, v9  }
0xe7: {  	v49 =	vld [tilespmem:s17+$0x7460];
	v52 =	vmul.f32 v54, v46;
	v59 =	vmul.f32 v59, v45  }
0xe8: {  	v43 =	vld [tilespmem:s17+$0xA060];
	v62 =	vmul.f32 v62, v46;
	v27 =	vadd.f32 v30, v27;
	v30 =	vmul.f32 v53, v45  }
0xe9: {  	v50 =	vld [tilespmem:s17+$0x1C70];
	v28 =	vadd.f32 v47, v28;
	v47 =	vmul.f32 v55, v29;
	v54 =	vmul.f32 v56, v39  }
0xea: {  	v51 =	vld [tilespmem:s17+$0x4870];
	v29 =	vmul.f32 v63, v29;
	v2 =	vmul.f32 v2, v39;
	v30 =	vadd.f32 v52, v30  }
0xeb: {  	v46 =	vld [tilespmem:s17+$0x1C80];
	v45 =	vperm.xlane v20, v10;
	v27 =	vadd.f32 v31, v27;
	v31 =	vadd.f32 v62, v59  }
0xec: {  	v53 =	vld [tilespmem:s17+$0x7470];
	v52 =	vperm.xlane v19, v10;
	v59 =	vperm.xlane v17, v10;
	v30 =	vadd.f32 v47, v30  }
0xed: {  	v55 =	vld [tilespmem:s17+$0xA070];
	v47 =	vperm.xlane v18, v10;
	v29 =	vadd.f32 v29, v31;
	v31 =	vmul.f32 v57, v45  }
0xee: {  	v39 =	vld [tilespmem:s17+$0x4880];
	v57 =	vmul.f32 v58, v52;
	v3 =	vmul.f32 v3, v59;
	v30 =	vadd.f32 v54, v30  }
0xef: {  	v56 =	vld [tilespmem:s17+$0x7480];
	v29 =	vadd.f32 v2, v29;
	v2 =	vmul.f32 v4, v45;
	v4 =	vmul.f32 v32, v52  }
0xf0: {  	v62 =	vld [tilespmem:s17+$0xA080];
	v54 =	vmul.f32 v60, v47;
	v31 =	vadd.f32 v57, v31;
	v63 =	vmul.f32 v33, v47  }
0xf1: {  	v58 =	vld [tilespmem:s17+$0x1C90];
	v33 =	vmul.f32 v34, v59;
	v34 =	vperm.xlane v19, v11;
	v2 =	vadd.f32 v4, v2  }
0xf2: {  	v60 =	vld [tilespmem:s17+$0x4890];
	v4 =	vperm.xlane v20, v11;
	v31 =	vadd.f32 v54, v31;
	v54 =	vperm.xlane v18, v11  }
0xf3: {  	v45 =	vld [tilespmem:s17+$0x7490];
	v57 =	vperm.xlane v17, v11;
	v36 =	vmul.f32 v36, v34;
	v2 =	vadd.f32 v63, v2  }
0xf4: {  	v47 =	vld [tilespmem:s17+$0xA090];
	v35 =	vmul.f32 v35, v4;
	v32 =	vadd.f32 v3, v31;
	v3 =	vmul.f32 v38, v54  }
0xf5: {  	v52 =	vld [tilespmem:s17+$0x1CA0];
	v31 =	vadd.f32 v33, v2;
	v2 =	vmul.f32 v41, v4;
	v4 =	vmul.f32 v37, v34  }
0xf6: {  	v59 =	vld [tilespmem:s17+$0x48A0];
	v38 =	vmul.f32 v40, v57;
	v33 =	vadd.f32 v36, v35;
	v34 =	vmul.f32 v42, v54  }
0xf7: {  	[tilespmem:s17+$0x17C00] =	vst v30;
	v30 =	vld [tilespmem:s17+$0x4940];
	v35 =	vmul.f32 v44, v57;
	v36 =	vperm.xlane v19, v12;
	v2 =	vadd.f32 v4, v2  }
0xf8: {  	v63 =	vld [tilespmem:s17+$0x74A0];
	v37 =	vperm.xlane v18, v12;
	v4 =	vperm.xlane v20, v12;
	v3 =	vadd.f32 v3, v33  }
0xf9: {  	v40 =	vld [tilespmem:s17+$0xA0A0];
	v54 =	vperm.xlane v17, v12;
	v48 =	vmul.f32 v48, v36;
	v2 =	vadd.f32 v34, v2  }
0xfa: {  	v41 =	vld [tilespmem:s17+$0x1CB0];
	v61 =	vmul.f32 v61, v4;
	v34 =	vadd.f32 v38, v3;
	v3 =	vmul.f32 v49, v37  }
0xfb: {  	v42 =	vld [tilespmem:s17+$0x48B0];
	v33 =	vadd.f32 v35, v2;
	v2 =	vmul.f32 v50, v4;
	v4 =	vmul.f32 v51, v36  }
0xfc: {  	v44 =	vld [tilespmem:s17+$0x74B0];
	v38 =	vmul.f32 v43, v54;
	v35 =	vadd.f32 v48, v61;
	v61 =	vmul.f32 v53, v37  }
0xfd: {  	v57 =	vld [tilespmem:s17+$0xA0B0];
	v37 =	vmul.f32 v55, v54;
	v50 =	vperm.xlane v19, v13;
	v2 =	vadd.f32 v4, v2  }
0xfe: {  	[tilespmem:s17+$0x17C20] =	vst v32;
	v32 =	vld [tilespmem:s17+$0xA150];
	v53 =	vperm.xlane v18, v13;
	v4 =	vperm.xlane v20, v13;
	v3 =	vadd.f32 v3, v35  }
0xff: {  	v43 =	vld [tilespmem:s17+$0x48C0];
	v54 =	vperm.xlane v17, v13;
	v39 =	vmul.f32 v39, v50;
	v2 =	vadd.f32 v61, v2  }
0x100: {  	v49 =	vld [tilespmem:s17+$0x74C0];
	v46 =	vmul.f32 v46, v4;
	v36 =	vadd.f32 v38, v3;
	v3 =	vmul.f32 v56, v53  }
0x101: {  	v48 =	vld [tilespmem:s17+$0xA0C0];
	v35 =	vadd.f32 v37, v2;
	v2 =	vmul.f32 v58, v4;
	v4 =	vmul.f32 v60, v50  }
0x102: {  	v51 =	vld [tilespmem:s17+$0x1CD0];
	v38 =	vmul.f32 v62, v54;
	v62 =	vadd.f32 v39, v46;
	v39 =	vmul.f32 v45, v53  }
0x103: {  	v55 =	vld [tilespmem:s17+$0x48D0];
	v45 =	vmul.f32 v47, v54;
	v58 =	vperm.xlane v17, v14;
	v2 =	vadd.f32 v4, v2  }
0x104: {  	v61 =	vld [tilespmem:s17+$0x74D0];
	v47 =	vperm.xlane v19, v14;
	v4 =	vperm.xlane v20, v14;
	v3 =	vadd.f32 v3, v62  }
0x105: {  	v56 =	vld [tilespmem:s17+$0xA0D0];
	v54 =	vperm.xlane v18, v14;
	v40 =	vmul.f32 v40, v58;
	v2 =	vadd.f32 v39, v2  }
0x106: {  	v50 =	vld [tilespmem:s17+$0x1CE0];
	v39 =	vmul.f32 v52, v4;
	v52 =	vmul.f32 v59, v47;
	v3 =	vadd.f32 v38, v3  }
0x107: {  	v46 =	vld [tilespmem:s17+$0x48E0];
	v38 =	vmul.f32 v63, v54;
	v37 =	vadd.f32 v45, v2;
	v2 =	vmul.f32 v41, v4  }
0x108: {  	v53 =	vld [tilespmem:s17+$0x74E0];
	v63 =	vimm.s32 $0xA;
	v4 =	vmul.f32 v42, v47;
	v42 =	vmul.f32 v44, v54  }
0x109: {  	v60 =	vld [tilespmem:s17+$0xA0E0];
	v39 =	vadd.f32 v52, v39;
	v44 =	vmul.f32 v57, v58;
	v54 =	vperm.xlane v17, v63  }
0x10a: {  	v62 =	vld [tilespmem:s17+$0x48F0];
	v47 =	vperm.xlane v19, v63;
	v2 =	vadd.f32 v4, v2;
	v4 =	vperm.xlane v20, v63  }
0x10b: {  	v59 =	vld [tilespmem:s17+$0x1CF0];
	v38 =	vadd.f32 v38, v39;
	v39 =	vperm.xlane v18, v63;
	v48 =	vmul.f32 v48, v54  }
0x10c: {  	v41 =	vld [tilespmem:s17+$0x74F0];
	v58 =	vimm.s32 $0xB;
	v55 =	vmul.f32 v55, v47;
	v5 =	vmul.f32 v5, v4  }
0x10d: {  	v45 =	vld [tilespmem:s17+$0xA0F0];
	v2 =	vadd.f32 v42, v2;
	v42 =	vmul.f32 v43, v47;
	v63 =	vmul.f32 v49, v39  }
0x10e: {  	v52 =	vld [tilespmem:s17+$0x1D00];
	v38 =	vadd.f32 v40, v38;
	v4 =	vmul.f32 v51, v4;
	v39 =	vmul.f32 v61, v39  }
0x10f: {  	v57 =	vld [tilespmem:s17+$0x4900];
	v61 =	vperm.xlane v19, v58;
	v40 =	vperm.xlane v18, v58;
	v2 =	vadd.f32 v44, v2  }
0x110: {  	v43 =	vld [tilespmem:s17+$0x7500];
	v5 =	vadd.f32 v42, v5;
	v42 =	vmul.f32 v56, v54;
	v44 =	vperm.xlane v20, v58  }
0x111: {  	v49 =	vld [tilespmem:s17+$0xA100];
	v56 =	vperm.xlane v17, v58;
	v46 =	vmul.f32 v46, v61  }
0x112: {  	[tilespmem:s17+$0x17B80] =	vst v22;
	v47 =	vld [tilespmem:s17+$0x1D10];
	v22 =	vmul.f32 v53, v40;
	v61 =	vmul.f32 v62, v61;
	v5 =	vadd.f32 v63, v5  }
0x113: {  	v51 =	vld [tilespmem:s17+$0x4910];
	v63 =	vmul.f32 v50, v44;
	v44 =	vmul.f32 v59, v44;
	v59 =	vimm.s32 $0xC  }
0x114: {  	[tilespmem:s17+$0x17B90] =	vst v21;
	v4 =	vadd.f32 v55, v4;
	v55 =	vld [tilespmem:s17+$0x7510];
	v21 =	vmul.f32 v60, v56;
	v60 =	vperm.xlane v19, v59  }
0x115: {  	[tilespmem:s17+$0x17BA0] =	vst v24;
	v58 =	vld [tilespmem:s17+$0xA110];
	v24 =	vperm.xlane v18, v59;
	v62 =	vadd.f32 v46, v63;
	v63 =	vmul.f32 v41, v40  }
0x116: {  	v53 =	vld [tilespmem:s17+$0x7520];
	v4 =	vadd.f32 v39, v4;
	v40 =	vmul.f32 v45, v56;
	v56 =	vperm.xlane v20, v59  }
0x117: {  	v50 =	vld [tilespmem:s17+$0x1D20];
	v5 =	vadd.f32 v48, v5;
	v54 =	vadd.f32 v61, v44;
	v61 =	vperm.xlane v17, v59  }
0x118: {  	v48 =	vld [tilespmem:s17+$0x4920];
	v59 =	vmul.f32 v51, v60;
	v22 =	vadd.f32 v22, v62;
	v62 =	vmul.f32 v52, v56  }
0x119: {  	[tilespmem:s17+$0x17BB0] =	vst v23;
	v45 =	vld [tilespmem:s17+$0x1D30];
	v23 =	vadd.f32 v63, v54;
	v63 =	vmul.f32 v57, v60;
	v54 =	vmul.f32 v43, v24  }
0x11a: {  	v4 =	vadd.f32 v42, v4;
	v42 =	vld [tilespmem:s17+$0xA130];
	v56 =	vmul.f32 v47, v56;
	v57 =	vmul.f32 v49, v61  }
0x11b: {  	[tilespmem:s17+$0x17BC0] =	vst v26;
	v41 =	vld [tilespmem:s17+$0xA120];
	v60 =	vimm.s32 $0xD;
	v24 =	vmul.f32 v55, v24;
	v26 =	vmul.f32 v58, v61  }
0x11c: {  	[tilespmem:s17+$0x17BD0] =	vst v25;
	v46 =	vld [tilespmem:s17+$0x4930];
	v61 =	vperm.xlane v20, v60;
	v49 =	vperm.xlane v17, v60  }
0x11d: {  	[tilespmem:s17+$0x17BE0] =	vst v28;
	v44 =	vld [tilespmem:s17+$0xA140];
	v25 =	vadd.f32 v63, v62;
	v62 =	vperm.xlane v19, v60;
	v63 =	vperm.xlane v18, v60  }
0x11e: {  	[tilespmem:s17+$0x17C10] =	vst v29;
	v52 =	vld [tilespmem:s17+$0x7530];
	v50 =	vmul.f32 v50, v61;
	v29 =	vmul.f32 v45, v61  }
0x11f: {  	[tilespmem:s17+$0x17BF0] =	vst v27;
	v43 =	vld [tilespmem:s17+$0x1D40];
	v21 =	vadd.f32 v21, v22;
	v60 =	vmul.f32 v42, v49;
	v61 =	vperm.xlane v20, v15  }
0x120: {  	[tilespmem:s17+$0x17C30] =	vst v31;
	v23 =	vadd.f32 v40, v23;
	v40 =	vld [tilespmem:s17+$0x7540];
	v45 =	vperm.xlane v18, v15;
	v20 =	vperm.xlane v20, v16  }
0x121: {  	[tilespmem:s17+$0x17C40] =	vst v34;
	v28 =	vadd.f32 v59, v56;
	v56 =	vld [tilespmem:s17+$0x4950];
	v18 =	vperm.xlane v18, v16;
	v51 =	vmul.f32 v48, v62  }
0x122: {  	[tilespmem:s17+$0x17C50] =	vst v33;
	v59 =	vld [tilespmem:s17+$0x7550];
	v22 =	vadd.f32 v54, v25;
	v55 =	vmul.f32 v53, v63;
	v58 =	vmul.f32 v46, v62  }
0x123: {  	[tilespmem:s17+$0x17C60] =	vst v36;
	v24 =	vadd.f32 v24, v28;
	v54 =	vld [tilespmem:s17+$0x1D50];
	v62 =	vperm.xlane v19, v15;
	v46 =	vperm.xlane v17, v15  }
0x124: {  	[tilespmem:s17+$0x17C70] =	vst v35;
	v48 =	vld [tilespmem:s17+$0x4960];
	v19 =	vperm.xlane v19, v16;
	v17 =	vperm.xlane v17, v16  }
0x125: {  	[tilespmem:s17+$0x17C80] =	vst v3;
	v25 =	vmul.f32 v52, v63;
	v63 =	vld [tilespmem:s17+$0x1D60];
	v22 =	vadd.f32 v57, v22;
	v24 =	vadd.f32 v26, v24  }
0x126: {  	[tilespmem:s17+$0x17C90] =	vst v37;
	v52 =	vld [tilespmem:s17+$0x4970];
	v57 =	vmul.f32 v41, v49;
	v28 =	vadd.f32 v51, v50;
	v49 =	vmul.f32 v43, v61  }
0x127: {  	[tilespmem:s17+$0x17CA0] =	vst v38;
	v29 =	vadd.f32 v58, v29;
	v30 =	vmul.f32 v30, v62;
	v50 =	vld [tilespmem:s17+$0x1D70];
	v51 =	vmul.f32 v40, v45  }
0x128: {  	[tilespmem:s17+$0x17CB0] =	vst v2;
	v53 =	vmul.f32 v56, v62;
	v3 =	vadd.f32 v55, v28;
	v33 =	vmul.f32 v54, v61;
	v54 =	vld [tilespmem:s17+$0x7560]  }
0x129: {  	[tilespmem:s17+$0x17CC0] =	vst v5;
	v27 =	vmul.f32 v59, v45;
	v25 =	vadd.f32 v25, v29;
	v5 =	vadd.f32 v30, v49;
	v55 =	vld [tilespmem:s17+$0x7570]  }
0x12a: {  	[tilespmem:s17+$0x17CD0] =	vst v4;
	v62 =	vmul.f32 v32, v46;
	v58 =	vmul.f32 v48, v19;
	v3 =	vadd.f32 v57, v3;
	v57 =	vld [tilespmem:s17+$0xA160]  }
0x12b: {  	[tilespmem:s17+$0x17CE0] =	vst v21;
	v59 =	vld [tilespmem:s17+$0xA170];
	v2 =	vadd.f32 v60, v25;
	v56 =	vmul.f32 v63, v20;
	v5 =	vadd.f32 v51, v5  }
0x12c: {  	[tilespmem:s17+$0x17CF0] =	vst v23;
	v19 =	vmul.f32 v52, v19;
	v4 =	vadd.f32 v53, v33;
	v20 =	vmul.f32 v50, v20  }
0x12d: {  	[tilespmem:s17+$0x17D00] =	vst v22;
	v60 =	vmul.f32 v44, v46;
	v21 =	vadd.f32 v58, v56;
	v61 =	vmul.f32 v54, v18  }
0x12e: {  	[tilespmem:s17+$0x17D10] =	vst v24;
	v4 =	vadd.f32 v27, v4;
	v19 =	vadd.f32 v19, v20;
	v18 =	vmul.f32 v55, v18  }
0x12f: {  	p2 =	sne.s32 s11, $0xA800;
	[tilespmem:s17+$0x17D20] =	vst v3;
	v3 =	vadd.f32 v60, v5;
	v63 =	vmul.f32 v57, v17;
	v5 =	vadd.f32 v61, v21  }
.Ltmp4:
0x130: {  	[tilespmem:s17+$0x17D30] =	vst v2;
	v2 =	vadd.f32 v62, v4;
	v17 =	vmul.f32 v59, v17;
	v4 =	vadd.f32 v18, v19;
	(pc) =	sbr.rel @p2 .LBB2_10-.Ltmp4, $4  }
0x131: {  	[tilespmem:s17+$0x17D40] =	vst v3;
	v3 =	vadd.f32 v63, v5  }
0x132: {  	[tilespmem:s17+$0x17D50] =	vst v2;
	v2 =	vadd.f32 v17, v4  }
0x133: {  	[tilespmem:s17+$0x17D60] =	vst v3  }
0x134: {  	s12 =	sadd.s32 $0x10, s12;
	s11 =	sadd.s32 $0x800, s11;
	[tilespmem:s17+$0x17D70] =	vst v2  }
0x135: {  	s11 =	smul.u32 $0x2C0, s10;
	_ =	sdelay $0x1  }
0x136: {  	s9 =	sadd.s32 s8, s11  }
.Ltmp5:
0x137: {  	s9 =	sshll.u32 s9, $0x5;
	(pc) =	sbr.rel @p1 .LBB2_15-.Ltmp5, $4  }
0x138: {  	s9 =	sadd.s32 s14, s9  }
0x139: {  	s9 =	sshrl.u32 s9, $0x3  }
0x13a: {  	s9 =	sadd.s32 s1, s9  }
0x13b: {  	[hbm4b:s9+s2] =	stream.linear.scatter [tilespmem:s30], [sflag:$0x5], $0x2C00, $0x38;
	[tilespmem:$0x1D380] =	vst v63  }
0x13c: {  	_ =	swait.ge [sflag:s7], $0x160  }
0x13d: {  	[sflag:s7] =	ssyncset.done $0x0  }
0x13e: {  	[sflag:s7] =	ssyncadd.s32 $0xFFFFFEA0  }
0x13f: {  	_ =	swait.ge [sflag:s7], $0x160  }
0x140: {  	[sflag:s7] =	ssyncset.done $0x0  }
0x141: {  	s17 =	simm.s32 $0x0;
	[sflag:s7] =	ssyncadd.s32 $0xFFFFFEA0  }
0x142: {  	v2 =	vld [tilespmem:s17+$0x0]  }
0x143: {  	v3 =	vld [tilespmem:s17+$0x2C0];
	_ =	sdelay $0x3  }
0x144: {  	v2 =	vmul.f32 $1.270000000e+02, v2  }
0x145: {  	v3 =	vmul.f32 $1.270000000e+02, v3  }
0x146: {  	v2 =	vmax.f32 v2, $0.0e+00  }
0x147: {  	v3 =	vmax.f32 v3, $0.0e+00;
	v2 =	vmin.f32 v2, $1.270000000e+02  }
0x148: {  	v3 =	vmin.f32 v3, $1.270000000e+02;
	v4 =	vtrunc.f32 v2  }
0x149: {  	s12 =	simm.s32 $0x10;
	v5 =	vtrunc.f32 v3;
	v17 =	vcvt.f32.s32 v4  }
0x14a: {  	v4 =	vld [tilespmem:s12+$0x0];
	v5 =	vcvt.f32.s32 v5  }
0x14b: {  	v21 =	vld [tilespmem:s12+$0x2C0];
	v18 =	vcvt.s32.f32 v17  }
0x14c: {  	v20 =	vadd.s32 $0x1, v17;
	v22 =	vshll.u32 v5, $0x7  }
0x14d: {  	vm0 =	vlt.s32 v20, $0x7F;
	v19 =	vsub.f32 v2, v18;
	v2 =	vcvt.s32.f32 v5  }
0x14e: {  	vm15 =	vlt.s32 v5, $0x7F;
	v18 =	vnsel vm0, $0x7F, v20;
	v20 =	vadd.s32 v0, v22  }
0x14f: {  	v4 =	vmul.f32 $1.270000000e+02, v4;
	v2 =	vsub.f32 v3, v2;
	v3 =	vsub.f32 $1.000000000e+00, v19  }
0x150: {  	v25 =	vmul.f32 $1.270000000e+02, v21;
	v5 =	vsel vm15, $0x80, v1;
	v23 =	vadd.s32 v18, v20  }
0x151: {  	v22 =	vadd.s32 v17, v20;
	[tilespmem:s17+$0x11E0] =	vst v23;
	v4 =	vmax.f32 v4, $0.0e+00;
	v26 =	vmul.f32 v2, v3  }
0x152: {  	[tilespmem:s17+$0x1080] =	vst v22;
	v21 =	vmin.f32 v4, $1.270000000e+02;
	v24 =	vsub.f32 $1.000000000e+00, v2;
	v2 =	vmul.f32 v2, v19  }
0x153: {  	v23 =	vadd.s32 v5, v20;
	v4 =	vmax.f32 v25, $0.0e+00;
	v25 =	vtrunc.f32 v21;
	[tilespmem:s17+$0x840] =	vst v26  }
0x154: {  	s18 =	simm.s32 $0x20;
	s9 =	simm.s32 $0xC0;
	v22 =	vmin.f32 v4, $1.270000000e+02;
	v20 =	vcvt.f32.s32 v25;
	v25 =	vmul.f32 v24, v3;
	[tilespmem:s17+$0x9A0] =	vst v2  }
.LBB2_13:
0x155: {  	p1 =	sne.s32 s9, $0x540;
	v2 =	vld [tilespmem:s18+$0x0];
	v3 =	vtrunc.f32 v22;
	v4 =	vmul.f32 v24, v19;
	v5 =	vadd.s32 v17, v23  }
0x156: {  	v3 =	vcvt.f32.s32 v3;
	v19 =	vcvt.s32.f32 v20;
	v24 =	vadd.s32 $0x1, v20;
	[tilespmem:s17+$0x580] =	vst v25;
	v17 =	vmovc v20  }
0x157: {  	v20 =	vld [tilespmem:s18+$0x2C0];
	vm0 =	vlt.s32 v24, $0x7F;
	[tilespmem:s17+$0x6E0] =	vst v4;
	v4 =	vadd.s32 v18, v23  }
0x158: {  	v19 =	vsub.f32 v21, v19;
	v21 =	vcvt.s32.f32 v3;
	v23 =	vshll.u32 v3, $0x7;
	[tilespmem:s17+$0x1340] =	vst v5  }
0x159: {  	v18 =	vnsel vm0, $0x7F, v24;
	vm0 =	vlt.s32 v3, $0x7F;
	v5 =	vadd.s32 v0, v23;
	[tilespmem:s17+$0x14A0] =	vst v4;
	s17 =	smov.u32 s12;
	s12 =	smov.u32 s18  }
0x15a: {  	v2 =	vmul.f32 $1.270000000e+02, v2;
	v3 =	vsub.f32 v22, v21;
	v4 =	vsub.f32 $1.000000000e+00, v19  }
.Ltmp6:
0x15b: {  	v22 =	vsel vm0, $0x80, v1;
	v23 =	vadd.s32 v17, v5;
	v21 =	vadd.s32 v18, v5;
	(pc) =	sbr.rel @p1 .LBB2_13-.Ltmp6, $4  }
0x15c: {  	v2 =	vmax.f32 v2, $0.0e+00;
	v20 =	vmul.f32 $1.270000000e+02, v20;
	v25 =	vmul.f32 v3, v4;
	[tilespmem:s17+$0x11E0] =	vst v21  }
0x15d: {  	v24 =	vsub.f32 $1.000000000e+00, v3;
	v21 =	vmin.f32 v2, $1.270000000e+02;
	v2 =	vmul.f32 v3, v19;
	[tilespmem:s17+$0x1080] =	vst v23  }
0x15e: {  	v23 =	vadd.s32 v22, v5;
	v3 =	vmax.f32 v20, $0.0e+00;
	v20 =	vtrunc.f32 v21;
	[tilespmem:s17+$0x840] =	vst v25  }
0x15f: {  	s18 =	sshra.s32 s9, $0x2;
	s9 =	sadd.s32 $0x40, s9;
	v25 =	vmul.f32 v24, v4;
	v22 =	vmin.f32 v3, $1.270000000e+02;
	v20 =	vcvt.f32.s32 v20;
	[tilespmem:s17+$0x9A0] =	vst v2  }
0x160: {  	v2 =	vld [tilespmem:s18+$0x0]  }
0x161: {  	v3 =	vtrunc.f32 v22;
	v4 =	vmul.f32 v24, v19;
	[tilespmem:s17+$0x580] =	vst v25  }
0x162: {  	v3 =	vcvt.f32.s32 v3;
	v5 =	vcvt.s32.f32 v20;
	v19 =	vadd.s32 $0x1, v20;
	v52 =	vld [tilespmem:s18+$0x2C0]  }
0x163: {  	v17 =	vadd.s32 v17, v23;
	v18 =	vadd.s32 v18, v23;
	vm0 =	vlt.s32 v19, $0x7F  }
0x164: {  	v5 =	vsub.f32 v21, v5;
	v53 =	vcvt.s32.f32 v3;
	v54 =	vshll.u32 v3, $0x7  }
0x165: {  	v19 =	vnsel vm0, $0x7F, v19;
	vm13 =	vlt.s32 v3, $0x7F;
	v2 =	vmul.f32 $1.270000000e+02, v2  }
0x166: {  	v23 =	vadd.s32 v0, v54;
	v3 =	vsub.f32 v22, v53;
	v55 =	vsub.f32 $1.000000000e+00, v5  }
0x167: {  	[tilespmem:s17+$0x6E0] =	vst v4;
	v4 =	vadd.s32 v20, v23;
	v2 =	vmax.f32 v2, $0.0e+00;
	v56 =	vmul.f32 $1.270000000e+02, v52  }
0x168: {  	[tilespmem:s17+$0x1340] =	vst v17;
	v17 =	vadd.s32 v19, v23;
	v57 =	vmul.f32 v3, v55;
	v2 =	vmin.f32 v2, $1.270000000e+02  }
0x169: {  	[tilespmem:s17+$0x14A0] =	vst v18;
	v18 =	vsub.f32 $1.000000000e+00, v3;
	v22 =	vmax.f32 v56, $0.0e+00;
	v58 =	vtrunc.f32 v2  }
0x16a: {  	[tilespmem:s12+$0x11E0] =	vst v17;
	v3 =	vmul.f32 v3, v5;
	v17 =	vmin.f32 v22, $1.270000000e+02;
	v59 =	vcvt.f32.s32 v58  }
0x16b: {  	v60 =	vsel vm13, $0x80, v1;
	[tilespmem:s12+$0x1080] =	vst v4;
	v4 =	vmul.f32 v18, v55;
	v61 =	vtrunc.f32 v17  }
0x16c: {  	v23 =	vadd.s32 v60, v23;
	[tilespmem:s12+$0x840] =	vst v57;
	v21 =	vcvt.f32.s32 v61;
	v62 =	vcvt.s32.f32 v59  }
0x16d: {  	[tilespmem:s12+$0x9A0] =	vst v3;
	v3 =	vmul.f32 v18, v5;
	v5 =	vadd.s32 v20, v23;
	v18 =	vadd.s32 $0x1, v59  }
0x16e: {  	[tilespmem:s12+$0x580] =	vst v4;
	vm14 =	vlt.s32 v18, $0x7F;
	v2 =	vsub.f32 v2, v62;
	v4 =	vcvt.s32.f32 v21  }
0x16f: {  	[tilespmem:s12+$0x6E0] =	vst v3;
	v3 =	vadd.s32 v19, v23;
	v19 =	vshll.u32 v21, $0x7;
	v18 =	vnsel vm14, $0x7F, v18  }
0x170: {  	[tilespmem:s12+$0x1340] =	vst v5;
	v5 =	vadd.s32 v0, v19;
	v4 =	vsub.f32 v17, v4;
	v17 =	vsub.f32 $1.000000000e+00, v2  }
0x171: {  	[tilespmem:s12+$0x14A0] =	vst v3;
	v3 =	vadd.s32 v18, v5  }
0x172: {  	v19 =	vadd.s32 v59, v5;
	[tilespmem:s18+$0x11E0] =	vst v3;
	v63 =	vmul.f32 v4, v17;
	v3 =	vsub.f32 $1.000000000e+00, v4  }
0x173: {  	[tilespmem:s18+$0x1080] =	vst v19;
	v4 =	vmul.f32 v4, v2  }
0x174: {  	vm15 =	vlt.s32 v21, $0x7F;
	[tilespmem:s18+$0x840] =	vst v63;
	v17 =	vmul.f32 v3, v17  }
0x175: {  	v19 =	vsel vm15, $0x80, v1;
	[tilespmem:s18+$0x9A0] =	vst v4;
	v2 =	vmul.f32 v3, v2  }
0x176: {  	v3 =	vadd.s32 v19, v5;
	[tilespmem:s18+$0x580] =	vst v17  }
0x177: {  	v4 =	vadd.s32 v59, v3;
	[tilespmem:s18+$0x6E0] =	vst v2  }
0x178: {  	s9 =	smin.u32 s11, $0x5C28;
	v2 =	vadd.s32 v18, v3;
	[tilespmem:s18+$0x1340] =	vst v4  }
0x179: {  	s9 =	sadd.s32 s9, s15;
	[tilespmem:s18+$0x14A0] =	vst v2  }
0x17a: {  	[tilespmem:s22], [sflag:$0x3] =	stream.indirect.gather [hbm4b:s4+s20], $0x20, s21, s20, $0xb8;
	[tilespmem:$0x1D380] =	vst v63  }
.Ltmp7:
0x17b: {  	s9 =	sshrl.u32 s9, $0x3;
	(pc) =	sbr.rel @p0 .LBB2_16-.Ltmp7, $4  }
0x17c: {  	s18 =	sadd.s32 s5, s9  }
0x17d: {  	[tilespmem:s23], [sflag:$0x2] =	stream.linear.gather [hbm4b:s18+s2], $0x160, $0x38;
	[tilespmem:$0x1D380] =	vst v63  }
0x17e: {  	s9 =	sadd.s32 s6, s9  }
0x17f: {  	[tilespmem:s24], [sflag:$0x2] =	stream.linear.gather [hbm4b:s9+s2], $0x160, $0x38;
	[tilespmem:$0x1D380] =	vst v63  }
.LBB2_15:
0x180: {  	_ =	swait.ge [sflag:s31], $0x2C00  }
0x181: {  	[sflag:s31] =	ssyncset.done $0x0  }
0x182: {  	[sflag:s31] =	ssyncadd.s32 $0xFFFFD400  }
.LBB2_16:
0x183: {  	_ =	swait.ge [sflag:s0], $0xB000;
	v7 =	vimm.s32 $0x2;
	v8 =	vimm.s32 $0x3  }
0x184: {  	v9 =	vimm.s32 $0x4;
	v10 =	vimm.s32 $0x5;
	v11 =	vimm.s32 $0x6;
	[sflag:s0] =	ssyncset.done $0x0  }
0x185: {  	s12 =	simm.s32 $0x0;
	s17 =	simm.s32 $0xDC0;
	v12 =	vimm.s32 $0x7;
	v13 =	vimm.s32 $0x8;
	v14 =	vimm.s32 $0x9;
	[sflag:s0] =	ssyncadd.s32 $0xFFFF5000  }
.LBB2_17:
0x186: {  	v20 =	vld [tilespmem:s17+$0xFFFFFD40]  }
0x187: {  	v19 =	vld [tilespmem:s17+$0xFFFFFEA0]  }
0x188: {  	v18 =	vld [tilespmem:s17+$0x0]  }
0x189: {  	v17 =	vld [tilespmem:s17+$0x160];
	s18 =	sshra.s32 s12, $0x2  }
0x18a: {  	v2 =	vld [tilespmem:s18+$0xCB80]  }
0x18b: {  	v3 =	vld [tilespmem:s18+$0xF780]  }
0x18c: {  	v4 =	vld [tilespmem:s18+$0x12380]  }
0x18d: {  	v5 =	vld [tilespmem:s18+$0x14F80]  }
0x18e: {  	v21 =	vld [tilespmem:s18+$0xCB90]  }
0x18f: {  	v22 =	vld [tilespmem:s18+$0xF790]  }
0x190: {  	v23 =	vld [tilespmem:s18+$0x12390]  }
0x191: {  	v24 =	vld [tilespmem:s18+$0x14F90]  }
0x192: {  	v25 =	vld [tilespmem:s18+$0xCBA0]  }
0x193: {  	v26 =	vld [tilespmem:s18+$0xF7A0]  }
0x194: {  	v27 =	vld [tilespmem:s18+$0x123A0]  }
0x195: {  	v28 =	vld [tilespmem:s18+$0x14FA0]  }
0x196: {  	v29 =	vld [tilespmem:s18+$0xCBB0]  }
0x197: {  	v30 =	vld [tilespmem:s18+$0xF7B0]  }
0x198: {  	v31 =	vld [tilespmem:s18+$0x123B0]  }
0x199: {  	v32 =	vld [tilespmem:s18+$0x14FB0]  }
0x19a: {  	v33 =	vld [tilespmem:s18+$0xCBC0]  }
0x19b: {  	v34 =	vld [tilespmem:s18+$0xF7C0]  }
0x19c: {  	v35 =	vld [tilespmem:s18+$0x123C0]  }
0x19d: {  	v36 =	vld [tilespmem:s18+$0x14FC0]  }
0x19e: {  	v37 =	vld [tilespmem:s18+$0xCBD0]  }
0x19f: {  	v38 =	vld [tilespmem:s18+$0xF7D0]  }
0x1a0: {  	v39 =	vld [tilespmem:s18+$0x123D0]  }
0x1a1: {  	v40 =	vld [tilespmem:s18+$0x14FD0]  }
0x1a2: {  	v41 =	vld [tilespmem:s18+$0xCBE0]  }
0x1a3: {  	v42 =	vld [tilespmem:s18+$0xF7E0]  }
0x1a4: {  	v43 =	vld [tilespmem:s18+$0x123E0]  }
0x1a5: {  	v44 =	vld [tilespmem:s18+$0x14FE0]  }
0x1a6: {  	v45 =	vld [tilespmem:s18+$0xCBF0]  }
0x1a7: {  	v46 =	vld [tilespmem:s18+$0xF7F0]  }
0x1a8: {  	v47 =	vld [tilespmem:s18+$0x123F0]  }
0x1a9: {  	v48 =	vld [tilespmem:s18+$0x14FF0]  }
0x1aa: {  	v49 =	vld [tilespmem:s18+$0xCC00];
	v53 =	vperm.xlane v20, v1  }
0x1ab: {  	v50 =	vld [tilespmem:s18+$0xF800];
	v54 =	vperm.xlane v19, v1;
	v56 =	vperm.xlane v18, v1  }
0x1ac: {  	v51 =	vld [tilespmem:s18+$0x12400];
	v57 =	vperm.xlane v17, v1;
	v2 =	vmul.f32 v2, v53  }
0x1ad: {  	v52 =	vld [tilespmem:s18+$0x15000];
	v3 =	vmul.f32 v3, v54;
	v4 =	vmul.f32 v4, v56  }
0x1ae: {  	v55 =	vld [tilespmem:s18+$0xCC10];
	v21 =	vmul.f32 v21, v53;
	v22 =	vmul.f32 v22, v54  }
0x1af: {  	v58 =	vld [tilespmem:s18+$0xF810];
	v5 =	vmul.f32 v5, v57;
	v2 =	vadd.f32 v3, v2;
	v3 =	vmul.f32 v23, v56  }
0x1b0: {  	v59 =	vld [tilespmem:s18+$0x12410];
	v23 =	vmul.f32 v24, v57;
	v21 =	vadd.f32 v22, v21;
	v24 =	vperm.xlane v20, v6  }
0x1b1: {  	v60 =	vld [tilespmem:s18+$0x15010];
	v56 =	vperm.xlane v19, v6;
	v2 =	vadd.f32 v4, v2;
	v4 =	vperm.xlane v18, v6  }
0x1b2: {  	v62 =	vld [tilespmem:s18+$0x15020];
	v61 =	vperm.xlane v17, v6;
	v3 =	vadd.f32 v3, v21;
	v25 =	vmul.f32 v25, v24  }
0x1b3: {  	v63 =	vld [tilespmem:s18+$0xCC30];
	v26 =	vmul.f32 v26, v56;
	v22 =	vadd.f32 v5, v2;
	v2 =	vmul.f32 v27, v4  }
0x1b4: {  	v53 =	vld [tilespmem:s18+$0xCC20];
	v21 =	vadd.f32 v23, v3;
	v3 =	vmul.f32 v29, v24;
	v23 =	vmul.f32 v30, v56  }
0x1b5: {  	v54 =	vld [tilespmem:s18+$0xF820];
	v5 =	vmul.f32 v28, v61;
	v24 =	vadd.f32 v26, v25;
	v4 =	vmul.f32 v31, v4  }
0x1b6: {  	v57 =	vld [tilespmem:s18+$0x12420];
	v25 =	vmul.f32 v32, v61;
	v27 =	vperm.xlane v19, v7;
	v3 =	vadd.f32 v23, v3  }
0x1b7: {  	v6 =	vld [tilespmem:s18+$0xF830];
	v26 =	vperm.xlane v20, v7;
	v28 =	vperm.xlane v18, v7;
	v2 =	vadd.f32 v2, v24  }
0x1b8: {  	v56 =	vld [tilespmem:s18+$0x12430];
	v29 =	vperm.xlane v17, v7;
	v30 =	vmul.f32 v34, v27;
	v3 =	vadd.f32 v4, v3  }
0x1b9: {  	v31 =	vld [tilespmem:s18+$0x15030];
	v4 =	vmul.f32 v33, v26;
	v24 =	vadd.f32 v5, v2;
	v2 =	vmul.f32 v35, v28  }
0x1ba: {  	v32 =	vld [tilespmem:s18+$0xCC40];
	v5 =	vmul.f32 v36, v29;
	v23 =	vadd.f32 v25, v3;
	v3 =	vmul.f32 v37, v26  }
0x1bb: {  	v61 =	vld [tilespmem:s18+$0xF840];
	v25 =	vmul.f32 v38, v27;
	v26 =	vmul.f32 v39, v28  }
0x1bc: {  	v34 =	vld [tilespmem:s18+$0x15040];
	v4 =	vadd.f32 v30, v4;
	v27 =	vmul.f32 v40, v29;
	v28 =	vperm.xlane v20, v8  }
0x1bd: {  	v33 =	vld [tilespmem:s18+$0x12440];
	v29 =	vperm.xlane v19, v8;
	v30 =	vperm.xlane v17, v8;
	v3 =	vadd.f32 v25, v3  }
0x1be: {  	v35 =	vld [tilespmem:s18+$0xCC50];
	v2 =	vadd.f32 v2, v4;
	v4 =	vperm.xlane v18, v8;
	v39 =	vmul.f32 v41, v28  }
0x1bf: {  	v36 =	vld [tilespmem:s18+$0xF850];
	v40 =	vmul.f32 v42, v29;
	v46 =	vmul.f32 v46, v29;
	v3 =	vadd.f32 v26, v3  }
0x1c0: {  	v37 =	vld [tilespmem:s18+$0x12450];
	v29 =	vmul.f32 v48, v30;
	v26 =	vadd.f32 v5, v2;
	v2 =	vmul.f32 v43, v4  }
0x1c1: {  	v38 =	vld [tilespmem:s18+$0x15050];
	v5 =	vmul.f32 v44, v30;
	v25 =	vadd.f32 v27, v3;
	v3 =	vmul.f32 v45, v28  }
0x1c2: {  	v41 =	vld [tilespmem:s18+$0xCC60];
	v4 =	vmul.f32 v47, v4;
	v28 =	vadd.f32 v40, v39;
	v40 =	vperm.xlane v19, v9  }
0x1c3: {  	v42 =	vld [tilespmem:s18+$0xF860];
	v30 =	vperm.xlane v20, v9;
	v45 =	vperm.xlane v18, v9;
	v3 =	vadd.f32 v46, v3  }
0x1c4: {  	v43 =	vld [tilespmem:s18+$0x12460];
	v2 =	vadd.f32 v2, v28;
	v46 =	vperm.xlane v17, v9;
	v48 =	vmul.f32 v50, v40  }
0x1c5: {  	v44 =	vld [tilespmem:s18+$0xCC70];
	v58 =	vmul.f32 v58, v40;
	v3 =	vadd.f32 v4, v3;
	v4 =	vmul.f32 v49, v30  }
0x1c6: {  	v47 =	vld [tilespmem:s18+$0xF870];
	v28 =	vadd.f32 v5, v2;
	v2 =	vmul.f32 v51, v45;
	v5 =	vmul.f32 v52, v46  }
0x1c7: {  	v39 =	vld [tilespmem:s18+$0x15060];
	v51 =	vperm.xlane v19, v10;
	v27 =	vadd.f32 v29, v3;
	v3 =	vmul.f32 v55, v30  }
0x1c8: {  	v50 =	vld [tilespmem:s18+$0x15070];
	v4 =	vadd.f32 v48, v4;
	v30 =	vmul.f32 v59, v45;
	v45 =	vmul.f32 v60, v46  }
0x1c9: {  	v40 =	vld [tilespmem:s18+$0xCC80];
	v60 =	vperm.xlane v20, v10;
	v55 =	vperm.xlane v17, v10;
	v3 =	vadd.f32 v58, v3  }
0x1ca: {  	v49 =	vld [tilespmem:s18+$0x12470];
	v54 =	vmul.f32 v54, v51;
	v6 =	vmul.f32 v6, v51  }
0x1cb: {  	v52 =	vld [tilespmem:s18+$0x12480];
	v48 =	vperm.xlane v18, v11;
	v2 =	vadd.f32 v2, v4;
	v3 =	vadd.f32 v30, v3  }
0x1cc: {  	v46 =	vld [tilespmem:s18+$0xF880];
	v4 =	vperm.xlane v18, v10;
	v53 =	vmul.f32 v53, v60  }
0x1cd: {  	v59 =	vld [tilespmem:s18+$0xCC90];
	v30 =	vadd.f32 v5, v2;
	v29 =	vadd.f32 v45, v3;
	v3 =	vmul.f32 v63, v60  }
0x1ce: {  	v51 =	vld [tilespmem:s18+$0x15090];
	v2 =	vmul.f32 v57, v4;
	v5 =	vmul.f32 v62, v55;
	v62 =	vadd.f32 v54, v53  }
0x1cf: {  	v58 =	vld [tilespmem:s18+$0x15080];
	v4 =	vmul.f32 v56, v4;
	v53 =	vperm.xlane v19, v11;
	v3 =	vadd.f32 v6, v3  }
0x1d0: {  	v31 =	vmul.f32 v31, v55;
	v57 =	vld [tilespmem:s18+$0xF890];
	v2 =	vadd.f32 v2, v62;
	v6 =	vperm.xlane v20, v11  }
0x1d1: {  	v54 =	vld [tilespmem:s18+$0xCCA0];
	v55 =	vperm.xlane v17, v11;
	v60 =	vmul.f32 v61, v53;
	v3 =	vadd.f32 v4, v3  }
0x1d2: {  	v56 =	vld [tilespmem:s18+$0xF8A0];
	v4 =	vmul.f32 v32, v6;
	v32 =	vadd.f32 v5, v2;
	v2 =	vmul.f32 v33, v48  }
0x1d3: {  	v45 =	vld [tilespmem:s18+$0x12490];
	v31 =	vadd.f32 v31, v3;
	v3 =	vmul.f32 v35, v6;
	v6 =	vmul.f32 v36, v53  }
0x1d4: {  	v61 =	vld [tilespmem:s18+$0x124A0];
	v5 =	vmul.f32 v34, v55;
	v4 =	vadd.f32 v60, v4;
	v60 =	vmul.f32 v37, v48  }
0x1d5: {  	v62 =	vld [tilespmem:s18+$0x150A0];
	v35 =	vmul.f32 v38, v55;
	v36 =	vperm.xlane v19, v12;
	v3 =	vadd.f32 v6, v3  }
0x1d6: {  	[tilespmem:s18+$0x1A800] =	vst v30;
	v30 =	vld [tilespmem:s18+$0xF940];
	v6 =	vperm.xlane v20, v12;
	v2 =	vadd.f32 v2, v4;
	v4 =	vperm.xlane v18, v12  }
0x1d7: {  	v53 =	vld [tilespmem:s18+$0xCCB0];
	v37 =	vperm.xlane v17, v12;
	v42 =	vmul.f32 v42, v36;
	v3 =	vadd.f32 v60, v3  }
0x1d8: {  	v38 =	vld [tilespmem:s18+$0xF8B0];
	v41 =	vmul.f32 v41, v6;
	v34 =	vadd.f32 v5, v2;
	v2 =	vmul.f32 v43, v4  }
0x1d9: {  	v48 =	vld [tilespmem:s18+$0x124B0];
	v33 =	vadd.f32 v35, v3;
	v3 =	vmul.f32 v44, v6;
	v6 =	vmul.f32 v47, v36  }
0x1da: {  	v55 =	vld [tilespmem:s18+$0x150B0];
	v5 =	vmul.f32 v39, v37;
	v4 =	vmul.f32 v49, v4;
	v35 =	vadd.f32 v42, v41  }
0x1db: {  	[tilespmem:s18+$0x1A820] =	vst v32;
	v32 =	vld [tilespmem:s18+$0x15150];
	v37 =	vmul.f32 v50, v37;
	v3 =	vadd.f32 v6, v3;
	v6 =	vperm.xlane v20, v13  }
0x1dc: {  	v60 =	vld [tilespmem:s18+$0xCCC0];
	v42 =	vperm.xlane v19, v13;
	v47 =	vperm.xlane v18, v13;
	v2 =	vadd.f32 v2, v35  }
0x1dd: {  	v39 =	vld [tilespmem:s18+$0xF8C0];
	v49 =	vperm.xlane v17, v13;
	v3 =	vadd.f32 v4, v3;
	v4 =	vmul.f32 v40, v6  }
0x1de: {  	v43 =	vld [tilespmem:s18+$0x124C0];
	v40 =	vmul.f32 v46, v42;
	v36 =	vadd.f32 v5, v2;
	v2 =	vmul.f32 v52, v47  }
0x1df: {  	v50 =	vld [tilespmem:s18+$0xF8D0];
	v5 =	vmul.f32 v58, v49;
	v35 =	vadd.f32 v37, v3;
	v3 =	vmul.f32 v59, v6  }
0x1e0: {  	v63 =	vimm.s32 $0xA;
	v41 =	vld [tilespmem:s18+$0x150C0];
	v6 =	vmul.f32 v57, v42;
	v37 =	vmul.f32 v45, v47  }
0x1e1: {  	v44 =	vld [tilespmem:s18+$0xCCD0];
	v4 =	vadd.f32 v40, v4;
	v40 =	vmul.f32 v51, v49;
	v47 =	vperm.xlane v19, v14  }
0x1e2: {  	v46 =	vld [tilespmem:s18+$0x124D0];
	v51 =	vperm.xlane v17, v14;
	v3 =	vadd.f32 v6, v3;
	v6 =	vperm.xlane v20, v14  }
0x1e3: {  	v52 =	vld [tilespmem:s18+$0x150D0];
	v2 =	vadd.f32 v2, v4;
	v4 =	vperm.xlane v18, v14;
	v56 =	vmul.f32 v56, v47  }
0x1e4: {  	v58 =	vld [tilespmem:s18+$0xCCF0];
	v59 =	vmul.f32 v62, v51;
	v3 =	vadd.f32 v37, v3;
	v54 =	vmul.f32 v54, v6  }
0x1e5: {  	v42 =	vld [tilespmem:s18+$0xCCE0];
	v2 =	vadd.f32 v5, v2;
	v5 =	vmul.f32 v61, v4;
	v4 =	vmul.f32 v48, v4  }
0x1e6: {  	v45 =	vld [tilespmem:s18+$0xF8E0];
	v37 =	vadd.f32 v40, v3;
	v3 =	vmul.f32 v53, v6;
	v6 =	vmul.f32 v38, v47  }
0x1e7: {  	v49 =	vld [tilespmem:s18+$0x124E0];
	v62 =	vadd.f32 v56, v54;
	v47 =	vmul.f32 v55, v51;
	v51 =	vperm.xlane v19, v63  }
0x1e8: {  	v57 =	vld [tilespmem:s18+$0x150E0];
	v40 =	vperm.xlane v18, v63;
	v54 =	vperm.xlane v17, v63;
	v3 =	vadd.f32 v6, v3  }
0x1e9: {  	v61 =	vld [tilespmem:s18+$0xF8F0];
	v6 =	vperm.xlane v20, v63;
	v5 =	vadd.f32 v5, v62;
	v39 =	vmul.f32 v39, v51  }
0x1ea: {  	v48 =	vld [tilespmem:s18+$0x150F0];
	v62 =	vimm.s32 $0xB;
	v43 =	vmul.f32 v43, v40;
	v41 =	vmul.f32 v41, v54  }
0x1eb: {  	v38 =	vld [tilespmem:s18+$0x124F0];
	v51 =	vmul.f32 v50, v51;
	v3 =	vadd.f32 v4, v3;
	v4 =	vmul.f32 v60, v6  }
0x1ec: {  	v53 =	vld [tilespmem:s18+$0xCD00];
	v63 =	vperm.xlane v19, v62;
	v60 =	vimm.s32 $0xC;
	v6 =	vmul.f32 v44, v6  }
0x1ed: {  	v55 =	vld [tilespmem:s18+$0xF900];
	v5 =	vadd.f32 v59, v5;
	v44 =	vperm.xlane v20, v62;
	v4 =	vadd.f32 v39, v4  }
0x1ee: {  	v56 =	vld [tilespmem:s18+$0x12500];
	v39 =	vmul.f32 v46, v40;
	v40 =	vmul.f32 v52, v54;
	v6 =	vadd.f32 v51, v6  }
0x1ef: {  	v50 =	vld [tilespmem:s18+$0x12530];
	v52 =	vperm.xlane v17, v62;
	v4 =	vadd.f32 v43, v4;
	v43 =	vperm.xlane v18, v62  }
0x1f0: {  	v59 =	vld [tilespmem:s18+$0x15100];
	v6 =	vadd.f32 v39, v6;
	v39 =	vmul.f32 v42, v44;
	v42 =	vmul.f32 v45, v63  }
0x1f1: {  	[tilespmem:s18+$0x1A790] =	vst v21;
	v3 =	vadd.f32 v47, v3;
	v47 =	vld [tilespmem:s18+$0xCD10];
	v62 =	vmul.f32 v58, v44;
	v21 =	vmul.f32 v57, v52  }
0x1f2: {  	v46 =	vld [tilespmem:s18+$0xF910];
	v63 =	vmul.f32 v61, v63;
	v61 =	vperm.xlane v20, v60  }
0x1f3: {  	[tilespmem:s18+$0x1A780] =	vst v22;
	v51 =	vld [tilespmem:s18+$0x12510];
	v22 =	vmul.f32 v49, v43;
	v57 =	vadd.f32 v42, v39;
	v38 =	vmul.f32 v38, v43  }
0x1f4: {  	v54 =	vld [tilespmem:s18+$0x15110];
	v39 =	vmul.f32 v48, v52;
	v58 =	vadd.f32 v63, v62;
	v62 =	vperm.xlane v19, v60  }
0x1f5: {  	v45 =	vld [tilespmem:s18+$0xCD20];
	v63 =	vperm.xlane v18, v60;
	v52 =	vperm.xlane v17, v60  }
0x1f6: {  	v44 =	vld [tilespmem:s18+$0xF920];
	v53 =	vmul.f32 v53, v61;
	v22 =	vadd.f32 v22, v57;
	v55 =	vmul.f32 v55, v62  }
0x1f7: {  	[tilespmem:s18+$0x1A7B0] =	vst v23;
	v49 =	vld [tilespmem:s18+$0x12520];
	v23 =	vadd.f32 v38, v58;
	v57 =	vmul.f32 v56, v63;
	v58 =	vmul.f32 v47, v61  }
0x1f8: {  	[tilespmem:s18+$0x1A7A0] =	vst v24;
	v43 =	vld [tilespmem:s18+$0xCD30];
	v60 =	vmul.f32 v59, v52;
	v61 =	vmul.f32 v46, v62  }
0x1f9: {  	[tilespmem:s18+$0x1A7C0] =	vst v26;
	v42 =	vld [tilespmem:s18+$0x15120];
	v24 =	vmul.f32 v51, v63;
	v62 =	vimm.s32 $0xD;
	v26 =	vmul.f32 v54, v52  }
0x1fa: {  	[tilespmem:s18+$0x1A7D0] =	vst v25;
	v6 =	vadd.f32 v40, v6;
	v48 =	vld [tilespmem:s18+$0xF930];
	v63 =	vperm.xlane v20, v62;
	v51 =	vperm.xlane v19, v62  }
0x1fb: {  	[tilespmem:s18+$0x1A7E0] =	vst v28;
	v40 =	vld [tilespmem:s18+$0x15130];
	v52 =	vperm.xlane v18, v62;
	v25 =	vadd.f32 v55, v53;
	v53 =	vperm.xlane v17, v62  }
0x1fc: {  	[tilespmem:s18+$0x1A7F0] =	vst v27;
	v4 =	vadd.f32 v41, v4;
	v41 =	vld [tilespmem:s18+$0xCD40];
	v54 =	vmul.f32 v45, v63;
	v55 =	vmul.f32 v44, v51  }
0x1fd: {  	[tilespmem:s18+$0x1A810] =	vst v29;
	v46 =	vld [tilespmem:s18+$0x15140];
	v21 =	vadd.f32 v21, v22;
	v29 =	vmul.f32 v43, v63;
	v63 =	vperm.xlane v20, v15  }
0x1fe: {  	[tilespmem:s18+$0x1A830] =	vst v31;
	v56 =	vld [tilespmem:s18+$0xCD50];
	v23 =	vadd.f32 v39, v23;
	v45 =	vperm.xlane v19, v15;
	v20 =	vperm.xlane v20, v16  }
0x1ff: {  	[tilespmem:s18+$0x1A840] =	vst v34;
	v47 =	vld [tilespmem:s18+$0xCD60];
	v19 =	vperm.xlane v19, v16;
	v22 =	vadd.f32 v57, v25;
	v57 =	vmul.f32 v49, v52  }
0x200: {  	[tilespmem:s18+$0x1A850] =	vst v33;
	v28 =	vadd.f32 v61, v58;
	v39 =	vld [tilespmem:s18+$0x12540];
	v59 =	vmul.f32 v42, v53;
	v25 =	vmul.f32 v50, v52  }
0x201: {  	[tilespmem:s18+$0x1A860] =	vst v36;
	v58 =	vld [tilespmem:s18+$0xF950];
	v62 =	vmul.f32 v40, v53;
	v49 =	vperm.xlane v17, v15  }
0x202: {  	[tilespmem:s18+$0x1A870] =	vst v35;
	v61 =	vld [tilespmem:s18+$0x12550];
	v24 =	vadd.f32 v24, v28;
	v17 =	vperm.xlane v17, v16;
	v30 =	vmul.f32 v30, v45  }
0x203: {  	[tilespmem:s18+$0x1A880] =	vst v2;
	v50 =	vld [tilespmem:s18+$0xF960];
	v53 =	vmul.f32 v56, v63;
	v22 =	vadd.f32 v60, v22;
	v60 =	vmul.f32 v48, v51  }
0x204: {  	[tilespmem:s18+$0x1A890] =	vst v37;
	v52 =	vld [tilespmem:s18+$0xCD70];
	v28 =	vadd.f32 v55, v54;
	v48 =	vperm.xlane v18, v15;
	v51 =	vmul.f32 v41, v63  }
0x205: {  	[tilespmem:s18+$0x1A8A0] =	vst v5;
	v54 =	vld [tilespmem:s18+$0xF970];
	v24 =	vadd.f32 v26, v24;
	v18 =	vperm.xlane v18, v16;
	v63 =	vmul.f32 v32, v49  }
0x206: {  	[tilespmem:s18+$0x1A8B0] =	vst v3;
	v56 =	vld [tilespmem:s18+$0x12560];
	v2 =	vadd.f32 v57, v28;
	v55 =	vmul.f32 v58, v45;
	v58 =	vmul.f32 v47, v20  }
0x207: {  	[tilespmem:s18+$0x1A8C0] =	vst v4;
	v57 =	vld [tilespmem:s18+$0x12570];
	v29 =	vadd.f32 v60, v29;
	v5 =	vmul.f32 v39, v48;
	v4 =	vadd.f32 v30, v51  }
0x208: {  	[tilespmem:s18+$0x1A8D0] =	vst v6;
	v27 =	vmul.f32 v61, v48;
	v61 =	vmul.f32 v46, v49;
	v2 =	vadd.f32 v59, v2;
	v59 =	vld [tilespmem:s18+$0x15160]  }
0x209: {  	[tilespmem:s18+$0x1A8E0] =	vst v21;
	v60 =	vld [tilespmem:s18+$0x15170];
	v25 =	vadd.f32 v25, v29;
	v4 =	vadd.f32 v5, v4;
	v5 =	vmul.f32 v50, v19  }
0x20a: {  	[tilespmem:s18+$0x1A8F0] =	vst v23;
	v6 =	vadd.f32 v55, v53;
	v20 =	vmul.f32 v52, v20;
	v19 =	vmul.f32 v54, v19  }
0x20b: {  	[tilespmem:s18+$0x1A900] =	vst v22;
	v3 =	vadd.f32 v62, v25;
	v5 =	vadd.f32 v5, v58;
	v62 =	vmul.f32 v56, v18  }
0x20c: {  	[tilespmem:s18+$0x1A910] =	vst v24;
	v6 =	vadd.f32 v27, v6;
	v19 =	vadd.f32 v19, v20;
	v18 =	vmul.f32 v57, v18  }
0x20d: {  	p0 =	sne.s32 s12, $0xA800;
	[tilespmem:s18+$0x1A920] =	vst v2;
	v2 =	vadd.f32 v61, v4;
	v4 =	vadd.f32 v62, v5;
	v5 =	vmul.f32 v59, v17  }
.Ltmp8:
0x20e: {  	[tilespmem:s18+$0x1A930] =	vst v3;
	v3 =	vadd.f32 v63, v6;
	v6 =	vadd.f32 v18, v19;
	v17 =	vmul.f32 v60, v17;
	(pc) =	sbr.rel @p0 .LBB2_17-.Ltmp8, $4  }
0x20f: {  	[tilespmem:s18+$0x1A940] =	vst v2;
	v2 =	vadd.f32 v5, v4  }
0x210: {  	[tilespmem:s18+$0x1A950] =	vst v3;
	v3 =	vadd.f32 v17, v6  }
0x211: {  	[tilespmem:s18+$0x1A960] =	vst v2  }
0x212: {  	s17 =	sadd.s32 $0x10, s17;
	s12 =	sadd.s32 $0x800, s12;
	v6 =	vimm.s32 $0x1;
	[tilespmem:s18+$0x1A970] =	vst v3  }
0x213: {  	s9 =	smin.u32 s11, $0x5EE8;
	s10 =	sadd.s32 $0x1, s10  }
0x214: {  	s9 =	sadd.s32 s9, s16;
	p0 =	sne.s32 s10, $0x24  }
.Ltmp9:
0x215: {  	s9 =	sshll.u32 s9, $0x5;
	(pc) =	sbr.rel @p0 .LBB2_4-.Ltmp9, $4  }
0x216: {  	s9 =	sadd.s32 s14, s9  }
0x217: {  	s9 =	sshrl.u32 s9, $0x3  }
0x218: {  	s9 =	sadd.s32 s1, s9  }
0x219: {  	[hbm4b:s9+s2] =	stream.linear.scatter [tilespmem:s3], [sflag:$0x6], $0x2C00, $0x38;
	[tilespmem:$0x1D380] =	vst v63  }
0x21a: {  	_ =	swait.ge [sflag:s19], $0x2C00  }
0x21b: {  	[sflag:s19] =	ssyncset.done $0x0  }
0x21c: {  	[sflag:s19] =	ssyncadd.s32 $0xFFFFD400  }
0x21d: {  	_ =	swait.ge [sflag:s31], $0x2C00  }
0x21e: {  	s10 =	rddreg [dreg:$0x8]  }
0x21f: {  	s9 =	rddreg [dreg:$0x7];
	s10 =	sadd.s32 $0x1, s10  }
0x220: {  	p0 =	sne.s32 s10, s9  }
.Ltmp10:
0x221: {  	_ = 	snop;
	(pc) =	sbr.rel @p0 .LBB2_1-.Ltmp10, $3  }
0x222: {  	_ =	sdelay $0x1  }
0x223: {  	[sflag:s31] =	ssyncset.done $0x0  }
0x224: {  	[sflag:s31] =	ssyncadd.s32 $0xFFFFD400  }
0x225: {  	_ =	sfence.sel $0x180000  }
0x226: {  	[bflag:$0x0] =	sbarrier.arrive $0xFFFF  }
0x227: {  	_ =	strace $0x9000004A  }
0x228: {  	s0 =	stileid.u32;
	[bflag:$0x2] =	sbarrier.arrive $0xFFFF  }
0x229: {  	p0 =	sne.s32 s0, $0x0;
	s0 =	rddreg [dreg:$0x2]  }
0x22a: {  	s0 =	sadd.s32 @!p0 $0x100000, s0  }
0x22b: {  	[sflag:s0] =	ssyncadd.tile.s32 @!p0 $0x1;
	_ =	shalt  }
.Lfunc_end2:
_tile_overlayer_lowered:
.L_overlay_start_2:
0x22c: {  	(tag) =	ssettag $0x2  }
0x22d: {  	s0 =	rddreg [dreg:$0x0];
	s2 =	stileid.u32  }
0x22e: {  	s1 =	rddreg [dreg:$0x1];
	p0 =	sne.s32 s2, $0x0  }
0x22f: {  	s3 =	rddreg [dreg:$0x2];
	[bflag:$0x3] =	sbarrier.arrive $0xFFFF;
	s2 =	simm.s32 @!p0 $0x1C07  }
0x230: {  	[timem:s3], [sflag:s2] =	dma.local @!p0 [hbm:s0], s1  }
0x231: {  	s0 =	simm.s32 @!p0 $0x7  }
0x232: {  	_ =	swait.ge @!p0 [sflag:s0], s1  }
0x233: {  	s1 =	ssub.s32 @!p0 $0x0, s1;
	[sflag:s0] =	ssyncset.done @!p0 $0x0  }
0x234: {  	[sflag:s0] =	ssyncadd.s32 @!p0 s1  }
0x235: {  	[bflag:$0x3] =	sbarrier.arrive $0xFFFF  }
0x236: {  	_ =	shalt  }

// kernel: sparse-core-data-format-call.1.cloned.1.call-start
scs
called_computation.1_lowered:
.L_overlay_start_0:
0x0: {  	s2 =	sld [smem:$0x3FD9]  }
0x1: {  	s3 =	sld [smem:$0x3FFE];
	_ =	sdelay $0x1  }
0x2: {  	s1 =	srdreg.scid  }
0x3: {  	s0 =	sand.u32 $0x1, s1  }
0x4: {  	s18 =	sshll.u32 s0, $0xA;
	s2 =	sadd.s32 s3, s2  }
0x5: {  	s2 =	sadd.s32 s2, s18  }
0x6: {  	[smem:$0x3FC6] =	sst s2  }
0x7: {  	_ = 	snop  }
0x8: {  	s2 =	sld [smem:$0x3FC9];
	(tm) =	ssettm $0x1  }
0x9: {  	s19 =	sld [smem:$0x3FFB];
	_ =	sdelay $0x3  }
0xa: {  	_ =	strace s19  }
0xb: {  	s3 =	sld [smem:$0x3FFC];
	_ =	sdelay $0x3  }
0xc: {  	_ =	strace s3  }
0xd: {  	s3 =	sld [smem:$0x3FFD];
	_ =	sdelay $0x3  }
0xe: {  	_ =	strace s3  }
0xf: {  	_ =	strace $0x8FFFFFFF  }
0x10: {  	s20 =	sld [smem:$0x3FDB];
	_ =	sdelay $0x1  }
0x11: {  	s4 =	simm.s32 $_scs_section_size  }
0x12: {  	s5 =	simm.s32 $_size__tile_overlayer_lowered;
	s6 =	simm.s32 $_tile_overlayer_lowered  }
0x13: {  	s23 =	simm.s32 $0x1BFF;
	s22 =	sshll.u32 s6, $0x1;
	s3 =	sadd.s32 s4, s20  }
0x14: {  	s7 =	simm.s32 $0x0;
	s21 =	sshll.u32 s5, $0x1;
	s5 =	sadd.s32 s22, s3  }
0x15: {  	[timem:s7], [sflag:s23] =	dma.local [hbm:s5], s21  }
0x16: {  	_ =	swait.ge [sflag:s23], s21  }
0x17: {  	s4 =	ssub.s32 $0x0, s21;
	[sflag:s23] =	ssyncset.done $0x0  }
0x18: {  	[sflag:s23] =	ssyncadd.s32 s4;
	_ =	sdelay $0x1  }
0x19: {  	s24 =	simm.s32 $0x1B8B  }
0x1a: {  	_ =	swait.ge [sflag:s24], $0x1  }
0x1b: {  	[sflag:s24] =	ssyncset.done $0x0  }
0x1c: {  	s26 =	simm.s32 $0x1B8E;
	s25 =	sld [smem:$0x3FFE];
	[sflag:s24] =	ssyncadd.s32 $0xFFFFFFFF  }
0x1d: {  	s27 =	simm.s32 $execute0_lowered;
	[smem:$0x3FD2] =	sst s26  }
0x1e: {  	s5 =	sshll.u32 s27, $0x1;
	_ =	strace $0x80000046;
	[dreg:$0x1] =	wrdreg $0xFFFFFFFF  }
0x1f: {  	s28 =	simm.s32 $_size_execute0_lowered;
	s3 =	sadd.s32 s3, s5;
	[dreg:$0x0] =	wrdreg $0x0  }
0x20: {  	s5 =	sshll.u32 s28, $0x1;
	[dreg:$0x2] =	wrdreg s3  }
0x21: {  	[dreg:$0x3] =	wrdreg s5  }
0x22: {  	[dreg:$0x4] =	wrdreg $0xC0  }
0x23: {  	_ =	task [dreg:s7], $0x5FFFF  }
0x24: {  	[dreg:$0x1] =	wrdreg $0xFFFFFFFF  }
0x25: {  	[dreg:$0x0] =	wrdreg $0x60  }
0x26: {  	[dreg:$0x2] =	wrdreg s2  }
0x27: {  	[dreg:$0x3] =	wrdreg s25  }
0x28: {  	[dreg:$0x4] =	wrdreg $0x9  }
0x29: {  	_ =	task.clear_ibuf [dreg:s7], $0x5FFFF;
	_ =	strace $0x90000046  }
0x2a: {  	s29 =	simm.s32 $0x9;
	_ =	strace $0x80000048  }
0x2b: {  	_ =	swait.ge [sflag:s29], $0x1  }
0x2c: {  	[sflag:s29] =	ssyncadd.s32 $0xFFFFFFFF  }
0x2d: {  	_ =	strace $0x90000048  }
0x2e: {  	_ =	sfence  }
0x2f: {  	s30 =	sld [smem:$0x0];
	_ =	sdelay $0x2  }
0x30: {  	s31 =	sshll.u32 s1, $0xD;
	s1 =	sshrl.u32 s1, $0x2  }
0x31: {  	s3 =	sand.u32 $0x4000, s31;
	s1 =	sadd.s32 s1, s30  }
0x32: {  	s0 =	sor.u32 s3, s0;
	s1 =	sshll.u32 s1, $0x11  }
0x33: {  	s0 =	sor.u32 s1, s0  }
0x34: {  	s0 =	sadd.s32 $0x8F2B, s0  }
0x35: {  	[sflag:s0] =	ssyncadd.remote.s32 $0x1  }
0x36: {  	_ =	sfence.sel $0xFFFF  }
0x37: {  	[dreg:$0x0] =	wrdreg $0xFFFFFFFF;
	(pc) =	sbr.abs _section_cstart, $3  }
0x38: {  	[dreg:$0x1] =	wrdreg $0xFFFFFFFF  }
0x39: {  	_ =	task.clear_ibuf [dreg:s7], $0x2FFFF;
	_ =	strace $0x9FFFFFFF  }
0x3a: {  	(tm) =	ssettm $0x7FFFFFFF  }
0x3b: {  	_ =	shalt  }
tec
execute0_lowered:
.L_overlay_start_1:
0x0: {  	(tag) =	ssettag $0x1  }
0x1: {  	s1 =	rddreg [dreg:$0x0];
	s0 =	srdreg.scid  }
0x2: {  	s3 =	rddreg [dreg:$0x1];
	s4 =	simm.s32 $0x1;
	s7 =	simm.s32 $0x2  }
0x3: {  	s13 =	simm.s32 $0x0;
	p0 =	por $0x0, $0x0;
	s14 =	simm.s32 $0x0  }
0x4: {  	s15 =	simm.s32 $0x0;
	s10 =	simm.s32 $0x0;
	s2 =	sshll.u32 s0, $0x2  }
0x5: {  	s11 =	stileid.u32;
	s12 =	simm.s32 $0x0;
	s2 =	sand.u32 $0x4, s2  }
.Ltmp0:
0x6: {  	s0 =	rddreg [dreg:$0x2];
	s6 =	ssub.s32 $0x80, s2;
	(pc) =	sbr.rel .LBB1_1-.Ltmp0, $4  }
0x7: {  	_ =	strace $0x80000047;
	s5 =	sadd.s32 $0x600, s3;
	s31 =	sshrl.u32 s6, $0x2  }
0x8: {  	[sflag:s4] =	ssyncpa.u1 $0x0;
	s6 =	sshrl.u32 s6, $0x3;
	s8 =	sand.u32 $0x1, s31  }
0x9: {  	s3 =	stileid.u32;
	[sflag:s7] =	ssyncpa.u1 $0x0;
	s6 =	sadd.s32 s6, s8  }
0xa: {  	s9 =	smov.u32 s2;
	s8 =	simm.s32 $0x80;
	s7 =	sadd.s32 $0x1, s6  }
.LBB1_7:
0xb: {  	s16 =	sadd.s32 $0x8, s9  }
0xc: {  	s13 =	sadd.s32 $0x20, s10;
	s17 =	smov.u32 s10;
	p2 =	sgt.s32 s16, $0x7F  }
0xd: {  	s17 =	smov.u32 @p2 s13  }
0xe: {  	s19 =	smov.u32 s11;
	s13 =	sadd.s32 $0x10, s11;
	p3 =	sgt.s32 s17, $0x1F  }
0xf: {  	s19 =	smov.u32 @p3 s13  }
0x10: {  	s16 =	smov.u32 @p2 s2;
	p2 =	sgt.s32 s19, $0xF  }
0x11: {  	p1 =	slt.u32 s12, $0x2;
	s19 =	smov.u32 @p2 s3;
	p2 =	sne.s32 s12, s7  }
.Ltmp1:
0x12: {  	s18 =	simm.s32 @!p1 $0x2;
	(pc) =	sbr.rel @!p2 .LBB1_8-.Ltmp1, $4  }
0x13: {  	s14 =	smov.u32 s10;
	s15 =	smov.u32 s11;
	_ =	swait.ge @!p1 [sflag:s18], $0x4000  }
0x14: {  	p0 =	por !p0, !p0;
	[sflag:s18] =	ssyncset.done @!p1 $0x0;
	s17 =	simm.s32 @p3 $0x0  }
0x15: {  	s13 =	smov.u32 s9;
	[sflag:s18] =	ssyncadd.s32 @!p1 $0xFFFFC000;
	s9 =	smov.u32 s16  }
0x16: {  	s10 =	smov.u32 s17;
	s12 =	sadd.s32 $0x1, s12;
	s11 =	smov.u32 s19  }
.LBB1_1:
0x17: {  	p1 =	sge.u32 s12, s6;
	s31 =	sadd.s32 $0xFFFFFFFF, s12  }
0x18: {  	s16 =	sxor.u32 @!p1 $0xFFFFFFFF, s12;
	s17 =	sshll.u32 @!p1 s11, $0x10;
	s18 =	sshll.u32 @!p1 s10, $0xB  }
0x19: {  	s19 =	sshll.u32 @!p1 s9, $0x4;
	s16 =	sshll.u32 @!p1 s16, $0xE;
	s17 =	sadd.s32 @!p1 s1, s17  }
0x1a: {  	s19 =	sand.u32 @!p1 $0x7F0, s19;
	s16 =	sand.u32 @!p1 $0x4000, s16;
	s17 =	sadd.s32 @!p1 s18, s17  }
0x1b: {  	s18 =	simm.s32 @!p1 $0x200;
	s17 =	sadd.s32 @!p1 s19, s17;
	s19 =	simm.s32 @!p1 $0x4000  }
0x1c: {  	[tilespmem:s16], [sflag:$0x1] =	stream.strided.gather @!p1 [hbm4b:s17+s18], $0x4000, s19, s18, $0x38;
	[tilespmem:$0x10400] =	vst v63  }
0x1d: {  	p1 =	sge.u32 s31, s6  }
.Ltmp2:
0x1e: {  	_ = 	snop;
	(pc) =	sbr.rel @p1 .LBB1_7-.Ltmp2, $1  }
0x1f: {  	_ =	sdelay $0x3  }
0x20: {  	s16 =	simm.s32 $0x1;
	s18 =	sand.u32 $0x1, s12  }
0x21: {  	_ =	swait.ge [sflag:s4], $0x4000;
	s16 =	simm.s32 @!p0 $0x0;
	s19 =	smul.u32 $0x10800, s18  }
0x22: {  	[sflag:s4] =	ssyncset.done $0x0;
	s17 =	smul.u32 $0x10800, s16  }
0x23: {  	s16 =	sshll.u32 s16, $0xE;
	[sflag:s4] =	ssyncadd.s32 $0xFFFFC000  }
0x24: {  	s18 =	sor.u32 $0x40, s16;
	s31 =	sshrl.u32 s19, $0x2;
	s17 =	sshrl.u32 s17, $0x2  }
0x25: {  	s19 =	simm.s32 $0x0;
	s16 =	sor.u32 $0x8000, s31;
	s17 =	sor.u32 $0x8000, s17  }
.LBB1_3:
0x26: {  	v0 =	vld [tilespmem:s18+$0x30]  }
0x27: {  	v1 =	vld [tilespmem:s18+$0xFFFFFFD0]  }
0x28: {  	v5 =	vld [tilespmem:s18+$0xFFFFFFE0]  }
0x29: {  	v6 =	vld [tilespmem:s18+$0xFFFFFFF0]  }
0x2a: {  	s20 =	sadd.s32 $0x0, s17;
	v2 =	vld [tilespmem:s18+$0x0]  }
0x2b: {  	v3 =	vld [tilespmem:s18+$0x10];
	[tilespmem:s20+$0xE70 ss:$0x21] =	vst.msk $0xffff, v0  }
0x2c: {  	v4 =	vld [tilespmem:s18+$0x20];
	[tilespmem:s20+$0x210 ss:$0x21] =	vst.msk $0xffff, v1  }
0x2d: {  	s21 =	sadd.s32 $0x80, s18;
	v0 =	vld [tilespmem:s18+$0xFFFFFFC0];
	[tilespmem:s20+$0x420 ss:$0x21] =	vst.msk $0xffff, v5  }
0x2e: {  	s22 =	simm.s32 $0x4200;
	s23 =	simm.s32 $0x8400;
	v1 =	vld [tilespmem:s21+$0x30];
	[tilespmem:s20+$0x630 ss:$0x21] =	vst.msk $0xffff, v6  }
.LBB1_4:
0x2f: {  	p1 =	sne.s32 s23, $0xC600;
	v5 =	vld [tilespmem:s21+$0xFFFFFFD0];
	[tilespmem:s20+$0x840 ss:$0x21] =	vst.msk $0xffff, v2  }
0x30: {  	v6 =	vld [tilespmem:s21+$0xFFFFFFE0];
	[tilespmem:s20+$0xA50 ss:$0x21] =	vst.msk $0xffff, v3  }
0x31: {  	s24 =	sshra.s32 s22, $0x2;
	s22 =	smov.u32 s23;
	v7 =	vld [tilespmem:s21+$0xFFFFFFF0];
	[tilespmem:s20+$0xC60 ss:$0x21] =	vst.msk $0xffff, v4  }
.Ltmp3:
0x32: {  	v2 =	vld [tilespmem:s21+$0x0];
	[tilespmem:s20+$0x0 ss:$0x21] =	vst.msk $0xffff, v0;
	s20 =	sadd.s32 s24, s17;
	(pc) =	sbr.rel @p1 .LBB1_4-.Ltmp3, $4  }
0x33: {  	v3 =	vld [tilespmem:s21+$0x10];
	[tilespmem:s20+$0xE70 ss:$0x21] =	vst.msk $0xffff, v1  }
0x34: {  	[tilespmem:s20+$0x210 ss:$0x21] =	vst.msk $0xffff, v5;
	v4 =	vld [tilespmem:s21+$0x20]  }
0x35: {  	v0 =	vld [tilespmem:s21+$0xFFFFFFC0];
	[tilespmem:s20+$0x420 ss:$0x21] =	vst.msk $0xffff, v6;
	s21 =	sadd.s32 $0x80, s21  }
0x36: {  	s23 =	sadd.s32 $0x4200, s23;
	v1 =	vld [tilespmem:s21+$0x30];
	[tilespmem:s20+$0x630 ss:$0x21] =	vst.msk $0xffff, v7  }
0x37: {  	v5 =	vld [tilespmem:s21+$0xFFFFFFD0];
	[tilespmem:s20+$0x840 ss:$0x21] =	vst.msk $0xffff, v2  }
0x38: {  	v58 =	vld [tilespmem:s21+$0xFFFFFFE0];
	[tilespmem:s20+$0xA50 ss:$0x21] =	vst.msk $0xffff, v3  }
0x39: {  	s22 =	sshra.s32 s22, $0x2;
	v59 =	vld [tilespmem:s21+$0xFFFFFFF0];
	[tilespmem:s20+$0xC60 ss:$0x21] =	vst.msk $0xffff, v4  }
0x3a: {  	v60 =	vld [tilespmem:s21+$0x0];
	s22 =	sadd.s32 s22, s17;
	[tilespmem:s20+$0x0 ss:$0x21] =	vst.msk $0xffff, v0  }
0x3b: {  	v61 =	vld [tilespmem:s21+$0x10];
	[tilespmem:s22+$0xE70 ss:$0x21] =	vst.msk $0xffff, v1  }
0x3c: {  	v62 =	vld [tilespmem:s21+$0x20];
	s19 =	sadd.s32 $0x1, s19;
	[tilespmem:s22+$0x210 ss:$0x21] =	vst.msk $0xffff, v5  }
0x3d: {  	v63 =	vld [tilespmem:s21+$0xFFFFFFC0];
	p1 =	sne.s32 s19, $0x20;
	[tilespmem:s22+$0x420 ss:$0x21] =	vst.msk $0xffff, v58  }
.Ltmp4:
0x3e: {  	[tilespmem:s22+$0x630 ss:$0x21] =	vst.msk $0xffff, v59;
	(pc) =	sbr.rel @p1 .LBB1_3-.Ltmp4, $4  }
0x3f: {  	[tilespmem:s22+$0x840 ss:$0x21] =	vst.msk $0xffff, v60  }
0x40: {  	[tilespmem:s22+$0xA50 ss:$0x21] =	vst.msk $0xffff, v61  }
0x41: {  	[tilespmem:s22+$0xC60 ss:$0x21] =	vst.msk $0xffff, v62  }
0x42: {  	s18 =	sadd.s32 $0x200, s18;
	s17 =	sadd.s32 $0x1, s17;
	[tilespmem:s22+$0x0 ss:$0x21] =	vst.msk $0xffff, v63  }
0x43: {  	s15 =	sshll.u32 s15, $0x12;
	s17 =	sand.u32 $0x780, s14  }
.Ltmp5:
0x44: {  	s13 =	sshll.u32 s13, $0xB;
	s15 =	sadd.s32 s5, s15;
	(pc) =	sbr.rel .LBB1_7-.Ltmp5, $4  }
0x45: {  	s18 =	sshrl.u32 s14, $0x3;
	s30 =	sand.u32 $0x7, s14;
	s15 =	sadd.s32 s17, s15  }
0x46: {  	s31 =	sand.u32 $0xF, s18;
	s14 =	sshll.u32 s30, $0x12;
	s13 =	sadd.s32 s13, s15  }
0x47: {  	s14 =	sor.u32 $0x20, s14;
	s13 =	sadd.s32 s31, s13  }
0x48: {  	[hbm4b:s13+s14] =	stream.strided.scatter [tilespmem:s16], [sflag:$0x2], $0x4000, s8, s14, $0x10;
	[tilespmem:$0x10400] =	vst v63  }
.LBB1_8:
0x49: {  	_ =	sfence.sel $0x180000  }
0x4a: {  	s1 =	simm.s32 $0x1;
	[bflag:$0x0] =	sbarrier.arrive $0xFFFF  }
0x4b: {  	s31 =	simm.s32 $0x2;
	[sflag:s1] =	ssyncpa.u1 $0x1  }
0x4c: {  	[sflag:s31] =	ssyncpa.u1 $0x1  }
0x4d: {  	p0 =	sne.s32 s3, $0x0;
	_ =	strace $0x90000047  }
0x4e: {  	s0 =	sadd.s32 @!p0 $0x100000, s0;
	[bflag:$0x2] =	sbarrier.arrive $0xFFFF  }
0x4f: {  	[sflag:s0] =	ssyncadd.tile.s32 @!p0 $0x1;
	_ =	shalt  }
.Lfunc_end1:
_tile_overlayer_lowered:
.L_overlay_start_2:
0x50: {  	(tag) =	ssettag $0x2  }
0x51: {  	s0 =	rddreg [dreg:$0x0];
	s2 =	stileid.u32  }
0x52: {  	s1 =	rddreg [dreg:$0x1];
	p0 =	sne.s32 s2, $0x0  }
0x53: {  	s3 =	rddreg [dreg:$0x2];
	[bflag:$0x3] =	sbarrier.arrive $0xFFFF;
	s2 =	simm.s32 @!p0 $0x1C01  }
0x54: {  	[timem:s3], [sflag:s2] =	dma.local @!p0 [hbm:s0], s1  }
0x55: {  	s0 =	simm.s32 @!p0 $0x1  }
0x56: {  	_ =	swait.ge @!p0 [sflag:s0], s1  }
0x57: {  	s1 =	ssub.s32 @!p0 $0x0, s1;
	[sflag:s0] =	ssyncset.done @!p0 $0x0  }
0x58: {  	[sflag:s0] =	ssyncadd.s32 @!p0 s1  }
0x59: {  	[bflag:$0x3] =	sbarrier.arrive $0xFFFF  }
0x5a: {  	_ =	shalt  }

// kernel: sparse-core-data-format-call.cloned.1.call-start
scs
called_computation_lowered:
.L_overlay_start_0:
0x0: {  	s2 =	sld [smem:$0x3FD9]  }
0x1: {  	s3 =	sld [smem:$0x3FFE];
	_ =	sdelay $0x1  }
0x2: {  	s1 =	srdreg.scid  }
0x3: {  	s0 =	sand.u32 $0x1, s1  }
0x4: {  	s18 =	sshll.u32 s0, $0xA;
	s2 =	sadd.s32 s3, s2  }
0x5: {  	s2 =	sadd.s32 s2, s18  }
0x6: {  	[smem:$0x3FC6] =	sst s2  }
0x7: {  	_ = 	snop  }
0x8: {  	s2 =	sld [smem:$0x3FD0];
	(tm) =	ssettm $0x1  }
0x9: {  	s19 =	sld [smem:$0x3FFB];
	_ =	sdelay $0x3  }
0xa: {  	_ =	strace s19  }
0xb: {  	s3 =	sld [smem:$0x3FFC];
	_ =	sdelay $0x3  }
0xc: {  	_ =	strace s3  }
0xd: {  	s3 =	sld [smem:$0x3FFD];
	_ =	sdelay $0x3  }
0xe: {  	_ =	strace s3  }
0xf: {  	_ =	strace $0x8FFFFFFF  }
0x10: {  	s20 =	sld [smem:$0x3FDB];
	_ =	sdelay $0x1  }
0x11: {  	s4 =	simm.s32 $_scs_section_size  }
0x12: {  	s5 =	simm.s32 $_size__tile_overlayer_lowered;
	s6 =	simm.s32 $_tile_overlayer_lowered  }
0x13: {  	s23 =	simm.s32 $0x1BFF;
	s22 =	sshll.u32 s6, $0x1;
	s3 =	sadd.s32 s4, s20  }
0x14: {  	s7 =	simm.s32 $0x0;
	s21 =	sshll.u32 s5, $0x1;
	s5 =	sadd.s32 s22, s3  }
0x15: {  	[timem:s7], [sflag:s23] =	dma.local [hbm:s5], s21  }
0x16: {  	_ =	swait.ge [sflag:s23], s21  }
0x17: {  	s4 =	ssub.s32 $0x0, s21;
	[sflag:s23] =	ssyncset.done $0x0  }
0x18: {  	[sflag:s23] =	ssyncadd.s32 s4;
	_ =	sdelay $0x1  }
0x19: {  	s24 =	simm.s32 $0x1B8B  }
0x1a: {  	_ =	swait.ge [sflag:s24], $0x1  }
0x1b: {  	[sflag:s24] =	ssyncset.done $0x0  }
0x1c: {  	s26 =	simm.s32 $0x1B8E;
	s25 =	sld [smem:$0x3FFE];
	[sflag:s24] =	ssyncadd.s32 $0xFFFFFFFF  }
0x1d: {  	s27 =	simm.s32 $execute0_lowered;
	[smem:$0x3FD2] =	sst s26  }
0x1e: {  	s5 =	sshll.u32 s27, $0x1;
	_ =	strace $0x8000004C;
	[dreg:$0x1] =	wrdreg $0xFFFFFFFF  }
0x1f: {  	s28 =	simm.s32 $_size_execute0_lowered;
	s3 =	sadd.s32 s3, s5;
	[dreg:$0x0] =	wrdreg $0x0  }
0x20: {  	s5 =	sshll.u32 s28, $0x1;
	[dreg:$0x2] =	wrdreg s3  }
0x21: {  	[dreg:$0x3] =	wrdreg s5  }
0x22: {  	[dreg:$0x4] =	wrdreg $0xC0  }
0x23: {  	_ =	task [dreg:s7], $0x5FFFF  }
0x24: {  	[dreg:$0x1] =	wrdreg $0xFFFFFFFF  }
0x25: {  	[dreg:$0x0] =	wrdreg $0x60  }
0x26: {  	[dreg:$0x2] =	wrdreg s25  }
0x27: {  	[dreg:$0x3] =	wrdreg s2  }
0x28: {  	[dreg:$0x4] =	wrdreg $0x9  }
0x29: {  	_ =	task.clear_ibuf [dreg:s7], $0x5FFFF;
	_ =	strace $0x9000004C  }
0x2a: {  	s29 =	simm.s32 $0x9;
	_ =	strace $0x8000004E  }
0x2b: {  	_ =	swait.ge [sflag:s29], $0x1  }
0x2c: {  	[sflag:s29] =	ssyncadd.s32 $0xFFFFFFFF  }
0x2d: {  	_ =	strace $0x9000004E  }
0x2e: {  	_ =	sfence  }
0x2f: {  	s30 =	sld [smem:$0x0];
	_ =	sdelay $0x2  }
0x30: {  	s31 =	sshll.u32 s1, $0xD;
	s1 =	sshrl.u32 s1, $0x2  }
0x31: {  	s3 =	sand.u32 $0x4000, s31;
	s1 =	sadd.s32 s1, s30  }
0x32: {  	s0 =	sor.u32 s3, s0;
	s1 =	sshll.u32 s1, $0x11  }
0x33: {  	s0 =	sor.u32 s1, s0  }
0x34: {  	s0 =	sadd.s32 $0x8F2B, s0  }
0x35: {  	[sflag:s0] =	ssyncadd.remote.s32 $0x1  }
0x36: {  	_ =	sfence.sel $0xFFFF  }
0x37: {  	[dreg:$0x0] =	wrdreg $0xFFFFFFFF;
	(pc) =	sbr.abs _section_cstart, $3  }
0x38: {  	[dreg:$0x1] =	wrdreg $0xFFFFFFFF  }
0x39: {  	_ =	task.clear_ibuf [dreg:s7], $0x2FFFF;
	_ =	strace $0x9FFFFFFF  }
0x3a: {  	(tm) =	ssettm $0x7FFFFFFF  }
0x3b: {  	_ =	shalt  }
tec
execute0_lowered:
.L_overlay_start_1:
0x0: {  	(tag) =	ssettag $0x1  }
0x1: {  	s2 =	rddreg [dreg:$0x0]  }
0x2: {  	s1 =	rddreg [dreg:$0x1];
	s3 =	srdreg.scid  }
0x3: {  	s0 =	rddreg [dreg:$0x2];
	_ =	strace $0x8000004D;
	s5 =	simm.s32 $0x1  }
0x4: {  	s7 =	simm.s32 $0x2;
	s13 =	simm.s32 $0x0;
	p0 =	por $0x0, $0x0  }
.Ltmp0:
0x5: {  	s8 =	simm.s32 $0x61C00;
	s3 =	sshll.u32 s3, $0x7;
	(pc) =	sbr.rel .LBB1_1-.Ltmp0, $4  }
0x6: {  	s12 =	simm.s32 $0x0;
	s10 =	stileid.u32;
	s3 =	sand.u32 $0x80, s3  }
0x7: {  	s11 =	simm.s32 $0x0;
	s4 =	sadd.s32 $0x600, s2;
	s31 =	ssub.s32 $0xC300, s3  }
0x8: {  	[sflag:s5] =	ssyncpa.u1 $0x0;
	s2 =	stileid.u32;
	s6 =	sshrl.u32 s31, $0x8  }
0x9: {  	[sflag:s7] =	ssyncpa.u1 $0x0;
	s9 =	smov.u32 s3;
	s7 =	sadd.s32 $0x2, s6  }
.LBB1_5:
0xa: {  	s14 =	sadd.s32 $0x100, s9  }
0xb: {  	s12 =	sadd.s32 $0x10, s10;
	s16 =	smov.u32 s10;
	p2 =	sgt.s32 s14, $0xC34F  }
0xc: {  	s16 =	smov.u32 @p2 s12  }
0xd: {  	s14 =	smov.u32 @p2 s3;
	p2 =	sgt.s32 s16, $0xF  }
0xe: {  	s16 =	smov.u32 @p2 s2;
	p2 =	sne.s32 s11, s7  }
.Ltmp1:
0xf: {  	p1 =	slt.u32 s11, $0x2;
	(pc) =	sbr.rel @!p2 .LBB1_6-.Ltmp1, $4  }
0x10: {  	s15 =	simm.s32 @!p1 $0x2  }
0x11: {  	s13 =	smov.u32 s9;
	p0 =	por !p0, !p0;
	_ =	swait.ge @!p1 [sflag:s15], $0x1000  }
0x12: {  	s12 =	smov.u32 s10;
	[sflag:s15] =	ssyncset.done @!p1 $0x0;
	s9 =	smov.u32 s14  }
0x13: {  	s11 =	sadd.s32 $0x1, s11;
	[sflag:s15] =	ssyncadd.s32 @!p1 $0xFFFFF000;
	s10 =	smov.u32 s16  }
.LBB1_1:
0x14: {  	p1 =	sgt.u32 s11, s6  }
0x15: {  	s16 =	smov.u32 s10;
	s18 =	smov.u32 s9;
	p2 =	sgt.s32 @!p1 s10, $0xF  }
0x16: {  	s14 =	sand.u32 @!p1 $0x1FFFFFF, s9;
	s17 =	sshra.s32 @!p1 s10, $0x1F;
	p2 =	por !p2, p1  }
0x17: {  	s19 =	sshra.s32 @!p1 s9, $0x1F;
	s16 =	simm.s32 @p2 $0xF;
	p2 =	sgt.s32 @!p1 s9, $0xC2D0  }
0x18: {  	s15 =	smulhi.u32 @!p1 $0x14F8B59, s14;
	s17 =	sand.u32 @!p1 s17, s10;
	p2 =	por !p2, p1  }
0x19: {  	s16 =	ssub.s32 @!p1 s16, s17;
	s17 =	sand.u32 @!p1 s19, s9;
	s18 =	simm.s32 @p2 $0xC2D0  }
0x1a: {  	s16 =	sadd.s32 @!p1 $0xFFFFFFF1, s16;
	s17 =	ssub.s32 @!p1 s18, s17  }
0x1b: {  	s15 =	sshrl.u32 @!p1 s15, $0x8;
	p2 =	sgt.s32 @!p1 s16, $0x0;
	s18 =	sadd.s32 @!p1 $0xFFFF3D30, s17  }
0x1c: {  	s16 =	sshll.u32 @!p1 s16, $0x5;
	s17 =	ssub.s32 @!p1 $0xC350, s17;
	p3 =	sgt.s32 @!p1 s18, $0x7F  }
0x1d: {  	s16 =	ssub.s32 @!p1 $0x20, s16;
	p2 =	por !p2, p1;
	p3 =	por !p3, p1  }
0x1e: {  	s15 =	smul.u32 @!p1 $0xC350, s15;
	s16 =	simm.s32 @!p2 $0x0;
	s17 =	simm.s32 @!p3 $0x0  }
0x1f: {  	s18 =	sxor.u32 @!p1 $0xFFFFFFFF, s11;
	s16 =	smul.u32 @!p1 s17, s16  }
0x20: {  	s14 =	ssub.s32 @!p1 s14, s15;
	s17 =	sshll.u32 @!p1 s18, $0xC;
	s18 =	smul.u32 @!p1 $0xC3500, s10  }
0x21: {  	s14 =	sshll.u32 @!p1 s14, $0x4  }
0x22: {  	s17 =	sand.u32 @!p1 $0x1000, s17;
	s15 =	sand.u32 @!p1 $0x3FFFFFE0, s16;
	s16 =	sadd.s32 @!p1 s4, s18  }
0x23: {  	s18 =	simm.s32 @!p1 $0x80;
	s14 =	sadd.s32 @!p1 s14, s16;
	s16 =	simm.s32 @!p1 $0x20  }
0x24: {  	[tilespmem:s17], [sflag:$0x1] =	stream.strided.gather @!p1 [hbm4b:s14+s16], s15, s18, s16, $0x38;
	[tilespmem:$0x4040] =	vst v63  }
0x25: {  	p1 =	seq.s32 s11, $0x0  }
0x26: {  	p2 =	sge.u32 @!p1 s11, s7  }
0x27: {  	p1 =	por p1, p2  }
.Ltmp2:
0x28: {  	_ = 	snop;
	(pc) =	sbr.rel @p1 .LBB1_5-.Ltmp2, $1  }
0x29: {  	_ =	sdelay $0x3  }
0x2a: {  	p1 =	sgt.s32 s12, $0xF;
	s14 =	smov.u32 s12  }
0x2b: {  	s15 =	sshra.s32 s12, $0x1F;
	s16 =	smov.u32 s13;
	s17 =	sshra.s32 s13, $0x1F  }
0x2c: {  	s14 =	simm.s32 @!p1 $0xF;
	s15 =	sand.u32 s15, s12;
	p1 =	sgt.s32 s13, $0xC2D0  }
0x2d: {  	s27 =	sand.u32 s17, s13;
	s14 =	ssub.s32 s14, s15;
	s16 =	simm.s32 @!p1 $0xC2D0  }
0x2e: {  	s14 =	sadd.s32 $0xFFFFFFF1, s14;
	s15 =	ssub.s32 s16, s27  }
0x2f: {  	p1 =	sgt.s32 s14, $0x0;
	s16 =	sadd.s32 $0xFFFF3D30, s15;
	s14 =	sshll.u32 s14, $0x5  }
0x30: {  	s15 =	ssub.s32 $0xC350, s15;
	p2 =	sgt.s32 s16, $0x7F;
	s14 =	ssub.s32 $0x20, s14  }
0x31: {  	s15 =	simm.s32 @p2 $0x0;
	s14 =	simm.s32 @p1 $0x0  }
0x32: {  	s14 =	smul.u32 s15, s14;
	_ =	sdelay $0x1  }
0x33: {  	s15 =	simm.s32 $0x1;
	s14 =	sand.u32 $0x3FFFFFE0, s14  }
0x34: {  	s15 =	simm.s32 @!p0 $0x0;
	_ =	swait.ge [sflag:s5], s14  }
0x35: {  	s28 =	sshll.u32 s15, $0xC;
	s14 =	ssub.s32 $0x0, s14;
	[sflag:s5] =	ssyncset.done $0x0  }
0x36: {  	s18 =	sor.u32 $0x10, s28;
	[sflag:s5] =	ssyncadd.s32 s14  }
0x37: {  	s29 =	smul.u32 $0x4080, s15;
	v1 =	vld [tilespmem:s18+$0x0]  }
0x38: {  	s30 =	sand.u32 $0x1, s11;
	v0 =	vld [tilespmem:s18+$0xFFFFFFF0]  }
0x39: {  	s15 =	smul.u32 $0x4080, s30;
	s14 =	sshrl.u32 s29, $0x2  }
0x3a: {  	s16 =	sor.u32 $0x2000, s14  }
0x3b: {  	s31 =	sshrl.u32 s15, $0x2;
	s15 =	sadd.s32 $0x0, s16  }
0x3c: {  	s17 =	simm.s32 $0x4;
	s14 =	sor.u32 $0x2000, s31;
	s18 =	sadd.s32 $0x20, s18;
	[tilespmem:s15+$0x810 ss:$0x81] =	vst.msk $0xffff, v1  }
.LBB1_3:
0x3d: {  	v1 =	vld [tilespmem:s18+$0x0];
	p1 =	sne.s32 s17, $0x1FC;
	[tilespmem:s15+$0x0 ss:$0x81] =	vst.msk $0xffff, v0;
	s15 =	smov.u32 s17;
	s17 =	sadd.s32 $0x4, s17  }
.Ltmp3:
0x3e: {  	v0 =	vld [tilespmem:s18+$0xFFFFFFF0];
	(pc) =	sbr.rel @p1 .LBB1_3-.Ltmp3, $4  }
0x3f: {  	_ = 	snop  }
0x40: {  	s15 =	sshra.s32 s15, $0x2  }
0x41: {  	s15 =	sadd.s32 s15, s16  }
0x42: {  	s18 =	sadd.s32 $0x20, s18;
	[tilespmem:s15+$0x810 ss:$0x81] =	vst.msk $0xffff, v1  }
0x43: {  	s16 =	sshll.u32 s13, $0x3  }
0x44: {  	s29 =	sand.u32 $0x7F, s13;
	s16 =	sand.u32 $0xFFFFFC00, s16  }
0x45: {  	s13 =	sor.u32 s29, s16;
	s16 =	smulhi.u32 $0xA79C7B17, s16  }
0x46: {  	s17 =	smulhi.u32 $0xA79C7B17, s13;
	_ =	sdelay $0x1  }
0x47: {  	s12 =	smul.u32 $0x30E00, s12;
	s16 =	sshrl.u32 s16, $0xF;
	s17 =	sshrl.u32 s17, $0xF  }
0x48: {  	s16 =	sand.u32 $0x1F, s16;
	s17 =	smul.u32 $0xC380, s17  }
0x49: {  	s16 =	smul.u32 $0x1870, s16  }
.Ltmp4:
0x4a: {  	s13 =	ssub.s32 s13, s17;
	(pc) =	sbr.rel .LBB1_5-.Ltmp4, $4  }
0x4b: {  	s12 =	sadd.s32 s1, s12;
	s17 =	sand.u32 $0x7, s13  }
0x4c: {  	s12 =	sadd.s32 s16, s12;
	s13 =	sshrl.u32 s13, $0x3;
	s30 =	sshll.u32 s17, $0x12  }
0x4d: {  	[tilespmem:s15+$0x0 ss:$0x81] =	vst.msk $0xffff, v0;
	s12 =	sadd.s32 s13, s12;
	s31 =	sor.u32 $0x400, s30  }
0x4e: {  	[hbm4b:s12+s31] =	stream.strided.scatter [tilespmem:s14], [sflag:$0x2], $0x1000, s8, s31, $0x20;
	[tilespmem:$0x4040] =	vst v63  }
.LBB1_6:
0x4f: {  	_ =	sfence.sel $0x180000  }
0x50: {  	s1 =	simm.s32 $0x1;
	[bflag:$0x0] =	sbarrier.arrive $0xFFFF  }
0x51: {  	s31 =	simm.s32 $0x2;
	[sflag:s1] =	ssyncpa.u1 $0x1  }
0x52: {  	[sflag:s31] =	ssyncpa.u1 $0x1  }
0x53: {  	p0 =	sne.s32 s2, $0x0;
	_ =	strace $0x9000004D  }
0x54: {  	s0 =	sadd.s32 @!p0 $0x100000, s0;
	[bflag:$0x2] =	sbarrier.arrive $0xFFFF  }
0x55: {  	[sflag:s0] =	ssyncadd.tile.s32 @!p0 $0x1;
	_ =	shalt  }
.Lfunc_end1:
_tile_overlayer_lowered:
.L_overlay_start_2:
0x56: {  	(tag) =	ssettag $0x2  }
0x57: {  	s0 =	rddreg [dreg:$0x0];
	s2 =	stileid.u32  }
0x58: {  	s1 =	rddreg [dreg:$0x1];
	p0 =	sne.s32 s2, $0x0  }
0x59: {  	s3 =	rddreg [dreg:$0x2];
	[bflag:$0x3] =	sbarrier.arrive $0xFFFF;
	s2 =	simm.s32 @!p0 $0x1C01  }
0x5a: {  	[timem:s3], [sflag:s2] =	dma.local @!p0 [hbm:s0], s1  }
0x5b: {  	s0 =	simm.s32 @!p0 $0x1  }
0x5c: {  	_ =	swait.ge @!p0 [sflag:s0], s1  }
0x5d: {  	s1 =	ssub.s32 @!p0 $0x0, s1;
	[sflag:s0] =	ssyncset.done @!p0 $0x0  }
0x5e: {  	[sflag:s0] =	ssyncadd.s32 @!p0 s1  }
0x5f: {  	[bflag:$0x3] =	sbarrier.arrive $0xFFFF  }
0x60: {  	_ =	shalt  }

</sc_bundles>
